<compile_context>
chip_gen: v7x
topology: tpu7x:2x2x1
jax: 0.10.2.dev20260603
libtpu: 0.0.44.dev20260713+nightly
codegen_flags: <defaults>
</compile_context>

<pallas_src>
import functools

import jax
import jax.numpy as jnp
from jax import lax
from jax.experimental import pallas as pl
from jax.experimental.pallas import tpu as pltpu
from jax.experimental.pallas import tpu_sc as plsc

N = 10000
E = 320000
D = 128
NC = 2
NS = 16
L = 16
NW = NC * NS
CHUNK = 128
CROWS = E // CHUNK
ROWS_PER_TILE = 624
ROWS_LAST_TILE = N - (NS - 1) * ROWS_PER_TILE
DW = 128
DEG_MAIN = CROWS // NS
DEG_EXTRA = CROWS - DEG_MAIN * NS
AGG_MAIN = CROWS // NW
AGG_EXTRA = CROWS - AGG_MAIN * NW
IBLK = 26
DEG_NBLK = DEG_MAIN // IBLK
AGG_NBLK = AGG_MAIN // IBLK

@functools.cache
def _mesh():
    return plsc.VectorSubcoreMesh(
        core_axis_name="c", subcore_axis_name="s",
        num_cores=NC, num_subcores=NS)


def _zero_rows(ref, nrows, width):
    zero = jnp.zeros((L,), jnp.float32)

    def body(i, _):
        for j in range(width // L):
            ref[i, pl.ds(j * L, L)] = zero
        return 0

    lax.fori_loop(0, nrows, body, 0)


def _zero_acc_slice(acc, src_zero, row0, nrows):
    full, rem = nrows // 128, nrows % 128
    for j in range(full):
        pltpu.sync_copy(src_zero.at[pl.ds(0, 128)],
                        acc.at[pl.ds(row0 + j * 128, 128)])
    if rem:
        pltpu.sync_copy(src_zero.at[pl.ds(0, rem)],
                        acc.at[pl.ds(row0 + full * 128, rem)])


def _per_tile_rows(s, fn):
    @pl.when(s < NS - 1)
    def _():
        fn(ROWS_PER_TILE)

    @pl.when(s == NS - 1)
    def _():
        fn(ROWS_LAST_TILE)


def _degree_body(src_hbm, dst_hbm, out_hbm, ones_v, idx_v, acc, sem):
    c = lax.axis_index("c")
    s = lax.axis_index("s")
    row0 = s * ROWS_PER_TILE

    _zero_rows(ones_v, CHUNK, D)
    _per_tile_rows(s, lambda nr: _zero_acc_slice(acc, ones_v, row0, nr))

    one = jnp.ones((L,), jnp.float32)

    def fill(i, _):
        for j in range(D // L):
            ones_v[i, pl.ds(j * L, L)] = one
        return 0

    lax.fori_loop(0, CHUNK, fill, 0)

    plsc.subcore_barrier()

    def drain_one():
        pltpu.make_async_copy(out_hbm.at[0, pl.ds(0, CHUNK)], ones_v,
                              sem).wait()

    def load_idx(base, nrows):
        @pl.when(c == 0)
        def _():
            pltpu.sync_copy(src_hbm.at[pl.ds(base, nrows)],
                            idx_v.at[pl.ds(0, nrows)])

        @pl.when(c == 1)
        def _():
            pltpu.sync_copy(dst_hbm.at[pl.ds(base, nrows)],
                            idx_v.at[pl.ds(0, nrows)])

    def blk_body(t, _):
        load_idx(s * DEG_MAIN + t * IBLK, IBLK)

        def body(j, _):
            pltpu.async_copy(ones_v, acc.at[idx_v.at[j, 0]], sem, add=True)

            @pl.when(j >= 4)
            def _():
                drain_one()

            return 0

        lax.fori_loop(0, IBLK, body, 0)
        for _ in range(4):
            drain_one()
        return 0

    lax.fori_loop(0, DEG_NBLK, blk_body, 0)

    @pl.when(s < DEG_EXTRA)
    def _():
        load_idx(NS * DEG_MAIN + s, 1)
        pltpu.async_copy(ones_v, acc.at[idx_v.at[0, 0]], sem, add=True)
        drain_one()

    plsc.subcore_barrier()
    _per_tile_rows(
        s, lambda nr: pltpu.sync_copy(
            acc.at[pl.ds(row0, nr)],
            out_hbm.at[c, pl.ds(row0, nr)]))


def _aggregate_body(y_hbm, src_hbm, dst_hbm, out_hbm,
                    idx_s, idx_d, rows0, rows1, sg0, sg1, ss0, ss1, acc):
    c = lax.axis_index("c")
    s = lax.axis_index("s")
    wid = c * NS + s
    row0 = s * ROWS_PER_TILE

    _zero_rows(rows0, CHUNK, D)
    _per_tile_rows(s, lambda nr: _zero_acc_slice(acc, rows0, row0, nr))

    plsc.subcore_barrier()

    bufs = (rows0, rows1)
    gsems = (sg0, sg1)
    ssems = (ss0, ss1)

    def g_start(j, b):
        pltpu.async_copy(y_hbm.at[idx_s.at[j, 0]], bufs[b], gsems[b])

    def g_wait(b):
        pltpu.make_async_copy(y_hbm.at[pl.ds(0, CHUNK)], bufs[b],
                              gsems[b]).wait()

    def s_start(j, b):
        pltpu.async_copy(bufs[b], acc.at[idx_d.at[j, 0]], ssems[b], add=True)

    def s_wait(b):
        pltpu.make_async_copy(y_hbm.at[pl.ds(0, CHUNK)], bufs[b],
                              ssems[b]).wait()

    def blk_body(t, _):
        base = wid * AGG_MAIN + t * IBLK
        pltpu.sync_copy(src_hbm.at[pl.ds(base, IBLK)],
                        idx_s.at[pl.ds(0, IBLK)])
        pltpu.sync_copy(dst_hbm.at[pl.ds(base, IBLK)],
                        idx_d.at[pl.ds(0, IBLK)])
        g_start(0, 0)

        def body(j, _):
            def per_parity(b):
                g_wait(b)

                @pl.when(j + 1 < IBLK)
                def _():
                    @pl.when(j >= 1)
                    def _():
                        s_wait(1 - b)

                    g_start(j + 1, 1 - b)

                s_start(j, b)

            @pl.when(j % 2 == 0)
            def _():
                per_parity(0)

            @pl.when(j % 2 == 1)
            def _():
                per_parity(1)

            return 0

        lax.fori_loop(0, IBLK, body, 0)
        s_wait(0)
        s_wait(1)
        return 0

    lax.fori_loop(0, AGG_NBLK, blk_body, 0)

    @pl.when(wid < AGG_EXTRA)
    def _():
        pltpu.sync_copy(src_hbm.at[pl.ds(NW * AGG_MAIN + wid, 1)],
                        idx_s.at[pl.ds(0, 1)])
        pltpu.sync_copy(dst_hbm.at[pl.ds(NW * AGG_MAIN + wid, 1)],
                        idx_d.at[pl.ds(0, 1)])
        g_start(0, 0)
        g_wait(0)
        s_start(0, 0)
        s_wait(0)

    plsc.subcore_barrier()
    _per_tile_rows(
        s, lambda nr: pltpu.sync_copy(acc.at[pl.ds(row0, nr)],
                                      out_hbm.at[c, pl.ds(row0, nr)]))


@functools.cache
def _degree_kernel():
    return pl.kernel(
        _degree_body,
        out_type=jax.ShapeDtypeStruct((NC, N, DW), jnp.float32),
        mesh=_mesh(),
        scratch_types=[
            pltpu.VMEM((CHUNK, D), jnp.float32),
            pltpu.VMEM((IBLK, 1, CHUNK), jnp.int32),
            pltpu.VMEM_SHARED((N, D), jnp.float32),
            pltpu.SemaphoreType.DMA,
        ],
    )


@functools.cache
def _aggregate_kernel():
    return pl.kernel(
        _aggregate_body,
        out_type=jax.ShapeDtypeStruct((NC, N, D), jnp.float32),
        mesh=_mesh(),
        scratch_types=[
            pltpu.VMEM((IBLK, 1, CHUNK), jnp.int32),
            pltpu.VMEM((IBLK, 1, CHUNK), jnp.int32),
            pltpu.VMEM((CHUNK, D), jnp.float32),
            pltpu.VMEM((CHUNK, D), jnp.float32),
            pltpu.SemaphoreType.DMA,
            pltpu.SemaphoreType.DMA,
            pltpu.SemaphoreType.DMA,
            pltpu.SemaphoreType.DMA,
            pltpu.VMEM_SHARED((N, D), jnp.float32),
        ],
    )



BR = 400
GRID = N // BR


def _norms_from(deg_block, kind):
    d = deg_block[kind, :, 0:1]
    return jnp.where(d > 0, lax.rsqrt(d), 0.0)


def _tc1_body(x_ref, w_ref, deg_ref, o_ref):
    deg = deg_ref[...]
    n_src = _norms_from(deg, 0)
    hw = jnp.dot(x_ref[...], w_ref[...], preferred_element_type=jnp.float32)
    o_ref[...] = hw * n_src


def _tc2_body(agg_ref, deg_ref, b_ref, w_ref, o_ref):
    deg = deg_ref[...]
    n_src = _norms_from(deg, 0)
    n_dst = _norms_from(deg, 1)
    h = (agg_ref[0] + agg_ref[1]) * n_dst + b_ref[...]
    hw = jnp.dot(h, w_ref[...], preferred_element_type=jnp.float32)
    o_ref[...] = hw * n_src


def _tc3_body(agg_ref, deg_ref, b_ref, o_ref):
    deg = deg_ref[...]
    n_dst = _norms_from(deg, 1)
    o_ref[...] = (agg_ref[0] + agg_ref[1]) * n_dst + b_ref[...]


_DEG_SPEC = pl.BlockSpec((2, BR, DW), lambda i: (0, i, 0))
_ROW_SPEC = pl.BlockSpec((BR, D), lambda i: (i, 0))
_AGG_SPEC = pl.BlockSpec((NC, BR, D), lambda i: (0, i, 0))
_W_SPEC = pl.BlockSpec((D, D), lambda i: (0, 0))
_B_SPEC = pl.BlockSpec((1, D), lambda i: (0, 0))
_OUT_TYPE = jax.ShapeDtypeStruct((N, D), jnp.float32)


def _tc1(x, W, deg):
    return pl.pallas_call(
        _tc1_body, grid=(GRID,),
        in_specs=[_ROW_SPEC, _W_SPEC, _DEG_SPEC],
        out_specs=_ROW_SPEC, out_shape=_OUT_TYPE,
    )(x, W, deg)


def _tc2(agg, deg, b, W):
    return pl.pallas_call(
        _tc2_body, grid=(GRID,),
        in_specs=[_AGG_SPEC, _DEG_SPEC, _B_SPEC, _W_SPEC],
        out_specs=_ROW_SPEC, out_shape=_OUT_TYPE,
    )(agg, deg, b, W)


def _tc3(agg, deg, b):
    return pl.pallas_call(
        _tc3_body, grid=(GRID,),
        in_specs=[_AGG_SPEC, _DEG_SPEC, _B_SPEC],
        out_specs=_ROW_SPEC, out_shape=_OUT_TYPE,
    )(agg, deg, b)


def kernel(x, edge_index, W1, b1, W2, b2):
    src = edge_index[0].astype(jnp.int32).reshape(CROWS, 1, CHUNK)
    dst = edge_index[1].astype(jnp.int32).reshape(CROWS, 1, CHUNK)
    b1r = b1.reshape(1, D)
    b2r = b2.reshape(1, D)

    deg = _degree_kernel()(src, dst)
    y1 = _tc1(x, W1, deg)
    p1 = _aggregate_kernel()(y1, src, dst)
    y2 = _tc2(p1, deg, b1r, W2)
    p2 = _aggregate_kernel()(y2, src, dst)
    return _tc3(p2, deg, b2r)

# --- scband reference (transcript-rebuilt; emitter-appended) ---
"""Pipeline reference for scband-speaker-graph-43765716746405 (READ-ONLY COPY).

The authoritative reference and input builder live on the scoring server;
editing this copy changes nothing except your own understanding.
"""

import jax, jax.numpy as jnp
import numpy as np

N_NODES = 10000
N_EDGES = 320000
D_MODEL = 128

def setup_inputs(seed: int = 0) -> dict:
    key = jax.random.key(seed)
    k1, k2, k3, k4 = jax.random.split(key, 4)
    x = jax.random.normal(k1, (N_NODES, D_MODEL), dtype=jnp.float32)
    edge_index = jax.random.randint(k2, (2, N_EDGES), 0, N_NODES)
    W1 = jax.random.normal(k3, (D_MODEL, D_MODEL), dtype=jnp.float32) * (1.0 / np.sqrt(D_MODEL))
    b1 = jnp.zeros((D_MODEL,), dtype=jnp.float32)
    W2 = jax.random.normal(k4, (D_MODEL, D_MODEL), dtype=jnp.float32) * (1.0 / np.sqrt(D_MODEL))
    b2 = jnp.zeros((D_MODEL,), dtype=jnp.float32)
    return {"x": x, "edge_index": edge_index, "W1": W1, "b1": b1, "W2": W2, "b2": b2}

def _graph_conv(h, src, dst, W, b, n_nodes):
    # DGL GraphConv with norm='both': out = D_in^{-1/2} A D_out^{-1/2} (h W) + b
    deg_out = jnp.zeros((n_nodes,), dtype=h.dtype).at[src].add(1.0)
    deg_in = jnp.zeros((n_nodes,), dtype=h.dtype).at[dst].add(1.0)
    norm_src = jnp.where(deg_out > 0, deg_out ** -0.5, 0.0)
    norm_dst = jnp.where(deg_in > 0, deg_in ** -0.5, 0.0)
    hw = h @ W
    msg = hw[src] * norm_src[src][:, None]
    agg = jnp.zeros((n_nodes, hw.shape[1]), dtype=h.dtype).at[dst].add(msg)
    return agg * norm_dst[:, None] + b

def reference(x, edge_index, W1, b1, W2, b2):
    # SpeakerGraph with speaker_graph_type='gcn': stack of GraphConv layers over the speaker graph.
    src = edge_index[0]
    dst = edge_index[1]
    n_nodes = x.shape[0]
    h = _graph_conv(x, src, dst, W1, b1, n_nodes)
    h = _graph_conv(h, src, dst, W2, b2, n_nodes)
    return h

if __name__ == "__main__":
    import jax
    _d = setup_inputs()
    print(jax.jit(kernel)(*tuple(_d.values())))

</pallas_src>

<mosaic_0001>
#map = affine_map<(d0, d1) -> (0, 0)>
#map1 = affine_map<(d0, d1) -> (0, 0, 0)>
module attributes {stable_mosaic.version = 14 : i64} {
  func.func @_aggregate_body(%arg0: i32, %arg1: i32, %arg2: memref<10000x128xf32, #tpu.memory_space<hbm>>, %arg3: memref<2500x1x128xi32, #tpu.memory_space<hbm>>, %arg4: memref<2500x1x128xi32, #tpu.memory_space<hbm>>, %arg5: memref<2x10000x128xf32, #tpu.memory_space<hbm>>, %arg6: memref<26x1x128xi32, #tpu.memory_space<vmem>>, %arg7: memref<26x1x128xi32, #tpu.memory_space<vmem>>, %arg8: memref<128x128xf32, #tpu.memory_space<vmem>>, %arg9: memref<128x128xf32, #tpu.memory_space<vmem>>, %arg10: memref<!tpu.dma_semaphore, #tpu.memory_space<semaphore_mem>>, %arg11: memref<!tpu.dma_semaphore, #tpu.memory_space<semaphore_mem>>, %arg12: memref<!tpu.dma_semaphore, #tpu.memory_space<semaphore_mem>>, %arg13: memref<!tpu.dma_semaphore, #tpu.memory_space<semaphore_mem>>, %arg14: memref<10000x128xf32, #tpu.memory_space<vmem_shared>>) attributes {dimension_semantics = [#tpu.dimension_semantics<core_parallel>, #tpu.dimension_semantics<subcore_parallel>], iteration_bounds = array<i64: 2, 16>, scalar_prefetch = 0 : i64, scratch_operands = 9 : i64, tpu.core_type = #tpu.core_type<sc_vector_subcore>, window_params = [{transform_indices = #map}, {transform_indices = #map1}, {transform_indices = #map1}, {transform_indices = #map1}]} {
    %mul3A = arith.constant 16 : i32
    %mul3A_0 = arith.muli %arg0, %mul3A : i32
    %add3A = arith.addi %mul3A_0, %arg1 : i32
    %mul3A_1 = arith.constant 624 : i32
    %mul3A_2 = arith.muli %arg1, %mul3A_1 : i32
    %broadcast_in_dim3A = arith.constant 0.000000e+00 : f32
    %broadcast_in_dim3A_3 = vector.broadcast %broadcast_in_dim3A : f32 to vector<16xf32>
    %scan3A = arith.constant 0 : i32
    %scan3A_4 = arith.constant 0 : i32
    %scan3A_5 = arith.constant 128 : i32
    %scan3A_6 = arith.addi %scan3A_4, %scan3A_5 : i32
    %scan3A_7 = arith.constant 1 : i32
    %scan3A_8 = scf.for %scan3A_39 = %scan3A_4 to %scan3A_6 step %scan3A_7 iter_args(%scan3A_40 = %scan3A) -> (i32)  : i32 {
      %swap3A = arith.index_cast %scan3A_39 : i32 to index
      %swap3A_41 = arith.constant 0 : index
      %swap3A_42 = tpu.vector_load %arg8[%swap3A, %swap3A_41] {strides = array<i32>} : memref<128x128xf32, #tpu.memory_space<vmem>>, vector<1x16xf32>,
      %swap3A_43 = vector.shape_cast %swap3A_42 : vector<1x16xf32> to vector<16xf32>
      %swap3A_44 = vector.shape_cast %broadcast_in_dim3A_3 : vector<16xf32> to vector<1x16xf32>
      tpu.vector_store %arg8[%swap3A, %swap3A_41], %swap3A_44 {strides = array<i32>} : memref<128x128xf32, #tpu.memory_space<vmem>>, vector<1x16xf32>,
      %swap3A_45 = arith.index_cast %scan3A_39 : i32 to index
      %swap3A_46 = arith.constant 16 : index
      %swap3A_47 = tpu.vector_load %arg8[%swap3A_45, %swap3A_46] {strides = array<i32>} : memref<128x128xf32, #tpu.memory_space<vmem>>, vector<1x16xf32>,
      %swap3A_48 = vector.shape_cast %swap3A_47 : vector<1x16xf32> to vector<16xf32>
      %swap3A_49 = vector.shape_cast %broadcast_in_dim3A_3 : vector<16xf32> to vector<1x16xf32>
      tpu.vector_store %arg8[%swap3A_45, %swap3A_46], %swap3A_49 {strides = array<i32>} : memref<128x128xf32, #tpu.memory_space<vmem>>, vector<1x16xf32>,
      %swap3A_50 = arith.index_cast %scan3A_39 : i32 to index
      %swap3A_51 = arith.constant 32 : index
      %swap3A_52 = tpu.vector_load %arg8[%swap3A_50, %swap3A_51] {strides = array<i32>} : memref<128x128xf32, #tpu.memory_space<vmem>>, vector<1x16xf32>,
      %swap3A_53 = vector.shape_cast %swap3A_52 : vector<1x16xf32> to vector<16xf32>
      %swap3A_54 = vector.shape_cast %broadcast_in_dim3A_3 : vector<16xf32> to vector<1x16xf32>
      tpu.vector_store %arg8[%swap3A_50, %swap3A_51], %swap3A_54 {strides = array<i32>} : memref<128x128xf32, #tpu.memory_space<vmem>>, vector<1x16xf32>,
      %swap3A_55 = arith.index_cast %scan3A_39 : i32 to index
      %swap3A_56 = arith.constant 48 : index
      %swap3A_57 = tpu.vector_load %arg8[%swap3A_55, %swap3A_56] {strides = array<i32>} : memref<128x128xf32, #tpu.memory_space<vmem>>, vector<1x16xf32>,
      %swap3A_58 = vector.shape_cast %swap3A_57 : vector<1x16xf32> to vector<16xf32>
      %swap3A_59 = vector.shape_cast %broadcast_in_dim3A_3 : vector<16xf32> to vector<1x16xf32>
      tpu.vector_store %arg8[%swap3A_55, %swap3A_56], %swap3A_59 {strides = array<i32>} : memref<128x128xf32, #tpu.memory_space<vmem>>, vector<1x16xf32>,
      %swap3A_60 = arith.index_cast %scan3A_39 : i32 to index
      %swap3A_61 = arith.constant 64 : index
      %swap3A_62 = tpu.vector_load %arg8[%swap3A_60, %swap3A_61] {strides = array<i32>} : memref<128x128xf32, #tpu.memory_space<vmem>>, vector<1x16xf32>,
      %swap3A_63 = vector.shape_cast %swap3A_62 : vector<1x16xf32> to vector<16xf32>
      %swap3A_64 = vector.shape_cast %broadcast_in_dim3A_3 : vector<16xf32> to vector<1x16xf32>
      tpu.vector_store %arg8[%swap3A_60, %swap3A_61], %swap3A_64 {strides = array<i32>} : memref<128x128xf32, #tpu.memory_space<vmem>>, vector<1x16xf32>,
      %swap3A_65 = arith.index_cast %scan3A_39 : i32 to index
      %swap3A_66 = arith.constant 80 : index
      %swap3A_67 = tpu.vector_load %arg8[%swap3A_65, %swap3A_66] {strides = array<i32>} : memref<128x128xf32, #tpu.memory_space<vmem>>, vector<1x16xf32>,
      %swap3A_68 = vector.shape_cast %swap3A_67 : vector<1x16xf32> to vector<16xf32>
      %swap3A_69 = vector.shape_cast %broadcast_in_dim3A_3 : vector<16xf32> to vector<1x16xf32>
      tpu.vector_store %arg8[%swap3A_65, %swap3A_66], %swap3A_69 {strides = array<i32>} : memref<128x128xf32, #tpu.memory_space<vmem>>, vector<1x16xf32>,
      %swap3A_70 = arith.index_cast %scan3A_39 : i32 to index
      %swap3A_71 = arith.constant 96 : index
      %swap3A_72 = tpu.vector_load %arg8[%swap3A_70, %swap3A_71] {strides = array<i32>} : memref<128x128xf32, #tpu.memory_space<vmem>>, vector<1x16xf32>,
      %swap3A_73 = vector.shape_cast %swap3A_72 : vector<1x16xf32> to vector<16xf32>
      %swap3A_74 = vector.shape_cast %broadcast_in_dim3A_3 : vector<16xf32> to vector<1x16xf32>
      tpu.vector_store %arg8[%swap3A_70, %swap3A_71], %swap3A_74 {strides = array<i32>} : memref<128x128xf32, #tpu.memory_space<vmem>>, vector<1x16xf32>,
      %swap3A_75 = arith.index_cast %scan3A_39 : i32 to index
      %swap3A_76 = arith.constant 112 : index
      %swap3A_77 = tpu.vector_load %arg8[%swap3A_75, %swap3A_76] {strides = array<i32>} : memref<128x128xf32, #tpu.memory_space<vmem>>, vector<1x16xf32>,
      %swap3A_78 = vector.shape_cast %swap3A_77 : vector<1x16xf32> to vector<16xf32>
      %swap3A_79 = vector.shape_cast %broadcast_in_dim3A_3 : vector<16xf32> to vector<1x16xf32>
      tpu.vector_store %arg8[%swap3A_75, %swap3A_76], %swap3A_79 {strides = array<i32>} : memref<128x128xf32, #tpu.memory_space<vmem>>, vector<1x16xf32>,
      %scan3A_80 = arith.constant 0 : i32
      scf.yield %scan3A_80 : i32
    }
    %scan3A_9 = arith.constant 128 : i32
    %lt3A = arith.constant 15 : i32
    %lt3A_10 = arith.cmpi slt, %arg1, %lt3A : i32
    %convert_element_type3A = arith.extui %lt3A_10 : i1 to i32
    %cond3A = arith.constant 0 : i32
    %cond3A_11 = arith.cmpi ne, %convert_element_type3A, %cond3A : i32
    scf.if %cond3A_11 {
      %add3A_39 = arith.constant 0 : i32
      %add3A_40 = arith.addi %mul3A_2, %add3A_39 : i32
      "tpu.region"() ({
        %run_scoped3A = tpu.sem_alloc : memref<!tpu.dma_semaphore, #tpu.memory_space<semaphore_mem>>
        %dma_start3A = arith.constant 0 : i32
        %dma_start3A_49 = arith.constant 0 : i32
        %dma_start3A_50 = tpu.memref_slice %arg8[%dma_start3A, %dma_start3A_49] : memref<128x128xf32, #tpu.memory_space<vmem>> -> memref<128x128xf32, #tpu.memory_space<vmem>>
        %dma_start3A_51 = arith.constant 0 : i32
        %dma_start3A_52 = tpu.memref_slice %arg14[%add3A_40, %dma_start3A_51] : memref<10000x128xf32, #tpu.memory_space<vmem_shared>> -> memref<128x128xf32, #tpu.memory_space<vmem_shared>>
        %dma_start3A_53 = arith.constant 0 : i32
        %dma_start3A_54 = tpu.memref_slice %arg14[%add3A_40, %dma_start3A_53] : memref<10000x128xf32, #tpu.memory_space<vmem_shared>> -> memref<128x128xf32, #tpu.memory_space<vmem_shared>>
        %dma_start3A_55 = arith.constant 0 : i32
        %dma_start3A_56 = arith.constant 0 : i32
        %dma_start3A_57 = tpu.memref_slice %arg8[%dma_start3A_55, %dma_start3A_56] : memref<128x128xf32, #tpu.memory_space<vmem>> -> memref<128x128xf32, #tpu.memory_space<vmem>>
        tpu.enqueue_dma source(%dma_start3A_57 : memref<128x128xf32, #tpu.memory_space<vmem>>) target(%dma_start3A_54 : memref<128x128xf32, #tpu.memory_space<vmem_shared>>) target_semaphore(%run_scoped3A : memref<!tpu.dma_semaphore, #tpu.memory_space<semaphore_mem>>)
        %dma_wait3A = arith.constant 0 : i32
        %dma_wait3A_58 = arith.constant 0 : i32
        %dma_wait3A_59 = tpu.memref_slice %arg8[%dma_wait3A, %dma_wait3A_58] : memref<128x128xf32, #tpu.memory_space<vmem>> -> memref<128x128xf32, #tpu.memory_space<vmem>>
        %dma_wait3A_60 = arith.constant 0 : i32
        %dma_wait3A_61 = tpu.memref_slice %arg14[%add3A_40, %dma_wait3A_60] : memref<10000x128xf32, #tpu.memory_space<vmem_shared>> -> memref<128x128xf32, #tpu.memory_space<vmem_shared>>
        %dma_wait3A_62 = arith.constant 0 : i32
        %dma_wait3A_63 = tpu.memref_slice %arg14[%add3A_40, %dma_wait3A_62] : memref<10000x128xf32, #tpu.memory_space<vmem_shared>> -> memref<128x128xf32, #tpu.memory_space<vmem_shared>>
        %dma_wait3A_64 = arith.constant 0 : i32
        %dma_wait3A_65 = arith.constant 0 : i32
        %dma_wait3A_66 = tpu.memref_slice %arg8[%dma_wait3A_64, %dma_wait3A_65] : memref<128x128xf32, #tpu.memory_space<vmem>> -> memref<128x128xf32, #tpu.memory_space<vmem>>
        tpu.wait_dma2 semaphore(%run_scoped3A : memref<!tpu.dma_semaphore, #tpu.memory_space<semaphore_mem>>) src(%dma_wait3A_66 : memref<128x128xf32, #tpu.memory_space<vmem>>) dst(%dma_wait3A_63 : memref<128x128xf32, #tpu.memory_space<vmem_shared>>)
        tpu.yield
      }) : () -> ()
      %add3A_41 = arith.constant 128 : i32
      %add3A_42 = arith.addi %mul3A_2, %add3A_41 : i32
      "tpu.region"() ({
        %run_scoped3A = tpu.sem_alloc : memref<!tpu.dma_semaphore, #tpu.memory_space<semaphore_mem>>
        %dma_start3A = arith.constant 0 : i32
        %dma_start3A_49 = arith.constant 0 : i32
        %dma_start3A_50 = tpu.memref_slice %arg8[%dma_start3A, %dma_start3A_49] : memref<128x128xf32, #tpu.memory_space<vmem>> -> memref<128x128xf32, #tpu.memory_space<vmem>>
        %dma_start3A_51 = arith.constant 0 : i32
        %dma_start3A_52 = tpu.memref_slice %arg14[%add3A_42, %dma_start3A_51] : memref<10000x128xf32, #tpu.memory_space<vmem_shared>> -> memref<128x128xf32, #tpu.memory_space<vmem_shared>>
        %dma_start3A_53 = arith.constant 0 : i32
        %dma_start3A_54 = tpu.memref_slice %arg14[%add3A_42, %dma_start3A_53] : memref<10000x128xf32, #tpu.memory_space<vmem_shared>> -> memref<128x128xf32, #tpu.memory_space<vmem_shared>>
        %dma_start3A_55 = arith.constant 0 : i32
        %dma_start3A_56 = arith.constant 0 : i32
        %dma_start3A_57 = tpu.memref_slice %arg8[%dma_start3A_55, %dma_start3A_56] : memref<128x128xf32, #tpu.memory_space<vmem>> -> memref<128x128xf32, #tpu.memory_space<vmem>>
        tpu.enqueue_dma source(%dma_start3A_57 : memref<128x128xf32, #tpu.memory_space<vmem>>) target(%dma_start3A_54 : memref<128x128xf32, #tpu.memory_space<vmem_shared>>) target_semaphore(%run_scoped3A : memref<!tpu.dma_semaphore, #tpu.memory_space<semaphore_mem>>)
        %dma_wait3A = arith.constant 0 : i32
        %dma_wait3A_58 = arith.constant 0 : i32
        %dma_wait3A_59 = tpu.memref_slice %arg8[%dma_wait3A, %dma_wait3A_58] : memref<128x128xf32, #tpu.memory_space<vmem>> -> memref<128x128xf32, #tpu.memory_space<vmem>>
        %dma_wait3A_60 = arith.constant 0 : i32
        %dma_wait3A_61 = tpu.memref_slice %arg14[%add3A_42, %dma_wait3A_60] : memref<10000x128xf32, #tpu.memory_space<vmem_shared>> -> memref<128x128xf32, #tpu.memory_space<vmem_shared>>
        %dma_wait3A_62 = arith.constant 0 : i32
        %dma_wait3A_63 = tpu.memref_slice %arg14[%add3A_42, %dma_wait3A_62] : memref<10000x128xf32, #tpu.memory_space<vmem_shared>> -> memref<128x128xf32, #tpu.memory_space<vmem_shared>>
        %dma_wait3A_64 = arith.constant 0 : i32
        %dma_wait3A_65 = arith.constant 0 : i32
        %dma_wait3A_66 = tpu.memref_slice %arg8[%dma_wait3A_64, %dma_wait3A_65] : memref<128x128xf32, #tpu.memory_space<vmem>> -> memref<128x128xf32, #tpu.memory_space<vmem>>
        tpu.wait_dma2 semaphore(%run_scoped3A : memref<!tpu.dma_semaphore, #tpu.memory_space<semaphore_mem>>) src(%dma_wait3A_66 : memref<128x128xf32, #tpu.memory_space<vmem>>) dst(%dma_wait3A_63 : memref<128x128xf32, #tpu.memory_space<vmem_shared>>)
        tpu.yield
      }) : () -> ()
      %add3A_43 = arith.constant 256 : i32
      %add3A_44 = arith.addi %mul3A_2, %add3A_43 : i32
      "tpu.region"() ({
        %run_scoped3A = tpu.sem_alloc : memref<!tpu.dma_semaphore, #tpu.memory_space<semaphore_mem>>
        %dma_start3A = arith.constant 0 : i32
        %dma_start3A_49 = arith.constant 0 : i32
        %dma_start3A_50 = tpu.memref_slice %arg8[%dma_start3A, %dma_start3A_49] : memref<128x128xf32, #tpu.memory_space<vmem>> -> memref<128x128xf32, #tpu.memory_space<vmem>>
        %dma_start3A_51 = arith.constant 0 : i32
        %dma_start3A_52 = tpu.memref_slice %arg14[%add3A_44, %dma_start3A_51] : memref<10000x128xf32, #tpu.memory_space<vmem_shared>> -> memref<128x128xf32, #tpu.memory_space<vmem_shared>>
        %dma_start3A_53 = arith.constant 0 : i32
        %dma_start3A_54 = tpu.memref_slice %arg14[%add3A_44, %dma_start3A_53] : memref<10000x128xf32, #tpu.memory_space<vmem_shared>> -> memref<128x128xf32, #tpu.memory_space<vmem_shared>>
        %dma_start3A_55 = arith.constant 0 : i32
        %dma_start3A_56 = arith.constant 0 : i32
        %dma_start3A_57 = tpu.memref_slice %arg8[%dma_start3A_55, %dma_start3A_56] : memref<128x128xf32, #tpu.memory_space<vmem>> -> memref<128x128xf32, #tpu.memory_space<vmem>>
        tpu.enqueue_dma source(%dma_start3A_57 : memref<128x128xf32, #tpu.memory_space<vmem>>) target(%dma_start3A_54 : memref<128x128xf32, #tpu.memory_space<vmem_shared>>) target_semaphore(%run_scoped3A : memref<!tpu.dma_semaphore, #tpu.memory_space<semaphore_mem>>)
        %dma_wait3A = arith.constant 0 : i32
        %dma_wait3A_58 = arith.constant 0 : i32
        %dma_wait3A_59 = tpu.memref_slice %arg8[%dma_wait3A, %dma_wait3A_58] : memref<128x128xf32, #tpu.memory_space<vmem>> -> memref<128x128xf32, #tpu.memory_space<vmem>>
        %dma_wait3A_60 = arith.constant 0 : i32
        %dma_wait3A_61 = tpu.memref_slice %arg14[%add3A_44, %dma_wait3A_60] : memref<10000x128xf32, #tpu.memory_space<vmem_shared>> -> memref<128x128xf32, #tpu.memory_space<vmem_shared>>
        %dma_wait3A_62 = arith.constant 0 : i32
        %dma_wait3A_63 = tpu.memref_slice %arg14[%add3A_44, %dma_wait3A_62] : memref<10000x128xf32, #tpu.memory_space<vmem_shared>> -> memref<128x128xf32, #tpu.memory_space<vmem_shared>>
        %dma_wait3A_64 = arith.constant 0 : i32
        %dma_wait3A_65 = arith.constant 0 : i32
        %dma_wait3A_66 = tpu.memref_slice %arg8[%dma_wait3A_64, %dma_wait3A_65] : memref<128x128xf32, #tpu.memory_space<vmem>> -> memref<128x128xf32, #tpu.memory_space<vmem>>
        tpu.wait_dma2 semaphore(%run_scoped3A : memref<!tpu.dma_semaphore, #tpu.memory_space<semaphore_mem>>) src(%dma_wait3A_66 : memref<128x128xf32, #tpu.memory_space<vmem>>) dst(%dma_wait3A_63 : memref<128x128xf32, #tpu.memory_space<vmem_shared>>)
        tpu.yield
      }) : () -> ()
      %add3A_45 = arith.constant 384 : i32
      %add3A_46 = arith.addi %mul3A_2, %add3A_45 : i32
      "tpu.region"() ({
        %run_scoped3A = tpu.sem_alloc : memref<!tpu.dma_semaphore, #tpu.memory_space<semaphore_mem>>
        %dma_start3A = arith.constant 0 : i32
        %dma_start3A_49 = arith.constant 0 : i32
        %dma_start3A_50 = tpu.memref_slice %arg8[%dma_start3A, %dma_start3A_49] : memref<128x128xf32, #tpu.memory_space<vmem>> -> memref<128x128xf32, #tpu.memory_space<vmem>>
        %dma_start3A_51 = arith.constant 0 : i32
        %dma_start3A_52 = tpu.memref_slice %arg14[%add3A_46, %dma_start3A_51] : memref<10000x128xf32, #tpu.memory_space<vmem_shared>> -> memref<128x128xf32, #tpu.memory_space<vmem_shared>>
        %dma_start3A_53 = arith.constant 0 : i32
        %dma_start3A_54 = tpu.memref_slice %arg14[%add3A_46, %dma_start3A_53] : memref<10000x128xf32, #tpu.memory_space<vmem_shared>> -> memref<128x128xf32, #tpu.memory_space<vmem_shared>>
        %dma_start3A_55 = arith.constant 0 : i32
        %dma_start3A_56 = arith.constant 0 : i32
        %dma_start3A_57 = tpu.memref_slice %arg8[%dma_start3A_55, %dma_start3A_56] : memref<128x128xf32, #tpu.memory_space<vmem>> -> memref<128x128xf32, #tpu.memory_space<vmem>>
        tpu.enqueue_dma source(%dma_start3A_57 : memref<128x128xf32, #tpu.memory_space<vmem>>) target(%dma_start3A_54 : memref<128x128xf32, #tpu.memory_space<vmem_shared>>) target_semaphore(%run_scoped3A : memref<!tpu.dma_semaphore, #tpu.memory_space<semaphore_mem>>)
        %dma_wait3A = arith.constant 0 : i32
        %dma_wait3A_58 = arith.constant 0 : i32
        %dma_wait3A_59 = tpu.memref_slice %arg8[%dma_wait3A, %dma_wait3A_58] : memref<128x128xf32, #tpu.memory_space<vmem>> -> memref<128x128xf32, #tpu.memory_space<vmem>>
        %dma_wait3A_60 = arith.constant 0 : i32
        %dma_wait3A_61 = tpu.memref_slice %arg14[%add3A_46, %dma_wait3A_60] : memref<10000x128xf32, #tpu.memory_space<vmem_shared>> -> memref<128x128xf32, #tpu.memory_space<vmem_shared>>
        %dma_wait3A_62 = arith.constant 0 : i32
        %dma_wait3A_63 = tpu.memref_slice %arg14[%add3A_46, %dma_wait3A_62] : memref<10000x128xf32, #tpu.memory_space<vmem_shared>> -> memref<128x128xf32, #tpu.memory_space<vmem_shared>>
        %dma_wait3A_64 = arith.constant 0 : i32
        %dma_wait3A_65 = arith.constant 0 : i32
        %dma_wait3A_66 = tpu.memref_slice %arg8[%dma_wait3A_64, %dma_wait3A_65] : memref<128x128xf32, #tpu.memory_space<vmem>> -> memref<128x128xf32, #tpu.memory_space<vmem>>
        tpu.wait_dma2 semaphore(%run_scoped3A : memref<!tpu.dma_semaphore, #tpu.memory_space<semaphore_mem>>) src(%dma_wait3A_66 : memref<128x128xf32, #tpu.memory_space<vmem>>) dst(%dma_wait3A_63 : memref<128x128xf32, #tpu.memory_space<vmem_shared>>)
        tpu.yield
      }) : () -> ()
      %add3A_47 = arith.constant 512 : i32
      %add3A_48 = arith.addi %mul3A_2, %add3A_47 : i32
      "tpu.region"() ({
        %run_scoped3A = tpu.sem_alloc : memref<!tpu.dma_semaphore, #tpu.memory_space<semaphore_mem>>
        %dma_start3A = arith.constant 0 : i32
        %dma_start3A_49 = arith.constant 0 : i32
        %dma_start3A_50 = tpu.memref_slice %arg8[%dma_start3A, %dma_start3A_49] : memref<128x128xf32, #tpu.memory_space<vmem>> -> memref<112x128xf32, #tpu.memory_space<vmem>>
        %dma_start3A_51 = arith.constant 0 : i32
        %dma_start3A_52 = tpu.memref_slice %arg14[%add3A_48, %dma_start3A_51] : memref<10000x128xf32, #tpu.memory_space<vmem_shared>> -> memref<112x128xf32, #tpu.memory_space<vmem_shared>>
        %dma_start3A_53 = arith.constant 0 : i32
        %dma_start3A_54 = tpu.memref_slice %arg14[%add3A_48, %dma_start3A_53] : memref<10000x128xf32, #tpu.memory_space<vmem_shared>> -> memref<112x128xf32, #tpu.memory_space<vmem_shared>>
        %dma_start3A_55 = arith.constant 0 : i32
        %dma_start3A_56 = arith.constant 0 : i32
        %dma_start3A_57 = tpu.memref_slice %arg8[%dma_start3A_55, %dma_start3A_56] : memref<128x128xf32, #tpu.memory_space<vmem>> -> memref<112x128xf32, #tpu.memory_space<vmem>>
        tpu.enqueue_dma source(%dma_start3A_57 : memref<112x128xf32, #tpu.memory_space<vmem>>) target(%dma_start3A_54 : memref<112x128xf32, #tpu.memory_space<vmem_shared>>) target_semaphore(%run_scoped3A : memref<!tpu.dma_semaphore, #tpu.memory_space<semaphore_mem>>)
        %dma_wait3A = arith.constant 0 : i32
        %dma_wait3A_58 = arith.constant 0 : i32
        %dma_wait3A_59 = tpu.memref_slice %arg8[%dma_wait3A, %dma_wait3A_58] : memref<128x128xf32, #tpu.memory_space<vmem>> -> memref<112x128xf32, #tpu.memory_space<vmem>>
        %dma_wait3A_60 = arith.constant 0 : i32
        %dma_wait3A_61 = tpu.memref_slice %arg14[%add3A_48, %dma_wait3A_60] : memref<10000x128xf32, #tpu.memory_space<vmem_shared>> -> memref<112x128xf32, #tpu.memory_space<vmem_shared>>
        %dma_wait3A_62 = arith.constant 0 : i32
        %dma_wait3A_63 = tpu.memref_slice %arg14[%add3A_48, %dma_wait3A_62] : memref<10000x128xf32, #tpu.memory_space<vmem_shared>> -> memref<112x128xf32, #tpu.memory_space<vmem_shared>>
        %dma_wait3A_64 = arith.constant 0 : i32
        %dma_wait3A_65 = arith.constant 0 : i32
        %dma_wait3A_66 = tpu.memref_slice %arg8[%dma_wait3A_64, %dma_wait3A_65] : memref<128x128xf32, #tpu.memory_space<vmem>> -> memref<112x128xf32, #tpu.memory_space<vmem>>
        tpu.wait_dma2 semaphore(%run_scoped3A : memref<!tpu.dma_semaphore, #tpu.memory_space<semaphore_mem>>) src(%dma_wait3A_66 : memref<112x128xf32, #tpu.memory_space<vmem>>) dst(%dma_wait3A_63 : memref<112x128xf32, #tpu.memory_space<vmem_shared>>)
        tpu.yield
      }) : () -> ()
    } else {
    }
    %eq3A = arith.constant 15 : i32
    %eq3A_12 = arith.cmpi eq, %arg1, %eq3A : i32
    %convert_element_type3A_13 = arith.extui %eq3A_12 : i1 to i32
    %cond3A_14 = arith.constant 0 : i32
    %cond3A_15 = arith.cmpi ne, %convert_element_type3A_13, %cond3A_14 : i32
    scf.if %cond3A_15 {
      %add3A_39 = arith.constant 0 : i32
      %add3A_40 = arith.addi %mul3A_2, %add3A_39 : i32
      "tpu.region"() ({
        %run_scoped3A = tpu.sem_alloc : memref<!tpu.dma_semaphore, #tpu.memory_space<semaphore_mem>>
        %dma_start3A = arith.constant 0 : i32
        %dma_start3A_49 = arith.constant 0 : i32
        %dma_start3A_50 = tpu.memref_slice %arg8[%dma_start3A, %dma_start3A_49] : memref<128x128xf32, #tpu.memory_space<vmem>> -> memref<128x128xf32, #tpu.memory_space<vmem>>
        %dma_start3A_51 = arith.constant 0 : i32
        %dma_start3A_52 = tpu.memref_slice %arg14[%add3A_40, %dma_start3A_51] : memref<10000x128xf32, #tpu.memory_space<vmem_shared>> -> memref<128x128xf32, #tpu.memory_space<vmem_shared>>
        %dma_start3A_53 = arith.constant 0 : i32
        %dma_start3A_54 = tpu.memref_slice %arg14[%add3A_40, %dma_start3A_53] : memref<10000x128xf32, #tpu.memory_space<vmem_shared>> -> memref<128x128xf32, #tpu.memory_space<vmem_shared>>
        %dma_start3A_55 = arith.constant 0 : i32
        %dma_start3A_56 = arith.constant 0 : i32
        %dma_start3A_57 = tpu.memref_slice %arg8[%dma_start3A_55, %dma_start3A_56] : memref<128x128xf32, #tpu.memory_space<vmem>> -> memref<128x128xf32, #tpu.memory_space<vmem>>
        tpu.enqueue_dma source(%dma_start3A_57 : memref<128x128xf32, #tpu.memory_space<vmem>>) target(%dma_start3A_54 : memref<128x128xf32, #tpu.memory_space<vmem_shared>>) target_semaphore(%run_scoped3A : memref<!tpu.dma_semaphore, #tpu.memory_space<semaphore_mem>>)
        %dma_wait3A = arith.constant 0 : i32
        %dma_wait3A_58 = arith.constant 0 : i32
        %dma_wait3A_59 = tpu.memref_slice %arg8[%dma_wait3A, %dma_wait3A_58] : memref<128x128xf32, #tpu.memory_space<vmem>> -> memref<128x128xf32, #tpu.memory_space<vmem>>
        %dma_wait3A_60 = arith.constant 0 : i32
        %dma_wait3A_61 = tpu.memref_slice %arg14[%add3A_40, %dma_wait3A_60] : memref<10000x128xf32, #tpu.memory_space<vmem_shared>> -> memref<128x128xf32, #tpu.memory_space<vmem_shared>>
        %dma_wait3A_62 = arith.constant 0 : i32
        %dma_wait3A_63 = tpu.memref_slice %arg14[%add3A_40, %dma_wait3A_62] : memref<10000x128xf32, #tpu.memory_space<vmem_shared>> -> memref<128x128xf32, #tpu.memory_space<vmem_shared>>
        %dma_wait3A_64 = arith.constant 0 : i32
        %dma_wait3A_65 = arith.constant 0 : i32
        %dma_wait3A_66 = tpu.memref_slice %arg8[%dma_wait3A_64, %dma_wait3A_65] : memref<128x128xf32, #tpu.memory_space<vmem>> -> memref<128x128xf32, #tpu.memory_space<vmem>>
        tpu.wait_dma2 semaphore(%run_scoped3A : memref<!tpu.dma_semaphore, #tpu.memory_space<semaphore_mem>>) src(%dma_wait3A_66 : memref<128x128xf32, #tpu.memory_space<vmem>>) dst(%dma_wait3A_63 : memref<128x128xf32, #tpu.memory_space<vmem_shared>>)
        tpu.yield
      }) : () -> ()
      %add3A_41 = arith.constant 128 : i32
      %add3A_42 = arith.addi %mul3A_2, %add3A_41 : i32
      "tpu.region"() ({
        %run_scoped3A = tpu.sem_alloc : memref<!tpu.dma_semaphore, #tpu.memory_space<semaphore_mem>>
        %dma_start3A = arith.constant 0 : i32
        %dma_start3A_49 = arith.constant 0 : i32
        %dma_start3A_50 = tpu.memref_slice %arg8[%dma_start3A, %dma_start3A_49] : memref<128x128xf32, #tpu.memory_space<vmem>> -> memref<128x128xf32, #tpu.memory_space<vmem>>
        %dma_start3A_51 = arith.constant 0 : i32
        %dma_start3A_52 = tpu.memref_slice %arg14[%add3A_42, %dma_start3A_51] : memref<10000x128xf32, #tpu.memory_space<vmem_shared>> -> memref<128x128xf32, #tpu.memory_space<vmem_shared>>
        %dma_start3A_53 = arith.constant 0 : i32
        %dma_start3A_54 = tpu.memref_slice %arg14[%add3A_42, %dma_start3A_53] : memref<10000x128xf32, #tpu.memory_space<vmem_shared>> -> memref<128x128xf32, #tpu.memory_space<vmem_shared>>
        %dma_start3A_55 = arith.constant 0 : i32
        %dma_start3A_56 = arith.constant 0 : i32
        %dma_start3A_57 = tpu.memref_slice %arg8[%dma_start3A_55, %dma_start3A_56] : memref<128x128xf32, #tpu.memory_space<vmem>> -> memref<128x128xf32, #tpu.memory_space<vmem>>
        tpu.enqueue_dma source(%dma_start3A_57 : memref<128x128xf32, #tpu.memory_space<vmem>>) target(%dma_start3A_54 : memref<128x128xf32, #tpu.memory_space<vmem_shared>>) target_semaphore(%run_scoped3A : memref<!tpu.dma_semaphore, #tpu.memory_space<semaphore_mem>>)
        %dma_wait3A = arith.constant 0 : i32
        %dma_wait3A_58 = arith.constant 0 : i32
        %dma_wait3A_59 = tpu.memref_slice %arg8[%dma_wait3A, %dma_wait3A_58] : memref<128x128xf32, #tpu.memory_space<vmem>> -> memref<128x128xf32, #tpu.memory_space<vmem>>
        %dma_wait3A_60 = arith.constant 0 : i32
        %dma_wait3A_61 = tpu.memref_slice %arg14[%add3A_42, %dma_wait3A_60] : memref<10000x128xf32, #tpu.memory_space<vmem_shared>> -> memref<128x128xf32, #tpu.memory_space<vmem_shared>>
        %dma_wait3A_62 = arith.constant 0 : i32
        %dma_wait3A_63 = tpu.memref_slice %arg14[%add3A_42, %dma_wait3A_62] : memref<10000x128xf32, #tpu.memory_space<vmem_shared>> -> memref<128x128xf32, #tpu.memory_space<vmem_shared>>
        %dma_wait3A_64 = arith.constant 0 : i32
        %dma_wait3A_65 = arith.constant 0 : i32
        %dma_wait3A_66 = tpu.memref_slice %arg8[%dma_wait3A_64, %dma_wait3A_65] : memref<128x128xf32, #tpu.memory_space<vmem>> -> memref<128x128xf32, #tpu.memory_space<vmem>>
        tpu.wait_dma2 semaphore(%run_scoped3A : memref<!tpu.dma_semaphore, #tpu.memory_space<semaphore_mem>>) src(%dma_wait3A_66 : memref<128x128xf32, #tpu.memory_space<vmem>>) dst(%dma_wait3A_63 : memref<128x128xf32, #tpu.memory_space<vmem_shared>>)
        tpu.yield
      }) : () -> ()
      %add3A_43 = arith.constant 256 : i32
      %add3A_44 = arith.addi %mul3A_2, %add3A_43 : i32
      "tpu.region"() ({
        %run_scoped3A = tpu.sem_alloc : memref<!tpu.dma_semaphore, #tpu.memory_space<semaphore_mem>>
        %dma_start3A = arith.constant 0 : i32
        %dma_start3A_49 = arith.constant 0 : i32
        %dma_start3A_50 = tpu.memref_slice %arg8[%dma_start3A, %dma_start3A_49] : memref<128x128xf32, #tpu.memory_space<vmem>> -> memref<128x128xf32, #tpu.memory_space<vmem>>
        %dma_start3A_51 = arith.constant 0 : i32
        %dma_start3A_52 = tpu.memref_slice %arg14[%add3A_44, %dma_start3A_51] : memref<10000x128xf32, #tpu.memory_space<vmem_shared>> -> memref<128x128xf32, #tpu.memory_space<vmem_shared>>
        %dma_start3A_53 = arith.constant 0 : i32
        %dma_start3A_54 = tpu.memref_slice %arg14[%add3A_44, %dma_start3A_53] : memref<10000x128xf32, #tpu.memory_space<vmem_shared>> -> memref<128x128xf32, #tpu.memory_space<vmem_shared>>
        %dma_start3A_55 = arith.constant 0 : i32
        %dma_start3A_56 = arith.constant 0 : i32
        %dma_start3A_57 = tpu.memref_slice %arg8[%dma_start3A_55, %dma_start3A_56] : memref<128x128xf32, #tpu.memory_space<vmem>> -> memref<128x128xf32, #tpu.memory_space<vmem>>
        tpu.enqueue_dma source(%dma_start3A_57 : memref<128x128xf32, #tpu.memory_space<vmem>>) target(%dma_start3A_54 : memref<128x128xf32, #tpu.memory_space<vmem_shared>>) target_semaphore(%run_scoped3A : memref<!tpu.dma_semaphore, #tpu.memory_space<semaphore_mem>>)
        %dma_wait3A = arith.constant 0 : i32
        %dma_wait3A_58 = arith.constant 0 : i32
        %dma_wait3A_59 = tpu.memref_slice %arg8[%dma_wait3A, %dma_wait3A_58] : memref<128x128xf32, #tpu.memory_space<vmem>> -> memref<128x128xf32, #tpu.memory_space<vmem>>
        %dma_wait3A_60 = arith.constant 0 : i32
        %dma_wait3A_61 = tpu.memref_slice %arg14[%add3A_44, %dma_wait3A_60] : memref<10000x128xf32, #tpu.memory_space<vmem_shared>> -> memref<128x128xf32, #tpu.memory_space<vmem_shared>>
        %dma_wait3A_62 = arith.constant 0 : i32
        %dma_wait3A_63 = tpu.memref_slice %arg14[%add3A_44, %dma_wait3A_62] : memref<10000x128xf32, #tpu.memory_space<vmem_shared>> -> memref<128x128xf32, #tpu.memory_space<vmem_shared>>
        %dma_wait3A_64 = arith.constant 0 : i32
        %dma_wait3A_65 = arith.constant 0 : i32
        %dma_wait3A_66 = tpu.memref_slice %arg8[%dma_wait3A_64, %dma_wait3A_65] : memref<128x128xf32, #tpu.memory_space<vmem>> -> memref<128x128xf32, #tpu.memory_space<vmem>>
        tpu.wait_dma2 semaphore(%run_scoped3A : memref<!tpu.dma_semaphore, #tpu.memory_space<semaphore_mem>>) src(%dma_wait3A_66 : memref<128x128xf32, #tpu.memory_space<vmem>>) dst(%dma_wait3A_63 : memref<128x128xf32, #tpu.memory_space<vmem_shared>>)
        tpu.yield
      }) : () -> ()
      %add3A_45 = arith.constant 384 : i32
      %add3A_46 = arith.addi %mul3A_2, %add3A_45 : i32
      "tpu.region"() ({
        %run_scoped3A = tpu.sem_alloc : memref<!tpu.dma_semaphore, #tpu.memory_space<semaphore_mem>>
        %dma_start3A = arith.constant 0 : i32
        %dma_start3A_49 = arith.constant 0 : i32
        %dma_start3A_50 = tpu.memref_slice %arg8[%dma_start3A, %dma_start3A_49] : memref<128x128xf32, #tpu.memory_space<vmem>> -> memref<128x128xf32, #tpu.memory_space<vmem>>
        %dma_start3A_51 = arith.constant 0 : i32
        %dma_start3A_52 = tpu.memref_slice %arg14[%add3A_46, %dma_start3A_51] : memref<10000x128xf32, #tpu.memory_space<vmem_shared>> -> memref<128x128xf32, #tpu.memory_space<vmem_shared>>
        %dma_start3A_53 = arith.constant 0 : i32
        %dma_start3A_54 = tpu.memref_slice %arg14[%add3A_46, %dma_start3A_53] : memref<10000x128xf32, #tpu.memory_space<vmem_shared>> -> memref<128x128xf32, #tpu.memory_space<vmem_shared>>
        %dma_start3A_55 = arith.constant 0 : i32
        %dma_start3A_56 = arith.constant 0 : i32
        %dma_start3A_57 = tpu.memref_slice %arg8[%dma_start3A_55, %dma_start3A_56] : memref<128x128xf32, #tpu.memory_space<vmem>> -> memref<128x128xf32, #tpu.memory_space<vmem>>
        tpu.enqueue_dma source(%dma_start3A_57 : memref<128x128xf32, #tpu.memory_space<vmem>>) target(%dma_start3A_54 : memref<128x128xf32, #tpu.memory_space<vmem_shared>>) target_semaphore(%run_scoped3A : memref<!tpu.dma_semaphore, #tpu.memory_space<semaphore_mem>>)
        %dma_wait3A = arith.constant 0 : i32
        %dma_wait3A_58 = arith.constant 0 : i32
        %dma_wait3A_59 = tpu.memref_slice %arg8[%dma_wait3A, %dma_wait3A_58] : memref<128x128xf32, #tpu.memory_space<vmem>> -> memref<128x128xf32, #tpu.memory_space<vmem>>
        %dma_wait3A_60 = arith.constant 0 : i32
        %dma_wait3A_61 = tpu.memref_slice %arg14[%add3A_46, %dma_wait3A_60] : memref<10000x128xf32, #tpu.memory_space<vmem_shared>> -> memref<128x128xf32, #tpu.memory_space<vmem_shared>>
        %dma_wait3A_62 = arith.constant 0 : i32
        %dma_wait3A_63 = tpu.memref_slice %arg14[%add3A_46, %dma_wait3A_62] : memref<10000x128xf32, #tpu.memory_space<vmem_shared>> -> memref<128x128xf32, #tpu.memory_space<vmem_shared>>
        %dma_wait3A_64 = arith.constant 0 : i32
        %dma_wait3A_65 = arith.constant 0 : i32
        %dma_wait3A_66 = tpu.memref_slice %arg8[%dma_wait3A_64, %dma_wait3A_65] : memref<128x128xf32, #tpu.memory_space<vmem>> -> memref<128x128xf32, #tpu.memory_space<vmem>>
        tpu.wait_dma2 semaphore(%run_scoped3A : memref<!tpu.dma_semaphore, #tpu.memory_space<semaphore_mem>>) src(%dma_wait3A_66 : memref<128x128xf32, #tpu.memory_space<vmem>>) dst(%dma_wait3A_63 : memref<128x128xf32, #tpu.memory_space<vmem_shared>>)
        tpu.yield
      }) : () -> ()
      %add3A_47 = arith.constant 512 : i32
      %add3A_48 = arith.addi %mul3A_2, %add3A_47 : i32
      "tpu.region"() ({
        %run_scoped3A = tpu.sem_alloc : memref<!tpu.dma_semaphore, #tpu.memory_space<semaphore_mem>>
        %dma_start3A = arith.constant 0 : i32
        %dma_start3A_49 = arith.constant 0 : i32
        %dma_start3A_50 = tpu.memref_slice %arg8[%dma_start3A, %dma_start3A_49] : memref<128x128xf32, #tpu.memory_space<vmem>> -> memref<128x128xf32, #tpu.memory_space<vmem>>
        %dma_start3A_51 = arith.constant 0 : i32
        %dma_start3A_52 = tpu.memref_slice %arg14[%add3A_48, %dma_start3A_51] : memref<10000x128xf32, #tpu.memory_space<vmem_shared>> -> memref<128x128xf32, #tpu.memory_space<vmem_shared>>
        %dma_start3A_53 = arith.constant 0 : i32
        %dma_start3A_54 = tpu.memref_slice %arg14[%add3A_48, %dma_start3A_53] : memref<10000x128xf32, #tpu.memory_space<vmem_shared>> -> memref<128x128xf32, #tpu.memory_space<vmem_shared>>
        %dma_start3A_55 = arith.constant 0 : i32
        %dma_start3A_56 = arith.constant 0 : i32
        %dma_start3A_57 = tpu.memref_slice %arg8[%dma_start3A_55, %dma_start3A_56] : memref<128x128xf32, #tpu.memory_space<vmem>> -> memref<128x128xf32, #tpu.memory_space<vmem>>
        tpu.enqueue_dma source(%dma_start3A_57 : memref<128x128xf32, #tpu.memory_space<vmem>>) target(%dma_start3A_54 : memref<128x128xf32, #tpu.memory_space<vmem_shared>>) target_semaphore(%run_scoped3A : memref<!tpu.dma_semaphore, #tpu.memory_space<semaphore_mem>>)
        %dma_wait3A = arith.constant 0 : i32
        %dma_wait3A_58 = arith.constant 0 : i32
        %dma_wait3A_59 = tpu.memref_slice %arg8[%dma_wait3A, %dma_wait3A_58] : memref<128x128xf32, #tpu.memory_space<vmem>> -> memref<128x128xf32, #tpu.memory_space<vmem>>
        %dma_wait3A_60 = arith.constant 0 : i32
        %dma_wait3A_61 = tpu.memref_slice %arg14[%add3A_48, %dma_wait3A_60] : memref<10000x128xf32, #tpu.memory_space<vmem_shared>> -> memref<128x128xf32, #tpu.memory_space<vmem_shared>>
        %dma_wait3A_62 = arith.constant 0 : i32
        %dma_wait3A_63 = tpu.memref_slice %arg14[%add3A_48, %dma_wait3A_62] : memref<10000x128xf32, #tpu.memory_space<vmem_shared>> -> memref<128x128xf32, #tpu.memory_space<vmem_shared>>
        %dma_wait3A_64 = arith.constant 0 : i32
        %dma_wait3A_65 = arith.constant 0 : i32
        %dma_wait3A_66 = tpu.memref_slice %arg8[%dma_wait3A_64, %dma_wait3A_65] : memref<128x128xf32, #tpu.memory_space<vmem>> -> memref<128x128xf32, #tpu.memory_space<vmem>>
        tpu.wait_dma2 semaphore(%run_scoped3A : memref<!tpu.dma_semaphore, #tpu.memory_space<semaphore_mem>>) src(%dma_wait3A_66 : memref<128x128xf32, #tpu.memory_space<vmem>>) dst(%dma_wait3A_63 : memref<128x128xf32, #tpu.memory_space<vmem_shared>>)
        tpu.yield
      }) : () -> ()
    } else {
    }
    %barrier3A = arith.constant 0 : index
    tpu.barrier barrier_id(%barrier3A)
    %scan3A_16 = arith.constant 0 : i32
    %scan3A_17 = arith.constant 0 : i32
    %scan3A_18 = arith.constant 3 : i32
    %scan3A_19 = arith.addi %scan3A_17, %scan3A_18 : i32
    %scan3A_20 = arith.constant 1 : i32
    %scan3A_21 = scf.for %scan3A_39 = %scan3A_17 to %scan3A_19 step %scan3A_20 iter_args(%scan3A_40 = %scan3A_16) -> (i32)  : i32 {
      %mul3A_41 = arith.constant 78 : i32
      %mul3A_42 = arith.muli %add3A, %mul3A_41 : i32
      %mul3A_43 = arith.constant 26 : i32
      %mul3A_44 = arith.muli %scan3A_39, %mul3A_43 : i32
      %add3A_45 = arith.addi %mul3A_42, %mul3A_44 : i32
      "tpu.region"() ({
        %run_scoped3A = tpu.sem_alloc : memref<!tpu.dma_semaphore, #tpu.memory_space<semaphore_mem>>
        %dma_start3A_72 = arith.constant 0 : i32
        %dma_start3A_73 = arith.constant 0 : i32
        %dma_start3A_74 = arith.constant 0 : i32
        %dma_start3A_75 = tpu.memref_slice %arg6[%dma_start3A_72, %dma_start3A_73, %dma_start3A_74] : memref<26x1x128xi32, #tpu.memory_space<vmem>> -> memref<26x1x128xi32, #tpu.memory_space<vmem>>
        %dma_start3A_76 = arith.constant 0 : i32
        %dma_start3A_77 = arith.constant 0 : i32
        %dma_start3A_78 = tpu.memref_slice %arg3[%add3A_45, %dma_start3A_76, %dma_start3A_77] : memref<2500x1x128xi32, #tpu.memory_space<hbm>> -> memref<26x1x128xi32, #tpu.memory_space<hbm>>
        %dma_start3A_79 = arith.constant 0 : i32
        %dma_start3A_80 = arith.constant 0 : i32
        %dma_start3A_81 = arith.constant 0 : i32
        %dma_start3A_82 = tpu.memref_slice %arg6[%dma_start3A_79, %dma_start3A_80, %dma_start3A_81] : memref<26x1x128xi32, #tpu.memory_space<vmem>> -> memref<26x1x128xi32, #tpu.memory_space<vmem>>
        %dma_start3A_83 = arith.constant 0 : i32
        %dma_start3A_84 = arith.constant 0 : i32
        %dma_start3A_85 = tpu.memref_slice %arg3[%add3A_45, %dma_start3A_83, %dma_start3A_84] : memref<2500x1x128xi32, #tpu.memory_space<hbm>> -> memref<26x1x128xi32, #tpu.memory_space<hbm>>
        tpu.enqueue_dma source(%dma_start3A_85 : memref<26x1x128xi32, #tpu.memory_space<hbm>>) target(%dma_start3A_82 : memref<26x1x128xi32, #tpu.memory_space<vmem>>) target_semaphore(%run_scoped3A : memref<!tpu.dma_semaphore, #tpu.memory_space<semaphore_mem>>)
        %dma_wait3A_86 = arith.constant 0 : i32
        %dma_wait3A_87 = arith.constant 0 : i32
        %dma_wait3A_88 = arith.constant 0 : i32
        %dma_wait3A_89 = tpu.memref_slice %arg6[%dma_wait3A_86, %dma_wait3A_87, %dma_wait3A_88] : memref<26x1x128xi32, #tpu.memory_space<vmem>> -> memref<26x1x128xi32, #tpu.memory_space<vmem>>
        %dma_wait3A_90 = arith.constant 0 : i32
        %dma_wait3A_91 = arith.constant 0 : i32
        %dma_wait3A_92 = tpu.memref_slice %arg3[%add3A_45, %dma_wait3A_90, %dma_wait3A_91] : memref<2500x1x128xi32, #tpu.memory_space<hbm>> -> memref<26x1x128xi32, #tpu.memory_space<hbm>>
        %dma_wait3A_93 = arith.constant 0 : i32
        %dma_wait3A_94 = arith.constant 0 : i32
        %dma_wait3A_95 = arith.constant 0 : i32
        %dma_wait3A_96 = tpu.memref_slice %arg6[%dma_wait3A_93, %dma_wait3A_94, %dma_wait3A_95] : memref<26x1x128xi32, #tpu.memory_space<vmem>> -> memref<26x1x128xi32, #tpu.memory_space<vmem>>
        %dma_wait3A_97 = arith.constant 0 : i32
        %dma_wait3A_98 = arith.constant 0 : i32
        %dma_wait3A_99 = tpu.memref_slice %arg3[%add3A_45, %dma_wait3A_97, %dma_wait3A_98] : memref<2500x1x128xi32, #tpu.memory_space<hbm>> -> memref<26x1x128xi32, #tpu.memory_space<hbm>>
        tpu.wait_dma2 semaphore(%run_scoped3A : memref<!tpu.dma_semaphore, #tpu.memory_space<semaphore_mem>>) src(%dma_wait3A_99 : memref<26x1x128xi32, #tpu.memory_space<hbm>>) dst(%dma_wait3A_96 : memref<26x1x128xi32, #tpu.memory_space<vmem>>)
        tpu.yield
      }) : () -> ()
      "tpu.region"() ({
        %run_scoped3A = tpu.sem_alloc : memref<!tpu.dma_semaphore, #tpu.memory_space<semaphore_mem>>
        %dma_start3A_72 = arith.constant 0 : i32
        %dma_start3A_73 = arith.constant 0 : i32
        %dma_start3A_74 = arith.constant 0 : i32
        %dma_start3A_75 = tpu.memref_slice %arg7[%dma_start3A_72, %dma_start3A_73, %dma_start3A_74] : memref<26x1x128xi32, #tpu.memory_space<vmem>> -> memref<26x1x128xi32, #tpu.memory_space<vmem>>
        %dma_start3A_76 = arith.constant 0 : i32
        %dma_start3A_77 = arith.constant 0 : i32
        %dma_start3A_78 = tpu.memref_slice %arg4[%add3A_45, %dma_start3A_76, %dma_start3A_77] : memref<2500x1x128xi32, #tpu.memory_space<hbm>> -> memref<26x1x128xi32, #tpu.memory_space<hbm>>
        %dma_start3A_79 = arith.constant 0 : i32
        %dma_start3A_80 = arith.constant 0 : i32
        %dma_start3A_81 = arith.constant 0 : i32
        %dma_start3A_82 = tpu.memref_slice %arg7[%dma_start3A_79, %dma_start3A_80, %dma_start3A_81] : memref<26x1x128xi32, #tpu.memory_space<vmem>> -> memref<26x1x128xi32, #tpu.memory_space<vmem>>
        %dma_start3A_83 = arith.constant 0 : i32
        %dma_start3A_84 = arith.constant 0 : i32
        %dma_start3A_85 = tpu.memref_slice %arg4[%add3A_45, %dma_start3A_83, %dma_start3A_84] : memref<2500x1x128xi32, #tpu.memory_space<hbm>> -> memref<26x1x128xi32, #tpu.memory_space<hbm>>
        tpu.enqueue_dma source(%dma_start3A_85 : memref<26x1x128xi32, #tpu.memory_space<hbm>>) target(%dma_start3A_82 : memref<26x1x128xi32, #tpu.memory_space<vmem>>) target_semaphore(%run_scoped3A : memref<!tpu.dma_semaphore, #tpu.memory_space<semaphore_mem>>)
        %dma_wait3A_86 = arith.constant 0 : i32
        %dma_wait3A_87 = arith.constant 0 : i32
        %dma_wait3A_88 = arith.constant 0 : i32
        %dma_wait3A_89 = tpu.memref_slice %arg7[%dma_wait3A_86, %dma_wait3A_87, %dma_wait3A_88] : memref<26x1x128xi32, #tpu.memory_space<vmem>> -> memref<26x1x128xi32, #tpu.memory_space<vmem>>
        %dma_wait3A_90 = arith.constant 0 : i32
        %dma_wait3A_91 = arith.constant 0 : i32
        %dma_wait3A_92 = tpu.memref_slice %arg4[%add3A_45, %dma_wait3A_90, %dma_wait3A_91] : memref<2500x1x128xi32, #tpu.memory_space<hbm>> -> memref<26x1x128xi32, #tpu.memory_space<hbm>>
        %dma_wait3A_93 = arith.constant 0 : i32
        %dma_wait3A_94 = arith.constant 0 : i32
        %dma_wait3A_95 = arith.constant 0 : i32
        %dma_wait3A_96 = tpu.memref_slice %arg7[%dma_wait3A_93, %dma_wait3A_94, %dma_wait3A_95] : memref<26x1x128xi32, #tpu.memory_space<vmem>> -> memref<26x1x128xi32, #tpu.memory_space<vmem>>
        %dma_wait3A_97 = arith.constant 0 : i32
        %dma_wait3A_98 = arith.constant 0 : i32
        %dma_wait3A_99 = tpu.memref_slice %arg4[%add3A_45, %dma_wait3A_97, %dma_wait3A_98] : memref<2500x1x128xi32, #tpu.memory_space<hbm>> -> memref<26x1x128xi32, #tpu.memory_space<hbm>>
        tpu.wait_dma2 semaphore(%run_scoped3A : memref<!tpu.dma_semaphore, #tpu.memory_space<semaphore_mem>>) src(%dma_wait3A_99 : memref<26x1x128xi32, #tpu.memory_space<hbm>>) dst(%dma_wait3A_96 : memref<26x1x128xi32, #tpu.memory_space<vmem>>)
        tpu.yield
      }) : () -> ()
      %dma_start3A = arith.constant 0 : i32
      %dma_start3A_46 = arith.constant 0 : i32
      %dma_start3A_47 = arith.constant 0 : i32
      %dma_start3A_48 = tpu.memref_slice %arg6[%dma_start3A, %dma_start3A_46, %dma_start3A_47] : memref<26x1x128xi32, #tpu.memory_space<vmem>> -> memref<1x1x128xi32, #tpu.memory_space<vmem>>
      %dma_start3A_49 = tpu.memref_squeeze %dma_start3A_48 : memref<1x1x128xi32, #tpu.memory_space<vmem>> -> memref<128xi32, #tpu.memory_space<vmem>>
      %dma_start3A_50 = arith.constant 0 : i32
      %dma_start3A_51 = arith.constant 0 : i32
      %dma_start3A_52 = tpu.memref_slice %arg2[%dma_start3A_50, %dma_start3A_51] : memref<10000x128xf32, #tpu.memory_space<hbm>> -> memref<10000x128xf32, #tpu.memory_space<hbm>>
      tpu.enqueue_indirect_dma source(%dma_start3A_52 : memref<10000x128xf32, #tpu.memory_space<hbm>>) target(%arg8 : memref<128x128xf32, #tpu.memory_space<vmem>>) offsets(%dma_start3A_49 : memref<128xi32, #tpu.memory_space<vmem>>) semaphore(%arg10 : memref<!tpu.dma_semaphore, #tpu.memory_space<semaphore_mem>>)
      %scan3A_53 = arith.constant 0 : i32
      %scan3A_54 = arith.constant 0 : i32
      %scan3A_55 = arith.constant 26 : i32
      %scan3A_56 = arith.addi %scan3A_54, %scan3A_55 : i32
      %scan3A_57 = arith.constant 1 : i32
      %scan3A_58 = scf.for %scan3A_72 = %scan3A_54 to %scan3A_56 step %scan3A_57 iter_args(%scan3A_73 = %scan3A_53) -> (i32)  : i32 {
        %jit3A = arith.constant 2 : i32
        %eq3A_74 = arith.constant 0 : i32
        %eq3A_75 = arith.cmpi eq, %jit3A, %eq3A_74 : i32
        %jit3A_76 = arith.constant 1 : i32
        %select_n3A = arith.select %eq3A_75, %jit3A_76, %jit3A : i32
        %rem3A = arith.remsi %scan3A_72, %select_n3A : i32
        %ne3A = arith.constant 0 : i32
        %ne3A_77 = arith.cmpi ne, %rem3A, %ne3A : i32
        %lt3A_78 = arith.constant 0 : i32
        %lt3A_79 = arith.cmpi slt, %rem3A, %lt3A_78 : i32
        %lt3A_80 = arith.constant 0 : i32
        %lt3A_81 = arith.cmpi slt, %select_n3A, %lt3A_80 : i32
        %ne3A_82 = arith.xori %lt3A_79, %lt3A_81 : i1
        %and3A = arith.andi %ne3A_82, %ne3A_77 : i1
        %add3A_83 = arith.addi %rem3A, %select_n3A : i32
        %select_n3A_84 = arith.select %and3A, %add3A_83, %rem3A : i32
        %eq3A_85 = arith.constant 0 : i32
        %eq3A_86 = arith.cmpi eq, %select_n3A_84, %eq3A_85 : i32
        %convert_element_type3A_87 = arith.extui %eq3A_86 : i1 to i32
        %cond3A_88 = arith.constant 0 : i32
        %cond3A_89 = arith.cmpi ne, %convert_element_type3A_87, %cond3A_88 : i32
        scf.if %cond3A_89 {
          %dma_wait3A_112 = arith.constant 0 : i32
          %dma_wait3A_113 = arith.constant 0 : i32
          %dma_wait3A_114 = tpu.memref_slice %arg2[%dma_wait3A_112, %dma_wait3A_113] : memref<10000x128xf32, #tpu.memory_space<hbm>> -> memref<128x128xf32, #tpu.memory_space<hbm>>
          %dma_wait3A_115 = arith.constant 0 : i32
          %dma_wait3A_116 = arith.constant 0 : i32
          %dma_wait3A_117 = tpu.memref_slice %arg2[%dma_wait3A_115, %dma_wait3A_116] : memref<10000x128xf32, #tpu.memory_space<hbm>> -> memref<128x128xf32, #tpu.memory_space<hbm>>
          tpu.wait_dma2 semaphore(%arg10 : memref<!tpu.dma_semaphore, #tpu.memory_space<semaphore_mem>>) src(%dma_wait3A_117 : memref<128x128xf32, #tpu.memory_space<hbm>>) dst(%arg8 : memref<128x128xf32, #tpu.memory_space<vmem>>)
          %add3A_118 = arith.constant 1 : i32
          %add3A_119 = arith.addi %scan3A_72, %add3A_118 : i32
          %lt3A_120 = arith.constant 26 : i32
          %lt3A_121 = arith.cmpi slt, %add3A_119, %lt3A_120 : i32
          %convert_element_type3A_122 = arith.extui %lt3A_121 : i1 to i32
          %cond3A_123 = arith.constant 0 : i32
          %cond3A_124 = arith.cmpi ne, %convert_element_type3A_122, %cond3A_123 : i32
          scf.if %cond3A_124 {
            %ge3A = arith.constant 1 : i32
            %ge3A_132 = arith.cmpi sge, %scan3A_72, %ge3A : i32
            %convert_element_type3A_133 = arith.extui %ge3A_132 : i1 to i32
            %cond3A_134 = arith.constant 0 : i32
            %cond3A_135 = arith.cmpi ne, %convert_element_type3A_133, %cond3A_134 : i32
            scf.if %cond3A_135 {
              %dma_wait3A_145 = arith.constant 0 : i32
              %dma_wait3A_146 = arith.constant 0 : i32
              %dma_wait3A_147 = tpu.memref_slice %arg2[%dma_wait3A_145, %dma_wait3A_146] : memref<10000x128xf32, #tpu.memory_space<hbm>> -> memref<128x128xf32, #tpu.memory_space<hbm>>
              %dma_wait3A_148 = arith.constant 0 : i32
              %dma_wait3A_149 = arith.constant 0 : i32
              %dma_wait3A_150 = tpu.memref_slice %arg2[%dma_wait3A_148, %dma_wait3A_149] : memref<10000x128xf32, #tpu.memory_space<hbm>> -> memref<128x128xf32, #tpu.memory_space<hbm>>
              tpu.wait_dma2 semaphore(%arg13 : memref<!tpu.dma_semaphore, #tpu.memory_space<semaphore_mem>>) src(%dma_wait3A_150 : memref<128x128xf32, #tpu.memory_space<hbm>>) dst(%arg9 : memref<128x128xf32, #tpu.memory_space<vmem>>)
            } else {
            }
            %add3A_136 = arith.constant 1 : i32
            %add3A_137 = arith.addi %scan3A_72, %add3A_136 : i32
            %dma_start3A_138 = arith.constant 0 : i32
            %dma_start3A_139 = arith.constant 0 : i32
            %dma_start3A_140 = tpu.memref_slice %arg6[%add3A_137, %dma_start3A_138, %dma_start3A_139] : memref<26x1x128xi32, #tpu.memory_space<vmem>> -> memref<1x1x128xi32, #tpu.memory_space<vmem>>
            %dma_start3A_141 = tpu.memref_squeeze %dma_start3A_140 : memref<1x1x128xi32, #tpu.memory_space<vmem>> -> memref<128xi32, #tpu.memory_space<vmem>>
            %dma_start3A_142 = arith.constant 0 : i32
            %dma_start3A_143 = arith.constant 0 : i32
            %dma_start3A_144 = tpu.memref_slice %arg2[%dma_start3A_142, %dma_start3A_143] : memref<10000x128xf32, #tpu.memory_space<hbm>> -> memref<10000x128xf32, #tpu.memory_space<hbm>>
            tpu.enqueue_indirect_dma source(%dma_start3A_144 : memref<10000x128xf32, #tpu.memory_space<hbm>>) target(%arg9 : memref<128x128xf32, #tpu.memory_space<vmem>>) offsets(%dma_start3A_141 : memref<128xi32, #tpu.memory_space<vmem>>) semaphore(%arg11 : memref<!tpu.dma_semaphore, #tpu.memory_space<semaphore_mem>>)
          } else {
          }
          %dma_start3A_125 = arith.constant 0 : i32
          %dma_start3A_126 = arith.constant 0 : i32
          %dma_start3A_127 = tpu.memref_slice %arg7[%scan3A_72, %dma_start3A_125, %dma_start3A_126] : memref<26x1x128xi32, #tpu.memory_space<vmem>> -> memref<1x1x128xi32, #tpu.memory_space<vmem>>
          %dma_start3A_128 = tpu.memref_squeeze %dma_start3A_127 : memref<1x1x128xi32, #tpu.memory_space<vmem>> -> memref<128xi32, #tpu.memory_space<vmem>>
          %dma_start3A_129 = arith.constant 0 : i32
          %dma_start3A_130 = arith.constant 0 : i32
          %dma_start3A_131 = tpu.memref_slice %arg14[%dma_start3A_129, %dma_start3A_130] : memref<10000x128xf32, #tpu.memory_space<vmem_shared>> -> memref<10000x128xf32, #tpu.memory_space<vmem_shared>>
          tpu.enqueue_indirect_dma source(%arg8 : memref<128x128xf32, #tpu.memory_space<vmem>>) target(%dma_start3A_131 : memref<10000x128xf32, #tpu.memory_space<vmem_shared>>) offsets(%dma_start3A_128 : memref<128xi32, #tpu.memory_space<vmem>>) semaphore(%arg12 : memref<!tpu.dma_semaphore, #tpu.memory_space<semaphore_mem>>) {add = true}
        } else {
        }
        %jit3A_90 = arith.constant 2 : i32
        %eq3A_91 = arith.constant 0 : i32
        %eq3A_92 = arith.cmpi eq, %jit3A_90, %eq3A_91 : i32
        %jit3A_93 = arith.constant 1 : i32
        %select_n3A_94 = arith.select %eq3A_92, %jit3A_93, %jit3A_90 : i32
        %rem3A_95 = arith.remsi %scan3A_72, %select_n3A_94 : i32
        %ne3A_96 = arith.constant 0 : i32
        %ne3A_97 = arith.cmpi ne, %rem3A_95, %ne3A_96 : i32
        %lt3A_98 = arith.constant 0 : i32
        %lt3A_99 = arith.cmpi slt, %rem3A_95, %lt3A_98 : i32
        %lt3A_100 = arith.constant 0 : i32
        %lt3A_101 = arith.cmpi slt, %select_n3A_94, %lt3A_100 : i32
        %ne3A_102 = arith.xori %lt3A_99, %lt3A_101 : i1
        %and3A_103 = arith.andi %ne3A_102, %ne3A_97 : i1
        %add3A_104 = arith.addi %rem3A_95, %select_n3A_94 : i32
        %select_n3A_105 = arith.select %and3A_103, %add3A_104, %rem3A_95 : i32
        %eq3A_106 = arith.constant 1 : i32
        %eq3A_107 = arith.cmpi eq, %select_n3A_105, %eq3A_106 : i32
        %convert_element_type3A_108 = arith.extui %eq3A_107 : i1 to i32
        %cond3A_109 = arith.constant 0 : i32
        %cond3A_110 = arith.cmpi ne, %convert_element_type3A_108, %cond3A_109 : i32
        scf.if %cond3A_110 {
          %dma_wait3A_112 = arith.constant 0 : i32
          %dma_wait3A_113 = arith.constant 0 : i32
          %dma_wait3A_114 = tpu.memref_slice %arg2[%dma_wait3A_112, %dma_wait3A_113] : memref<10000x128xf32, #tpu.memory_space<hbm>> -> memref<128x128xf32, #tpu.memory_space<hbm>>
          %dma_wait3A_115 = arith.constant 0 : i32
          %dma_wait3A_116 = arith.constant 0 : i32
          %dma_wait3A_117 = tpu.memref_slice %arg2[%dma_wait3A_115, %dma_wait3A_116] : memref<10000x128xf32, #tpu.memory_space<hbm>> -> memref<128x128xf32, #tpu.memory_space<hbm>>
          tpu.wait_dma2 semaphore(%arg11 : memref<!tpu.dma_semaphore, #tpu.memory_space<semaphore_mem>>) src(%dma_wait3A_117 : memref<128x128xf32, #tpu.memory_space<hbm>>) dst(%arg9 : memref<128x128xf32, #tpu.memory_space<vmem>>)
          %add3A_118 = arith.constant 1 : i32
          %add3A_119 = arith.addi %scan3A_72, %add3A_118 : i32
          %lt3A_120 = arith.constant 26 : i32
          %lt3A_121 = arith.cmpi slt, %add3A_119, %lt3A_120 : i32
          %convert_element_type3A_122 = arith.extui %lt3A_121 : i1 to i32
          %cond3A_123 = arith.constant 0 : i32
          %cond3A_124 = arith.cmpi ne, %convert_element_type3A_122, %cond3A_123 : i32
          scf.if %cond3A_124 {
            %ge3A = arith.constant 1 : i32
            %ge3A_132 = arith.cmpi sge, %scan3A_72, %ge3A : i32
            %convert_element_type3A_133 = arith.extui %ge3A_132 : i1 to i32
            %cond3A_134 = arith.constant 0 : i32
            %cond3A_135 = arith.cmpi ne, %convert_element_type3A_133, %cond3A_134 : i32
            scf.if %cond3A_135 {
              %dma_wait3A_145 = arith.constant 0 : i32
              %dma_wait3A_146 = arith.constant 0 : i32
              %dma_wait3A_147 = tpu.memref_slice %arg2[%dma_wait3A_145, %dma_wait3A_146] : memref<10000x128xf32, #tpu.memory_space<hbm>> -> memref<128x128xf32, #tpu.memory_space<hbm>>
              %dma_wait3A_148 = arith.constant 0 : i32
              %dma_wait3A_149 = arith.constant 0 : i32
              %dma_wait3A_150 = tpu.memref_slice %arg2[%dma_wait3A_148, %dma_wait3A_149] : memref<10000x128xf32, #tpu.memory_space<hbm>> -> memref<128x128xf32, #tpu.memory_space<hbm>>
              tpu.wait_dma2 semaphore(%arg12 : memref<!tpu.dma_semaphore, #tpu.memory_space<semaphore_mem>>) src(%dma_wait3A_150 : memref<128x128xf32, #tpu.memory_space<hbm>>) dst(%arg8 : memref<128x128xf32, #tpu.memory_space<vmem>>)
            } else {
            }
            %add3A_136 = arith.constant 1 : i32
            %add3A_137 = arith.addi %scan3A_72, %add3A_136 : i32
            %dma_start3A_138 = arith.constant 0 : i32
            %dma_start3A_139 = arith.constant 0 : i32
            %dma_start3A_140 = tpu.memref_slice %arg6[%add3A_137, %dma_start3A_138, %dma_start3A_139] : memref<26x1x128xi32, #tpu.memory_space<vmem>> -> memref<1x1x128xi32, #tpu.memory_space<vmem>>
            %dma_start3A_141 = tpu.memref_squeeze %dma_start3A_140 : memref<1x1x128xi32, #tpu.memory_space<vmem>> -> memref<128xi32, #tpu.memory_space<vmem>>
            %dma_start3A_142 = arith.constant 0 : i32
            %dma_start3A_143 = arith.constant 0 : i32
            %dma_start3A_144 = tpu.memref_slice %arg2[%dma_start3A_142, %dma_start3A_143] : memref<10000x128xf32, #tpu.memory_space<hbm>> -> memref<10000x128xf32, #tpu.memory_space<hbm>>
            tpu.enqueue_indirect_dma source(%dma_start3A_144 : memref<10000x128xf32, #tpu.memory_space<hbm>>) target(%arg8 : memref<128x128xf32, #tpu.memory_space<vmem>>) offsets(%dma_start3A_141 : memref<128xi32, #tpu.memory_space<vmem>>) semaphore(%arg10 : memref<!tpu.dma_semaphore, #tpu.memory_space<semaphore_mem>>)
          } else {
          }
          %dma_start3A_125 = arith.constant 0 : i32
          %dma_start3A_126 = arith.constant 0 : i32
          %dma_start3A_127 = tpu.memref_slice %arg7[%scan3A_72, %dma_start3A_125, %dma_start3A_126] : memref<26x1x128xi32, #tpu.memory_space<vmem>> -> memref<1x1x128xi32, #tpu.memory_space<vmem>>
          %dma_start3A_128 = tpu.memref_squeeze %dma_start3A_127 : memref<1x1x128xi32, #tpu.memory_space<vmem>> -> memref<128xi32, #tpu.memory_space<vmem>>
          %dma_start3A_129 = arith.constant 0 : i32
          %dma_start3A_130 = arith.constant 0 : i32
          %dma_start3A_131 = tpu.memref_slice %arg14[%dma_start3A_129, %dma_start3A_130] : memref<10000x128xf32, #tpu.memory_space<vmem_shared>> -> memref<10000x128xf32, #tpu.memory_space<vmem_shared>>
          tpu.enqueue_indirect_dma source(%arg9 : memref<128x128xf32, #tpu.memory_space<vmem>>) target(%dma_start3A_131 : memref<10000x128xf32, #tpu.memory_space<vmem_shared>>) offsets(%dma_start3A_128 : memref<128xi32, #tpu.memory_space<vmem>>) semaphore(%arg13 : memref<!tpu.dma_semaphore, #tpu.memory_space<semaphore_mem>>) {add = true}
        } else {
        }
        %scan3A_111 = arith.constant 0 : i32
        scf.yield %scan3A_111 : i32
      }
      %scan3A_59 = arith.constant 26 : i32
      %dma_wait3A = arith.constant 0 : i32
      %dma_wait3A_60 = arith.constant 0 : i32
      %dma_wait3A_61 = tpu.memref_slice %arg2[%dma_wait3A, %dma_wait3A_60] : memref<10000x128xf32, #tpu.memory_space<hbm>> -> memref<128x128xf32, #tpu.memory_space<hbm>>
      %dma_wait3A_62 = arith.constant 0 : i32
      %dma_wait3A_63 = arith.constant 0 : i32
      %dma_wait3A_64 = tpu.memref_slice %arg2[%dma_wait3A_62, %dma_wait3A_63] : memref<10000x128xf32, #tpu.memory_space<hbm>> -> memref<128x128xf32, #tpu.memory_space<hbm>>
      tpu.wait_dma2 semaphore(%arg12 : memref<!tpu.dma_semaphore, #tpu.memory_space<semaphore_mem>>) src(%dma_wait3A_64 : memref<128x128xf32, #tpu.memory_space<hbm>>) dst(%arg8 : memref<128x128xf32, #tpu.memory_space<vmem>>)
      %dma_wait3A_65 = arith.constant 0 : i32
      %dma_wait3A_66 = arith.constant 0 : i32
      %dma_wait3A_67 = tpu.memref_slice %arg2[%dma_wait3A_65, %dma_wait3A_66] : memref<10000x128xf32, #tpu.memory_space<hbm>> -> memref<128x128xf32, #tpu.memory_space<hbm>>
      %dma_wait3A_68 = arith.constant 0 : i32
      %dma_wait3A_69 = arith.constant 0 : i32
      %dma_wait3A_70 = tpu.memref_slice %arg2[%dma_wait3A_68, %dma_wait3A_69] : memref<10000x128xf32, #tpu.memory_space<hbm>> -> memref<128x128xf32, #tpu.memory_space<hbm>>
      tpu.wait_dma2 semaphore(%arg13 : memref<!tpu.dma_semaphore, #tpu.memory_space<semaphore_mem>>) src(%dma_wait3A_70 : memref<128x128xf32, #tpu.memory_space<hbm>>) dst(%arg9 : memref<128x128xf32, #tpu.memory_space<vmem>>)
      %scan3A_71 = arith.constant 0 : i32
      scf.yield %scan3A_71 : i32
    }
    %scan3A_22 = arith.constant 3 : i32
    %lt3A_23 = arith.constant 4 : i32
    %lt3A_24 = arith.cmpi slt, %add3A, %lt3A_23 : i32
    %convert_element_type3A_25 = arith.extui %lt3A_24 : i1 to i32
    %cond3A_26 = arith.constant 0 : i32
    %cond3A_27 = arith.cmpi ne, %convert_element_type3A_25, %cond3A_26 : i32
    scf.if %cond3A_27 {
      %add3A_39 = arith.constant 2496 : i32
      %add3A_40 = arith.addi %add3A_39, %add3A : i32
      "tpu.region"() ({
        %run_scoped3A = tpu.sem_alloc : memref<!tpu.dma_semaphore, #tpu.memory_space<semaphore_mem>>
        %dma_start3A_69 = arith.constant 0 : i32
        %dma_start3A_70 = arith.constant 0 : i32
        %dma_start3A_71 = arith.constant 0 : i32
        %dma_start3A_72 = tpu.memref_slice %arg6[%dma_start3A_69, %dma_start3A_70, %dma_start3A_71] : memref<26x1x128xi32, #tpu.memory_space<vmem>> -> memref<1x1x128xi32, #tpu.memory_space<vmem>>
        %dma_start3A_73 = arith.constant 0 : i32
        %dma_start3A_74 = arith.constant 0 : i32
        %dma_start3A_75 = tpu.memref_slice %arg3[%add3A_40, %dma_start3A_73, %dma_start3A_74] : memref<2500x1x128xi32, #tpu.memory_space<hbm>> -> memref<1x1x128xi32, #tpu.memory_space<hbm>>
        %dma_start3A_76 = arith.constant 0 : i32
        %dma_start3A_77 = arith.constant 0 : i32
        %dma_start3A_78 = arith.constant 0 : i32
        %dma_start3A_79 = tpu.memref_slice %arg6[%dma_start3A_76, %dma_start3A_77, %dma_start3A_78] : memref<26x1x128xi32, #tpu.memory_space<vmem>> -> memref<1x1x128xi32, #tpu.memory_space<vmem>>
        %dma_start3A_80 = arith.constant 0 : i32
        %dma_start3A_81 = arith.constant 0 : i32
        %dma_start3A_82 = tpu.memref_slice %arg3[%add3A_40, %dma_start3A_80, %dma_start3A_81] : memref<2500x1x128xi32, #tpu.memory_space<hbm>> -> memref<1x1x128xi32, #tpu.memory_space<hbm>>
        tpu.enqueue_dma source(%dma_start3A_82 : memref<1x1x128xi32, #tpu.memory_space<hbm>>) target(%dma_start3A_79 : memref<1x1x128xi32, #tpu.memory_space<vmem>>) target_semaphore(%run_scoped3A : memref<!tpu.dma_semaphore, #tpu.memory_space<semaphore_mem>>)
        %dma_wait3A_83 = arith.constant 0 : i32
        %dma_wait3A_84 = arith.constant 0 : i32
        %dma_wait3A_85 = arith.constant 0 : i32
        %dma_wait3A_86 = tpu.memref_slice %arg6[%dma_wait3A_83, %dma_wait3A_84, %dma_wait3A_85] : memref<26x1x128xi32, #tpu.memory_space<vmem>> -> memref<1x1x128xi32, #tpu.memory_space<vmem>>
        %dma_wait3A_87 = arith.constant 0 : i32
        %dma_wait3A_88 = arith.constant 0 : i32
        %dma_wait3A_89 = tpu.memref_slice %arg3[%add3A_40, %dma_wait3A_87, %dma_wait3A_88] : memref<2500x1x128xi32, #tpu.memory_space<hbm>> -> memref<1x1x128xi32, #tpu.memory_space<hbm>>
        %dma_wait3A_90 = arith.constant 0 : i32
        %dma_wait3A_91 = arith.constant 0 : i32
        %dma_wait3A_92 = arith.constant 0 : i32
        %dma_wait3A_93 = tpu.memref_slice %arg6[%dma_wait3A_90, %dma_wait3A_91, %dma_wait3A_92] : memref<26x1x128xi32, #tpu.memory_space<vmem>> -> memref<1x1x128xi32, #tpu.memory_space<vmem>>
        %dma_wait3A_94 = arith.constant 0 : i32
        %dma_wait3A_95 = arith.constant 0 : i32
        %dma_wait3A_96 = tpu.memref_slice %arg3[%add3A_40, %dma_wait3A_94, %dma_wait3A_95] : memref<2500x1x128xi32, #tpu.memory_space<hbm>> -> memref<1x1x128xi32, #tpu.memory_space<hbm>>
        tpu.wait_dma2 semaphore(%run_scoped3A : memref<!tpu.dma_semaphore, #tpu.memory_space<semaphore_mem>>) src(%dma_wait3A_96 : memref<1x1x128xi32, #tpu.memory_space<hbm>>) dst(%dma_wait3A_93 : memref<1x1x128xi32, #tpu.memory_space<vmem>>)
        tpu.yield
      }) : () -> ()
      %add3A_41 = arith.constant 2496 : i32
      %add3A_42 = arith.addi %add3A_41, %add3A : i32
      "tpu.region"() ({
        %run_scoped3A = tpu.sem_alloc : memref<!tpu.dma_semaphore, #tpu.memory_space<semaphore_mem>>
        %dma_start3A_69 = arith.constant 0 : i32
        %dma_start3A_70 = arith.constant 0 : i32
        %dma_start3A_71 = arith.constant 0 : i32
        %dma_start3A_72 = tpu.memref_slice %arg7[%dma_start3A_69, %dma_start3A_70, %dma_start3A_71] : memref<26x1x128xi32, #tpu.memory_space<vmem>> -> memref<1x1x128xi32, #tpu.memory_space<vmem>>
        %dma_start3A_73 = arith.constant 0 : i32
        %dma_start3A_74 = arith.constant 0 : i32
        %dma_start3A_75 = tpu.memref_slice %arg4[%add3A_42, %dma_start3A_73, %dma_start3A_74] : memref<2500x1x128xi32, #tpu.memory_space<hbm>> -> memref<1x1x128xi32, #tpu.memory_space<hbm>>
        %dma_start3A_76 = arith.constant 0 : i32
        %dma_start3A_77 = arith.constant 0 : i32
        %dma_start3A_78 = arith.constant 0 : i32
        %dma_start3A_79 = tpu.memref_slice %arg7[%dma_start3A_76, %dma_start3A_77, %dma_start3A_78] : memref<26x1x128xi32, #tpu.memory_space<vmem>> -> memref<1x1x128xi32, #tpu.memory_space<vmem>>
        %dma_start3A_80 = arith.constant 0 : i32
        %dma_start3A_81 = arith.constant 0 : i32
        %dma_start3A_82 = tpu.memref_slice %arg4[%add3A_42, %dma_start3A_80, %dma_start3A_81] : memref<2500x1x128xi32, #tpu.memory_space<hbm>> -> memref<1x1x128xi32, #tpu.memory_space<hbm>>
        tpu.enqueue_dma source(%dma_start3A_82 : memref<1x1x128xi32, #tpu.memory_space<hbm>>) target(%dma_start3A_79 : memref<1x1x128xi32, #tpu.memory_space<vmem>>) target_semaphore(%run_scoped3A : memref<!tpu.dma_semaphore, #tpu.memory_space<semaphore_mem>>)
        %dma_wait3A_83 = arith.constant 0 : i32
        %dma_wait3A_84 = arith.constant 0 : i32
        %dma_wait3A_85 = arith.constant 0 : i32
        %dma_wait3A_86 = tpu.memref_slice %arg7[%dma_wait3A_83, %dma_wait3A_84, %dma_wait3A_85] : memref<26x1x128xi32, #tpu.memory_space<vmem>> -> memref<1x1x128xi32, #tpu.memory_space<vmem>>
        %dma_wait3A_87 = arith.constant 0 : i32
        %dma_wait3A_88 = arith.constant 0 : i32
        %dma_wait3A_89 = tpu.memref_slice %arg4[%add3A_42, %dma_wait3A_87, %dma_wait3A_88] : memref<2500x1x128xi32, #tpu.memory_space<hbm>> -> memref<1x1x128xi32, #tpu.memory_space<hbm>>
        %dma_wait3A_90 = arith.constant 0 : i32
        %dma_wait3A_91 = arith.constant 0 : i32
        %dma_wait3A_92 = arith.constant 0 : i32
        %dma_wait3A_93 = tpu.memref_slice %arg7[%dma_wait3A_90, %dma_wait3A_91, %dma_wait3A_92] : memref<26x1x128xi32, #tpu.memory_space<vmem>> -> memref<1x1x128xi32, #tpu.memory_space<vmem>>
        %dma_wait3A_94 = arith.constant 0 : i32
        %dma_wait3A_95 = arith.constant 0 : i32
        %dma_wait3A_96 = tpu.memref_slice %arg4[%add3A_42, %dma_wait3A_94, %dma_wait3A_95] : memref<2500x1x128xi32, #tpu.memory_space<hbm>> -> memref<1x1x128xi32, #tpu.memory_space<hbm>>
        tpu.wait_dma2 semaphore(%run_scoped3A : memref<!tpu.dma_semaphore, #tpu.memory_space<semaphore_mem>>) src(%dma_wait3A_96 : memref<1x1x128xi32, #tpu.memory_space<hbm>>) dst(%dma_wait3A_93 : memref<1x1x128xi32, #tpu.memory_space<vmem>>)
        tpu.yield
      }) : () -> ()
      %dma_start3A = arith.constant 0 : i32
      %dma_start3A_43 = arith.constant 0 : i32
      %dma_start3A_44 = arith.constant 0 : i32
      %dma_start3A_45 = tpu.memref_slice %arg6[%dma_start3A, %dma_start3A_43, %dma_start3A_44] : memref<26x1x128xi32, #tpu.memory_space<vmem>> -> memref<1x1x128xi32, #tpu.memory_space<vmem>>
      %dma_start3A_46 = tpu.memref_squeeze %dma_start3A_45 : memref<1x1x128xi32, #tpu.memory_space<vmem>> -> memref<128xi32, #tpu.memory_space<vmem>>
      %dma_start3A_47 = arith.constant 0 : i32
      %dma_start3A_48 = arith.constant 0 : i32
      %dma_start3A_49 = tpu.memref_slice %arg2[%dma_start3A_47, %dma_start3A_48] : memref<10000x128xf32, #tpu.memory_space<hbm>> -> memref<10000x128xf32, #tpu.memory_space<hbm>>
      tpu.enqueue_indirect_dma source(%dma_start3A_49 : memref<10000x128xf32, #tpu.memory_space<hbm>>) target(%arg8 : memref<128x128xf32, #tpu.memory_space<vmem>>) offsets(%dma_start3A_46 : memref<128xi32, #tpu.memory_space<vmem>>) semaphore(%arg10 : memref<!tpu.dma_semaphore, #tpu.memory_space<semaphore_mem>>)
      %dma_wait3A = arith.constant 0 : i32
      %dma_wait3A_50 = arith.constant 0 : i32
      %dma_wait3A_51 = tpu.memref_slice %arg2[%dma_wait3A, %dma_wait3A_50] : memref<10000x128xf32, #tpu.memory_space<hbm>> -> memref<128x128xf32, #tpu.memory_space<hbm>>
      %dma_wait3A_52 = arith.constant 0 : i32
      %dma_wait3A_53 = arith.constant 0 : i32
      %dma_wait3A_54 = tpu.memref_slice %arg2[%dma_wait3A_52, %dma_wait3A_53] : memref<10000x128xf32, #tpu.memory_space<hbm>> -> memref<128x128xf32, #tpu.memory_space<hbm>>
      tpu.wait_dma2 semaphore(%arg10 : memref<!tpu.dma_semaphore, #tpu.memory_space<semaphore_mem>>) src(%dma_wait3A_54 : memref<128x128xf32, #tpu.memory_space<hbm>>) dst(%arg8 : memref<128x128xf32, #tpu.memory_space<vmem>>)
      %dma_start3A_55 = arith.constant 0 : i32
      %dma_start3A_56 = arith.constant 0 : i32
      %dma_start3A_57 = arith.constant 0 : i32
      %dma_start3A_58 = tpu.memref_slice %arg7[%dma_start3A_55, %dma_start3A_56, %dma_start3A_57] : memref<26x1x128xi32, #tpu.memory_space<vmem>> -> memref<1x1x128xi32, #tpu.memory_space<vmem>>
      %dma_start3A_59 = tpu.memref_squeeze %dma_start3A_58 : memref<1x1x128xi32, #tpu.memory_space<vmem>> -> memref<128xi32, #tpu.memory_space<vmem>>
      %dma_start3A_60 = arith.constant 0 : i32
      %dma_start3A_61 = arith.constant 0 : i32
      %dma_start3A_62 = tpu.memref_slice %arg14[%dma_start3A_60, %dma_start3A_61] : memref<10000x128xf32, #tpu.memory_space<vmem_shared>> -> memref<10000x128xf32, #tpu.memory_space<vmem_shared>>
      tpu.enqueue_indirect_dma source(%arg8 : memref<128x128xf32, #tpu.memory_space<vmem>>) target(%dma_start3A_62 : memref<10000x128xf32, #tpu.memory_space<vmem_shared>>) offsets(%dma_start3A_59 : memref<128xi32, #tpu.memory_space<vmem>>) semaphore(%arg12 : memref<!tpu.dma_semaphore, #tpu.memory_space<semaphore_mem>>) {add = true}
      %dma_wait3A_63 = arith.constant 0 : i32
      %dma_wait3A_64 = arith.constant 0 : i32
      %dma_wait3A_65 = tpu.memref_slice %arg2[%dma_wait3A_63, %dma_wait3A_64] : memref<10000x128xf32, #tpu.memory_space<hbm>> -> memref<128x128xf32, #tpu.memory_space<hbm>>
      %dma_wait3A_66 = arith.constant 0 : i32
      %dma_wait3A_67 = arith.constant 0 : i32
      %dma_wait3A_68 = tpu.memref_slice %arg2[%dma_wait3A_66, %dma_wait3A_67] : memref<10000x128xf32, #tpu.memory_space<hbm>> -> memref<128x128xf32, #tpu.memory_space<hbm>>
      tpu.wait_dma2 semaphore(%arg12 : memref<!tpu.dma_semaphore, #tpu.memory_space<semaphore_mem>>) src(%dma_wait3A_68 : memref<128x128xf32, #tpu.memory_space<hbm>>) dst(%arg8 : memref<128x128xf32, #tpu.memory_space<vmem>>)
    } else {
    }
    %barrier3A_28 = arith.constant 0 : index
    tpu.barrier barrier_id(%barrier3A_28)
    %lt3A_29 = arith.constant 15 : i32
    %lt3A_30 = arith.cmpi slt, %arg1, %lt3A_29 : i32
    %convert_element_type3A_31 = arith.extui %lt3A_30 : i1 to i32
    %cond3A_32 = arith.constant 0 : i32
    %cond3A_33 = arith.cmpi ne, %convert_element_type3A_31, %cond3A_32 : i32
    scf.if %cond3A_33 {
      "tpu.region"() ({
        %run_scoped3A = tpu.sem_alloc : memref<!tpu.dma_semaphore, #tpu.memory_space<semaphore_mem>>
        %dma_start3A = arith.constant 0 : i32
        %dma_start3A_39 = tpu.memref_slice %arg5[%arg0, %mul3A_2, %dma_start3A] : memref<2x10000x128xf32, #tpu.memory_space<hbm>> -> memref<1x624x128xf32, #tpu.memory_space<hbm>>
        %dma_start3A_40 = tpu.memref_squeeze %dma_start3A_39 : memref<1x624x128xf32, #tpu.memory_space<hbm>> -> memref<624x128xf32, #tpu.memory_space<hbm>>
        %dma_start3A_41 = arith.constant 0 : i32
        %dma_start3A_42 = tpu.memref_slice %arg14[%mul3A_2, %dma_start3A_41] : memref<10000x128xf32, #tpu.memory_space<vmem_shared>> -> memref<624x128xf32, #tpu.memory_space<vmem_shared>>
        tpu.enqueue_dma source(%dma_start3A_42 : memref<624x128xf32, #tpu.memory_space<vmem_shared>>) target(%dma_start3A_40 : memref<624x128xf32, #tpu.memory_space<hbm>>) target_semaphore(%run_scoped3A : memref<!tpu.dma_semaphore, #tpu.memory_space<semaphore_mem>>)
        %dma_wait3A = arith.constant 0 : i32
        %dma_wait3A_43 = tpu.memref_slice %arg5[%arg0, %mul3A_2, %dma_wait3A] : memref<2x10000x128xf32, #tpu.memory_space<hbm>> -> memref<1x624x128xf32, #tpu.memory_space<hbm>>
        %dma_wait3A_44 = tpu.memref_squeeze %dma_wait3A_43 : memref<1x624x128xf32, #tpu.memory_space<hbm>> -> memref<624x128xf32, #tpu.memory_space<hbm>>
        %dma_wait3A_45 = arith.constant 0 : i32
        %dma_wait3A_46 = tpu.memref_slice %arg14[%mul3A_2, %dma_wait3A_45] : memref<10000x128xf32, #tpu.memory_space<vmem_shared>> -> memref<624x128xf32, #tpu.memory_space<vmem_shared>>
        tpu.wait_dma2 semaphore(%run_scoped3A : memref<!tpu.dma_semaphore, #tpu.memory_space<semaphore_mem>>) src(%dma_wait3A_46 : memref<624x128xf32, #tpu.memory_space<vmem_shared>>) dst(%dma_wait3A_44 : memref<624x128xf32, #tpu.memory_space<hbm>>)
        tpu.yield
      }) : () -> ()
    } else {
    }
    %eq3A_34 = arith.constant 15 : i32
    %eq3A_35 = arith.cmpi eq, %arg1, %eq3A_34 : i32
    %convert_element_type3A_36 = arith.extui %eq3A_35 : i1 to i32
    %cond3A_37 = arith.constant 0 : i32
    %cond3A_38 = arith.cmpi ne, %convert_element_type3A_36, %cond3A_37 : i32
    scf.if %cond3A_38 {
      "tpu.region"() ({
        %run_scoped3A = tpu.sem_alloc : memref<!tpu.dma_semaphore, #tpu.memory_space<semaphore_mem>>
        %dma_start3A = arith.constant 0 : i32
        %dma_start3A_39 = tpu.memref_slice %arg5[%arg0, %mul3A_2, %dma_start3A] : memref<2x10000x128xf32, #tpu.memory_space<hbm>> -> memref<1x640x128xf32, #tpu.memory_space<hbm>>
        %dma_start3A_40 = tpu.memref_squeeze %dma_start3A_39 : memref<1x640x128xf32, #tpu.memory_space<hbm>> -> memref<640x128xf32, #tpu.memory_space<hbm>>
        %dma_start3A_41 = arith.constant 0 : i32
        %dma_start3A_42 = tpu.memref_slice %arg14[%mul3A_2, %dma_start3A_41] : memref<10000x128xf32, #tpu.memory_space<vmem_shared>> -> memref<640x128xf32, #tpu.memory_space<vmem_shared>>
        tpu.enqueue_dma source(%dma_start3A_42 : memref<640x128xf32, #tpu.memory_space<vmem_shared>>) target(%dma_start3A_40 : memref<640x128xf32, #tpu.memory_space<hbm>>) target_semaphore(%run_scoped3A : memref<!tpu.dma_semaphore, #tpu.memory_space<semaphore_mem>>)
        %dma_wait3A = arith.constant 0 : i32
        %dma_wait3A_43 = tpu.memref_slice %arg5[%arg0, %mul3A_2, %dma_wait3A] : memref<2x10000x128xf32, #tpu.memory_space<hbm>> -> memref<1x640x128xf32, #tpu.memory_space<hbm>>
        %dma_wait3A_44 = tpu.memref_squeeze %dma_wait3A_43 : memref<1x640x128xf32, #tpu.memory_space<hbm>> -> memref<640x128xf32, #tpu.memory_space<hbm>>
        %dma_wait3A_45 = arith.constant 0 : i32
        %dma_wait3A_46 = tpu.memref_slice %arg14[%mul3A_2, %dma_wait3A_45] : memref<10000x128xf32, #tpu.memory_space<vmem_shared>> -> memref<640x128xf32, #tpu.memory_space<vmem_shared>>
        tpu.wait_dma2 semaphore(%run_scoped3A : memref<!tpu.dma_semaphore, #tpu.memory_space<semaphore_mem>>) src(%dma_wait3A_46 : memref<640x128xf32, #tpu.memory_space<vmem_shared>>) dst(%dma_wait3A_44 : memref<640x128xf32, #tpu.memory_space<hbm>>)
        tpu.yield
      }) : () -> ()
    } else {
    }
    return
  }
}

#map = affine_map<(d0, d1) -> (0, 0, 0)>
module attributes {stable_mosaic.version = 14 : i64} {
  func.func @_degree_body(%arg0: i32, %arg1: i32, %arg2: memref<2500x1x128xi32, #tpu.memory_space<hbm>>, %arg3: memref<2500x1x128xi32, #tpu.memory_space<hbm>>, %arg4: memref<2x10000x128xf32, #tpu.memory_space<hbm>>, %arg5: memref<128x128xf32, #tpu.memory_space<vmem>>, %arg6: memref<26x1x128xi32, #tpu.memory_space<vmem>>, %arg7: memref<10000x128xf32, #tpu.memory_space<vmem_shared>>, %arg8: memref<!tpu.dma_semaphore, #tpu.memory_space<semaphore_mem>>) attributes {dimension_semantics = [#tpu.dimension_semantics<core_parallel>, #tpu.dimension_semantics<subcore_parallel>], iteration_bounds = array<i64: 2, 16>, scalar_prefetch = 0 : i64, scratch_operands = 4 : i64, tpu.core_type = #tpu.core_type<sc_vector_subcore>, window_params = [{transform_indices = #map}, {transform_indices = #map}, {transform_indices = #map}]} {
    %mul3A = arith.constant 624 : i32
    %mul3A_0 = arith.muli %arg1, %mul3A : i32
    %broadcast_in_dim3A = arith.constant 0.000000e+00 : f32
    %broadcast_in_dim3A_1 = vector.broadcast %broadcast_in_dim3A : f32 to vector<16xf32>
    %scan3A = arith.constant 0 : i32
    %scan3A_2 = arith.constant 0 : i32
    %scan3A_3 = arith.constant 128 : i32
    %scan3A_4 = arith.addi %scan3A_2, %scan3A_3 : i32
    %scan3A_5 = arith.constant 1 : i32
    %scan3A_6 = scf.for %scan3A_46 = %scan3A_2 to %scan3A_4 step %scan3A_5 iter_args(%scan3A_47 = %scan3A) -> (i32)  : i32 {
      %swap3A = arith.index_cast %scan3A_46 : i32 to index
      %swap3A_48 = arith.constant 0 : index
      %swap3A_49 = tpu.vector_load %arg5[%swap3A, %swap3A_48] {strides = array<i32>} : memref<128x128xf32, #tpu.memory_space<vmem>>, vector<1x16xf32>,
      %swap3A_50 = vector.shape_cast %swap3A_49 : vector<1x16xf32> to vector<16xf32>
      %swap3A_51 = vector.shape_cast %broadcast_in_dim3A_1 : vector<16xf32> to vector<1x16xf32>
      tpu.vector_store %arg5[%swap3A, %swap3A_48], %swap3A_51 {strides = array<i32>} : memref<128x128xf32, #tpu.memory_space<vmem>>, vector<1x16xf32>,
      %swap3A_52 = arith.index_cast %scan3A_46 : i32 to index
      %swap3A_53 = arith.constant 16 : index
      %swap3A_54 = tpu.vector_load %arg5[%swap3A_52, %swap3A_53] {strides = array<i32>} : memref<128x128xf32, #tpu.memory_space<vmem>>, vector<1x16xf32>,
      %swap3A_55 = vector.shape_cast %swap3A_54 : vector<1x16xf32> to vector<16xf32>
      %swap3A_56 = vector.shape_cast %broadcast_in_dim3A_1 : vector<16xf32> to vector<1x16xf32>
      tpu.vector_store %arg5[%swap3A_52, %swap3A_53], %swap3A_56 {strides = array<i32>} : memref<128x128xf32, #tpu.memory_space<vmem>>, vector<1x16xf32>,
      %swap3A_57 = arith.index_cast %scan3A_46 : i32 to index
      %swap3A_58 = arith.constant 32 : index
      %swap3A_59 = tpu.vector_load %arg5[%swap3A_57, %swap3A_58] {strides = array<i32>} : memref<128x128xf32, #tpu.memory_space<vmem>>, vector<1x16xf32>,
      %swap3A_60 = vector.shape_cast %swap3A_59 : vector<1x16xf32> to vector<16xf32>
      %swap3A_61 = vector.shape_cast %broadcast_in_dim3A_1 : vector<16xf32> to vector<1x16xf32>
      tpu.vector_store %arg5[%swap3A_57, %swap3A_58], %swap3A_61 {strides = array<i32>} : memref<128x128xf32, #tpu.memory_space<vmem>>, vector<1x16xf32>,
      %swap3A_62 = arith.index_cast %scan3A_46 : i32 to index
      %swap3A_63 = arith.constant 48 : index
      %swap3A_64 = tpu.vector_load %arg5[%swap3A_62, %swap3A_63] {strides = array<i32>} : memref<128x128xf32, #tpu.memory_space<vmem>>, vector<1x16xf32>,
      %swap3A_65 = vector.shape_cast %swap3A_64 : vector<1x16xf32> to vector<16xf32>
      %swap3A_66 = vector.shape_cast %broadcast_in_dim3A_1 : vector<16xf32> to vector<1x16xf32>
      tpu.vector_store %arg5[%swap3A_62, %swap3A_63], %swap3A_66 {strides = array<i32>} : memref<128x128xf32, #tpu.memory_space<vmem>>, vector<1x16xf32>,
      %swap3A_67 = arith.index_cast %scan3A_46 : i32 to index
      %swap3A_68 = arith.constant 64 : index
      %swap3A_69 = tpu.vector_load %arg5[%swap3A_67, %swap3A_68] {strides = array<i32>} : memref<128x128xf32, #tpu.memory_space<vmem>>, vector<1x16xf32>,
      %swap3A_70 = vector.shape_cast %swap3A_69 : vector<1x16xf32> to vector<16xf32>
      %swap3A_71 = vector.shape_cast %broadcast_in_dim3A_1 : vector<16xf32> to vector<1x16xf32>
      tpu.vector_store %arg5[%swap3A_67, %swap3A_68], %swap3A_71 {strides = array<i32>} : memref<128x128xf32, #tpu.memory_space<vmem>>, vector<1x16xf32>,
      %swap3A_72 = arith.index_cast %scan3A_46 : i32 to index
      %swap3A_73 = arith.constant 80 : index
      %swap3A_74 = tpu.vector_load %arg5[%swap3A_72, %swap3A_73] {strides = array<i32>} : memref<128x128xf32, #tpu.memory_space<vmem>>, vector<1x16xf32>,
      %swap3A_75 = vector.shape_cast %swap3A_74 : vector<1x16xf32> to vector<16xf32>
      %swap3A_76 = vector.shape_cast %broadcast_in_dim3A_1 : vector<16xf32> to vector<1x16xf32>
      tpu.vector_store %arg5[%swap3A_72, %swap3A_73], %swap3A_76 {strides = array<i32>} : memref<128x128xf32, #tpu.memory_space<vmem>>, vector<1x16xf32>,
      %swap3A_77 = arith.index_cast %scan3A_46 : i32 to index
      %swap3A_78 = arith.constant 96 : index
      %swap3A_79 = tpu.vector_load %arg5[%swap3A_77, %swap3A_78] {strides = array<i32>} : memref<128x128xf32, #tpu.memory_space<vmem>>, vector<1x16xf32>,
      %swap3A_80 = vector.shape_cast %swap3A_79 : vector<1x16xf32> to vector<16xf32>
      %swap3A_81 = vector.shape_cast %broadcast_in_dim3A_1 : vector<16xf32> to vector<1x16xf32>
      tpu.vector_store %arg5[%swap3A_77, %swap3A_78], %swap3A_81 {strides = array<i32>} : memref<128x128xf32, #tpu.memory_space<vmem>>, vector<1x16xf32>,
      %swap3A_82 = arith.index_cast %scan3A_46 : i32 to index
      %swap3A_83 = arith.constant 112 : index
      %swap3A_84 = tpu.vector_load %arg5[%swap3A_82, %swap3A_83] {strides = array<i32>} : memref<128x128xf32, #tpu.memory_space<vmem>>, vector<1x16xf32>,
      %swap3A_85 = vector.shape_cast %swap3A_84 : vector<1x16xf32> to vector<16xf32>
      %swap3A_86 = vector.shape_cast %broadcast_in_dim3A_1 : vector<16xf32> to vector<1x16xf32>
      tpu.vector_store %arg5[%swap3A_82, %swap3A_83], %swap3A_86 {strides = array<i32>} : memref<128x128xf32, #tpu.memory_space<vmem>>, vector<1x16xf32>,
      %scan3A_87 = arith.constant 0 : i32
      scf.yield %scan3A_87 : i32
    }
    %scan3A_7 = arith.constant 128 : i32
    %lt3A = arith.constant 15 : i32
    %lt3A_8 = arith.cmpi slt, %arg1, %lt3A : i32
    %convert_element_type3A = arith.extui %lt3A_8 : i1 to i32
    %cond3A = arith.constant 0 : i32
    %cond3A_9 = arith.cmpi ne, %convert_element_type3A, %cond3A : i32
    scf.if %cond3A_9 {
      %add3A = arith.constant 0 : i32
      %add3A_46 = arith.addi %mul3A_0, %add3A : i32
      "tpu.region"() ({
        %run_scoped3A = tpu.sem_alloc : memref<!tpu.dma_semaphore, #tpu.memory_space<semaphore_mem>>
        %dma_start3A = arith.constant 0 : i32
        %dma_start3A_55 = arith.constant 0 : i32
        %dma_start3A_56 = tpu.memref_slice %arg5[%dma_start3A, %dma_start3A_55] : memref<128x128xf32, #tpu.memory_space<vmem>> -> memref<128x128xf32, #tpu.memory_space<vmem>>
        %dma_start3A_57 = arith.constant 0 : i32
        %dma_start3A_58 = tpu.memref_slice %arg7[%add3A_46, %dma_start3A_57] : memref<10000x128xf32, #tpu.memory_space<vmem_shared>> -> memref<128x128xf32, #tpu.memory_space<vmem_shared>>
        %dma_start3A_59 = arith.constant 0 : i32
        %dma_start3A_60 = tpu.memref_slice %arg7[%add3A_46, %dma_start3A_59] : memref<10000x128xf32, #tpu.memory_space<vmem_shared>> -> memref<128x128xf32, #tpu.memory_space<vmem_shared>>
        %dma_start3A_61 = arith.constant 0 : i32
        %dma_start3A_62 = arith.constant 0 : i32
        %dma_start3A_63 = tpu.memref_slice %arg5[%dma_start3A_61, %dma_start3A_62] : memref<128x128xf32, #tpu.memory_space<vmem>> -> memref<128x128xf32, #tpu.memory_space<vmem>>
        tpu.enqueue_dma source(%dma_start3A_63 : memref<128x128xf32, #tpu.memory_space<vmem>>) target(%dma_start3A_60 : memref<128x128xf32, #tpu.memory_space<vmem_shared>>) target_semaphore(%run_scoped3A : memref<!tpu.dma_semaphore, #tpu.memory_space<semaphore_mem>>)
        %dma_wait3A = arith.constant 0 : i32
        %dma_wait3A_64 = arith.constant 0 : i32
        %dma_wait3A_65 = tpu.memref_slice %arg5[%dma_wait3A, %dma_wait3A_64] : memref<128x128xf32, #tpu.memory_space<vmem>> -> memref<128x128xf32, #tpu.memory_space<vmem>>
        %dma_wait3A_66 = arith.constant 0 : i32
        %dma_wait3A_67 = tpu.memref_slice %arg7[%add3A_46, %dma_wait3A_66] : memref<10000x128xf32, #tpu.memory_space<vmem_shared>> -> memref<128x128xf32, #tpu.memory_space<vmem_shared>>
        %dma_wait3A_68 = arith.constant 0 : i32
        %dma_wait3A_69 = tpu.memref_slice %arg7[%add3A_46, %dma_wait3A_68] : memref<10000x128xf32, #tpu.memory_space<vmem_shared>> -> memref<128x128xf32, #tpu.memory_space<vmem_shared>>
        %dma_wait3A_70 = arith.constant 0 : i32
        %dma_wait3A_71 = arith.constant 0 : i32
        %dma_wait3A_72 = tpu.memref_slice %arg5[%dma_wait3A_70, %dma_wait3A_71] : memref<128x128xf32, #tpu.memory_space<vmem>> -> memref<128x128xf32, #tpu.memory_space<vmem>>
        tpu.wait_dma2 semaphore(%run_scoped3A : memref<!tpu.dma_semaphore, #tpu.memory_space<semaphore_mem>>) src(%dma_wait3A_72 : memref<128x128xf32, #tpu.memory_space<vmem>>) dst(%dma_wait3A_69 : memref<128x128xf32, #tpu.memory_space<vmem_shared>>)
        tpu.yield
      }) : () -> ()
      %add3A_47 = arith.constant 128 : i32
      %add3A_48 = arith.addi %mul3A_0, %add3A_47 : i32
      "tpu.region"() ({
        %run_scoped3A = tpu.sem_alloc : memref<!tpu.dma_semaphore, #tpu.memory_space<semaphore_mem>>
        %dma_start3A = arith.constant 0 : i32
        %dma_start3A_55 = arith.constant 0 : i32
        %dma_start3A_56 = tpu.memref_slice %arg5[%dma_start3A, %dma_start3A_55] : memref<128x128xf32, #tpu.memory_space<vmem>> -> memref<128x128xf32, #tpu.memory_space<vmem>>
        %dma_start3A_57 = arith.constant 0 : i32
        %dma_start3A_58 = tpu.memref_slice %arg7[%add3A_48, %dma_start3A_57] : memref<10000x128xf32, #tpu.memory_space<vmem_shared>> -> memref<128x128xf32, #tpu.memory_space<vmem_shared>>
        %dma_start3A_59 = arith.constant 0 : i32
        %dma_start3A_60 = tpu.memref_slice %arg7[%add3A_48, %dma_start3A_59] : memref<10000x128xf32, #tpu.memory_space<vmem_shared>> -> memref<128x128xf32, #tpu.memory_space<vmem_shared>>
        %dma_start3A_61 = arith.constant 0 : i32
        %dma_start3A_62 = arith.constant 0 : i32
        %dma_start3A_63 = tpu.memref_slice %arg5[%dma_start3A_61, %dma_start3A_62] : memref<128x128xf32, #tpu.memory_space<vmem>> -> memref<128x128xf32, #tpu.memory_space<vmem>>
        tpu.enqueue_dma source(%dma_start3A_63 : memref<128x128xf32, #tpu.memory_space<vmem>>) target(%dma_start3A_60 : memref<128x128xf32, #tpu.memory_space<vmem_shared>>) target_semaphore(%run_scoped3A : memref<!tpu.dma_semaphore, #tpu.memory_space<semaphore_mem>>)
        %dma_wait3A = arith.constant 0 : i32
        %dma_wait3A_64 = arith.constant 0 : i32
        %dma_wait3A_65 = tpu.memref_slice %arg5[%dma_wait3A, %dma_wait3A_64] : memref<128x128xf32, #tpu.memory_space<vmem>> -> memref<128x128xf32, #tpu.memory_space<vmem>>
        %dma_wait3A_66 = arith.constant 0 : i32
        %dma_wait3A_67 = tpu.memref_slice %arg7[%add3A_48, %dma_wait3A_66] : memref<10000x128xf32, #tpu.memory_space<vmem_shared>> -> memref<128x128xf32, #tpu.memory_space<vmem_shared>>
        %dma_wait3A_68 = arith.constant 0 : i32
        %dma_wait3A_69 = tpu.memref_slice %arg7[%add3A_48, %dma_wait3A_68] : memref<10000x128xf32, #tpu.memory_space<vmem_shared>> -> memref<128x128xf32, #tpu.memory_space<vmem_shared>>
        %dma_wait3A_70 = arith.constant 0 : i32
        %dma_wait3A_71 = arith.constant 0 : i32
        %dma_wait3A_72 = tpu.memref_slice %arg5[%dma_wait3A_70, %dma_wait3A_71] : memref<128x128xf32, #tpu.memory_space<vmem>> -> memref<128x128xf32, #tpu.memory_space<vmem>>
        tpu.wait_dma2 semaphore(%run_scoped3A : memref<!tpu.dma_semaphore, #tpu.memory_space<semaphore_mem>>) src(%dma_wait3A_72 : memref<128x128xf32, #tpu.memory_space<vmem>>) dst(%dma_wait3A_69 : memref<128x128xf32, #tpu.memory_space<vmem_shared>>)
        tpu.yield
      }) : () -> ()
      %add3A_49 = arith.constant 256 : i32
      %add3A_50 = arith.addi %mul3A_0, %add3A_49 : i32
      "tpu.region"() ({
        %run_scoped3A = tpu.sem_alloc : memref<!tpu.dma_semaphore, #tpu.memory_space<semaphore_mem>>
        %dma_start3A = arith.constant 0 : i32
        %dma_start3A_55 = arith.constant 0 : i32
        %dma_start3A_56 = tpu.memref_slice %arg5[%dma_start3A, %dma_start3A_55] : memref<128x128xf32, #tpu.memory_space<vmem>> -> memref<128x128xf32, #tpu.memory_space<vmem>>
        %dma_start3A_57 = arith.constant 0 : i32
        %dma_start3A_58 = tpu.memref_slice %arg7[%add3A_50, %dma_start3A_57] : memref<10000x128xf32, #tpu.memory_space<vmem_shared>> -> memref<128x128xf32, #tpu.memory_space<vmem_shared>>
        %dma_start3A_59 = arith.constant 0 : i32
        %dma_start3A_60 = tpu.memref_slice %arg7[%add3A_50, %dma_start3A_59] : memref<10000x128xf32, #tpu.memory_space<vmem_shared>> -> memref<128x128xf32, #tpu.memory_space<vmem_shared>>
        %dma_start3A_61 = arith.constant 0 : i32
        %dma_start3A_62 = arith.constant 0 : i32
        %dma_start3A_63 = tpu.memref_slice %arg5[%dma_start3A_61, %dma_start3A_62] : memref<128x128xf32, #tpu.memory_space<vmem>> -> memref<128x128xf32, #tpu.memory_space<vmem>>
        tpu.enqueue_dma source(%dma_start3A_63 : memref<128x128xf32, #tpu.memory_space<vmem>>) target(%dma_start3A_60 : memref<128x128xf32, #tpu.memory_space<vmem_shared>>) target_semaphore(%run_scoped3A : memref<!tpu.dma_semaphore, #tpu.memory_space<semaphore_mem>>)
        %dma_wait3A = arith.constant 0 : i32
        %dma_wait3A_64 = arith.constant 0 : i32
        %dma_wait3A_65 = tpu.memref_slice %arg5[%dma_wait3A, %dma_wait3A_64] : memref<128x128xf32, #tpu.memory_space<vmem>> -> memref<128x128xf32, #tpu.memory_space<vmem>>
        %dma_wait3A_66 = arith.constant 0 : i32
        %dma_wait3A_67 = tpu.memref_slice %arg7[%add3A_50, %dma_wait3A_66] : memref<10000x128xf32, #tpu.memory_space<vmem_shared>> -> memref<128x128xf32, #tpu.memory_space<vmem_shared>>
        %dma_wait3A_68 = arith.constant 0 : i32
        %dma_wait3A_69 = tpu.memref_slice %arg7[%add3A_50, %dma_wait3A_68] : memref<10000x128xf32, #tpu.memory_space<vmem_shared>> -> memref<128x128xf32, #tpu.memory_space<vmem_shared>>
        %dma_wait3A_70 = arith.constant 0 : i32
        %dma_wait3A_71 = arith.constant 0 : i32
        %dma_wait3A_72 = tpu.memref_slice %arg5[%dma_wait3A_70, %dma_wait3A_71] : memref<128x128xf32, #tpu.memory_space<vmem>> -> memref<128x128xf32, #tpu.memory_space<vmem>>
        tpu.wait_dma2 semaphore(%run_scoped3A : memref<!tpu.dma_semaphore, #tpu.memory_space<semaphore_mem>>) src(%dma_wait3A_72 : memref<128x128xf32, #tpu.memory_space<vmem>>) dst(%dma_wait3A_69 : memref<128x128xf32, #tpu.memory_space<vmem_shared>>)
        tpu.yield
      }) : () -> ()
      %add3A_51 = arith.constant 384 : i32
      %add3A_52 = arith.addi %mul3A_0, %add3A_51 : i32
      "tpu.region"() ({
        %run_scoped3A = tpu.sem_alloc : memref<!tpu.dma_semaphore, #tpu.memory_space<semaphore_mem>>
        %dma_start3A = arith.constant 0 : i32
        %dma_start3A_55 = arith.constant 0 : i32
        %dma_start3A_56 = tpu.memref_slice %arg5[%dma_start3A, %dma_start3A_55] : memref<128x128xf32, #tpu.memory_space<vmem>> -> memref<128x128xf32, #tpu.memory_space<vmem>>
        %dma_start3A_57 = arith.constant 0 : i32
        %dma_start3A_58 = tpu.memref_slice %arg7[%add3A_52, %dma_start3A_57] : memref<10000x128xf32, #tpu.memory_space<vmem_shared>> -> memref<128x128xf32, #tpu.memory_space<vmem_shared>>
        %dma_start3A_59 = arith.constant 0 : i32
        %dma_start3A_60 = tpu.memref_slice %arg7[%add3A_52, %dma_start3A_59] : memref<10000x128xf32, #tpu.memory_space<vmem_shared>> -> memref<128x128xf32, #tpu.memory_space<vmem_shared>>
        %dma_start3A_61 = arith.constant 0 : i32
        %dma_start3A_62 = arith.constant 0 : i32
        %dma_start3A_63 = tpu.memref_slice %arg5[%dma_start3A_61, %dma_start3A_62] : memref<128x128xf32, #tpu.memory_space<vmem>> -> memref<128x128xf32, #tpu.memory_space<vmem>>
        tpu.enqueue_dma source(%dma_start3A_63 : memref<128x128xf32, #tpu.memory_space<vmem>>) target(%dma_start3A_60 : memref<128x128xf32, #tpu.memory_space<vmem_shared>>) target_semaphore(%run_scoped3A : memref<!tpu.dma_semaphore, #tpu.memory_space<semaphore_mem>>)
        %dma_wait3A = arith.constant 0 : i32
        %dma_wait3A_64 = arith.constant 0 : i32
        %dma_wait3A_65 = tpu.memref_slice %arg5[%dma_wait3A, %dma_wait3A_64] : memref<128x128xf32, #tpu.memory_space<vmem>> -> memref<128x128xf32, #tpu.memory_space<vmem>>
        %dma_wait3A_66 = arith.constant 0 : i32
        %dma_wait3A_67 = tpu.memref_slice %arg7[%add3A_52, %dma_wait3A_66] : memref<10000x128xf32, #tpu.memory_space<vmem_shared>> -> memref<128x128xf32, #tpu.memory_space<vmem_shared>>
        %dma_wait3A_68 = arith.constant 0 : i32
        %dma_wait3A_69 = tpu.memref_slice %arg7[%add3A_52, %dma_wait3A_68] : memref<10000x128xf32, #tpu.memory_space<vmem_shared>> -> memref<128x128xf32, #tpu.memory_space<vmem_shared>>
        %dma_wait3A_70 = arith.constant 0 : i32
        %dma_wait3A_71 = arith.constant 0 : i32
        %dma_wait3A_72 = tpu.memref_slice %arg5[%dma_wait3A_70, %dma_wait3A_71] : memref<128x128xf32, #tpu.memory_space<vmem>> -> memref<128x128xf32, #tpu.memory_space<vmem>>
        tpu.wait_dma2 semaphore(%run_scoped3A : memref<!tpu.dma_semaphore, #tpu.memory_space<semaphore_mem>>) src(%dma_wait3A_72 : memref<128x128xf32, #tpu.memory_space<vmem>>) dst(%dma_wait3A_69 : memref<128x128xf32, #tpu.memory_space<vmem_shared>>)
        tpu.yield
      }) : () -> ()
      %add3A_53 = arith.constant 512 : i32
      %add3A_54 = arith.addi %mul3A_0, %add3A_53 : i32
      "tpu.region"() ({
        %run_scoped3A = tpu.sem_alloc : memref<!tpu.dma_semaphore, #tpu.memory_space<semaphore_mem>>
        %dma_start3A = arith.constant 0 : i32
        %dma_start3A_55 = arith.constant 0 : i32
        %dma_start3A_56 = tpu.memref_slice %arg5[%dma_start3A, %dma_start3A_55] : memref<128x128xf32, #tpu.memory_space<vmem>> -> memref<112x128xf32, #tpu.memory_space<vmem>>
        %dma_start3A_57 = arith.constant 0 : i32
        %dma_start3A_58 = tpu.memref_slice %arg7[%add3A_54, %dma_start3A_57] : memref<10000x128xf32, #tpu.memory_space<vmem_shared>> -> memref<112x128xf32, #tpu.memory_space<vmem_shared>>
        %dma_start3A_59 = arith.constant 0 : i32
        %dma_start3A_60 = tpu.memref_slice %arg7[%add3A_54, %dma_start3A_59] : memref<10000x128xf32, #tpu.memory_space<vmem_shared>> -> memref<112x128xf32, #tpu.memory_space<vmem_shared>>
        %dma_start3A_61 = arith.constant 0 : i32
        %dma_start3A_62 = arith.constant 0 : i32
        %dma_start3A_63 = tpu.memref_slice %arg5[%dma_start3A_61, %dma_start3A_62] : memref<128x128xf32, #tpu.memory_space<vmem>> -> memref<112x128xf32, #tpu.memory_space<vmem>>
        tpu.enqueue_dma source(%dma_start3A_63 : memref<112x128xf32, #tpu.memory_space<vmem>>) target(%dma_start3A_60 : memref<112x128xf32, #tpu.memory_space<vmem_shared>>) target_semaphore(%run_scoped3A : memref<!tpu.dma_semaphore, #tpu.memory_space<semaphore_mem>>)
        %dma_wait3A = arith.constant 0 : i32
        %dma_wait3A_64 = arith.constant 0 : i32
        %dma_wait3A_65 = tpu.memref_slice %arg5[%dma_wait3A, %dma_wait3A_64] : memref<128x128xf32, #tpu.memory_space<vmem>> -> memref<112x128xf32, #tpu.memory_space<vmem>>
        %dma_wait3A_66 = arith.constant 0 : i32
        %dma_wait3A_67 = tpu.memref_slice %arg7[%add3A_54, %dma_wait3A_66] : memref<10000x128xf32, #tpu.memory_space<vmem_shared>> -> memref<112x128xf32, #tpu.memory_space<vmem_shared>>
        %dma_wait3A_68 = arith.constant 0 : i32
        %dma_wait3A_69 = tpu.memref_slice %arg7[%add3A_54, %dma_wait3A_68] : memref<10000x128xf32, #tpu.memory_space<vmem_shared>> -> memref<112x128xf32, #tpu.memory_space<vmem_shared>>
        %dma_wait3A_70 = arith.constant 0 : i32
        %dma_wait3A_71 = arith.constant 0 : i32
        %dma_wait3A_72 = tpu.memref_slice %arg5[%dma_wait3A_70, %dma_wait3A_71] : memref<128x128xf32, #tpu.memory_space<vmem>> -> memref<112x128xf32, #tpu.memory_space<vmem>>
        tpu.wait_dma2 semaphore(%run_scoped3A : memref<!tpu.dma_semaphore, #tpu.memory_space<semaphore_mem>>) src(%dma_wait3A_72 : memref<112x128xf32, #tpu.memory_space<vmem>>) dst(%dma_wait3A_69 : memref<112x128xf32, #tpu.memory_space<vmem_shared>>)
        tpu.yield
      }) : () -> ()
    } else {
    }
    %eq3A = arith.constant 15 : i32
    %eq3A_10 = arith.cmpi eq, %arg1, %eq3A : i32
    %convert_element_type3A_11 = arith.extui %eq3A_10 : i1 to i32
    %cond3A_12 = arith.constant 0 : i32
    %cond3A_13 = arith.cmpi ne, %convert_element_type3A_11, %cond3A_12 : i32
    scf.if %cond3A_13 {
      %add3A = arith.constant 0 : i32
      %add3A_46 = arith.addi %mul3A_0, %add3A : i32
      "tpu.region"() ({
        %run_scoped3A = tpu.sem_alloc : memref<!tpu.dma_semaphore, #tpu.memory_space<semaphore_mem>>
        %dma_start3A = arith.constant 0 : i32
        %dma_start3A_55 = arith.constant 0 : i32
        %dma_start3A_56 = tpu.memref_slice %arg5[%dma_start3A, %dma_start3A_55] : memref<128x128xf32, #tpu.memory_space<vmem>> -> memref<128x128xf32, #tpu.memory_space<vmem>>
        %dma_start3A_57 = arith.constant 0 : i32
        %dma_start3A_58 = tpu.memref_slice %arg7[%add3A_46, %dma_start3A_57] : memref<10000x128xf32, #tpu.memory_space<vmem_shared>> -> memref<128x128xf32, #tpu.memory_space<vmem_shared>>
        %dma_start3A_59 = arith.constant 0 : i32
        %dma_start3A_60 = tpu.memref_slice %arg7[%add3A_46, %dma_start3A_59] : memref<10000x128xf32, #tpu.memory_space<vmem_shared>> -> memref<128x128xf32, #tpu.memory_space<vmem_shared>>
        %dma_start3A_61 = arith.constant 0 : i32
        %dma_start3A_62 = arith.constant 0 : i32
        %dma_start3A_63 = tpu.memref_slice %arg5[%dma_start3A_61, %dma_start3A_62] : memref<128x128xf32, #tpu.memory_space<vmem>> -> memref<128x128xf32, #tpu.memory_space<vmem>>
        tpu.enqueue_dma source(%dma_start3A_63 : memref<128x128xf32, #tpu.memory_space<vmem>>) target(%dma_start3A_60 : memref<128x128xf32, #tpu.memory_space<vmem_shared>>) target_semaphore(%run_scoped3A : memref<!tpu.dma_semaphore, #tpu.memory_space<semaphore_mem>>)
        %dma_wait3A = arith.constant 0 : i32
        %dma_wait3A_64 = arith.constant 0 : i32
        %dma_wait3A_65 = tpu.memref_slice %arg5[%dma_wait3A, %dma_wait3A_64] : memref<128x128xf32, #tpu.memory_space<vmem>> -> memref<128x128xf32, #tpu.memory_space<vmem>>
        %dma_wait3A_66 = arith.constant 0 : i32
        %dma_wait3A_67 = tpu.memref_slice %arg7[%add3A_46, %dma_wait3A_66] : memref<10000x128xf32, #tpu.memory_space<vmem_shared>> -> memref<128x128xf32, #tpu.memory_space<vmem_shared>>
        %dma_wait3A_68 = arith.constant 0 : i32
        %dma_wait3A_69 = tpu.memref_slice %arg7[%add3A_46, %dma_wait3A_68] : memref<10000x128xf32, #tpu.memory_space<vmem_shared>> -> memref<128x128xf32, #tpu.memory_space<vmem_shared>>
        %dma_wait3A_70 = arith.constant 0 : i32
        %dma_wait3A_71 = arith.constant 0 : i32
        %dma_wait3A_72 = tpu.memref_slice %arg5[%dma_wait3A_70, %dma_wait3A_71] : memref<128x128xf32, #tpu.memory_space<vmem>> -> memref<128x128xf32, #tpu.memory_space<vmem>>
        tpu.wait_dma2 semaphore(%run_scoped3A : memref<!tpu.dma_semaphore, #tpu.memory_space<semaphore_mem>>) src(%dma_wait3A_72 : memref<128x128xf32, #tpu.memory_space<vmem>>) dst(%dma_wait3A_69 : memref<128x128xf32, #tpu.memory_space<vmem_shared>>)
        tpu.yield
      }) : () -> ()
      %add3A_47 = arith.constant 128 : i32
      %add3A_48 = arith.addi %mul3A_0, %add3A_47 : i32
      "tpu.region"() ({
        %run_scoped3A = tpu.sem_alloc : memref<!tpu.dma_semaphore, #tpu.memory_space<semaphore_mem>>
        %dma_start3A = arith.constant 0 : i32
        %dma_start3A_55 = arith.constant 0 : i32
        %dma_start3A_56 = tpu.memref_slice %arg5[%dma_start3A, %dma_start3A_55] : memref<128x128xf32, #tpu.memory_space<vmem>> -> memref<128x128xf32, #tpu.memory_space<vmem>>
        %dma_start3A_57 = arith.constant 0 : i32
        %dma_start3A_58 = tpu.memref_slice %arg7[%add3A_48, %dma_start3A_57] : memref<10000x128xf32, #tpu.memory_space<vmem_shared>> -> memref<128x128xf32, #tpu.memory_space<vmem_shared>>
        %dma_start3A_59 = arith.constant 0 : i32
        %dma_start3A_60 = tpu.memref_slice %arg7[%add3A_48, %dma_start3A_59] : memref<10000x128xf32, #tpu.memory_space<vmem_shared>> -> memref<128x128xf32, #tpu.memory_space<vmem_shared>>
        %dma_start3A_61 = arith.constant 0 : i32
        %dma_start3A_62 = arith.constant 0 : i32
        %dma_start3A_63 = tpu.memref_slice %arg5[%dma_start3A_61, %dma_start3A_62] : memref<128x128xf32, #tpu.memory_space<vmem>> -> memref<128x128xf32, #tpu.memory_space<vmem>>
        tpu.enqueue_dma source(%dma_start3A_63 : memref<128x128xf32, #tpu.memory_space<vmem>>) target(%dma_start3A_60 : memref<128x128xf32, #tpu.memory_space<vmem_shared>>) target_semaphore(%run_scoped3A : memref<!tpu.dma_semaphore, #tpu.memory_space<semaphore_mem>>)
        %dma_wait3A = arith.constant 0 : i32
        %dma_wait3A_64 = arith.constant 0 : i32
        %dma_wait3A_65 = tpu.memref_slice %arg5[%dma_wait3A, %dma_wait3A_64] : memref<128x128xf32, #tpu.memory_space<vmem>> -> memref<128x128xf32, #tpu.memory_space<vmem>>
        %dma_wait3A_66 = arith.constant 0 : i32
        %dma_wait3A_67 = tpu.memref_slice %arg7[%add3A_48, %dma_wait3A_66] : memref<10000x128xf32, #tpu.memory_space<vmem_shared>> -> memref<128x128xf32, #tpu.memory_space<vmem_shared>>
        %dma_wait3A_68 = arith.constant 0 : i32
        %dma_wait3A_69 = tpu.memref_slice %arg7[%add3A_48, %dma_wait3A_68] : memref<10000x128xf32, #tpu.memory_space<vmem_shared>> -> memref<128x128xf32, #tpu.memory_space<vmem_shared>>
        %dma_wait3A_70 = arith.constant 0 : i32
        %dma_wait3A_71 = arith.constant 0 : i32
        %dma_wait3A_72 = tpu.memref_slice %arg5[%dma_wait3A_70, %dma_wait3A_71] : memref<128x128xf32, #tpu.memory_space<vmem>> -> memref<128x128xf32, #tpu.memory_space<vmem>>
        tpu.wait_dma2 semaphore(%run_scoped3A : memref<!tpu.dma_semaphore, #tpu.memory_space<semaphore_mem>>) src(%dma_wait3A_72 : memref<128x128xf32, #tpu.memory_space<vmem>>) dst(%dma_wait3A_69 : memref<128x128xf32, #tpu.memory_space<vmem_shared>>)
        tpu.yield
      }) : () -> ()
      %add3A_49 = arith.constant 256 : i32
      %add3A_50 = arith.addi %mul3A_0, %add3A_49 : i32
      "tpu.region"() ({
        %run_scoped3A = tpu.sem_alloc : memref<!tpu.dma_semaphore, #tpu.memory_space<semaphore_mem>>
        %dma_start3A = arith.constant 0 : i32
        %dma_start3A_55 = arith.constant 0 : i32
        %dma_start3A_56 = tpu.memref_slice %arg5[%dma_start3A, %dma_start3A_55] : memref<128x128xf32, #tpu.memory_space<vmem>> -> memref<128x128xf32, #tpu.memory_space<vmem>>
        %dma_start3A_57 = arith.constant 0 : i32
        %dma_start3A_58 = tpu.memref_slice %arg7[%add3A_50, %dma_start3A_57] : memref<10000x128xf32, #tpu.memory_space<vmem_shared>> -> memref<128x128xf32, #tpu.memory_space<vmem_shared>>
        %dma_start3A_59 = arith.constant 0 : i32
        %dma_start3A_60 = tpu.memref_slice %arg7[%add3A_50, %dma_start3A_59] : memref<10000x128xf32, #tpu.memory_space<vmem_shared>> -> memref<128x128xf32, #tpu.memory_space<vmem_shared>>
        %dma_start3A_61 = arith.constant 0 : i32
        %dma_start3A_62 = arith.constant 0 : i32
        %dma_start3A_63 = tpu.memref_slice %arg5[%dma_start3A_61, %dma_start3A_62] : memref<128x128xf32, #tpu.memory_space<vmem>> -> memref<128x128xf32, #tpu.memory_space<vmem>>
        tpu.enqueue_dma source(%dma_start3A_63 : memref<128x128xf32, #tpu.memory_space<vmem>>) target(%dma_start3A_60 : memref<128x128xf32, #tpu.memory_space<vmem_shared>>) target_semaphore(%run_scoped3A : memref<!tpu.dma_semaphore, #tpu.memory_space<semaphore_mem>>)
        %dma_wait3A = arith.constant 0 : i32
        %dma_wait3A_64 = arith.constant 0 : i32
        %dma_wait3A_65 = tpu.memref_slice %arg5[%dma_wait3A, %dma_wait3A_64] : memref<128x128xf32, #tpu.memory_space<vmem>> -> memref<128x128xf32, #tpu.memory_space<vmem>>
        %dma_wait3A_66 = arith.constant 0 : i32
        %dma_wait3A_67 = tpu.memref_slice %arg7[%add3A_50, %dma_wait3A_66] : memref<10000x128xf32, #tpu.memory_space<vmem_shared>> -> memref<128x128xf32, #tpu.memory_space<vmem_shared>>
        %dma_wait3A_68 = arith.constant 0 : i32
        %dma_wait3A_69 = tpu.memref_slice %arg7[%add3A_50, %dma_wait3A_68] : memref<10000x128xf32, #tpu.memory_space<vmem_shared>> -> memref<128x128xf32, #tpu.memory_space<vmem_shared>>
        %dma_wait3A_70 = arith.constant 0 : i32
        %dma_wait3A_71 = arith.constant 0 : i32
        %dma_wait3A_72 = tpu.memref_slice %arg5[%dma_wait3A_70, %dma_wait3A_71] : memref<128x128xf32, #tpu.memory_space<vmem>> -> memref<128x128xf32, #tpu.memory_space<vmem>>
        tpu.wait_dma2 semaphore(%run_scoped3A : memref<!tpu.dma_semaphore, #tpu.memory_space<semaphore_mem>>) src(%dma_wait3A_72 : memref<128x128xf32, #tpu.memory_space<vmem>>) dst(%dma_wait3A_69 : memref<128x128xf32, #tpu.memory_space<vmem_shared>>)
        tpu.yield
      }) : () -> ()
      %add3A_51 = arith.constant 384 : i32
      %add3A_52 = arith.addi %mul3A_0, %add3A_51 : i32
      "tpu.region"() ({
        %run_scoped3A = tpu.sem_alloc : memref<!tpu.dma_semaphore, #tpu.memory_space<semaphore_mem>>
        %dma_start3A = arith.constant 0 : i32
        %dma_start3A_55 = arith.constant 0 : i32
        %dma_start3A_56 = tpu.memref_slice %arg5[%dma_start3A, %dma_start3A_55] : memref<128x128xf32, #tpu.memory_space<vmem>> -> memref<128x128xf32, #tpu.memory_space<vmem>>
        %dma_start3A_57 = arith.constant 0 : i32
        %dma_start3A_58 = tpu.memref_slice %arg7[%add3A_52, %dma_start3A_57] : memref<10000x128xf32, #tpu.memory_space<vmem_shared>> -> memref<128x128xf32, #tpu.memory_space<vmem_shared>>
        %dma_start3A_59 = arith.constant 0 : i32
        %dma_start3A_60 = tpu.memref_slice %arg7[%add3A_52, %dma_start3A_59] : memref<10000x128xf32, #tpu.memory_space<vmem_shared>> -> memref<128x128xf32, #tpu.memory_space<vmem_shared>>
        %dma_start3A_61 = arith.constant 0 : i32
        %dma_start3A_62 = arith.constant 0 : i32
        %dma_start3A_63 = tpu.memref_slice %arg5[%dma_start3A_61, %dma_start3A_62] : memref<128x128xf32, #tpu.memory_space<vmem>> -> memref<128x128xf32, #tpu.memory_space<vmem>>
        tpu.enqueue_dma source(%dma_start3A_63 : memref<128x128xf32, #tpu.memory_space<vmem>>) target(%dma_start3A_60 : memref<128x128xf32, #tpu.memory_space<vmem_shared>>) target_semaphore(%run_scoped3A : memref<!tpu.dma_semaphore, #tpu.memory_space<semaphore_mem>>)
        %dma_wait3A = arith.constant 0 : i32
        %dma_wait3A_64 = arith.constant 0 : i32
        %dma_wait3A_65 = tpu.memref_slice %arg5[%dma_wait3A, %dma_wait3A_64] : memref<128x128xf32, #tpu.memory_space<vmem>> -> memref<128x128xf32, #tpu.memory_space<vmem>>
        %dma_wait3A_66 = arith.constant 0 : i32
        %dma_wait3A_67 = tpu.memref_slice %arg7[%add3A_52, %dma_wait3A_66] : memref<10000x128xf32, #tpu.memory_space<vmem_shared>> -> memref<128x128xf32, #tpu.memory_space<vmem_shared>>
        %dma_wait3A_68 = arith.constant 0 : i32
        %dma_wait3A_69 = tpu.memref_slice %arg7[%add3A_52, %dma_wait3A_68] : memref<10000x128xf32, #tpu.memory_space<vmem_shared>> -> memref<128x128xf32, #tpu.memory_space<vmem_shared>>
        %dma_wait3A_70 = arith.constant 0 : i32
        %dma_wait3A_71 = arith.constant 0 : i32
        %dma_wait3A_72 = tpu.memref_slice %arg5[%dma_wait3A_70, %dma_wait3A_71] : memref<128x128xf32, #tpu.memory_space<vmem>> -> memref<128x128xf32, #tpu.memory_space<vmem>>
        tpu.wait_dma2 semaphore(%run_scoped3A : memref<!tpu.dma_semaphore, #tpu.memory_space<semaphore_mem>>) src(%dma_wait3A_72 : memref<128x128xf32, #tpu.memory_space<vmem>>) dst(%dma_wait3A_69 : memref<128x128xf32, #tpu.memory_space<vmem_shared>>)
        tpu.yield
      }) : () -> ()
      %add3A_53 = arith.constant 512 : i32
      %add3A_54 = arith.addi %mul3A_0, %add3A_53 : i32
      "tpu.region"() ({
        %run_scoped3A = tpu.sem_alloc : memref<!tpu.dma_semaphore, #tpu.memory_space<semaphore_mem>>
        %dma_start3A = arith.constant 0 : i32
        %dma_start3A_55 = arith.constant 0 : i32
        %dma_start3A_56 = tpu.memref_slice %arg5[%dma_start3A, %dma_start3A_55] : memref<128x128xf32, #tpu.memory_space<vmem>> -> memref<128x128xf32, #tpu.memory_space<vmem>>
        %dma_start3A_57 = arith.constant 0 : i32
        %dma_start3A_58 = tpu.memref_slice %arg7[%add3A_54, %dma_start3A_57] : memref<10000x128xf32, #tpu.memory_space<vmem_shared>> -> memref<128x128xf32, #tpu.memory_space<vmem_shared>>
        %dma_start3A_59 = arith.constant 0 : i32
        %dma_start3A_60 = tpu.memref_slice %arg7[%add3A_54, %dma_start3A_59] : memref<10000x128xf32, #tpu.memory_space<vmem_shared>> -> memref<128x128xf32, #tpu.memory_space<vmem_shared>>
        %dma_start3A_61 = arith.constant 0 : i32
        %dma_start3A_62 = arith.constant 0 : i32
        %dma_start3A_63 = tpu.memref_slice %arg5[%dma_start3A_61, %dma_start3A_62] : memref<128x128xf32, #tpu.memory_space<vmem>> -> memref<128x128xf32, #tpu.memory_space<vmem>>
        tpu.enqueue_dma source(%dma_start3A_63 : memref<128x128xf32, #tpu.memory_space<vmem>>) target(%dma_start3A_60 : memref<128x128xf32, #tpu.memory_space<vmem_shared>>) target_semaphore(%run_scoped3A : memref<!tpu.dma_semaphore, #tpu.memory_space<semaphore_mem>>)
        %dma_wait3A = arith.constant 0 : i32
        %dma_wait3A_64 = arith.constant 0 : i32
        %dma_wait3A_65 = tpu.memref_slice %arg5[%dma_wait3A, %dma_wait3A_64] : memref<128x128xf32, #tpu.memory_space<vmem>> -> memref<128x128xf32, #tpu.memory_space<vmem>>
        %dma_wait3A_66 = arith.constant 0 : i32
        %dma_wait3A_67 = tpu.memref_slice %arg7[%add3A_54, %dma_wait3A_66] : memref<10000x128xf32, #tpu.memory_space<vmem_shared>> -> memref<128x128xf32, #tpu.memory_space<vmem_shared>>
        %dma_wait3A_68 = arith.constant 0 : i32
        %dma_wait3A_69 = tpu.memref_slice %arg7[%add3A_54, %dma_wait3A_68] : memref<10000x128xf32, #tpu.memory_space<vmem_shared>> -> memref<128x128xf32, #tpu.memory_space<vmem_shared>>
        %dma_wait3A_70 = arith.constant 0 : i32
        %dma_wait3A_71 = arith.constant 0 : i32
        %dma_wait3A_72 = tpu.memref_slice %arg5[%dma_wait3A_70, %dma_wait3A_71] : memref<128x128xf32, #tpu.memory_space<vmem>> -> memref<128x128xf32, #tpu.memory_space<vmem>>
        tpu.wait_dma2 semaphore(%run_scoped3A : memref<!tpu.dma_semaphore, #tpu.memory_space<semaphore_mem>>) src(%dma_wait3A_72 : memref<128x128xf32, #tpu.memory_space<vmem>>) dst(%dma_wait3A_69 : memref<128x128xf32, #tpu.memory_space<vmem_shared>>)
        tpu.yield
      }) : () -> ()
    } else {
    }
    %broadcast_in_dim3A_14 = arith.constant 1.000000e+00 : f32
    %broadcast_in_dim3A_15 = vector.broadcast %broadcast_in_dim3A_14 : f32 to vector<16xf32>
    %scan3A_16 = arith.constant 0 : i32
    %scan3A_17 = arith.constant 0 : i32
    %scan3A_18 = arith.constant 128 : i32
    %scan3A_19 = arith.addi %scan3A_17, %scan3A_18 : i32
    %scan3A_20 = arith.constant 1 : i32
    %scan3A_21 = scf.for %scan3A_46 = %scan3A_17 to %scan3A_19 step %scan3A_20 iter_args(%scan3A_47 = %scan3A_16) -> (i32)  : i32 {
      %swap3A = arith.index_cast %scan3A_46 : i32 to index
      %swap3A_48 = arith.constant 0 : index
      %swap3A_49 = tpu.vector_load %arg5[%swap3A, %swap3A_48] {strides = array<i32>} : memref<128x128xf32, #tpu.memory_space<vmem>>, vector<1x16xf32>,
      %swap3A_50 = vector.shape_cast %swap3A_49 : vector<1x16xf32> to vector<16xf32>
      %swap3A_51 = vector.shape_cast %broadcast_in_dim3A_15 : vector<16xf32> to vector<1x16xf32>
      tpu.vector_store %arg5[%swap3A, %swap3A_48], %swap3A_51 {strides = array<i32>} : memref<128x128xf32, #tpu.memory_space<vmem>>, vector<1x16xf32>,
      %swap3A_52 = arith.index_cast %scan3A_46 : i32 to index
      %swap3A_53 = arith.constant 16 : index
      %swap3A_54 = tpu.vector_load %arg5[%swap3A_52, %swap3A_53] {strides = array<i32>} : memref<128x128xf32, #tpu.memory_space<vmem>>, vector<1x16xf32>,
      %swap3A_55 = vector.shape_cast %swap3A_54 : vector<1x16xf32> to vector<16xf32>
      %swap3A_56 = vector.shape_cast %broadcast_in_dim3A_15 : vector<16xf32> to vector<1x16xf32>
      tpu.vector_store %arg5[%swap3A_52, %swap3A_53], %swap3A_56 {strides = array<i32>} : memref<128x128xf32, #tpu.memory_space<vmem>>, vector<1x16xf32>,
      %swap3A_57 = arith.index_cast %scan3A_46 : i32 to index
      %swap3A_58 = arith.constant 32 : index
      %swap3A_59 = tpu.vector_load %arg5[%swap3A_57, %swap3A_58] {strides = array<i32>} : memref<128x128xf32, #tpu.memory_space<vmem>>, vector<1x16xf32>,
      %swap3A_60 = vector.shape_cast %swap3A_59 : vector<1x16xf32> to vector<16xf32>
      %swap3A_61 = vector.shape_cast %broadcast_in_dim3A_15 : vector<16xf32> to vector<1x16xf32>
      tpu.vector_store %arg5[%swap3A_57, %swap3A_58], %swap3A_61 {strides = array<i32>} : memref<128x128xf32, #tpu.memory_space<vmem>>, vector<1x16xf32>,
      %swap3A_62 = arith.index_cast %scan3A_46 : i32 to index
      %swap3A_63 = arith.constant 48 : index
      %swap3A_64 = tpu.vector_load %arg5[%swap3A_62, %swap3A_63] {strides = array<i32>} : memref<128x128xf32, #tpu.memory_space<vmem>>, vector<1x16xf32>,
      %swap3A_65 = vector.shape_cast %swap3A_64 : vector<1x16xf32> to vector<16xf32>
      %swap3A_66 = vector.shape_cast %broadcast_in_dim3A_15 : vector<16xf32> to vector<1x16xf32>
      tpu.vector_store %arg5[%swap3A_62, %swap3A_63], %swap3A_66 {strides = array<i32>} : memref<128x128xf32, #tpu.memory_space<vmem>>, vector<1x16xf32>,
      %swap3A_67 = arith.index_cast %scan3A_46 : i32 to index
      %swap3A_68 = arith.constant 64 : index
      %swap3A_69 = tpu.vector_load %arg5[%swap3A_67, %swap3A_68] {strides = array<i32>} : memref<128x128xf32, #tpu.memory_space<vmem>>, vector<1x16xf32>,
      %swap3A_70 = vector.shape_cast %swap3A_69 : vector<1x16xf32> to vector<16xf32>
      %swap3A_71 = vector.shape_cast %broadcast_in_dim3A_15 : vector<16xf32> to vector<1x16xf32>
      tpu.vector_store %arg5[%swap3A_67, %swap3A_68], %swap3A_71 {strides = array<i32>} : memref<128x128xf32, #tpu.memory_space<vmem>>, vector<1x16xf32>,
      %swap3A_72 = arith.index_cast %scan3A_46 : i32 to index
      %swap3A_73 = arith.constant 80 : index
      %swap3A_74 = tpu.vector_load %arg5[%swap3A_72, %swap3A_73] {strides = array<i32>} : memref<128x128xf32, #tpu.memory_space<vmem>>, vector<1x16xf32>,
      %swap3A_75 = vector.shape_cast %swap3A_74 : vector<1x16xf32> to vector<16xf32>
      %swap3A_76 = vector.shape_cast %broadcast_in_dim3A_15 : vector<16xf32> to vector<1x16xf32>
      tpu.vector_store %arg5[%swap3A_72, %swap3A_73], %swap3A_76 {strides = array<i32>} : memref<128x128xf32, #tpu.memory_space<vmem>>, vector<1x16xf32>,
      %swap3A_77 = arith.index_cast %scan3A_46 : i32 to index
      %swap3A_78 = arith.constant 96 : index
      %swap3A_79 = tpu.vector_load %arg5[%swap3A_77, %swap3A_78] {strides = array<i32>} : memref<128x128xf32, #tpu.memory_space<vmem>>, vector<1x16xf32>,
      %swap3A_80 = vector.shape_cast %swap3A_79 : vector<1x16xf32> to vector<16xf32>
      %swap3A_81 = vector.shape_cast %broadcast_in_dim3A_15 : vector<16xf32> to vector<1x16xf32>
      tpu.vector_store %arg5[%swap3A_77, %swap3A_78], %swap3A_81 {strides = array<i32>} : memref<128x128xf32, #tpu.memory_space<vmem>>, vector<1x16xf32>,
      %swap3A_82 = arith.index_cast %scan3A_46 : i32 to index
      %swap3A_83 = arith.constant 112 : index
      %swap3A_84 = tpu.vector_load %arg5[%swap3A_82, %swap3A_83] {strides = array<i32>} : memref<128x128xf32, #tpu.memory_space<vmem>>, vector<1x16xf32>,
      %swap3A_85 = vector.shape_cast %swap3A_84 : vector<1x16xf32> to vector<16xf32>
      %swap3A_86 = vector.shape_cast %broadcast_in_dim3A_15 : vector<16xf32> to vector<1x16xf32>
      tpu.vector_store %arg5[%swap3A_82, %swap3A_83], %swap3A_86 {strides = array<i32>} : memref<128x128xf32, #tpu.memory_space<vmem>>, vector<1x16xf32>,
      %scan3A_87 = arith.constant 0 : i32
      scf.yield %scan3A_87 : i32
    }
    %scan3A_22 = arith.constant 128 : i32
    %barrier3A = arith.constant 0 : index
    tpu.barrier barrier_id(%barrier3A)
    %scan3A_23 = arith.constant 0 : i32
    %scan3A_24 = arith.constant 0 : i32
    %scan3A_25 = arith.constant 6 : i32
    %scan3A_26 = arith.addi %scan3A_24, %scan3A_25 : i32
    %scan3A_27 = arith.constant 1 : i32
    %scan3A_28 = scf.for %scan3A_46 = %scan3A_24 to %scan3A_26 step %scan3A_27 iter_args(%scan3A_47 = %scan3A_23) -> (i32)  : i32 {
      %mul3A_48 = arith.constant 156 : i32
      %mul3A_49 = arith.muli %arg1, %mul3A_48 : i32
      %mul3A_50 = arith.constant 26 : i32
      %mul3A_51 = arith.muli %scan3A_46, %mul3A_50 : i32
      %add3A = arith.addi %mul3A_49, %mul3A_51 : i32
      %eq3A_52 = arith.constant 0 : i32
      %eq3A_53 = arith.cmpi eq, %arg0, %eq3A_52 : i32
      %convert_element_type3A_54 = arith.extui %eq3A_53 : i1 to i32
      %cond3A_55 = arith.constant 0 : i32
      %cond3A_56 = arith.cmpi ne, %convert_element_type3A_54, %cond3A_55 : i32
      scf.if %cond3A_56 {
        "tpu.region"() ({
          %run_scoped3A = tpu.sem_alloc : memref<!tpu.dma_semaphore, #tpu.memory_space<semaphore_mem>>
          %dma_start3A = arith.constant 0 : i32
          %dma_start3A_105 = arith.constant 0 : i32
          %dma_start3A_106 = arith.constant 0 : i32
          %dma_start3A_107 = tpu.memref_slice %arg6[%dma_start3A, %dma_start3A_105, %dma_start3A_106] : memref<26x1x128xi32, #tpu.memory_space<vmem>> -> memref<26x1x128xi32, #tpu.memory_space<vmem>>
          %dma_start3A_108 = arith.constant 0 : i32
          %dma_start3A_109 = arith.constant 0 : i32
          %dma_start3A_110 = tpu.memref_slice %arg2[%add3A, %dma_start3A_108, %dma_start3A_109] : memref<2500x1x128xi32, #tpu.memory_space<hbm>> -> memref<26x1x128xi32, #tpu.memory_space<hbm>>
          %dma_start3A_111 = arith.constant 0 : i32
          %dma_start3A_112 = arith.constant 0 : i32
          %dma_start3A_113 = arith.constant 0 : i32
          %dma_start3A_114 = tpu.memref_slice %arg6[%dma_start3A_111, %dma_start3A_112, %dma_start3A_113] : memref<26x1x128xi32, #tpu.memory_space<vmem>> -> memref<26x1x128xi32, #tpu.memory_space<vmem>>
          %dma_start3A_115 = arith.constant 0 : i32
          %dma_start3A_116 = arith.constant 0 : i32
          %dma_start3A_117 = tpu.memref_slice %arg2[%add3A, %dma_start3A_115, %dma_start3A_116] : memref<2500x1x128xi32, #tpu.memory_space<hbm>> -> memref<26x1x128xi32, #tpu.memory_space<hbm>>
          tpu.enqueue_dma source(%dma_start3A_117 : memref<26x1x128xi32, #tpu.memory_space<hbm>>) target(%dma_start3A_114 : memref<26x1x128xi32, #tpu.memory_space<vmem>>) target_semaphore(%run_scoped3A : memref<!tpu.dma_semaphore, #tpu.memory_space<semaphore_mem>>)
          %dma_wait3A_118 = arith.constant 0 : i32
          %dma_wait3A_119 = arith.constant 0 : i32
          %dma_wait3A_120 = arith.constant 0 : i32
          %dma_wait3A_121 = tpu.memref_slice %arg6[%dma_wait3A_118, %dma_wait3A_119, %dma_wait3A_120] : memref<26x1x128xi32, #tpu.memory_space<vmem>> -> memref<26x1x128xi32, #tpu.memory_space<vmem>>
          %dma_wait3A_122 = arith.constant 0 : i32
          %dma_wait3A_123 = arith.constant 0 : i32
          %dma_wait3A_124 = tpu.memref_slice %arg2[%add3A, %dma_wait3A_122, %dma_wait3A_123] : memref<2500x1x128xi32, #tpu.memory_space<hbm>> -> memref<26x1x128xi32, #tpu.memory_space<hbm>>
          %dma_wait3A_125 = arith.constant 0 : i32
          %dma_wait3A_126 = arith.constant 0 : i32
          %dma_wait3A_127 = arith.constant 0 : i32
          %dma_wait3A_128 = tpu.memref_slice %arg6[%dma_wait3A_125, %dma_wait3A_126, %dma_wait3A_127] : memref<26x1x128xi32, #tpu.memory_space<vmem>> -> memref<26x1x128xi32, #tpu.memory_space<vmem>>
          %dma_wait3A_129 = arith.constant 0 : i32
          %dma_wait3A_130 = arith.constant 0 : i32
          %dma_wait3A_131 = tpu.memref_slice %arg2[%add3A, %dma_wait3A_129, %dma_wait3A_130] : memref<2500x1x128xi32, #tpu.memory_space<hbm>> -> memref<26x1x128xi32, #tpu.memory_space<hbm>>
          tpu.wait_dma2 semaphore(%run_scoped3A : memref<!tpu.dma_semaphore, #tpu.memory_space<semaphore_mem>>) src(%dma_wait3A_131 : memref<26x1x128xi32, #tpu.memory_space<hbm>>) dst(%dma_wait3A_128 : memref<26x1x128xi32, #tpu.memory_space<vmem>>)
          tpu.yield
        }) : () -> ()
      } else {
      }
      %eq3A_57 = arith.constant 1 : i32
      %eq3A_58 = arith.cmpi eq, %arg0, %eq3A_57 : i32
      %convert_element_type3A_59 = arith.extui %eq3A_58 : i1 to i32
      %cond3A_60 = arith.constant 0 : i32
      %cond3A_61 = arith.cmpi ne, %convert_element_type3A_59, %cond3A_60 : i32
      scf.if %cond3A_61 {
        "tpu.region"() ({
          %run_scoped3A = tpu.sem_alloc : memref<!tpu.dma_semaphore, #tpu.memory_space<semaphore_mem>>
          %dma_start3A = arith.constant 0 : i32
          %dma_start3A_105 = arith.constant 0 : i32
          %dma_start3A_106 = arith.constant 0 : i32
          %dma_start3A_107 = tpu.memref_slice %arg6[%dma_start3A, %dma_start3A_105, %dma_start3A_106] : memref<26x1x128xi32, #tpu.memory_space<vmem>> -> memref<26x1x128xi32, #tpu.memory_space<vmem>>
          %dma_start3A_108 = arith.constant 0 : i32
          %dma_start3A_109 = arith.constant 0 : i32
          %dma_start3A_110 = tpu.memref_slice %arg3[%add3A, %dma_start3A_108, %dma_start3A_109] : memref<2500x1x128xi32, #tpu.memory_space<hbm>> -> memref<26x1x128xi32, #tpu.memory_space<hbm>>
          %dma_start3A_111 = arith.constant 0 : i32
          %dma_start3A_112 = arith.constant 0 : i32
          %dma_start3A_113 = arith.constant 0 : i32
          %dma_start3A_114 = tpu.memref_slice %arg6[%dma_start3A_111, %dma_start3A_112, %dma_start3A_113] : memref<26x1x128xi32, #tpu.memory_space<vmem>> -> memref<26x1x128xi32, #tpu.memory_space<vmem>>
          %dma_start3A_115 = arith.constant 0 : i32
          %dma_start3A_116 = arith.constant 0 : i32
          %dma_start3A_117 = tpu.memref_slice %arg3[%add3A, %dma_start3A_115, %dma_start3A_116] : memref<2500x1x128xi32, #tpu.memory_space<hbm>> -> memref<26x1x128xi32, #tpu.memory_space<hbm>>
          tpu.enqueue_dma source(%dma_start3A_117 : memref<26x1x128xi32, #tpu.memory_space<hbm>>) target(%dma_start3A_114 : memref<26x1x128xi32, #tpu.memory_space<vmem>>) target_semaphore(%run_scoped3A : memref<!tpu.dma_semaphore, #tpu.memory_space<semaphore_mem>>)
          %dma_wait3A_118 = arith.constant 0 : i32
          %dma_wait3A_119 = arith.constant 0 : i32
          %dma_wait3A_120 = arith.constant 0 : i32
          %dma_wait3A_121 = tpu.memref_slice %arg6[%dma_wait3A_118, %dma_wait3A_119, %dma_wait3A_120] : memref<26x1x128xi32, #tpu.memory_space<vmem>> -> memref<26x1x128xi32, #tpu.memory_space<vmem>>
          %dma_wait3A_122 = arith.constant 0 : i32
          %dma_wait3A_123 = arith.constant 0 : i32
          %dma_wait3A_124 = tpu.memref_slice %arg3[%add3A, %dma_wait3A_122, %dma_wait3A_123] : memref<2500x1x128xi32, #tpu.memory_space<hbm>> -> memref<26x1x128xi32, #tpu.memory_space<hbm>>
          %dma_wait3A_125 = arith.constant 0 : i32
          %dma_wait3A_126 = arith.constant 0 : i32
          %dma_wait3A_127 = arith.constant 0 : i32
          %dma_wait3A_128 = tpu.memref_slice %arg6[%dma_wait3A_125, %dma_wait3A_126, %dma_wait3A_127] : memref<26x1x128xi32, #tpu.memory_space<vmem>> -> memref<26x1x128xi32, #tpu.memory_space<vmem>>
          %dma_wait3A_129 = arith.constant 0 : i32
          %dma_wait3A_130 = arith.constant 0 : i32
          %dma_wait3A_131 = tpu.memref_slice %arg3[%add3A, %dma_wait3A_129, %dma_wait3A_130] : memref<2500x1x128xi32, #tpu.memory_space<hbm>> -> memref<26x1x128xi32, #tpu.memory_space<hbm>>
          tpu.wait_dma2 semaphore(%run_scoped3A : memref<!tpu.dma_semaphore, #tpu.memory_space<semaphore_mem>>) src(%dma_wait3A_131 : memref<26x1x128xi32, #tpu.memory_space<hbm>>) dst(%dma_wait3A_128 : memref<26x1x128xi32, #tpu.memory_space<vmem>>)
          tpu.yield
        }) : () -> ()
      } else {
      }
      %scan3A_62 = arith.constant 0 : i32
      %scan3A_63 = arith.constant 0 : i32
      %scan3A_64 = arith.constant 26 : i32
      %scan3A_65 = arith.addi %scan3A_63, %scan3A_64 : i32
      %scan3A_66 = arith.constant 1 : i32
      %scan3A_67 = scf.for %scan3A_105 = %scan3A_63 to %scan3A_65 step %scan3A_66 iter_args(%scan3A_106 = %scan3A_62) -> (i32)  : i32 {
        %dma_start3A = arith.constant 0 : i32
        %dma_start3A_107 = arith.constant 0 : i32
        %dma_start3A_108 = tpu.memref_slice %arg6[%scan3A_105, %dma_start3A, %dma_start3A_107] : memref<26x1x128xi32, #tpu.memory_space<vmem>> -> memref<1x1x128xi32, #tpu.memory_space<vmem>>
        %dma_start3A_109 = tpu.memref_squeeze %dma_start3A_108 : memref<1x1x128xi32, #tpu.memory_space<vmem>> -> memref<128xi32, #tpu.memory_space<vmem>>
        %dma_start3A_110 = arith.constant 0 : i32
        %dma_start3A_111 = arith.constant 0 : i32
        %dma_start3A_112 = tpu.memref_slice %arg7[%dma_start3A_110, %dma_start3A_111] : memref<10000x128xf32, #tpu.memory_space<vmem_shared>> -> memref<10000x128xf32, #tpu.memory_space<vmem_shared>>
        tpu.enqueue_indirect_dma source(%arg5 : memref<128x128xf32, #tpu.memory_space<vmem>>) target(%dma_start3A_112 : memref<10000x128xf32, #tpu.memory_space<vmem_shared>>) offsets(%dma_start3A_109 : memref<128xi32, #tpu.memory_space<vmem>>) semaphore(%arg8 : memref<!tpu.dma_semaphore, #tpu.memory_space<semaphore_mem>>) {add = true}
        %ge3A = arith.constant 4 : i32
        %ge3A_113 = arith.cmpi sge, %scan3A_105, %ge3A : i32
        %convert_element_type3A_114 = arith.extui %ge3A_113 : i1 to i32
        %cond3A_115 = arith.constant 0 : i32
        %cond3A_116 = arith.cmpi ne, %convert_element_type3A_114, %cond3A_115 : i32
        scf.if %cond3A_116 {
          %dma_wait3A_118 = arith.constant 0 : i32
          %dma_wait3A_119 = arith.constant 0 : i32
          %dma_wait3A_120 = arith.constant 0 : i32
          %dma_wait3A_121 = tpu.memref_slice %arg4[%dma_wait3A_118, %dma_wait3A_119, %dma_wait3A_120] : memref<2x10000x128xf32, #tpu.memory_space<hbm>> -> memref<1x128x128xf32, #tpu.memory_space<hbm>>
          %dma_wait3A_122 = tpu.memref_squeeze %dma_wait3A_121 : memref<1x128x128xf32, #tpu.memory_space<hbm>> -> memref<128x128xf32, #tpu.memory_space<hbm>>
          %dma_wait3A_123 = arith.constant 0 : i32
          %dma_wait3A_124 = arith.constant 0 : i32
          %dma_wait3A_125 = tpu.memref_slice %arg4[%dma_wait3A_118, %dma_wait3A_123, %dma_wait3A_124] : memref<2x10000x128xf32, #tpu.memory_space<hbm>> -> memref<1x128x128xf32, #tpu.memory_space<hbm>>
          %dma_wait3A_126 = tpu.memref_squeeze %dma_wait3A_125 : memref<1x128x128xf32, #tpu.memory_space<hbm>> -> memref<128x128xf32, #tpu.memory_space<hbm>>
          tpu.wait_dma2 semaphore(%arg8 : memref<!tpu.dma_semaphore, #tpu.memory_space<semaphore_mem>>) src(%dma_wait3A_126 : memref<128x128xf32, #tpu.memory_space<hbm>>) dst(%arg5 : memref<128x128xf32, #tpu.memory_space<vmem>>)
        } else {
        }
        %scan3A_117 = arith.constant 0 : i32
        scf.yield %scan3A_117 : i32
      }
      %scan3A_68 = arith.constant 26 : i32
      %dma_wait3A = arith.constant 0 : i32
      %dma_wait3A_69 = arith.constant 0 : i32
      %dma_wait3A_70 = arith.constant 0 : i32
      %dma_wait3A_71 = tpu.memref_slice %arg4[%dma_wait3A, %dma_wait3A_69, %dma_wait3A_70] : memref<2x10000x128xf32, #tpu.memory_space<hbm>> -> memref<1x128x128xf32, #tpu.memory_space<hbm>>
      %dma_wait3A_72 = tpu.memref_squeeze %dma_wait3A_71 : memref<1x128x128xf32, #tpu.memory_space<hbm>> -> memref<128x128xf32, #tpu.memory_space<hbm>>
      %dma_wait3A_73 = arith.constant 0 : i32
      %dma_wait3A_74 = arith.constant 0 : i32
      %dma_wait3A_75 = tpu.memref_slice %arg4[%dma_wait3A, %dma_wait3A_73, %dma_wait3A_74] : memref<2x10000x128xf32, #tpu.memory_space<hbm>> -> memref<1x128x128xf32, #tpu.memory_space<hbm>>
      %dma_wait3A_76 = tpu.memref_squeeze %dma_wait3A_75 : memref<1x128x128xf32, #tpu.memory_space<hbm>> -> memref<128x128xf32, #tpu.memory_space<hbm>>
      tpu.wait_dma2 semaphore(%arg8 : memref<!tpu.dma_semaphore, #tpu.memory_space<semaphore_mem>>) src(%dma_wait3A_76 : memref<128x128xf32, #tpu.memory_space<hbm>>) dst(%arg5 : memref<128x128xf32, #tpu.memory_space<vmem>>)
      %dma_wait3A_77 = arith.constant 0 : i32
      %dma_wait3A_78 = arith.constant 0 : i32
      %dma_wait3A_79 = arith.constant 0 : i32
      %dma_wait3A_80 = tpu.memref_slice %arg4[%dma_wait3A_77, %dma_wait3A_78, %dma_wait3A_79] : memref<2x10000x128xf32, #tpu.memory_space<hbm>> -> memref<1x128x128xf32, #tpu.memory_space<hbm>>
      %dma_wait3A_81 = tpu.memref_squeeze %dma_wait3A_80 : memref<1x128x128xf32, #tpu.memory_space<hbm>> -> memref<128x128xf32, #tpu.memory_space<hbm>>
      %dma_wait3A_82 = arith.constant 0 : i32
      %dma_wait3A_83 = arith.constant 0 : i32
      %dma_wait3A_84 = tpu.memref_slice %arg4[%dma_wait3A_77, %dma_wait3A_82, %dma_wait3A_83] : memref<2x10000x128xf32, #tpu.memory_space<hbm>> -> memref<1x128x128xf32, #tpu.memory_space<hbm>>
      %dma_wait3A_85 = tpu.memref_squeeze %dma_wait3A_84 : memref<1x128x128xf32, #tpu.memory_space<hbm>> -> memref<128x128xf32, #tpu.memory_space<hbm>>
      tpu.wait_dma2 semaphore(%arg8 : memref<!tpu.dma_semaphore, #tpu.memory_space<semaphore_mem>>) src(%dma_wait3A_85 : memref<128x128xf32, #tpu.memory_space<hbm>>) dst(%arg5 : memref<128x128xf32, #tpu.memory_space<vmem>>)
      %dma_wait3A_86 = arith.constant 0 : i32
      %dma_wait3A_87 = arith.constant 0 : i32
      %dma_wait3A_88 = arith.constant 0 : i32
      %dma_wait3A_89 = tpu.memref_slice %arg4[%dma_wait3A_86, %dma_wait3A_87, %dma_wait3A_88] : memref<2x10000x128xf32, #tpu.memory_space<hbm>> -> memref<1x128x128xf32, #tpu.memory_space<hbm>>
      %dma_wait3A_90 = tpu.memref_squeeze %dma_wait3A_89 : memref<1x128x128xf32, #tpu.memory_space<hbm>> -> memref<128x128xf32, #tpu.memory_space<hbm>>
      %dma_wait3A_91 = arith.constant 0 : i32
      %dma_wait3A_92 = arith.constant 0 : i32
      %dma_wait3A_93 = tpu.memref_slice %arg4[%dma_wait3A_86, %dma_wait3A_91, %dma_wait3A_92] : memref<2x10000x128xf32, #tpu.memory_space<hbm>> -> memref<1x128x128xf32, #tpu.memory_space<hbm>>
      %dma_wait3A_94 = tpu.memref_squeeze %dma_wait3A_93 : memref<1x128x128xf32, #tpu.memory_space<hbm>> -> memref<128x128xf32, #tpu.memory_space<hbm>>
      tpu.wait_dma2 semaphore(%arg8 : memref<!tpu.dma_semaphore, #tpu.memory_space<semaphore_mem>>) src(%dma_wait3A_94 : memref<128x128xf32, #tpu.memory_space<hbm>>) dst(%arg5 : memref<128x128xf32, #tpu.memory_space<vmem>>)
      %dma_wait3A_95 = arith.constant 0 : i32
      %dma_wait3A_96 = arith.constant 0 : i32
      %dma_wait3A_97 = arith.constant 0 : i32
      %dma_wait3A_98 = tpu.memref_slice %arg4[%dma_wait3A_95, %dma_wait3A_96, %dma_wait3A_97] : memref<2x10000x128xf32, #tpu.memory_space<hbm>> -> memref<1x128x128xf32, #tpu.memory_space<hbm>>
      %dma_wait3A_99 = tpu.memref_squeeze %dma_wait3A_98 : memref<1x128x128xf32, #tpu.memory_space<hbm>> -> memref<128x128xf32, #tpu.memory_space<hbm>>
      %dma_wait3A_100 = arith.constant 0 : i32
      %dma_wait3A_101 = arith.constant 0 : i32
      %dma_wait3A_102 = tpu.memref_slice %arg4[%dma_wait3A_95, %dma_wait3A_100, %dma_wait3A_101] : memref<2x10000x128xf32, #tpu.memory_space<hbm>> -> memref<1x128x128xf32, #tpu.memory_space<hbm>>
      %dma_wait3A_103 = tpu.memref_squeeze %dma_wait3A_102 : memref<1x128x128xf32, #tpu.memory_space<hbm>> -> memref<128x128xf32, #tpu.memory_space<hbm>>
      tpu.wait_dma2 semaphore(%arg8 : memref<!tpu.dma_semaphore, #tpu.memory_space<semaphore_mem>>) src(%dma_wait3A_103 : memref<128x128xf32, #tpu.memory_space<hbm>>) dst(%arg5 : memref<128x128xf32, #tpu.memory_space<vmem>>)
      %scan3A_104 = arith.constant 0 : i32
      scf.yield %scan3A_104 : i32
    }
    %scan3A_29 = arith.constant 6 : i32
    %lt3A_30 = arith.constant 4 : i32
    %lt3A_31 = arith.cmpi slt, %arg1, %lt3A_30 : i32
    %convert_element_type3A_32 = arith.extui %lt3A_31 : i1 to i32
    %cond3A_33 = arith.constant 0 : i32
    %cond3A_34 = arith.cmpi ne, %convert_element_type3A_32, %cond3A_33 : i32
    scf.if %cond3A_34 {
      %add3A = arith.constant 2496 : i32
      %add3A_46 = arith.addi %add3A, %arg1 : i32
      %eq3A_47 = arith.constant 0 : i32
      %eq3A_48 = arith.cmpi eq, %arg0, %eq3A_47 : i32
      %convert_element_type3A_49 = arith.extui %eq3A_48 : i1 to i32
      %cond3A_50 = arith.constant 0 : i32
      %cond3A_51 = arith.cmpi ne, %convert_element_type3A_49, %cond3A_50 : i32
      scf.if %cond3A_51 {
        "tpu.region"() ({
          %run_scoped3A = tpu.sem_alloc : memref<!tpu.dma_semaphore, #tpu.memory_space<semaphore_mem>>
          %dma_start3A_72 = arith.constant 0 : i32
          %dma_start3A_73 = arith.constant 0 : i32
          %dma_start3A_74 = arith.constant 0 : i32
          %dma_start3A_75 = tpu.memref_slice %arg6[%dma_start3A_72, %dma_start3A_73, %dma_start3A_74] : memref<26x1x128xi32, #tpu.memory_space<vmem>> -> memref<1x1x128xi32, #tpu.memory_space<vmem>>
          %dma_start3A_76 = arith.constant 0 : i32
          %dma_start3A_77 = arith.constant 0 : i32
          %dma_start3A_78 = tpu.memref_slice %arg2[%add3A_46, %dma_start3A_76, %dma_start3A_77] : memref<2500x1x128xi32, #tpu.memory_space<hbm>> -> memref<1x1x128xi32, #tpu.memory_space<hbm>>
          %dma_start3A_79 = arith.constant 0 : i32
          %dma_start3A_80 = arith.constant 0 : i32
          %dma_start3A_81 = arith.constant 0 : i32
          %dma_start3A_82 = tpu.memref_slice %arg6[%dma_start3A_79, %dma_start3A_80, %dma_start3A_81] : memref<26x1x128xi32, #tpu.memory_space<vmem>> -> memref<1x1x128xi32, #tpu.memory_space<vmem>>
          %dma_start3A_83 = arith.constant 0 : i32
          %dma_start3A_84 = arith.constant 0 : i32
          %dma_start3A_85 = tpu.memref_slice %arg2[%add3A_46, %dma_start3A_83, %dma_start3A_84] : memref<2500x1x128xi32, #tpu.memory_space<hbm>> -> memref<1x1x128xi32, #tpu.memory_space<hbm>>
          tpu.enqueue_dma source(%dma_start3A_85 : memref<1x1x128xi32, #tpu.memory_space<hbm>>) target(%dma_start3A_82 : memref<1x1x128xi32, #tpu.memory_space<vmem>>) target_semaphore(%run_scoped3A : memref<!tpu.dma_semaphore, #tpu.memory_space<semaphore_mem>>)
          %dma_wait3A_86 = arith.constant 0 : i32
          %dma_wait3A_87 = arith.constant 0 : i32
          %dma_wait3A_88 = arith.constant 0 : i32
          %dma_wait3A_89 = tpu.memref_slice %arg6[%dma_wait3A_86, %dma_wait3A_87, %dma_wait3A_88] : memref<26x1x128xi32, #tpu.memory_space<vmem>> -> memref<1x1x128xi32, #tpu.memory_space<vmem>>
          %dma_wait3A_90 = arith.constant 0 : i32
          %dma_wait3A_91 = arith.constant 0 : i32
          %dma_wait3A_92 = tpu.memref_slice %arg2[%add3A_46, %dma_wait3A_90, %dma_wait3A_91] : memref<2500x1x128xi32, #tpu.memory_space<hbm>> -> memref<1x1x128xi32, #tpu.memory_space<hbm>>
          %dma_wait3A_93 = arith.constant 0 : i32
          %dma_wait3A_94 = arith.constant 0 : i32
          %dma_wait3A_95 = arith.constant 0 : i32
          %dma_wait3A_96 = tpu.memref_slice %arg6[%dma_wait3A_93, %dma_wait3A_94, %dma_wait3A_95] : memref<26x1x128xi32, #tpu.memory_space<vmem>> -> memref<1x1x128xi32, #tpu.memory_space<vmem>>
          %dma_wait3A_97 = arith.constant 0 : i32
          %dma_wait3A_98 = arith.constant 0 : i32
          %dma_wait3A_99 = tpu.memref_slice %arg2[%add3A_46, %dma_wait3A_97, %dma_wait3A_98] : memref<2500x1x128xi32, #tpu.memory_space<hbm>> -> memref<1x1x128xi32, #tpu.memory_space<hbm>>
          tpu.wait_dma2 semaphore(%run_scoped3A : memref<!tpu.dma_semaphore, #tpu.memory_space<semaphore_mem>>) src(%dma_wait3A_99 : memref<1x1x128xi32, #tpu.memory_space<hbm>>) dst(%dma_wait3A_96 : memref<1x1x128xi32, #tpu.memory_space<vmem>>)
          tpu.yield
        }) : () -> ()
      } else {
      }
      %eq3A_52 = arith.constant 1 : i32
      %eq3A_53 = arith.cmpi eq, %arg0, %eq3A_52 : i32
      %convert_element_type3A_54 = arith.extui %eq3A_53 : i1 to i32
      %cond3A_55 = arith.constant 0 : i32
      %cond3A_56 = arith.cmpi ne, %convert_element_type3A_54, %cond3A_55 : i32
      scf.if %cond3A_56 {
        "tpu.region"() ({
          %run_scoped3A = tpu.sem_alloc : memref<!tpu.dma_semaphore, #tpu.memory_space<semaphore_mem>>
          %dma_start3A_72 = arith.constant 0 : i32
          %dma_start3A_73 = arith.constant 0 : i32
          %dma_start3A_74 = arith.constant 0 : i32
          %dma_start3A_75 = tpu.memref_slice %arg6[%dma_start3A_72, %dma_start3A_73, %dma_start3A_74] : memref<26x1x128xi32, #tpu.memory_space<vmem>> -> memref<1x1x128xi32, #tpu.memory_space<vmem>>
          %dma_start3A_76 = arith.constant 0 : i32
          %dma_start3A_77 = arith.constant 0 : i32
          %dma_start3A_78 = tpu.memref_slice %arg3[%add3A_46, %dma_start3A_76, %dma_start3A_77] : memref<2500x1x128xi32, #tpu.memory_space<hbm>> -> memref<1x1x128xi32, #tpu.memory_space<hbm>>
          %dma_start3A_79 = arith.constant 0 : i32
          %dma_start3A_80 = arith.constant 0 : i32
          %dma_start3A_81 = arith.constant 0 : i32
          %dma_start3A_82 = tpu.memref_slice %arg6[%dma_start3A_79, %dma_start3A_80, %dma_start3A_81] : memref<26x1x128xi32, #tpu.memory_space<vmem>> -> memref<1x1x128xi32, #tpu.memory_space<vmem>>
          %dma_start3A_83 = arith.constant 0 : i32
          %dma_start3A_84 = arith.constant 0 : i32
          %dma_start3A_85 = tpu.memref_slice %arg3[%add3A_46, %dma_start3A_83, %dma_start3A_84] : memref<2500x1x128xi32, #tpu.memory_space<hbm>> -> memref<1x1x128xi32, #tpu.memory_space<hbm>>
          tpu.enqueue_dma source(%dma_start3A_85 : memref<1x1x128xi32, #tpu.memory_space<hbm>>) target(%dma_start3A_82 : memref<1x1x128xi32, #tpu.memory_space<vmem>>) target_semaphore(%run_scoped3A : memref<!tpu.dma_semaphore, #tpu.memory_space<semaphore_mem>>)
          %dma_wait3A_86 = arith.constant 0 : i32
          %dma_wait3A_87 = arith.constant 0 : i32
          %dma_wait3A_88 = arith.constant 0 : i32
          %dma_wait3A_89 = tpu.memref_slice %arg6[%dma_wait3A_86, %dma_wait3A_87, %dma_wait3A_88] : memref<26x1x128xi32, #tpu.memory_space<vmem>> -> memref<1x1x128xi32, #tpu.memory_space<vmem>>
          %dma_wait3A_90 = arith.constant 0 : i32
          %dma_wait3A_91 = arith.constant 0 : i32
          %dma_wait3A_92 = tpu.memref_slice %arg3[%add3A_46, %dma_wait3A_90, %dma_wait3A_91] : memref<2500x1x128xi32, #tpu.memory_space<hbm>> -> memref<1x1x128xi32, #tpu.memory_space<hbm>>
          %dma_wait3A_93 = arith.constant 0 : i32
          %dma_wait3A_94 = arith.constant 0 : i32
          %dma_wait3A_95 = arith.constant 0 : i32
          %dma_wait3A_96 = tpu.memref_slice %arg6[%dma_wait3A_93, %dma_wait3A_94, %dma_wait3A_95] : memref<26x1x128xi32, #tpu.memory_space<vmem>> -> memref<1x1x128xi32, #tpu.memory_space<vmem>>
          %dma_wait3A_97 = arith.constant 0 : i32
          %dma_wait3A_98 = arith.constant 0 : i32
          %dma_wait3A_99 = tpu.memref_slice %arg3[%add3A_46, %dma_wait3A_97, %dma_wait3A_98] : memref<2500x1x128xi32, #tpu.memory_space<hbm>> -> memref<1x1x128xi32, #tpu.memory_space<hbm>>
          tpu.wait_dma2 semaphore(%run_scoped3A : memref<!tpu.dma_semaphore, #tpu.memory_space<semaphore_mem>>) src(%dma_wait3A_99 : memref<1x1x128xi32, #tpu.memory_space<hbm>>) dst(%dma_wait3A_96 : memref<1x1x128xi32, #tpu.memory_space<vmem>>)
          tpu.yield
        }) : () -> ()
      } else {
      }
      %dma_start3A = arith.constant 0 : i32
      %dma_start3A_57 = arith.constant 0 : i32
      %dma_start3A_58 = arith.constant 0 : i32
      %dma_start3A_59 = tpu.memref_slice %arg6[%dma_start3A, %dma_start3A_57, %dma_start3A_58] : memref<26x1x128xi32, #tpu.memory_space<vmem>> -> memref<1x1x128xi32, #tpu.memory_space<vmem>>
      %dma_start3A_60 = tpu.memref_squeeze %dma_start3A_59 : memref<1x1x128xi32, #tpu.memory_space<vmem>> -> memref<128xi32, #tpu.memory_space<vmem>>
      %dma_start3A_61 = arith.constant 0 : i32
      %dma_start3A_62 = arith.constant 0 : i32
      %dma_start3A_63 = tpu.memref_slice %arg7[%dma_start3A_61, %dma_start3A_62] : memref<10000x128xf32, #tpu.memory_space<vmem_shared>> -> memref<10000x128xf32, #tpu.memory_space<vmem_shared>>
      tpu.enqueue_indirect_dma source(%arg5 : memref<128x128xf32, #tpu.memory_space<vmem>>) target(%dma_start3A_63 : memref<10000x128xf32, #tpu.memory_space<vmem_shared>>) offsets(%dma_start3A_60 : memref<128xi32, #tpu.memory_space<vmem>>) semaphore(%arg8 : memref<!tpu.dma_semaphore, #tpu.memory_space<semaphore_mem>>) {add = true}
      %dma_wait3A = arith.constant 0 : i32
      %dma_wait3A_64 = arith.constant 0 : i32
      %dma_wait3A_65 = arith.constant 0 : i32
      %dma_wait3A_66 = tpu.memref_slice %arg4[%dma_wait3A, %dma_wait3A_64, %dma_wait3A_65] : memref<2x10000x128xf32, #tpu.memory_space<hbm>> -> memref<1x128x128xf32, #tpu.memory_space<hbm>>
      %dma_wait3A_67 = tpu.memref_squeeze %dma_wait3A_66 : memref<1x128x128xf32, #tpu.memory_space<hbm>> -> memref<128x128xf32, #tpu.memory_space<hbm>>
      %dma_wait3A_68 = arith.constant 0 : i32
      %dma_wait3A_69 = arith.constant 0 : i32
      %dma_wait3A_70 = tpu.memref_slice %arg4[%dma_wait3A, %dma_wait3A_68, %dma_wait3A_69] : memref<2x10000x128xf32, #tpu.memory_space<hbm>> -> memref<1x128x128xf32, #tpu.memory_space<hbm>>
      %dma_wait3A_71 = tpu.memref_squeeze %dma_wait3A_70 : memref<1x128x128xf32, #tpu.memory_space<hbm>> -> memref<128x128xf32, #tpu.memory_space<hbm>>
      tpu.wait_dma2 semaphore(%arg8 : memref<!tpu.dma_semaphore, #tpu.memory_space<semaphore_mem>>) src(%dma_wait3A_71 : memref<128x128xf32, #tpu.memory_space<hbm>>) dst(%arg5 : memref<128x128xf32, #tpu.memory_space<vmem>>)
    } else {
    }
    %barrier3A_35 = arith.constant 0 : index
    tpu.barrier barrier_id(%barrier3A_35)
    %lt3A_36 = arith.constant 15 : i32
    %lt3A_37 = arith.cmpi slt, %arg1, %lt3A_36 : i32
    %convert_element_type3A_38 = arith.extui %lt3A_37 : i1 to i32
    %cond3A_39 = arith.constant 0 : i32
    %cond3A_40 = arith.cmpi ne, %convert_element_type3A_38, %cond3A_39 : i32
    scf.if %cond3A_40 {
      "tpu.region"() ({
        %run_scoped3A = tpu.sem_alloc : memref<!tpu.dma_semaphore, #tpu.memory_space<semaphore_mem>>
        %dma_start3A = arith.constant 0 : i32
        %dma_start3A_46 = tpu.memref_slice %arg4[%arg0, %mul3A_0, %dma_start3A] : memref<2x10000x128xf32, #tpu.memory_space<hbm>> -> memref<1x624x128xf32, #tpu.memory_space<hbm>>
        %dma_start3A_47 = tpu.memref_squeeze %dma_start3A_46 : memref<1x624x128xf32, #tpu.memory_space<hbm>> -> memref<624x128xf32, #tpu.memory_space<hbm>>
        %dma_start3A_48 = arith.constant 0 : i32
        %dma_start3A_49 = tpu.memref_slice %arg7[%mul3A_0, %dma_start3A_48] : memref<10000x128xf32, #tpu.memory_space<vmem_shared>> -> memref<624x128xf32, #tpu.memory_space<vmem_shared>>
        tpu.enqueue_dma source(%dma_start3A_49 : memref<624x128xf32, #tpu.memory_space<vmem_shared>>) target(%dma_start3A_47 : memref<624x128xf32, #tpu.memory_space<hbm>>) target_semaphore(%run_scoped3A : memref<!tpu.dma_semaphore, #tpu.memory_space<semaphore_mem>>)
        %dma_wait3A = arith.constant 0 : i32
        %dma_wait3A_50 = tpu.memref_slice %arg4[%arg0, %mul3A_0, %dma_wait3A] : memref<2x10000x128xf32, #tpu.memory_space<hbm>> -> memref<1x624x128xf32, #tpu.memory_space<hbm>>
        %dma_wait3A_51 = tpu.memref_squeeze %dma_wait3A_50 : memref<1x624x128xf32, #tpu.memory_space<hbm>> -> memref<624x128xf32, #tpu.memory_space<hbm>>
        %dma_wait3A_52 = arith.constant 0 : i32
        %dma_wait3A_53 = tpu.memref_slice %arg7[%mul3A_0, %dma_wait3A_52] : memref<10000x128xf32, #tpu.memory_space<vmem_shared>> -> memref<624x128xf32, #tpu.memory_space<vmem_shared>>
        tpu.wait_dma2 semaphore(%run_scoped3A : memref<!tpu.dma_semaphore, #tpu.memory_space<semaphore_mem>>) src(%dma_wait3A_53 : memref<624x128xf32, #tpu.memory_space<vmem_shared>>) dst(%dma_wait3A_51 : memref<624x128xf32, #tpu.memory_space<hbm>>)
        tpu.yield
      }) : () -> ()
    } else {
    }
    %eq3A_41 = arith.constant 15 : i32
    %eq3A_42 = arith.cmpi eq, %arg1, %eq3A_41 : i32
    %convert_element_type3A_43 = arith.extui %eq3A_42 : i1 to i32
    %cond3A_44 = arith.constant 0 : i32
    %cond3A_45 = arith.cmpi ne, %convert_element_type3A_43, %cond3A_44 : i32
    scf.if %cond3A_45 {
      "tpu.region"() ({
        %run_scoped3A = tpu.sem_alloc : memref<!tpu.dma_semaphore, #tpu.memory_space<semaphore_mem>>
        %dma_start3A = arith.constant 0 : i32
        %dma_start3A_46 = tpu.memref_slice %arg4[%arg0, %mul3A_0, %dma_start3A] : memref<2x10000x128xf32, #tpu.memory_space<hbm>> -> memref<1x640x128xf32, #tpu.memory_space<hbm>>
        %dma_start3A_47 = tpu.memref_squeeze %dma_start3A_46 : memref<1x640x128xf32, #tpu.memory_space<hbm>> -> memref<640x128xf32, #tpu.memory_space<hbm>>
        %dma_start3A_48 = arith.constant 0 : i32
        %dma_start3A_49 = tpu.memref_slice %arg7[%mul3A_0, %dma_start3A_48] : memref<10000x128xf32, #tpu.memory_space<vmem_shared>> -> memref<640x128xf32, #tpu.memory_space<vmem_shared>>
        tpu.enqueue_dma source(%dma_start3A_49 : memref<640x128xf32, #tpu.memory_space<vmem_shared>>) target(%dma_start3A_47 : memref<640x128xf32, #tpu.memory_space<hbm>>) target_semaphore(%run_scoped3A : memref<!tpu.dma_semaphore, #tpu.memory_space<semaphore_mem>>)
        %dma_wait3A = arith.constant 0 : i32
        %dma_wait3A_50 = tpu.memref_slice %arg4[%arg0, %mul3A_0, %dma_wait3A] : memref<2x10000x128xf32, #tpu.memory_space<hbm>> -> memref<1x640x128xf32, #tpu.memory_space<hbm>>
        %dma_wait3A_51 = tpu.memref_squeeze %dma_wait3A_50 : memref<1x640x128xf32, #tpu.memory_space<hbm>> -> memref<640x128xf32, #tpu.memory_space<hbm>>
        %dma_wait3A_52 = arith.constant 0 : i32
        %dma_wait3A_53 = tpu.memref_slice %arg7[%mul3A_0, %dma_wait3A_52] : memref<10000x128xf32, #tpu.memory_space<vmem_shared>> -> memref<640x128xf32, #tpu.memory_space<vmem_shared>>
        tpu.wait_dma2 semaphore(%run_scoped3A : memref<!tpu.dma_semaphore, #tpu.memory_space<semaphore_mem>>) src(%dma_wait3A_53 : memref<640x128xf32, #tpu.memory_space<vmem_shared>>) dst(%dma_wait3A_51 : memref<640x128xf32, #tpu.memory_space<hbm>>)
        tpu.yield
      }) : () -> ()
    } else {
    }
    return
  }
}

#map = affine_map<(d0, d1) -> (0, 0)>
#map1 = affine_map<(d0, d1) -> (0, 0, 0)>
module attributes {stable_mosaic.version = 14 : i64} {
  func.func @_aggregate_body(%arg0: i32, %arg1: i32, %arg2: memref<10000x128xf32, #tpu.memory_space<hbm>>, %arg3: memref<2500x1x128xi32, #tpu.memory_space<hbm>>, %arg4: memref<2500x1x128xi32, #tpu.memory_space<hbm>>, %arg5: memref<2x10000x128xf32, #tpu.memory_space<hbm>>, %arg6: memref<26x1x128xi32, #tpu.memory_space<vmem>>, %arg7: memref<26x1x128xi32, #tpu.memory_space<vmem>>, %arg8: memref<128x128xf32, #tpu.memory_space<vmem>>, %arg9: memref<128x128xf32, #tpu.memory_space<vmem>>, %arg10: memref<!tpu.dma_semaphore, #tpu.memory_space<semaphore_mem>>, %arg11: memref<!tpu.dma_semaphore, #tpu.memory_space<semaphore_mem>>, %arg12: memref<!tpu.dma_semaphore, #tpu.memory_space<semaphore_mem>>, %arg13: memref<!tpu.dma_semaphore, #tpu.memory_space<semaphore_mem>>, %arg14: memref<10000x128xf32, #tpu.memory_space<vmem_shared>>) attributes {dimension_semantics = [#tpu.dimension_semantics<core_parallel>, #tpu.dimension_semantics<subcore_parallel>], iteration_bounds = array<i64: 2, 16>, scalar_prefetch = 0 : i64, scratch_operands = 9 : i64, tpu.core_type = #tpu.core_type<sc_vector_subcore>, window_params = [{transform_indices = #map}, {transform_indices = #map1}, {transform_indices = #map1}, {transform_indices = #map1}]} {
    %mul3A = arith.constant 16 : i32
    %mul3A_0 = arith.muli %arg0, %mul3A : i32
    %add3A = arith.addi %mul3A_0, %arg1 : i32
    %mul3A_1 = arith.constant 624 : i32
    %mul3A_2 = arith.muli %arg1, %mul3A_1 : i32
    %broadcast_in_dim3A = arith.constant 0.000000e+00 : f32
    %broadcast_in_dim3A_3 = vector.broadcast %broadcast_in_dim3A : f32 to vector<16xf32>
    %scan3A = arith.constant 0 : i32
    %scan3A_4 = arith.constant 0 : i32
    %scan3A_5 = arith.constant 128 : i32
    %scan3A_6 = arith.addi %scan3A_4, %scan3A_5 : i32
    %scan3A_7 = arith.constant 1 : i32
    %scan3A_8 = scf.for %scan3A_39 = %scan3A_4 to %scan3A_6 step %scan3A_7 iter_args(%scan3A_40 = %scan3A) -> (i32)  : i32 {
      %swap3A = arith.index_cast %scan3A_39 : i32 to index
      %swap3A_41 = arith.constant 0 : index
      %swap3A_42 = tpu.vector_load %arg8[%swap3A, %swap3A_41] {strides = array<i32>} : memref<128x128xf32, #tpu.memory_space<vmem>>, vector<1x16xf32>,
      %swap3A_43 = vector.shape_cast %swap3A_42 : vector<1x16xf32> to vector<16xf32>
      %swap3A_44 = vector.shape_cast %broadcast_in_dim3A_3 : vector<16xf32> to vector<1x16xf32>
      tpu.vector_store %arg8[%swap3A, %swap3A_41], %swap3A_44 {strides = array<i32>} : memref<128x128xf32, #tpu.memory_space<vmem>>, vector<1x16xf32>,
      %swap3A_45 = arith.index_cast %scan3A_39 : i32 to index
      %swap3A_46 = arith.constant 16 : index
      %swap3A_47 = tpu.vector_load %arg8[%swap3A_45, %swap3A_46] {strides = array<i32>} : memref<128x128xf32, #tpu.memory_space<vmem>>, vector<1x16xf32>,
      %swap3A_48 = vector.shape_cast %swap3A_47 : vector<1x16xf32> to vector<16xf32>
      %swap3A_49 = vector.shape_cast %broadcast_in_dim3A_3 : vector<16xf32> to vector<1x16xf32>
      tpu.vector_store %arg8[%swap3A_45, %swap3A_46], %swap3A_49 {strides = array<i32>} : memref<128x128xf32, #tpu.memory_space<vmem>>, vector<1x16xf32>,
      %swap3A_50 = arith.index_cast %scan3A_39 : i32 to index
      %swap3A_51 = arith.constant 32 : index
      %swap3A_52 = tpu.vector_load %arg8[%swap3A_50, %swap3A_51] {strides = array<i32>} : memref<128x128xf32, #tpu.memory_space<vmem>>, vector<1x16xf32>,
      %swap3A_53 = vector.shape_cast %swap3A_52 : vector<1x16xf32> to vector<16xf32>
      %swap3A_54 = vector.shape_cast %broadcast_in_dim3A_3 : vector<16xf32> to vector<1x16xf32>
      tpu.vector_store %arg8[%swap3A_50, %swap3A_51], %swap3A_54 {strides = array<i32>} : memref<128x128xf32, #tpu.memory_space<vmem>>, vector<1x16xf32>,
      %swap3A_55 = arith.index_cast %scan3A_39 : i32 to index
      %swap3A_56 = arith.constant 48 : index
      %swap3A_57 = tpu.vector_load %arg8[%swap3A_55, %swap3A_56] {strides = array<i32>} : memref<128x128xf32, #tpu.memory_space<vmem>>, vector<1x16xf32>,
      %swap3A_58 = vector.shape_cast %swap3A_57 : vector<1x16xf32> to vector<16xf32>
      %swap3A_59 = vector.shape_cast %broadcast_in_dim3A_3 : vector<16xf32> to vector<1x16xf32>
      tpu.vector_store %arg8[%swap3A_55, %swap3A_56], %swap3A_59 {strides = array<i32>} : memref<128x128xf32, #tpu.memory_space<vmem>>, vector<1x16xf32>,
      %swap3A_60 = arith.index_cast %scan3A_39 : i32 to index
      %swap3A_61 = arith.constant 64 : index
      %swap3A_62 = tpu.vector_load %arg8[%swap3A_60, %swap3A_61] {strides = array<i32>} : memref<128x128xf32, #tpu.memory_space<vmem>>, vector<1x16xf32>,
      %swap3A_63 = vector.shape_cast %swap3A_62 : vector<1x16xf32> to vector<16xf32>
      %swap3A_64 = vector.shape_cast %broadcast_in_dim3A_3 : vector<16xf32> to vector<1x16xf32>
      tpu.vector_store %arg8[%swap3A_60, %swap3A_61], %swap3A_64 {strides = array<i32>} : memref<128x128xf32, #tpu.memory_space<vmem>>, vector<1x16xf32>,
      %swap3A_65 = arith.index_cast %scan3A_39 : i32 to index
      %swap3A_66 = arith.constant 80 : index
      %swap3A_67 = tpu.vector_load %arg8[%swap3A_65, %swap3A_66] {strides = array<i32>} : memref<128x128xf32, #tpu.memory_space<vmem>>, vector<1x16xf32>,
      %swap3A_68 = vector.shape_cast %swap3A_67 : vector<1x16xf32> to vector<16xf32>
      %swap3A_69 = vector.shape_cast %broadcast_in_dim3A_3 : vector<16xf32> to vector<1x16xf32>
      tpu.vector_store %arg8[%swap3A_65, %swap3A_66], %swap3A_69 {strides = array<i32>} : memref<128x128xf32, #tpu.memory_space<vmem>>, vector<1x16xf32>,
      %swap3A_70 = arith.index_cast %scan3A_39 : i32 to index
      %swap3A_71 = arith.constant 96 : index
      %swap3A_72 = tpu.vector_load %arg8[%swap3A_70, %swap3A_71] {strides = array<i32>} : memref<128x128xf32, #tpu.memory_space<vmem>>, vector<1x16xf32>,
      %swap3A_73 = vector.shape_cast %swap3A_72 : vector<1x16xf32> to vector<16xf32>
      %swap3A_74 = vector.shape_cast %broadcast_in_dim3A_3 : vector<16xf32> to vector<1x16xf32>
      tpu.vector_store %arg8[%swap3A_70, %swap3A_71], %swap3A_74 {strides = array<i32>} : memref<128x128xf32, #tpu.memory_space<vmem>>, vector<1x16xf32>,
      %swap3A_75 = arith.index_cast %scan3A_39 : i32 to index
      %swap3A_76 = arith.constant 112 : index
      %swap3A_77 = tpu.vector_load %arg8[%swap3A_75, %swap3A_76] {strides = array<i32>} : memref<128x128xf32, #tpu.memory_space<vmem>>, vector<1x16xf32>,
      %swap3A_78 = vector.shape_cast %swap3A_77 : vector<1x16xf32> to vector<16xf32>
      %swap3A_79 = vector.shape_cast %broadcast_in_dim3A_3 : vector<16xf32> to vector<1x16xf32>
      tpu.vector_store %arg8[%swap3A_75, %swap3A_76], %swap3A_79 {strides = array<i32>} : memref<128x128xf32, #tpu.memory_space<vmem>>, vector<1x16xf32>,
      %scan3A_80 = arith.constant 0 : i32
      scf.yield %scan3A_80 : i32
    }
    %scan3A_9 = arith.constant 128 : i32
    %lt3A = arith.constant 15 : i32
    %lt3A_10 = arith.cmpi slt, %arg1, %lt3A : i32
    %convert_element_type3A = arith.extui %lt3A_10 : i1 to i32
    %cond3A = arith.constant 0 : i32
    %cond3A_11 = arith.cmpi ne, %convert_element_type3A, %cond3A : i32
    scf.if %cond3A_11 {
      %add3A_39 = arith.constant 0 : i32
      %add3A_40 = arith.addi %mul3A_2, %add3A_39 : i32
      "tpu.region"() ({
        %run_scoped3A = tpu.sem_alloc : memref<!tpu.dma_semaphore, #tpu.memory_space<semaphore_mem>>
        %dma_start3A = arith.constant 0 : i32
        %dma_start3A_49 = arith.constant 0 : i32
        %dma_start3A_50 = tpu.memref_slice %arg8[%dma_start3A, %dma_start3A_49] : memref<128x128xf32, #tpu.memory_space<vmem>> -> memref<128x128xf32, #tpu.memory_space<vmem>>
        %dma_start3A_51 = arith.constant 0 : i32
        %dma_start3A_52 = tpu.memref_slice %arg14[%add3A_40, %dma_start3A_51] : memref<10000x128xf32, #tpu.memory_space<vmem_shared>> -> memref<128x128xf32, #tpu.memory_space<vmem_shared>>
        %dma_start3A_53 = arith.constant 0 : i32
        %dma_start3A_54 = tpu.memref_slice %arg14[%add3A_40, %dma_start3A_53] : memref<10000x128xf32, #tpu.memory_space<vmem_shared>> -> memref<128x128xf32, #tpu.memory_space<vmem_shared>>
        %dma_start3A_55 = arith.constant 0 : i32
        %dma_start3A_56 = arith.constant 0 : i32
        %dma_start3A_57 = tpu.memref_slice %arg8[%dma_start3A_55, %dma_start3A_56] : memref<128x128xf32, #tpu.memory_space<vmem>> -> memref<128x128xf32, #tpu.memory_space<vmem>>
        tpu.enqueue_dma source(%dma_start3A_57 : memref<128x128xf32, #tpu.memory_space<vmem>>) target(%dma_start3A_54 : memref<128x128xf32, #tpu.memory_space<vmem_shared>>) target_semaphore(%run_scoped3A : memref<!tpu.dma_semaphore, #tpu.memory_space<semaphore_mem>>)
        %dma_wait3A = arith.constant 0 : i32
        %dma_wait3A_58 = arith.constant 0 : i32
        %dma_wait3A_59 = tpu.memref_slice %arg8[%dma_wait3A, %dma_wait3A_58] : memref<128x128xf32, #tpu.memory_space<vmem>> -> memref<128x128xf32, #tpu.memory_space<vmem>>
        %dma_wait3A_60 = arith.constant 0 : i32
        %dma_wait3A_61 = tpu.memref_slice %arg14[%add3A_40, %dma_wait3A_60] : memref<10000x128xf32, #tpu.memory_space<vmem_shared>> -> memref<128x128xf32, #tpu.memory_space<vmem_shared>>
        %dma_wait3A_62 = arith.constant 0 : i32
        %dma_wait3A_63 = tpu.memref_slice %arg14[%add3A_40, %dma_wait3A_62] : memref<10000x128xf32, #tpu.memory_space<vmem_shared>> -> memref<128x128xf32, #tpu.memory_space<vmem_shared>>
        %dma_wait3A_64 = arith.constant 0 : i32
        %dma_wait3A_65 = arith.constant 0 : i32
        %dma_wait3A_66 = tpu.memref_slice %arg8[%dma_wait3A_64, %dma_wait3A_65] : memref<128x128xf32, #tpu.memory_space<vmem>> -> memref<128x128xf32, #tpu.memory_space<vmem>>
        tpu.wait_dma2 semaphore(%run_scoped3A : memref<!tpu.dma_semaphore, #tpu.memory_space<semaphore_mem>>) src(%dma_wait3A_66 : memref<128x128xf32, #tpu.memory_space<vmem>>) dst(%dma_wait3A_63 : memref<128x128xf32, #tpu.memory_space<vmem_shared>>)
        tpu.yield
      }) : () -> ()
      %add3A_41 = arith.constant 128 : i32
      %add3A_42 = arith.addi %mul3A_2, %add3A_41 : i32
      "tpu.region"() ({
        %run_scoped3A = tpu.sem_alloc : memref<!tpu.dma_semaphore, #tpu.memory_space<semaphore_mem>>
        %dma_start3A = arith.constant 0 : i32
        %dma_start3A_49 = arith.constant 0 : i32
        %dma_start3A_50 = tpu.memref_slice %arg8[%dma_start3A, %dma_start3A_49] : memref<128x128xf32, #tpu.memory_space<vmem>> -> memref<128x128xf32, #tpu.memory_space<vmem>>
        %dma_start3A_51 = arith.constant 0 : i32
        %dma_start3A_52 = tpu.memref_slice %arg14[%add3A_42, %dma_start3A_51] : memref<10000x128xf32, #tpu.memory_space<vmem_shared>> -> memref<128x128xf32, #tpu.memory_space<vmem_shared>>
        %dma_start3A_53 = arith.constant 0 : i32
        %dma_start3A_54 = tpu.memref_slice %arg14[%add3A_42, %dma_start3A_53] : memref<10000x128xf32, #tpu.memory_space<vmem_shared>> -> memref<128x128xf32, #tpu.memory_space<vmem_shared>>
        %dma_start3A_55 = arith.constant 0 : i32
        %dma_start3A_56 = arith.constant 0 : i32
        %dma_start3A_57 = tpu.memref_slice %arg8[%dma_start3A_55, %dma_start3A_56] : memref<128x128xf32, #tpu.memory_space<vmem>> -> memref<128x128xf32, #tpu.memory_space<vmem>>
        tpu.enqueue_dma source(%dma_start3A_57 : memref<128x128xf32, #tpu.memory_space<vmem>>) target(%dma_start3A_54 : memref<128x128xf32, #tpu.memory_space<vmem_shared>>) target_semaphore(%run_scoped3A : memref<!tpu.dma_semaphore, #tpu.memory_space<semaphore_mem>>)
        %dma_wait3A = arith.constant 0 : i32
        %dma_wait3A_58 = arith.constant 0 : i32
        %dma_wait3A_59 = tpu.memref_slice %arg8[%dma_wait3A, %dma_wait3A_58] : memref<128x128xf32, #tpu.memory_space<vmem>> -> memref<128x128xf32, #tpu.memory_space<vmem>>
        %dma_wait3A_60 = arith.constant 0 : i32
        %dma_wait3A_61 = tpu.memref_slice %arg14[%add3A_42, %dma_wait3A_60] : memref<10000x128xf32, #tpu.memory_space<vmem_shared>> -> memref<128x128xf32, #tpu.memory_space<vmem_shared>>
        %dma_wait3A_62 = arith.constant 0 : i32
        %dma_wait3A_63 = tpu.memref_slice %arg14[%add3A_42, %dma_wait3A_62] : memref<10000x128xf32, #tpu.memory_space<vmem_shared>> -> memref<128x128xf32, #tpu.memory_space<vmem_shared>>
        %dma_wait3A_64 = arith.constant 0 : i32
        %dma_wait3A_65 = arith.constant 0 : i32
        %dma_wait3A_66 = tpu.memref_slice %arg8[%dma_wait3A_64, %dma_wait3A_65] : memref<128x128xf32, #tpu.memory_space<vmem>> -> memref<128x128xf32, #tpu.memory_space<vmem>>
        tpu.wait_dma2 semaphore(%run_scoped3A : memref<!tpu.dma_semaphore, #tpu.memory_space<semaphore_mem>>) src(%dma_wait3A_66 : memref<128x128xf32, #tpu.memory_space<vmem>>) dst(%dma_wait3A_63 : memref<128x128xf32, #tpu.memory_space<vmem_shared>>)
        tpu.yield
      }) : () -> ()
      %add3A_43 = arith.constant 256 : i32
      %add3A_44 = arith.addi %mul3A_2, %add3A_43 : i32
      "tpu.region"() ({
        %run_scoped3A = tpu.sem_alloc : memref<!tpu.dma_semaphore, #tpu.memory_space<semaphore_mem>>
        %dma_start3A = arith.constant 0 : i32
        %dma_start3A_49 = arith.constant 0 : i32
        %dma_start3A_50 = tpu.memref_slice %arg8[%dma_start3A, %dma_start3A_49] : memref<128x128xf32, #tpu.memory_space<vmem>> -> memref<128x128xf32, #tpu.memory_space<vmem>>
        %dma_start3A_51 = arith.constant 0 : i32
        %dma_start3A_52 = tpu.memref_slice %arg14[%add3A_44, %dma_start3A_51] : memref<10000x128xf32, #tpu.memory_space<vmem_shared>> -> memref<128x128xf32, #tpu.memory_space<vmem_shared>>
        %dma_start3A_53 = arith.constant 0 : i32
        %dma_start3A_54 = tpu.memref_slice %arg14[%add3A_44, %dma_start3A_53] : memref<10000x128xf32, #tpu.memory_space<vmem_shared>> -> memref<128x128xf32, #tpu.memory_space<vmem_shared>>
        %dma_start3A_55 = arith.constant 0 : i32
        %dma_start3A_56 = arith.constant 0 : i32
        %dma_start3A_57 = tpu.memref_slice %arg8[%dma_start3A_55, %dma_start3A_56] : memref<128x128xf32, #tpu.memory_space<vmem>> -> memref<128x128xf32, #tpu.memory_space<vmem>>
        tpu.enqueue_dma source(%dma_start3A_57 : memref<128x128xf32, #tpu.memory_space<vmem>>) target(%dma_start3A_54 : memref<128x128xf32, #tpu.memory_space<vmem_shared>>) target_semaphore(%run_scoped3A : memref<!tpu.dma_semaphore, #tpu.memory_space<semaphore_mem>>)
        %dma_wait3A = arith.constant 0 : i32
        %dma_wait3A_58 = arith.constant 0 : i32
        %dma_wait3A_59 = tpu.memref_slice %arg8[%dma_wait3A, %dma_wait3A_58] : memref<128x128xf32, #tpu.memory_space<vmem>> -> memref<128x128xf32, #tpu.memory_space<vmem>>
        %dma_wait3A_60 = arith.constant 0 : i32
        %dma_wait3A_61 = tpu.memref_slice %arg14[%add3A_44, %dma_wait3A_60] : memref<10000x128xf32, #tpu.memory_space<vmem_shared>> -> memref<128x128xf32, #tpu.memory_space<vmem_shared>>
        %dma_wait3A_62 = arith.constant 0 : i32
        %dma_wait3A_63 = tpu.memref_slice %arg14[%add3A_44, %dma_wait3A_62] : memref<10000x128xf32, #tpu.memory_space<vmem_shared>> -> memref<128x128xf32, #tpu.memory_space<vmem_shared>>
        %dma_wait3A_64 = arith.constant 0 : i32
        %dma_wait3A_65 = arith.constant 0 : i32
        %dma_wait3A_66 = tpu.memref_slice %arg8[%dma_wait3A_64, %dma_wait3A_65] : memref<128x128xf32, #tpu.memory_space<vmem>> -> memref<128x128xf32, #tpu.memory_space<vmem>>
        tpu.wait_dma2 semaphore(%run_scoped3A : memref<!tpu.dma_semaphore, #tpu.memory_space<semaphore_mem>>) src(%dma_wait3A_66 : memref<128x128xf32, #tpu.memory_space<vmem>>) dst(%dma_wait3A_63 : memref<128x128xf32, #tpu.memory_space<vmem_shared>>)
        tpu.yield
      }) : () -> ()
      %add3A_45 = arith.constant 384 : i32
      %add3A_46 = arith.addi %mul3A_2, %add3A_45 : i32
      "tpu.region"() ({
        %run_scoped3A = tpu.sem_alloc : memref<!tpu.dma_semaphore, #tpu.memory_space<semaphore_mem>>
        %dma_start3A = arith.constant 0 : i32
        %dma_start3A_49 = arith.constant 0 : i32
        %dma_start3A_50 = tpu.memref_slice %arg8[%dma_start3A, %dma_start3A_49] : memref<128x128xf32, #tpu.memory_space<vmem>> -> memref<128x128xf32, #tpu.memory_space<vmem>>
        %dma_start3A_51 = arith.constant 0 : i32
        %dma_start3A_52 = tpu.memref_slice %arg14[%add3A_46, %dma_start3A_51] : memref<10000x128xf32, #tpu.memory_space<vmem_shared>> -> memref<128x128xf32, #tpu.memory_space<vmem_shared>>
        %dma_start3A_53 = arith.constant 0 : i32
        %dma_start3A_54 = tpu.memref_slice %arg14[%add3A_46, %dma_start3A_53] : memref<10000x128xf32, #tpu.memory_space<vmem_shared>> -> memref<128x128xf32, #tpu.memory_space<vmem_shared>>
        %dma_start3A_55 = arith.constant 0 : i32
        %dma_start3A_56 = arith.constant 0 : i32
        %dma_start3A_57 = tpu.memref_slice %arg8[%dma_start3A_55, %dma_start3A_56] : memref<128x128xf32, #tpu.memory_space<vmem>> -> memref<128x128xf32, #tpu.memory_space<vmem>>
        tpu.enqueue_dma source(%dma_start3A_57 : memref<128x128xf32, #tpu.memory_space<vmem>>) target(%dma_start3A_54 : memref<128x128xf32, #tpu.memory_space<vmem_shared>>) target_semaphore(%run_scoped3A : memref<!tpu.dma_semaphore, #tpu.memory_space<semaphore_mem>>)
        %dma_wait3A = arith.constant 0 : i32
        %dma_wait3A_58 = arith.constant 0 : i32
        %dma_wait3A_59 = tpu.memref_slice %arg8[%dma_wait3A, %dma_wait3A_58] : memref<128x128xf32, #tpu.memory_space<vmem>> -> memref<128x128xf32, #tpu.memory_space<vmem>>
        %dma_wait3A_60 = arith.constant 0 : i32
        %dma_wait3A_61 = tpu.memref_slice %arg14[%add3A_46, %dma_wait3A_60] : memref<10000x128xf32, #tpu.memory_space<vmem_shared>> -> memref<128x128xf32, #tpu.memory_space<vmem_shared>>
        %dma_wait3A_62 = arith.constant 0 : i32
        %dma_wait3A_63 = tpu.memref_slice %arg14[%add3A_46, %dma_wait3A_62] : memref<10000x128xf32, #tpu.memory_space<vmem_shared>> -> memref<128x128xf32, #tpu.memory_space<vmem_shared>>
        %dma_wait3A_64 = arith.constant 0 : i32
        %dma_wait3A_65 = arith.constant 0 : i32
        %dma_wait3A_66 = tpu.memref_slice %arg8[%dma_wait3A_64, %dma_wait3A_65] : memref<128x128xf32, #tpu.memory_space<vmem>> -> memref<128x128xf32, #tpu.memory_space<vmem>>
        tpu.wait_dma2 semaphore(%run_scoped3A : memref<!tpu.dma_semaphore, #tpu.memory_space<semaphore_mem>>) src(%dma_wait3A_66 : memref<128x128xf32, #tpu.memory_space<vmem>>) dst(%dma_wait3A_63 : memref<128x128xf32, #tpu.memory_space<vmem_shared>>)
        tpu.yield
      }) : () -> ()
      %add3A_47 = arith.constant 512 : i32
      %add3A_48 = arith.addi %mul3A_2, %add3A_47 : i32
      "tpu.region"() ({
        %run_scoped3A = tpu.sem_alloc : memref<!tpu.dma_semaphore, #tpu.memory_space<semaphore_mem>>
        %dma_start3A = arith.constant 0 : i32
        %dma_start3A_49 = arith.constant 0 : i32
        %dma_start3A_50 = tpu.memref_slice %arg8[%dma_start3A, %dma_start3A_49] : memref<128x128xf32, #tpu.memory_space<vmem>> -> memref<112x128xf32, #tpu.memory_space<vmem>>
        %dma_start3A_51 = arith.constant 0 : i32
        %dma_start3A_52 = tpu.memref_slice %arg14[%add3A_48, %dma_start3A_51] : memref<10000x128xf32, #tpu.memory_space<vmem_shared>> -> memref<112x128xf32, #tpu.memory_space<vmem_shared>>
        %dma_start3A_53 = arith.constant 0 : i32
        %dma_start3A_54 = tpu.memref_slice %arg14[%add3A_48, %dma_start3A_53] : memref<10000x128xf32, #tpu.memory_space<vmem_shared>> -> memref<112x128xf32, #tpu.memory_space<vmem_shared>>
        %dma_start3A_55 = arith.constant 0 : i32
        %dma_start3A_56 = arith.constant 0 : i32
        %dma_start3A_57 = tpu.memref_slice %arg8[%dma_start3A_55, %dma_start3A_56] : memref<128x128xf32, #tpu.memory_space<vmem>> -> memref<112x128xf32, #tpu.memory_space<vmem>>
        tpu.enqueue_dma source(%dma_start3A_57 : memref<112x128xf32, #tpu.memory_space<vmem>>) target(%dma_start3A_54 : memref<112x128xf32, #tpu.memory_space<vmem_shared>>) target_semaphore(%run_scoped3A : memref<!tpu.dma_semaphore, #tpu.memory_space<semaphore_mem>>)
        %dma_wait3A = arith.constant 0 : i32
        %dma_wait3A_58 = arith.constant 0 : i32
        %dma_wait3A_59 = tpu.memref_slice %arg8[%dma_wait3A, %dma_wait3A_58] : memref<128x128xf32, #tpu.memory_space<vmem>> -> memref<112x128xf32, #tpu.memory_space<vmem>>
        %dma_wait3A_60 = arith.constant 0 : i32
        %dma_wait3A_61 = tpu.memref_slice %arg14[%add3A_48, %dma_wait3A_60] : memref<10000x128xf32, #tpu.memory_space<vmem_shared>> -> memref<112x128xf32, #tpu.memory_space<vmem_shared>>
        %dma_wait3A_62 = arith.constant 0 : i32
        %dma_wait3A_63 = tpu.memref_slice %arg14[%add3A_48, %dma_wait3A_62] : memref<10000x128xf32, #tpu.memory_space<vmem_shared>> -> memref<112x128xf32, #tpu.memory_space<vmem_shared>>
        %dma_wait3A_64 = arith.constant 0 : i32
        %dma_wait3A_65 = arith.constant 0 : i32
        %dma_wait3A_66 = tpu.memref_slice %arg8[%dma_wait3A_64, %dma_wait3A_65] : memref<128x128xf32, #tpu.memory_space<vmem>> -> memref<112x128xf32, #tpu.memory_space<vmem>>
        tpu.wait_dma2 semaphore(%run_scoped3A : memref<!tpu.dma_semaphore, #tpu.memory_space<semaphore_mem>>) src(%dma_wait3A_66 : memref<112x128xf32, #tpu.memory_space<vmem>>) dst(%dma_wait3A_63 : memref<112x128xf32, #tpu.memory_space<vmem_shared>>)
        tpu.yield
      }) : () -> ()
    } else {
    }
    %eq3A = arith.constant 15 : i32
    %eq3A_12 = arith.cmpi eq, %arg1, %eq3A : i32
    %convert_element_type3A_13 = arith.extui %eq3A_12 : i1 to i32
    %cond3A_14 = arith.constant 0 : i32
    %cond3A_15 = arith.cmpi ne, %convert_element_type3A_13, %cond3A_14 : i32
    scf.if %cond3A_15 {
      %add3A_39 = arith.constant 0 : i32
      %add3A_40 = arith.addi %mul3A_2, %add3A_39 : i32
      "tpu.region"() ({
        %run_scoped3A = tpu.sem_alloc : memref<!tpu.dma_semaphore, #tpu.memory_space<semaphore_mem>>
        %dma_start3A = arith.constant 0 : i32
        %dma_start3A_49 = arith.constant 0 : i32
        %dma_start3A_50 = tpu.memref_slice %arg8[%dma_start3A, %dma_start3A_49] : memref<128x128xf32, #tpu.memory_space<vmem>> -> memref<128x128xf32, #tpu.memory_space<vmem>>
        %dma_start3A_51 = arith.constant 0 : i32
        %dma_start3A_52 = tpu.memref_slice %arg14[%add3A_40, %dma_start3A_51] : memref<10000x128xf32, #tpu.memory_space<vmem_shared>> -> memref<128x128xf32, #tpu.memory_space<vmem_shared>>
        %dma_start3A_53 = arith.constant 0 : i32
        %dma_start3A_54 = tpu.memref_slice %arg14[%add3A_40, %dma_start3A_53] : memref<10000x128xf32, #tpu.memory_space<vmem_shared>> -> memref<128x128xf32, #tpu.memory_space<vmem_shared>>
        %dma_start3A_55 = arith.constant 0 : i32
        %dma_start3A_56 = arith.constant 0 : i32
        %dma_start3A_57 = tpu.memref_slice %arg8[%dma_start3A_55, %dma_start3A_56] : memref<128x128xf32, #tpu.memory_space<vmem>> -> memref<128x128xf32, #tpu.memory_space<vmem>>
        tpu.enqueue_dma source(%dma_start3A_57 : memref<128x128xf32, #tpu.memory_space<vmem>>) target(%dma_start3A_54 : memref<128x128xf32, #tpu.memory_space<vmem_shared>>) target_semaphore(%run_scoped3A : memref<!tpu.dma_semaphore, #tpu.memory_space<semaphore_mem>>)
        %dma_wait3A = arith.constant 0 : i32
        %dma_wait3A_58 = arith.constant 0 : i32
        %dma_wait3A_59 = tpu.memref_slice %arg8[%dma_wait3A, %dma_wait3A_58] : memref<128x128xf32, #tpu.memory_space<vmem>> -> memref<128x128xf32, #tpu.memory_space<vmem>>
        %dma_wait3A_60 = arith.constant 0 : i32
        %dma_wait3A_61 = tpu.memref_slice %arg14[%add3A_40, %dma_wait3A_60] : memref<10000x128xf32, #tpu.memory_space<vmem_shared>> -> memref<128x128xf32, #tpu.memory_space<vmem_shared>>
        %dma_wait3A_62 = arith.constant 0 : i32
        %dma_wait3A_63 = tpu.memref_slice %arg14[%add3A_40, %dma_wait3A_62] : memref<10000x128xf32, #tpu.memory_space<vmem_shared>> -> memref<128x128xf32, #tpu.memory_space<vmem_shared>>
        %dma_wait3A_64 = arith.constant 0 : i32
        %dma_wait3A_65 = arith.constant 0 : i32
        %dma_wait3A_66 = tpu.memref_slice %arg8[%dma_wait3A_64, %dma_wait3A_65] : memref<128x128xf32, #tpu.memory_space<vmem>> -> memref<128x128xf32, #tpu.memory_space<vmem>>
        tpu.wait_dma2 semaphore(%run_scoped3A : memref<!tpu.dma_semaphore, #tpu.memory_space<semaphore_mem>>) src(%dma_wait3A_66 : memref<128x128xf32, #tpu.memory_space<vmem>>) dst(%dma_wait3A_63 : memref<128x128xf32, #tpu.memory_space<vmem_shared>>)
        tpu.yield
      }) : () -> ()
      %add3A_41 = arith.constant 128 : i32
      %add3A_42 = arith.addi %mul3A_2, %add3A_41 : i32
      "tpu.region"() ({
        %run_scoped3A = tpu.sem_alloc : memref<!tpu.dma_semaphore, #tpu.memory_space<semaphore_mem>>
        %dma_start3A = arith.constant 0 : i32
        %dma_start3A_49 = arith.constant 0 : i32
        %dma_start3A_50 = tpu.memref_slice %arg8[%dma_start3A, %dma_start3A_49] : memref<128x128xf32, #tpu.memory_space<vmem>> -> memref<128x128xf32, #tpu.memory_space<vmem>>
        %dma_start3A_51 = arith.constant 0 : i32
        %dma_start3A_52 = tpu.memref_slice %arg14[%add3A_42, %dma_start3A_51] : memref<10000x128xf32, #tpu.memory_space<vmem_shared>> -> memref<128x128xf32, #tpu.memory_space<vmem_shared>>
        %dma_start3A_53 = arith.constant 0 : i32
        %dma_start3A_54 = tpu.memref_slice %arg14[%add3A_42, %dma_start3A_53] : memref<10000x128xf32, #tpu.memory_space<vmem_shared>> -> memref<128x128xf32, #tpu.memory_space<vmem_shared>>
        %dma_start3A_55 = arith.constant 0 : i32
        %dma_start3A_56 = arith.constant 0 : i32
        %dma_start3A_57 = tpu.memref_slice %arg8[%dma_start3A_55, %dma_start3A_56] : memref<128x128xf32, #tpu.memory_space<vmem>> -> memref<128x128xf32, #tpu.memory_space<vmem>>
        tpu.enqueue_dma source(%dma_start3A_57 : memref<128x128xf32, #tpu.memory_space<vmem>>) target(%dma_start3A_54 : memref<128x128xf32, #tpu.memory_space<vmem_shared>>) target_semaphore(%run_scoped3A : memref<!tpu.dma_semaphore, #tpu.memory_space<semaphore_mem>>)
        %dma_wait3A = arith.constant 0 : i32
        %dma_wait3A_58 = arith.constant 0 : i32
        %dma_wait3A_59 = tpu.memref_slice %arg8[%dma_wait3A, %dma_wait3A_58] : memref<128x128xf32, #tpu.memory_space<vmem>> -> memref<128x128xf32, #tpu.memory_space<vmem>>
        %dma_wait3A_60 = arith.constant 0 : i32
        %dma_wait3A_61 = tpu.memref_slice %arg14[%add3A_42, %dma_wait3A_60] : memref<10000x128xf32, #tpu.memory_space<vmem_shared>> -> memref<128x128xf32, #tpu.memory_space<vmem_shared>>
        %dma_wait3A_62 = arith.constant 0 : i32
        %dma_wait3A_63 = tpu.memref_slice %arg14[%add3A_42, %dma_wait3A_62] : memref<10000x128xf32, #tpu.memory_space<vmem_shared>> -> memref<128x128xf32, #tpu.memory_space<vmem_shared>>
        %dma_wait3A_64 = arith.constant 0 : i32
        %dma_wait3A_65 = arith.constant 0 : i32
        %dma_wait3A_66 = tpu.memref_slice %arg8[%dma_wait3A_64, %dma_wait3A_65] : memref<128x128xf32, #tpu.memory_space<vmem>> -> memref<128x128xf32, #tpu.memory_space<vmem>>
        tpu.wait_dma2 semaphore(%run_scoped3A : memref<!tpu.dma_semaphore, #tpu.memory_space<semaphore_mem>>) src(%dma_wait3A_66 : memref<128x128xf32, #tpu.memory_space<vmem>>) dst(%dma_wait3A_63 : memref<128x128xf32, #tpu.memory_space<vmem_shared>>)
        tpu.yield
      }) : () -> ()
      %add3A_43 = arith.constant 256 : i32
      %add3A_44 = arith.addi %mul3A_2, %add3A_43 : i32
      "tpu.region"() ({
        %run_scoped3A = tpu.sem_alloc : memref<!tpu.dma_semaphore, #tpu.memory_space<semaphore_mem>>
        %dma_start3A = arith.constant 0 : i32
        %dma_start3A_49 = arith.constant 0 : i32
        %dma_start3A_50 = tpu.memref_slice %arg8[%dma_start3A, %dma_start3A_49] : memref<128x128xf32, #tpu.memory_space<vmem>> -> memref<128x128xf32, #tpu.memory_space<vmem>>
        %dma_start3A_51 = arith.constant 0 : i32
        %dma_start3A_52 = tpu.memref_slice %arg14[%add3A_44, %dma_start3A_51] : memref<10000x128xf32, #tpu.memory_space<vmem_shared>> -> memref<128x128xf32, #tpu.memory_space<vmem_shared>>
        %dma_start3A_53 = arith.constant 0 : i32
        %dma_start3A_54 = tpu.memref_slice %arg14[%add3A_44, %dma_start3A_53] : memref<10000x128xf32, #tpu.memory_space<vmem_shared>> -> memref<128x128xf32, #tpu.memory_space<vmem_shared>>
        %dma_start3A_55 = arith.constant 0 : i32
        %dma_start3A_56 = arith.constant 0 : i32
        %dma_start3A_57 = tpu.memref_slice %arg8[%dma_start3A_55, %dma_start3A_56] : memref<128x128xf32, #tpu.memory_space<vmem>> -> memref<128x128xf32, #tpu.memory_space<vmem>>
        tpu.enqueue_dma source(%dma_start3A_57 : memref<128x128xf32, #tpu.memory_space<vmem>>) target(%dma_start3A_54 : memref<128x128xf32, #tpu.memory_space<vmem_shared>>) target_semaphore(%run_scoped3A : memref<!tpu.dma_semaphore, #tpu.memory_space<semaphore_mem>>)
        %dma_wait3A = arith.constant 0 : i32
        %dma_wait3A_58 = arith.constant 0 : i32
        %dma_wait3A_59 = tpu.memref_slice %arg8[%dma_wait3A, %dma_wait3A_58] : memref<128x128xf32, #tpu.memory_space<vmem>> -> memref<128x128xf32, #tpu.memory_space<vmem>>
        %dma_wait3A_60 = arith.constant 0 : i32
        %dma_wait3A_61 = tpu.memref_slice %arg14[%add3A_44, %dma_wait3A_60] : memref<10000x128xf32, #tpu.memory_space<vmem_shared>> -> memref<128x128xf32, #tpu.memory_space<vmem_shared>>
        %dma_wait3A_62 = arith.constant 0 : i32
        %dma_wait3A_63 = tpu.memref_slice %arg14[%add3A_44, %dma_wait3A_62] : memref<10000x128xf32, #tpu.memory_space<vmem_shared>> -> memref<128x128xf32, #tpu.memory_space<vmem_shared>>
        %dma_wait3A_64 = arith.constant 0 : i32
        %dma_wait3A_65 = arith.constant 0 : i32
        %dma_wait3A_66 = tpu.memref_slice %arg8[%dma_wait3A_64, %dma_wait3A_65] : memref<128x128xf32, #tpu.memory_space<vmem>> -> memref<128x128xf32, #tpu.memory_space<vmem>>
        tpu.wait_dma2 semaphore(%run_scoped3A : memref<!tpu.dma_semaphore, #tpu.memory_space<semaphore_mem>>) src(%dma_wait3A_66 : memref<128x128xf32, #tpu.memory_space<vmem>>) dst(%dma_wait3A_63 : memref<128x128xf32, #tpu.memory_space<vmem_shared>>)
        tpu.yield
      }) : () -> ()
      %add3A_45 = arith.constant 384 : i32
      %add3A_46 = arith.addi %mul3A_2, %add3A_45 : i32
      "tpu.region"() ({
        %run_scoped3A = tpu.sem_alloc : memref<!tpu.dma_semaphore, #tpu.memory_space<semaphore_mem>>
        %dma_start3A = arith.constant 0 : i32
        %dma_start3A_49 = arith.constant 0 : i32
        %dma_start3A_50 = tpu.memref_slice %arg8[%dma_start3A, %dma_start3A_49] : memref<128x128xf32, #tpu.memory_space<vmem>> -> memref<128x128xf32, #tpu.memory_space<vmem>>
        %dma_start3A_51 = arith.constant 0 : i32
        %dma_start3A_52 = tpu.memref_slice %arg14[%add3A_46, %dma_start3A_51] : memref<10000x128xf32, #tpu.memory_space<vmem_shared>> -> memref<128x128xf32, #tpu.memory_space<vmem_shared>>
        %dma_start3A_53 = arith.constant 0 : i32
        %dma_start3A_54 = tpu.memref_slice %arg14[%add3A_46, %dma_start3A_53] : memref<10000x128xf32, #tpu.memory_space<vmem_shared>> -> memref<128x128xf32, #tpu.memory_space<vmem_shared>>
        %dma_start3A_55 = arith.constant 0 : i32
        %dma_start3A_56 = arith.constant 0 : i32
        %dma_start3A_57 = tpu.memref_slice %arg8[%dma_start3A_55, %dma_start3A_56] : memref<128x128xf32, #tpu.memory_space<vmem>> -> memref<128x128xf32, #tpu.memory_space<vmem>>
        tpu.enqueue_dma source(%dma_start3A_57 : memref<128x128xf32, #tpu.memory_space<vmem>>) target(%dma_start3A_54 : memref<128x128xf32, #tpu.memory_space<vmem_shared>>) target_semaphore(%run_scoped3A : memref<!tpu.dma_semaphore, #tpu.memory_space<semaphore_mem>>)
        %dma_wait3A = arith.constant 0 : i32
        %dma_wait3A_58 = arith.constant 0 : i32
        %dma_wait3A_59 = tpu.memref_slice %arg8[%dma_wait3A, %dma_wait3A_58] : memref<128x128xf32, #tpu.memory_space<vmem>> -> memref<128x128xf32, #tpu.memory_space<vmem>>
        %dma_wait3A_60 = arith.constant 0 : i32
        %dma_wait3A_61 = tpu.memref_slice %arg14[%add3A_46, %dma_wait3A_60] : memref<10000x128xf32, #tpu.memory_space<vmem_shared>> -> memref<128x128xf32, #tpu.memory_space<vmem_shared>>
        %dma_wait3A_62 = arith.constant 0 : i32
        %dma_wait3A_63 = tpu.memref_slice %arg14[%add3A_46, %dma_wait3A_62] : memref<10000x128xf32, #tpu.memory_space<vmem_shared>> -> memref<128x128xf32, #tpu.memory_space<vmem_shared>>
        %dma_wait3A_64 = arith.constant 0 : i32
        %dma_wait3A_65 = arith.constant 0 : i32
        %dma_wait3A_66 = tpu.memref_slice %arg8[%dma_wait3A_64, %dma_wait3A_65] : memref<128x128xf32, #tpu.memory_space<vmem>> -> memref<128x128xf32, #tpu.memory_space<vmem>>
        tpu.wait_dma2 semaphore(%run_scoped3A : memref<!tpu.dma_semaphore, #tpu.memory_space<semaphore_mem>>) src(%dma_wait3A_66 : memref<128x128xf32, #tpu.memory_space<vmem>>) dst(%dma_wait3A_63 : memref<128x128xf32, #tpu.memory_space<vmem_shared>>)
        tpu.yield
      }) : () -> ()
      %add3A_47 = arith.constant 512 : i32
      %add3A_48 = arith.addi %mul3A_2, %add3A_47 : i32
      "tpu.region"() ({
        %run_scoped3A = tpu.sem_alloc : memref<!tpu.dma_semaphore, #tpu.memory_space<semaphore_mem>>
        %dma_start3A = arith.constant 0 : i32
        %dma_start3A_49 = arith.constant 0 : i32
        %dma_start3A_50 = tpu.memref_slice %arg8[%dma_start3A, %dma_start3A_49] : memref<128x128xf32, #tpu.memory_space<vmem>> -> memref<128x128xf32, #tpu.memory_space<vmem>>
        %dma_start3A_51 = arith.constant 0 : i32
        %dma_start3A_52 = tpu.memref_slice %arg14[%add3A_48, %dma_start3A_51] : memref<10000x128xf32, #tpu.memory_space<vmem_shared>> -> memref<128x128xf32, #tpu.memory_space<vmem_shared>>
        %dma_start3A_53 = arith.constant 0 : i32
        %dma_start3A_54 = tpu.memref_slice %arg14[%add3A_48, %dma_start3A_53] : memref<10000x128xf32, #tpu.memory_space<vmem_shared>> -> memref<128x128xf32, #tpu.memory_space<vmem_shared>>
        %dma_start3A_55 = arith.constant 0 : i32
        %dma_start3A_56 = arith.constant 0 : i32
        %dma_start3A_57 = tpu.memref_slice %arg8[%dma_start3A_55, %dma_start3A_56] : memref<128x128xf32, #tpu.memory_space<vmem>> -> memref<128x128xf32, #tpu.memory_space<vmem>>
        tpu.enqueue_dma source(%dma_start3A_57 : memref<128x128xf32, #tpu.memory_space<vmem>>) target(%dma_start3A_54 : memref<128x128xf32, #tpu.memory_space<vmem_shared>>) target_semaphore(%run_scoped3A : memref<!tpu.dma_semaphore, #tpu.memory_space<semaphore_mem>>)
        %dma_wait3A = arith.constant 0 : i32
        %dma_wait3A_58 = arith.constant 0 : i32
        %dma_wait3A_59 = tpu.memref_slice %arg8[%dma_wait3A, %dma_wait3A_58] : memref<128x128xf32, #tpu.memory_space<vmem>> -> memref<128x128xf32, #tpu.memory_space<vmem>>
        %dma_wait3A_60 = arith.constant 0 : i32
        %dma_wait3A_61 = tpu.memref_slice %arg14[%add3A_48, %dma_wait3A_60] : memref<10000x128xf32, #tpu.memory_space<vmem_shared>> -> memref<128x128xf32, #tpu.memory_space<vmem_shared>>
        %dma_wait3A_62 = arith.constant 0 : i32
        %dma_wait3A_63 = tpu.memref_slice %arg14[%add3A_48, %dma_wait3A_62] : memref<10000x128xf32, #tpu.memory_space<vmem_shared>> -> memref<128x128xf32, #tpu.memory_space<vmem_shared>>
        %dma_wait3A_64 = arith.constant 0 : i32
        %dma_wait3A_65 = arith.constant 0 : i32
        %dma_wait3A_66 = tpu.memref_slice %arg8[%dma_wait3A_64, %dma_wait3A_65] : memref<128x128xf32, #tpu.memory_space<vmem>> -> memref<128x128xf32, #tpu.memory_space<vmem>>
        tpu.wait_dma2 semaphore(%run_scoped3A : memref<!tpu.dma_semaphore, #tpu.memory_space<semaphore_mem>>) src(%dma_wait3A_66 : memref<128x128xf32, #tpu.memory_space<vmem>>) dst(%dma_wait3A_63 : memref<128x128xf32, #tpu.memory_space<vmem_shared>>)
        tpu.yield
      }) : () -> ()
    } else {
    }
    %barrier3A = arith.constant 0 : index
    tpu.barrier barrier_id(%barrier3A)
    %scan3A_16 = arith.constant 0 : i32
    %scan3A_17 = arith.constant 0 : i32
    %scan3A_18 = arith.constant 3 : i32
    %scan3A_19 = arith.addi %scan3A_17, %scan3A_18 : i32
    %scan3A_20 = arith.constant 1 : i32
    %scan3A_21 = scf.for %scan3A_39 = %scan3A_17 to %scan3A_19 step %scan3A_20 iter_args(%scan3A_40 = %scan3A_16) -> (i32)  : i32 {
      %mul3A_41 = arith.constant 78 : i32
      %mul3A_42 = arith.muli %add3A, %mul3A_41 : i32
      %mul3A_43 = arith.constant 26 : i32
      %mul3A_44 = arith.muli %scan3A_39, %mul3A_43 : i32
      %add3A_45 = arith.addi %mul3A_42, %mul3A_44 : i32
      "tpu.region"() ({
        %run_scoped3A = tpu.sem_alloc : memref<!tpu.dma_semaphore, #tpu.memory_space<semaphore_mem>>
        %dma_start3A_72 = arith.constant 0 : i32
        %dma_start3A_73 = arith.constant 0 : i32
        %dma_start3A_74 = arith.constant 0 : i32
        %dma_start3A_75 = tpu.memref_slice %arg6[%dma_start3A_72, %dma_start3A_73, %dma_start3A_74] : memref<26x1x128xi32, #tpu.memory_space<vmem>> -> memref<26x1x128xi32, #tpu.memory_space<vmem>>
        %dma_start3A_76 = arith.constant 0 : i32
        %dma_start3A_77 = arith.constant 0 : i32
        %dma_start3A_78 = tpu.memref_slice %arg3[%add3A_45, %dma_start3A_76, %dma_start3A_77] : memref<2500x1x128xi32, #tpu.memory_space<hbm>> -> memref<26x1x128xi32, #tpu.memory_space<hbm>>
        %dma_start3A_79 = arith.constant 0 : i32
        %dma_start3A_80 = arith.constant 0 : i32
        %dma_start3A_81 = arith.constant 0 : i32
        %dma_start3A_82 = tpu.memref_slice %arg6[%dma_start3A_79, %dma_start3A_80, %dma_start3A_81] : memref<26x1x128xi32, #tpu.memory_space<vmem>> -> memref<26x1x128xi32, #tpu.memory_space<vmem>>
        %dma_start3A_83 = arith.constant 0 : i32
        %dma_start3A_84 = arith.constant 0 : i32
        %dma_start3A_85 = tpu.memref_slice %arg3[%add3A_45, %dma_start3A_83, %dma_start3A_84] : memref<2500x1x128xi32, #tpu.memory_space<hbm>> -> memref<26x1x128xi32, #tpu.memory_space<hbm>>
        tpu.enqueue_dma source(%dma_start3A_85 : memref<26x1x128xi32, #tpu.memory_space<hbm>>) target(%dma_start3A_82 : memref<26x1x128xi32, #tpu.memory_space<vmem>>) target_semaphore(%run_scoped3A : memref<!tpu.dma_semaphore, #tpu.memory_space<semaphore_mem>>)
        %dma_wait3A_86 = arith.constant 0 : i32
        %dma_wait3A_87 = arith.constant 0 : i32
        %dma_wait3A_88 = arith.constant 0 : i32
        %dma_wait3A_89 = tpu.memref_slice %arg6[%dma_wait3A_86, %dma_wait3A_87, %dma_wait3A_88] : memref<26x1x128xi32, #tpu.memory_space<vmem>> -> memref<26x1x128xi32, #tpu.memory_space<vmem>>
        %dma_wait3A_90 = arith.constant 0 : i32
        %dma_wait3A_91 = arith.constant 0 : i32
        %dma_wait3A_92 = tpu.memref_slice %arg3[%add3A_45, %dma_wait3A_90, %dma_wait3A_91] : memref<2500x1x128xi32, #tpu.memory_space<hbm>> -> memref<26x1x128xi32, #tpu.memory_space<hbm>>
        %dma_wait3A_93 = arith.constant 0 : i32
        %dma_wait3A_94 = arith.constant 0 : i32
        %dma_wait3A_95 = arith.constant 0 : i32
        %dma_wait3A_96 = tpu.memref_slice %arg6[%dma_wait3A_93, %dma_wait3A_94, %dma_wait3A_95] : memref<26x1x128xi32, #tpu.memory_space<vmem>> -> memref<26x1x128xi32, #tpu.memory_space<vmem>>
        %dma_wait3A_97 = arith.constant 0 : i32
        %dma_wait3A_98 = arith.constant 0 : i32
        %dma_wait3A_99 = tpu.memref_slice %arg3[%add3A_45, %dma_wait3A_97, %dma_wait3A_98] : memref<2500x1x128xi32, #tpu.memory_space<hbm>> -> memref<26x1x128xi32, #tpu.memory_space<hbm>>
        tpu.wait_dma2 semaphore(%run_scoped3A : memref<!tpu.dma_semaphore, #tpu.memory_space<semaphore_mem>>) src(%dma_wait3A_99 : memref<26x1x128xi32, #tpu.memory_space<hbm>>) dst(%dma_wait3A_96 : memref<26x1x128xi32, #tpu.memory_space<vmem>>)
        tpu.yield
      }) : () -> ()
      "tpu.region"() ({
        %run_scoped3A = tpu.sem_alloc : memref<!tpu.dma_semaphore, #tpu.memory_space<semaphore_mem>>
        %dma_start3A_72 = arith.constant 0 : i32
        %dma_start3A_73 = arith.constant 0 : i32
        %dma_start3A_74 = arith.constant 0 : i32
        %dma_start3A_75 = tpu.memref_slice %arg7[%dma_start3A_72, %dma_start3A_73, %dma_start3A_74] : memref<26x1x128xi32, #tpu.memory_space<vmem>> -> memref<26x1x128xi32, #tpu.memory_space<vmem>>
        %dma_start3A_76 = arith.constant 0 : i32
        %dma_start3A_77 = arith.constant 0 : i32
        %dma_start3A_78 = tpu.memref_slice %arg4[%add3A_45, %dma_start3A_76, %dma_start3A_77] : memref<2500x1x128xi32, #tpu.memory_space<hbm>> -> memref<26x1x128xi32, #tpu.memory_space<hbm>>
        %dma_start3A_79 = arith.constant 0 : i32
        %dma_start3A_80 = arith.constant 0 : i32
        %dma_start3A_81 = arith.constant 0 : i32
        %dma_start3A_82 = tpu.memref_slice %arg7[%dma_start3A_79, %dma_start3A_80, %dma_start3A_81] : memref<26x1x128xi32, #tpu.memory_space<vmem>> -> memref<26x1x128xi32, #tpu.memory_space<vmem>>
        %dma_start3A_83 = arith.constant 0 : i32
        %dma_start3A_84 = arith.constant 0 : i32
        %dma_start3A_85 = tpu.memref_slice %arg4[%add3A_45, %dma_start3A_83, %dma_start3A_84] : memref<2500x1x128xi32, #tpu.memory_space<hbm>> -> memref<26x1x128xi32, #tpu.memory_space<hbm>>
        tpu.enqueue_dma source(%dma_start3A_85 : memref<26x1x128xi32, #tpu.memory_space<hbm>>) target(%dma_start3A_82 : memref<26x1x128xi32, #tpu.memory_space<vmem>>) target_semaphore(%run_scoped3A : memref<!tpu.dma_semaphore, #tpu.memory_space<semaphore_mem>>)
        %dma_wait3A_86 = arith.constant 0 : i32
        %dma_wait3A_87 = arith.constant 0 : i32
        %dma_wait3A_88 = arith.constant 0 : i32
        %dma_wait3A_89 = tpu.memref_slice %arg7[%dma_wait3A_86, %dma_wait3A_87, %dma_wait3A_88] : memref<26x1x128xi32, #tpu.memory_space<vmem>> -> memref<26x1x128xi32, #tpu.memory_space<vmem>>
        %dma_wait3A_90 = arith.constant 0 : i32
        %dma_wait3A_91 = arith.constant 0 : i32
        %dma_wait3A_92 = tpu.memref_slice %arg4[%add3A_45, %dma_wait3A_90, %dma_wait3A_91] : memref<2500x1x128xi32, #tpu.memory_space<hbm>> -> memref<26x1x128xi32, #tpu.memory_space<hbm>>
        %dma_wait3A_93 = arith.constant 0 : i32
        %dma_wait3A_94 = arith.constant 0 : i32
        %dma_wait3A_95 = arith.constant 0 : i32
        %dma_wait3A_96 = tpu.memref_slice %arg7[%dma_wait3A_93, %dma_wait3A_94, %dma_wait3A_95] : memref<26x1x128xi32, #tpu.memory_space<vmem>> -> memref<26x1x128xi32, #tpu.memory_space<vmem>>
        %dma_wait3A_97 = arith.constant 0 : i32
        %dma_wait3A_98 = arith.constant 0 : i32
        %dma_wait3A_99 = tpu.memref_slice %arg4[%add3A_45, %dma_wait3A_97, %dma_wait3A_98] : memref<2500x1x128xi32, #tpu.memory_space<hbm>> -> memref<26x1x128xi32, #tpu.memory_space<hbm>>
        tpu.wait_dma2 semaphore(%run_scoped3A : memref<!tpu.dma_semaphore, #tpu.memory_space<semaphore_mem>>) src(%dma_wait3A_99 : memref<26x1x128xi32, #tpu.memory_space<hbm>>) dst(%dma_wait3A_96 : memref<26x1x128xi32, #tpu.memory_space<vmem>>)
        tpu.yield
      }) : () -> ()
      %dma_start3A = arith.constant 0 : i32
      %dma_start3A_46 = arith.constant 0 : i32
      %dma_start3A_47 = arith.constant 0 : i32
      %dma_start3A_48 = tpu.memref_slice %arg6[%dma_start3A, %dma_start3A_46, %dma_start3A_47] : memref<26x1x128xi32, #tpu.memory_space<vmem>> -> memref<1x1x128xi32, #tpu.memory_space<vmem>>
      %dma_start3A_49 = tpu.memref_squeeze %dma_start3A_48 : memref<1x1x128xi32, #tpu.memory_space<vmem>> -> memref<128xi32, #tpu.memory_space<vmem>>
      %dma_start3A_50 = arith.constant 0 : i32
      %dma_start3A_51 = arith.constant 0 : i32
      %dma_start3A_52 = tpu.memref_slice %arg2[%dma_start3A_50, %dma_start3A_51] : memref<10000x128xf32, #tpu.memory_space<hbm>> -> memref<10000x128xf32, #tpu.memory_space<hbm>>
      tpu.enqueue_indirect_dma source(%dma_start3A_52 : memref<10000x128xf32, #tpu.memory_space<hbm>>) target(%arg8 : memref<128x128xf32, #tpu.memory_space<vmem>>) offsets(%dma_start3A_49 : memref<128xi32, #tpu.memory_space<vmem>>) semaphore(%arg10 : memref<!tpu.dma_semaphore, #tpu.memory_space<semaphore_mem>>)
      %scan3A_53 = arith.constant 0 : i32
      %scan3A_54 = arith.constant 0 : i32
      %scan3A_55 = arith.constant 26 : i32
      %scan3A_56 = arith.addi %scan3A_54, %scan3A_55 : i32
      %scan3A_57 = arith.constant 1 : i32
      %scan3A_58 = scf.for %scan3A_72 = %scan3A_54 to %scan3A_56 step %scan3A_57 iter_args(%scan3A_73 = %scan3A_53) -> (i32)  : i32 {
        %jit3A = arith.constant 2 : i32
        %eq3A_74 = arith.constant 0 : i32
        %eq3A_75 = arith.cmpi eq, %jit3A, %eq3A_74 : i32
        %jit3A_76 = arith.constant 1 : i32
        %select_n3A = arith.select %eq3A_75, %jit3A_76, %jit3A : i32
        %rem3A = arith.remsi %scan3A_72, %select_n3A : i32
        %ne3A = arith.constant 0 : i32
        %ne3A_77 = arith.cmpi ne, %rem3A, %ne3A : i32
        %lt3A_78 = arith.constant 0 : i32
        %lt3A_79 = arith.cmpi slt, %rem3A, %lt3A_78 : i32
        %lt3A_80 = arith.constant 0 : i32
        %lt3A_81 = arith.cmpi slt, %select_n3A, %lt3A_80 : i32
        %ne3A_82 = arith.xori %lt3A_79, %lt3A_81 : i1
        %and3A = arith.andi %ne3A_82, %ne3A_77 : i1
        %add3A_83 = arith.addi %rem3A, %select_n3A : i32
        %select_n3A_84 = arith.select %and3A, %add3A_83, %rem3A : i32
        %eq3A_85 = arith.constant 0 : i32
        %eq3A_86 = arith.cmpi eq, %select_n3A_84, %eq3A_85 : i32
        %convert_element_type3A_87 = arith.extui %eq3A_86 : i1 to i32
        %cond3A_88 = arith.constant 0 : i32
        %cond3A_89 = arith.cmpi ne, %convert_element_type3A_87, %cond3A_88 : i32
        scf.if %cond3A_89 {
          %dma_wait3A_112 = arith.constant 0 : i32
          %dma_wait3A_113 = arith.constant 0 : i32
          %dma_wait3A_114 = tpu.memref_slice %arg2[%dma_wait3A_112, %dma_wait3A_113] : memref<10000x128xf32, #tpu.memory_space<hbm>> -> memref<128x128xf32, #tpu.memory_space<hbm>>
          %dma_wait3A_115 = arith.constant 0 : i32
          %dma_wait3A_116 = arith.constant 0 : i32
          %dma_wait3A_117 = tpu.memref_slice %arg2[%dma_wait3A_115, %dma_wait3A_116] : memref<10000x128xf32, #tpu.memory_space<hbm>> -> memref<128x128xf32, #tpu.memory_space<hbm>>
          tpu.wait_dma2 semaphore(%arg10 : memref<!tpu.dma_semaphore, #tpu.memory_space<semaphore_mem>>) src(%dma_wait3A_117 : memref<128x128xf32, #tpu.memory_space<hbm>>) dst(%arg8 : memref<128x128xf32, #tpu.memory_space<vmem>>)
          %add3A_118 = arith.constant 1 : i32
          %add3A_119 = arith.addi %scan3A_72, %add3A_118 : i32
          %lt3A_120 = arith.constant 26 : i32
          %lt3A_121 = arith.cmpi slt, %add3A_119, %lt3A_120 : i32
          %convert_element_type3A_122 = arith.extui %lt3A_121 : i1 to i32
          %cond3A_123 = arith.constant 0 : i32
          %cond3A_124 = arith.cmpi ne, %convert_element_type3A_122, %cond3A_123 : i32
          scf.if %cond3A_124 {
            %ge3A = arith.constant 1 : i32
            %ge3A_132 = arith.cmpi sge, %scan3A_72, %ge3A : i32
            %convert_element_type3A_133 = arith.extui %ge3A_132 : i1 to i32
            %cond3A_134 = arith.constant 0 : i32
            %cond3A_135 = arith.cmpi ne, %convert_element_type3A_133, %cond3A_134 : i32
            scf.if %cond3A_135 {
              %dma_wait3A_145 = arith.constant 0 : i32
              %dma_wait3A_146 = arith.constant 0 : i32
              %dma_wait3A_147 = tpu.memref_slice %arg2[%dma_wait3A_145, %dma_wait3A_146] : memref<10000x128xf32, #tpu.memory_space<hbm>> -> memref<128x128xf32, #tpu.memory_space<hbm>>
              %dma_wait3A_148 = arith.constant 0 : i32
              %dma_wait3A_149 = arith.constant 0 : i32
              %dma_wait3A_150 = tpu.memref_slice %arg2[%dma_wait3A_148, %dma_wait3A_149] : memref<10000x128xf32, #tpu.memory_space<hbm>> -> memref<128x128xf32, #tpu.memory_space<hbm>>
              tpu.wait_dma2 semaphore(%arg13 : memref<!tpu.dma_semaphore, #tpu.memory_space<semaphore_mem>>) src(%dma_wait3A_150 : memref<128x128xf32, #tpu.memory_space<hbm>>) dst(%arg9 : memref<128x128xf32, #tpu.memory_space<vmem>>)
            } else {
            }
            %add3A_136 = arith.constant 1 : i32
            %add3A_137 = arith.addi %scan3A_72, %add3A_136 : i32
            %dma_start3A_138 = arith.constant 0 : i32
            %dma_start3A_139 = arith.constant 0 : i32
            %dma_start3A_140 = tpu.memref_slice %arg6[%add3A_137, %dma_start3A_138, %dma_start3A_139] : memref<26x1x128xi32, #tpu.memory_space<vmem>> -> memref<1x1x128xi32, #tpu.memory_space<vmem>>
            %dma_start3A_141 = tpu.memref_squeeze %dma_start3A_140 : memref<1x1x128xi32, #tpu.memory_space<vmem>> -> memref<128xi32, #tpu.memory_space<vmem>>
            %dma_start3A_142 = arith.constant 0 : i32
            %dma_start3A_143 = arith.constant 0 : i32
            %dma_start3A_144 = tpu.memref_slice %arg2[%dma_start3A_142, %dma_start3A_143] : memref<10000x128xf32, #tpu.memory_space<hbm>> -> memref<10000x128xf32, #tpu.memory_space<hbm>>
            tpu.enqueue_indirect_dma source(%dma_start3A_144 : memref<10000x128xf32, #tpu.memory_space<hbm>>) target(%arg9 : memref<128x128xf32, #tpu.memory_space<vmem>>) offsets(%dma_start3A_141 : memref<128xi32, #tpu.memory_space<vmem>>) semaphore(%arg11 : memref<!tpu.dma_semaphore, #tpu.memory_space<semaphore_mem>>)
          } else {
          }
          %dma_start3A_125 = arith.constant 0 : i32
          %dma_start3A_126 = arith.constant 0 : i32
          %dma_start3A_127 = tpu.memref_slice %arg7[%scan3A_72, %dma_start3A_125, %dma_start3A_126] : memref<26x1x128xi32, #tpu.memory_space<vmem>> -> memref<1x1x128xi32, #tpu.memory_space<vmem>>
          %dma_start3A_128 = tpu.memref_squeeze %dma_start3A_127 : memref<1x1x128xi32, #tpu.memory_space<vmem>> -> memref<128xi32, #tpu.memory_space<vmem>>
          %dma_start3A_129 = arith.constant 0 : i32
          %dma_start3A_130 = arith.constant 0 : i32
          %dma_start3A_131 = tpu.memref_slice %arg14[%dma_start3A_129, %dma_start3A_130] : memref<10000x128xf32, #tpu.memory_space<vmem_shared>> -> memref<10000x128xf32, #tpu.memory_space<vmem_shared>>
          tpu.enqueue_indirect_dma source(%arg8 : memref<128x128xf32, #tpu.memory_space<vmem>>) target(%dma_start3A_131 : memref<10000x128xf32, #tpu.memory_space<vmem_shared>>) offsets(%dma_start3A_128 : memref<128xi32, #tpu.memory_space<vmem>>) semaphore(%arg12 : memref<!tpu.dma_semaphore, #tpu.memory_space<semaphore_mem>>) {add = true}
        } else {
        }
        %jit3A_90 = arith.constant 2 : i32
        %eq3A_91 = arith.constant 0 : i32
        %eq3A_92 = arith.cmpi eq, %jit3A_90, %eq3A_91 : i32
        %jit3A_93 = arith.constant 1 : i32
        %select_n3A_94 = arith.select %eq3A_92, %jit3A_93, %jit3A_90 : i32
        %rem3A_95 = arith.remsi %scan3A_72, %select_n3A_94 : i32
        %ne3A_96 = arith.constant 0 : i32
        %ne3A_97 = arith.cmpi ne, %rem3A_95, %ne3A_96 : i32
        %lt3A_98 = arith.constant 0 : i32
        %lt3A_99 = arith.cmpi slt, %rem3A_95, %lt3A_98 : i32
        %lt3A_100 = arith.constant 0 : i32
        %lt3A_101 = arith.cmpi slt, %select_n3A_94, %lt3A_100 : i32
        %ne3A_102 = arith.xori %lt3A_99, %lt3A_101 : i1
        %and3A_103 = arith.andi %ne3A_102, %ne3A_97 : i1
        %add3A_104 = arith.addi %rem3A_95, %select_n3A_94 : i32
        %select_n3A_105 = arith.select %and3A_103, %add3A_104, %rem3A_95 : i32
        %eq3A_106 = arith.constant 1 : i32
        %eq3A_107 = arith.cmpi eq, %select_n3A_105, %eq3A_106 : i32
        %convert_element_type3A_108 = arith.extui %eq3A_107 : i1 to i32
        %cond3A_109 = arith.constant 0 : i32
        %cond3A_110 = arith.cmpi ne, %convert_element_type3A_108, %cond3A_109 : i32
        scf.if %cond3A_110 {
          %dma_wait3A_112 = arith.constant 0 : i32
          %dma_wait3A_113 = arith.constant 0 : i32
          %dma_wait3A_114 = tpu.memref_slice %arg2[%dma_wait3A_112, %dma_wait3A_113] : memref<10000x128xf32, #tpu.memory_space<hbm>> -> memref<128x128xf32, #tpu.memory_space<hbm>>
          %dma_wait3A_115 = arith.constant 0 : i32
          %dma_wait3A_116 = arith.constant 0 : i32
          %dma_wait3A_117 = tpu.memref_slice %arg2[%dma_wait3A_115, %dma_wait3A_116] : memref<10000x128xf32, #tpu.memory_space<hbm>> -> memref<128x128xf32, #tpu.memory_space<hbm>>
          tpu.wait_dma2 semaphore(%arg11 : memref<!tpu.dma_semaphore, #tpu.memory_space<semaphore_mem>>) src(%dma_wait3A_117 : memref<128x128xf32, #tpu.memory_space<hbm>>) dst(%arg9 : memref<128x128xf32, #tpu.memory_space<vmem>>)
          %add3A_118 = arith.constant 1 : i32
          %add3A_119 = arith.addi %scan3A_72, %add3A_118 : i32
          %lt3A_120 = arith.constant 26 : i32
          %lt3A_121 = arith.cmpi slt, %add3A_119, %lt3A_120 : i32
          %convert_element_type3A_122 = arith.extui %lt3A_121 : i1 to i32
          %cond3A_123 = arith.constant 0 : i32
          %cond3A_124 = arith.cmpi ne, %convert_element_type3A_122, %cond3A_123 : i32
          scf.if %cond3A_124 {
            %ge3A = arith.constant 1 : i32
            %ge3A_132 = arith.cmpi sge, %scan3A_72, %ge3A : i32
            %convert_element_type3A_133 = arith.extui %ge3A_132 : i1 to i32
            %cond3A_134 = arith.constant 0 : i32
            %cond3A_135 = arith.cmpi ne, %convert_element_type3A_133, %cond3A_134 : i32
            scf.if %cond3A_135 {
              %dma_wait3A_145 = arith.constant 0 : i32
              %dma_wait3A_146 = arith.constant 0 : i32
              %dma_wait3A_147 = tpu.memref_slice %arg2[%dma_wait3A_145, %dma_wait3A_146] : memref<10000x128xf32, #tpu.memory_space<hbm>> -> memref<128x128xf32, #tpu.memory_space<hbm>>
              %dma_wait3A_148 = arith.constant 0 : i32
              %dma_wait3A_149 = arith.constant 0 : i32
              %dma_wait3A_150 = tpu.memref_slice %arg2[%dma_wait3A_148, %dma_wait3A_149] : memref<10000x128xf32, #tpu.memory_space<hbm>> -> memref<128x128xf32, #tpu.memory_space<hbm>>
              tpu.wait_dma2 semaphore(%arg12 : memref<!tpu.dma_semaphore, #tpu.memory_space<semaphore_mem>>) src(%dma_wait3A_150 : memref<128x128xf32, #tpu.memory_space<hbm>>) dst(%arg8 : memref<128x128xf32, #tpu.memory_space<vmem>>)
            } else {
            }
            %add3A_136 = arith.constant 1 : i32
            %add3A_137 = arith.addi %scan3A_72, %add3A_136 : i32
            %dma_start3A_138 = arith.constant 0 : i32
            %dma_start3A_139 = arith.constant 0 : i32
            %dma_start3A_140 = tpu.memref_slice %arg6[%add3A_137, %dma_start3A_138, %dma_start3A_139] : memref<26x1x128xi32, #tpu.memory_space<vmem>> -> memref<1x1x128xi32, #tpu.memory_space<vmem>>
            %dma_start3A_141 = tpu.memref_squeeze %dma_start3A_140 : memref<1x1x128xi32, #tpu.memory_space<vmem>> -> memref<128xi32, #tpu.memory_space<vmem>>
            %dma_start3A_142 = arith.constant 0 : i32
            %dma_start3A_143 = arith.constant 0 : i32
            %dma_start3A_144 = tpu.memref_slice %arg2[%dma_start3A_142, %dma_start3A_143] : memref<10000x128xf32, #tpu.memory_space<hbm>> -> memref<10000x128xf32, #tpu.memory_space<hbm>>
            tpu.enqueue_indirect_dma source(%dma_start3A_144 : memref<10000x128xf32, #tpu.memory_space<hbm>>) target(%arg8 : memref<128x128xf32, #tpu.memory_space<vmem>>) offsets(%dma_start3A_141 : memref<128xi32, #tpu.memory_space<vmem>>) semaphore(%arg10 : memref<!tpu.dma_semaphore, #tpu.memory_space<semaphore_mem>>)
          } else {
          }
          %dma_start3A_125 = arith.constant 0 : i32
          %dma_start3A_126 = arith.constant 0 : i32
          %dma_start3A_127 = tpu.memref_slice %arg7[%scan3A_72, %dma_start3A_125, %dma_start3A_126] : memref<26x1x128xi32, #tpu.memory_space<vmem>> -> memref<1x1x128xi32, #tpu.memory_space<vmem>>
          %dma_start3A_128 = tpu.memref_squeeze %dma_start3A_127 : memref<1x1x128xi32, #tpu.memory_space<vmem>> -> memref<128xi32, #tpu.memory_space<vmem>>
          %dma_start3A_129 = arith.constant 0 : i32
          %dma_start3A_130 = arith.constant 0 : i32
          %dma_start3A_131 = tpu.memref_slice %arg14[%dma_start3A_129, %dma_start3A_130] : memref<10000x128xf32, #tpu.memory_space<vmem_shared>> -> memref<10000x128xf32, #tpu.memory_space<vmem_shared>>
          tpu.enqueue_indirect_dma source(%arg9 : memref<128x128xf32, #tpu.memory_space<vmem>>) target(%dma_start3A_131 : memref<10000x128xf32, #tpu.memory_space<vmem_shared>>) offsets(%dma_start3A_128 : memref<128xi32, #tpu.memory_space<vmem>>) semaphore(%arg13 : memref<!tpu.dma_semaphore, #tpu.memory_space<semaphore_mem>>) {add = true}
        } else {
        }
        %scan3A_111 = arith.constant 0 : i32
        scf.yield %scan3A_111 : i32
      }
      %scan3A_59 = arith.constant 26 : i32
      %dma_wait3A = arith.constant 0 : i32
      %dma_wait3A_60 = arith.constant 0 : i32
      %dma_wait3A_61 = tpu.memref_slice %arg2[%dma_wait3A, %dma_wait3A_60] : memref<10000x128xf32, #tpu.memory_space<hbm>> -> memref<128x128xf32, #tpu.memory_space<hbm>>
      %dma_wait3A_62 = arith.constant 0 : i32
      %dma_wait3A_63 = arith.constant 0 : i32
      %dma_wait3A_64 = tpu.memref_slice %arg2[%dma_wait3A_62, %dma_wait3A_63] : memref<10000x128xf32, #tpu.memory_space<hbm>> -> memref<128x128xf32, #tpu.memory_space<hbm>>
      tpu.wait_dma2 semaphore(%arg12 : memref<!tpu.dma_semaphore, #tpu.memory_space<semaphore_mem>>) src(%dma_wait3A_64 : memref<128x128xf32, #tpu.memory_space<hbm>>) dst(%arg8 : memref<128x128xf32, #tpu.memory_space<vmem>>)
      %dma_wait3A_65 = arith.constant 0 : i32
      %dma_wait3A_66 = arith.constant 0 : i32
      %dma_wait3A_67 = tpu.memref_slice %arg2[%dma_wait3A_65, %dma_wait3A_66] : memref<10000x128xf32, #tpu.memory_space<hbm>> -> memref<128x128xf32, #tpu.memory_space<hbm>>
      %dma_wait3A_68 = arith.constant 0 : i32
      %dma_wait3A_69 = arith.constant 0 : i32
      %dma_wait3A_70 = tpu.memref_slice %arg2[%dma_wait3A_68, %dma_wait3A_69] : memref<10000x128xf32, #tpu.memory_space<hbm>> -> memref<128x128xf32, #tpu.memory_space<hbm>>
      tpu.wait_dma2 semaphore(%arg13 : memref<!tpu.dma_semaphore, #tpu.memory_space<semaphore_mem>>) src(%dma_wait3A_70 : memref<128x128xf32, #tpu.memory_space<hbm>>) dst(%arg9 : memref<128x128xf32, #tpu.memory_space<vmem>>)
      %scan3A_71 = arith.constant 0 : i32
      scf.yield %scan3A_71 : i32
    }
    %scan3A_22 = arith.constant 3 : i32
    %lt3A_23 = arith.constant 4 : i32
    %lt3A_24 = arith.cmpi slt, %add3A, %lt3A_23 : i32
    %convert_element_type3A_25 = arith.extui %lt3A_24 : i1 to i32
    %cond3A_26 = arith.constant 0 : i32
    %cond3A_27 = arith.cmpi ne, %convert_element_type3A_25, %cond3A_26 : i32
    scf.if %cond3A_27 {
      %add3A_39 = arith.constant 2496 : i32
      %add3A_40 = arith.addi %add3A_39, %add3A : i32
      "tpu.region"() ({
        %run_scoped3A = tpu.sem_alloc : memref<!tpu.dma_semaphore, #tpu.memory_space<semaphore_mem>>
        %dma_start3A_69 = arith.constant 0 : i32
        %dma_start3A_70 = arith.constant 0 : i32
        %dma_start3A_71 = arith.constant 0 : i32
        %dma_start3A_72 = tpu.memref_slice %arg6[%dma_start3A_69, %dma_start3A_70, %dma_start3A_71] : memref<26x1x128xi32, #tpu.memory_space<vmem>> -> memref<1x1x128xi32, #tpu.memory_space<vmem>>
        %dma_start3A_73 = arith.constant 0 : i32
        %dma_start3A_74 = arith.constant 0 : i32
        %dma_start3A_75 = tpu.memref_slice %arg3[%add3A_40, %dma_start3A_73, %dma_start3A_74] : memref<2500x1x128xi32, #tpu.memory_space<hbm>> -> memref<1x1x128xi32, #tpu.memory_space<hbm>>
        %dma_start3A_76 = arith.constant 0 : i32
        %dma_start3A_77 = arith.constant 0 : i32
        %dma_start3A_78 = arith.constant 0 : i32
        %dma_start3A_79 = tpu.memref_slice %arg6[%dma_start3A_76, %dma_start3A_77, %dma_start3A_78] : memref<26x1x128xi32, #tpu.memory_space<vmem>> -> memref<1x1x128xi32, #tpu.memory_space<vmem>>
        %dma_start3A_80 = arith.constant 0 : i32
        %dma_start3A_81 = arith.constant 0 : i32
        %dma_start3A_82 = tpu.memref_slice %arg3[%add3A_40, %dma_start3A_80, %dma_start3A_81] : memref<2500x1x128xi32, #tpu.memory_space<hbm>> -> memref<1x1x128xi32, #tpu.memory_space<hbm>>
        tpu.enqueue_dma source(%dma_start3A_82 : memref<1x1x128xi32, #tpu.memory_space<hbm>>) target(%dma_start3A_79 : memref<1x1x128xi32, #tpu.memory_space<vmem>>) target_semaphore(%run_scoped3A : memref<!tpu.dma_semaphore, #tpu.memory_space<semaphore_mem>>)
        %dma_wait3A_83 = arith.constant 0 : i32
        %dma_wait3A_84 = arith.constant 0 : i32
        %dma_wait3A_85 = arith.constant 0 : i32
        %dma_wait3A_86 = tpu.memref_slice %arg6[%dma_wait3A_83, %dma_wait3A_84, %dma_wait3A_85] : memref<26x1x128xi32, #tpu.memory_space<vmem>> -> memref<1x1x128xi32, #tpu.memory_space<vmem>>
        %dma_wait3A_87 = arith.constant 0 : i32
        %dma_wait3A_88 = arith.constant 0 : i32
        %dma_wait3A_89 = tpu.memref_slice %arg3[%add3A_40, %dma_wait3A_87, %dma_wait3A_88] : memref<2500x1x128xi32, #tpu.memory_space<hbm>> -> memref<1x1x128xi32, #tpu.memory_space<hbm>>
        %dma_wait3A_90 = arith.constant 0 : i32
        %dma_wait3A_91 = arith.constant 0 : i32
        %dma_wait3A_92 = arith.constant 0 : i32
        %dma_wait3A_93 = tpu.memref_slice %arg6[%dma_wait3A_90, %dma_wait3A_91, %dma_wait3A_92] : memref<26x1x128xi32, #tpu.memory_space<vmem>> -> memref<1x1x128xi32, #tpu.memory_space<vmem>>
        %dma_wait3A_94 = arith.constant 0 : i32
        %dma_wait3A_95 = arith.constant 0 : i32
        %dma_wait3A_96 = tpu.memref_slice %arg3[%add3A_40, %dma_wait3A_94, %dma_wait3A_95] : memref<2500x1x128xi32, #tpu.memory_space<hbm>> -> memref<1x1x128xi32, #tpu.memory_space<hbm>>
        tpu.wait_dma2 semaphore(%run_scoped3A : memref<!tpu.dma_semaphore, #tpu.memory_space<semaphore_mem>>) src(%dma_wait3A_96 : memref<1x1x128xi32, #tpu.memory_space<hbm>>) dst(%dma_wait3A_93 : memref<1x1x128xi32, #tpu.memory_space<vmem>>)
        tpu.yield
      }) : () -> ()
      %add3A_41 = arith.constant 2496 : i32
      %add3A_42 = arith.addi %add3A_41, %add3A : i32
      "tpu.region"() ({
        %run_scoped3A = tpu.sem_alloc : memref<!tpu.dma_semaphore, #tpu.memory_space<semaphore_mem>>
        %dma_start3A_69 = arith.constant 0 : i32
        %dma_start3A_70 = arith.constant 0 : i32
        %dma_start3A_71 = arith.constant 0 : i32
        %dma_start3A_72 = tpu.memref_slice %arg7[%dma_start3A_69, %dma_start3A_70, %dma_start3A_71] : memref<26x1x128xi32, #tpu.memory_space<vmem>> -> memref<1x1x128xi32, #tpu.memory_space<vmem>>
        %dma_start3A_73 = arith.constant 0 : i32
        %dma_start3A_74 = arith.constant 0 : i32
        %dma_start3A_75 = tpu.memref_slice %arg4[%add3A_42, %dma_start3A_73, %dma_start3A_74] : memref<2500x1x128xi32, #tpu.memory_space<hbm>> -> memref<1x1x128xi32, #tpu.memory_space<hbm>>
        %dma_start3A_76 = arith.constant 0 : i32
        %dma_start3A_77 = arith.constant 0 : i32
        %dma_start3A_78 = arith.constant 0 : i32
        %dma_start3A_79 = tpu.memref_slice %arg7[%dma_start3A_76, %dma_start3A_77, %dma_start3A_78] : memref<26x1x128xi32, #tpu.memory_space<vmem>> -> memref<1x1x128xi32, #tpu.memory_space<vmem>>
        %dma_start3A_80 = arith.constant 0 : i32
        %dma_start3A_81 = arith.constant 0 : i32
        %dma_start3A_82 = tpu.memref_slice %arg4[%add3A_42, %dma_start3A_80, %dma_start3A_81] : memref<2500x1x128xi32, #tpu.memory_space<hbm>> -> memref<1x1x128xi32, #tpu.memory_space<hbm>>
        tpu.enqueue_dma source(%dma_start3A_82 : memref<1x1x128xi32, #tpu.memory_space<hbm>>) target(%dma_start3A_79 : memref<1x1x128xi32, #tpu.memory_space<vmem>>) target_semaphore(%run_scoped3A : memref<!tpu.dma_semaphore, #tpu.memory_space<semaphore_mem>>)
        %dma_wait3A_83 = arith.constant 0 : i32
        %dma_wait3A_84 = arith.constant 0 : i32
        %dma_wait3A_85 = arith.constant 0 : i32
        %dma_wait3A_86 = tpu.memref_slice %arg7[%dma_wait3A_83, %dma_wait3A_84, %dma_wait3A_85] : memref<26x1x128xi32, #tpu.memory_space<vmem>> -> memref<1x1x128xi32, #tpu.memory_space<vmem>>
        %dma_wait3A_87 = arith.constant 0 : i32
        %dma_wait3A_88 = arith.constant 0 : i32
        %dma_wait3A_89 = tpu.memref_slice %arg4[%add3A_42, %dma_wait3A_87, %dma_wait3A_88] : memref<2500x1x128xi32, #tpu.memory_space<hbm>> -> memref<1x1x128xi32, #tpu.memory_space<hbm>>
        %dma_wait3A_90 = arith.constant 0 : i32
        %dma_wait3A_91 = arith.constant 0 : i32
        %dma_wait3A_92 = arith.constant 0 : i32
        %dma_wait3A_93 = tpu.memref_slice %arg7[%dma_wait3A_90, %dma_wait3A_91, %dma_wait3A_92] : memref<26x1x128xi32, #tpu.memory_space<vmem>> -> memref<1x1x128xi32, #tpu.memory_space<vmem>>
        %dma_wait3A_94 = arith.constant 0 : i32
        %dma_wait3A_95 = arith.constant 0 : i32
        %dma_wait3A_96 = tpu.memref_slice %arg4[%add3A_42, %dma_wait3A_94, %dma_wait3A_95] : memref<2500x1x128xi32, #tpu.memory_space<hbm>> -> memref<1x1x128xi32, #tpu.memory_space<hbm>>
        tpu.wait_dma2 semaphore(%run_scoped3A : memref<!tpu.dma_semaphore, #tpu.memory_space<semaphore_mem>>) src(%dma_wait3A_96 : memref<1x1x128xi32, #tpu.memory_space<hbm>>) dst(%dma_wait3A_93 : memref<1x1x128xi32, #tpu.memory_space<vmem>>)
        tpu.yield
      }) : () -> ()
      %dma_start3A = arith.constant 0 : i32
      %dma_start3A_43 = arith.constant 0 : i32
      %dma_start3A_44 = arith.constant 0 : i32
      %dma_start3A_45 = tpu.memref_slice %arg6[%dma_start3A, %dma_start3A_43, %dma_start3A_44] : memref<26x1x128xi32, #tpu.memory_space<vmem>> -> memref<1x1x128xi32, #tpu.memory_space<vmem>>
      %dma_start3A_46 = tpu.memref_squeeze %dma_start3A_45 : memref<1x1x128xi32, #tpu.memory_space<vmem>> -> memref<128xi32, #tpu.memory_space<vmem>>
      %dma_start3A_47 = arith.constant 0 : i32
      %dma_start3A_48 = arith.constant 0 : i32
      %dma_start3A_49 = tpu.memref_slice %arg2[%dma_start3A_47, %dma_start3A_48] : memref<10000x128xf32, #tpu.memory_space<hbm>> -> memref<10000x128xf32, #tpu.memory_space<hbm>>
      tpu.enqueue_indirect_dma source(%dma_start3A_49 : memref<10000x128xf32, #tpu.memory_space<hbm>>) target(%arg8 : memref<128x128xf32, #tpu.memory_space<vmem>>) offsets(%dma_start3A_46 : memref<128xi32, #tpu.memory_space<vmem>>) semaphore(%arg10 : memref<!tpu.dma_semaphore, #tpu.memory_space<semaphore_mem>>)
      %dma_wait3A = arith.constant 0 : i32
      %dma_wait3A_50 = arith.constant 0 : i32
      %dma_wait3A_51 = tpu.memref_slice %arg2[%dma_wait3A, %dma_wait3A_50] : memref<10000x128xf32, #tpu.memory_space<hbm>> -> memref<128x128xf32, #tpu.memory_space<hbm>>
      %dma_wait3A_52 = arith.constant 0 : i32
      %dma_wait3A_53 = arith.constant 0 : i32
      %dma_wait3A_54 = tpu.memref_slice %arg2[%dma_wait3A_52, %dma_wait3A_53] : memref<10000x128xf32, #tpu.memory_space<hbm>> -> memref<128x128xf32, #tpu.memory_space<hbm>>
      tpu.wait_dma2 semaphore(%arg10 : memref<!tpu.dma_semaphore, #tpu.memory_space<semaphore_mem>>) src(%dma_wait3A_54 : memref<128x128xf32, #tpu.memory_space<hbm>>) dst(%arg8 : memref<128x128xf32, #tpu.memory_space<vmem>>)
      %dma_start3A_55 = arith.constant 0 : i32
      %dma_start3A_56 = arith.constant 0 : i32
      %dma_start3A_57 = arith.constant 0 : i32
      %dma_start3A_58 = tpu.memref_slice %arg7[%dma_start3A_55, %dma_start3A_56, %dma_start3A_57] : memref<26x1x128xi32, #tpu.memory_space<vmem>> -> memref<1x1x128xi32, #tpu.memory_space<vmem>>
      %dma_start3A_59 = tpu.memref_squeeze %dma_start3A_58 : memref<1x1x128xi32, #tpu.memory_space<vmem>> -> memref<128xi32, #tpu.memory_space<vmem>>
      %dma_start3A_60 = arith.constant 0 : i32
      %dma_start3A_61 = arith.constant 0 : i32
      %dma_start3A_62 = tpu.memref_slice %arg14[%dma_start3A_60, %dma_start3A_61] : memref<10000x128xf32, #tpu.memory_space<vmem_shared>> -> memref<10000x128xf32, #tpu.memory_space<vmem_shared>>
      tpu.enqueue_indirect_dma source(%arg8 : memref<128x128xf32, #tpu.memory_space<vmem>>) target(%dma_start3A_62 : memref<10000x128xf32, #tpu.memory_space<vmem_shared>>) offsets(%dma_start3A_59 : memref<128xi32, #tpu.memory_space<vmem>>) semaphore(%arg12 : memref<!tpu.dma_semaphore, #tpu.memory_space<semaphore_mem>>) {add = true}
      %dma_wait3A_63 = arith.constant 0 : i32
      %dma_wait3A_64 = arith.constant 0 : i32
      %dma_wait3A_65 = tpu.memref_slice %arg2[%dma_wait3A_63, %dma_wait3A_64] : memref<10000x128xf32, #tpu.memory_space<hbm>> -> memref<128x128xf32, #tpu.memory_space<hbm>>
      %dma_wait3A_66 = arith.constant 0 : i32
      %dma_wait3A_67 = arith.constant 0 : i32
      %dma_wait3A_68 = tpu.memref_slice %arg2[%dma_wait3A_66, %dma_wait3A_67] : memref<10000x128xf32, #tpu.memory_space<hbm>> -> memref<128x128xf32, #tpu.memory_space<hbm>>
      tpu.wait_dma2 semaphore(%arg12 : memref<!tpu.dma_semaphore, #tpu.memory_space<semaphore_mem>>) src(%dma_wait3A_68 : memref<128x128xf32, #tpu.memory_space<hbm>>) dst(%arg8 : memref<128x128xf32, #tpu.memory_space<vmem>>)
    } else {
    }
    %barrier3A_28 = arith.constant 0 : index
    tpu.barrier barrier_id(%barrier3A_28)
    %lt3A_29 = arith.constant 15 : i32
    %lt3A_30 = arith.cmpi slt, %arg1, %lt3A_29 : i32
    %convert_element_type3A_31 = arith.extui %lt3A_30 : i1 to i32
    %cond3A_32 = arith.constant 0 : i32
    %cond3A_33 = arith.cmpi ne, %convert_element_type3A_31, %cond3A_32 : i32
    scf.if %cond3A_33 {
      "tpu.region"() ({
        %run_scoped3A = tpu.sem_alloc : memref<!tpu.dma_semaphore, #tpu.memory_space<semaphore_mem>>
        %dma_start3A = arith.constant 0 : i32
        %dma_start3A_39 = tpu.memref_slice %arg5[%arg0, %mul3A_2, %dma_start3A] : memref<2x10000x128xf32, #tpu.memory_space<hbm>> -> memref<1x624x128xf32, #tpu.memory_space<hbm>>
        %dma_start3A_40 = tpu.memref_squeeze %dma_start3A_39 : memref<1x624x128xf32, #tpu.memory_space<hbm>> -> memref<624x128xf32, #tpu.memory_space<hbm>>
        %dma_start3A_41 = arith.constant 0 : i32
        %dma_start3A_42 = tpu.memref_slice %arg14[%mul3A_2, %dma_start3A_41] : memref<10000x128xf32, #tpu.memory_space<vmem_shared>> -> memref<624x128xf32, #tpu.memory_space<vmem_shared>>
        tpu.enqueue_dma source(%dma_start3A_42 : memref<624x128xf32, #tpu.memory_space<vmem_shared>>) target(%dma_start3A_40 : memref<624x128xf32, #tpu.memory_space<hbm>>) target_semaphore(%run_scoped3A : memref<!tpu.dma_semaphore, #tpu.memory_space<semaphore_mem>>)
        %dma_wait3A = arith.constant 0 : i32
        %dma_wait3A_43 = tpu.memref_slice %arg5[%arg0, %mul3A_2, %dma_wait3A] : memref<2x10000x128xf32, #tpu.memory_space<hbm>> -> memref<1x624x128xf32, #tpu.memory_space<hbm>>
        %dma_wait3A_44 = tpu.memref_squeeze %dma_wait3A_43 : memref<1x624x128xf32, #tpu.memory_space<hbm>> -> memref<624x128xf32, #tpu.memory_space<hbm>>
        %dma_wait3A_45 = arith.constant 0 : i32
        %dma_wait3A_46 = tpu.memref_slice %arg14[%mul3A_2, %dma_wait3A_45] : memref<10000x128xf32, #tpu.memory_space<vmem_shared>> -> memref<624x128xf32, #tpu.memory_space<vmem_shared>>
        tpu.wait_dma2 semaphore(%run_scoped3A : memref<!tpu.dma_semaphore, #tpu.memory_space<semaphore_mem>>) src(%dma_wait3A_46 : memref<624x128xf32, #tpu.memory_space<vmem_shared>>) dst(%dma_wait3A_44 : memref<624x128xf32, #tpu.memory_space<hbm>>)
        tpu.yield
      }) : () -> ()
    } else {
    }
    %eq3A_34 = arith.constant 15 : i32
    %eq3A_35 = arith.cmpi eq, %arg1, %eq3A_34 : i32
    %convert_element_type3A_36 = arith.extui %eq3A_35 : i1 to i32
    %cond3A_37 = arith.constant 0 : i32
    %cond3A_38 = arith.cmpi ne, %convert_element_type3A_36, %cond3A_37 : i32
    scf.if %cond3A_38 {
      "tpu.region"() ({
        %run_scoped3A = tpu.sem_alloc : memref<!tpu.dma_semaphore, #tpu.memory_space<semaphore_mem>>
        %dma_start3A = arith.constant 0 : i32
        %dma_start3A_39 = tpu.memref_slice %arg5[%arg0, %mul3A_2, %dma_start3A] : memref<2x10000x128xf32, #tpu.memory_space<hbm>> -> memref<1x640x128xf32, #tpu.memory_space<hbm>>
        %dma_start3A_40 = tpu.memref_squeeze %dma_start3A_39 : memref<1x640x128xf32, #tpu.memory_space<hbm>> -> memref<640x128xf32, #tpu.memory_space<hbm>>
        %dma_start3A_41 = arith.constant 0 : i32
        %dma_start3A_42 = tpu.memref_slice %arg14[%mul3A_2, %dma_start3A_41] : memref<10000x128xf32, #tpu.memory_space<vmem_shared>> -> memref<640x128xf32, #tpu.memory_space<vmem_shared>>
        tpu.enqueue_dma source(%dma_start3A_42 : memref<640x128xf32, #tpu.memory_space<vmem_shared>>) target(%dma_start3A_40 : memref<640x128xf32, #tpu.memory_space<hbm>>) target_semaphore(%run_scoped3A : memref<!tpu.dma_semaphore, #tpu.memory_space<semaphore_mem>>)
        %dma_wait3A = arith.constant 0 : i32
        %dma_wait3A_43 = tpu.memref_slice %arg5[%arg0, %mul3A_2, %dma_wait3A] : memref<2x10000x128xf32, #tpu.memory_space<hbm>> -> memref<1x640x128xf32, #tpu.memory_space<hbm>>
        %dma_wait3A_44 = tpu.memref_squeeze %dma_wait3A_43 : memref<1x640x128xf32, #tpu.memory_space<hbm>> -> memref<640x128xf32, #tpu.memory_space<hbm>>
        %dma_wait3A_45 = arith.constant 0 : i32
        %dma_wait3A_46 = tpu.memref_slice %arg14[%mul3A_2, %dma_wait3A_45] : memref<10000x128xf32, #tpu.memory_space<vmem_shared>> -> memref<640x128xf32, #tpu.memory_space<vmem_shared>>
        tpu.wait_dma2 semaphore(%run_scoped3A : memref<!tpu.dma_semaphore, #tpu.memory_space<semaphore_mem>>) src(%dma_wait3A_46 : memref<640x128xf32, #tpu.memory_space<vmem_shared>>) dst(%dma_wait3A_44 : memref<640x128xf32, #tpu.memory_space<hbm>>)
        tpu.yield
      }) : () -> ()
    } else {
    }
    return
  }
}

module attributes {stable_mosaic.version = 14 : i64} {
  func.func @_tc2_body(%arg0: i32, %arg1: memref<2x400x128xf32, #tpu.memory_space<vmem>>, %arg2: memref<2x400x128xf32, #tpu.memory_space<vmem>>, %arg3: memref<1x128xf32, #tpu.memory_space<vmem>>, %arg4: memref<128x128xf32, #tpu.memory_space<vmem>>, %arg5: memref<400x128xf32, #tpu.memory_space<vmem>>) attributes {dimension_semantics = [#tpu.dimension_semantics<arbitrary>], iteration_bounds = array<i64: 25>, scalar_prefetch = 0 : i64, scratch_operands = 0 : i64, tpu.core_type = #tpu.core_type<tc>, window_params = [{transform_indices = @transform_0, window_bounds = array<i64: 2, 400, 128>}, {transform_indices = @transform_1, window_bounds = array<i64: 2, 400, 128>}, {pipeline_mode = #tpu.pipeline_mode<synchronous>, transform_indices = @transform_2, window_bounds = array<i64: 1, 128>}, {pipeline_mode = #tpu.pipeline_mode<synchronous>, transform_indices = @transform_3, window_bounds = array<i64: 128, 128>}, {transform_indices = @transform_4, window_bounds = array<i64: 400, 128>}]} {
    %get3A = arith.constant 0 : index
    %get3A_0 = arith.constant 0 : index
    %get3A_1 = arith.constant 0 : index
    %get3A_2 = vector.load %arg2[%get3A, %get3A_0, %get3A_1] : memref<2x400x128xf32, #tpu.memory_space<vmem>>, vector<2x400x128xf32>
    %slice3A = vector.extract_strided_slice %get3A_2 {offsets = [0, 0, 0], sizes = [1, 400, 1], strides = [1, 1, 1]} : vector<2x400x128xf32> to vector<1x400x1xf32>
    %squeeze3A = vector.shape_cast %slice3A : vector<1x400x1xf32> to vector<400x1xf32>
    %gt3A = arith.constant 0.000000e+00 : f32
    %gt3A_3 = vector.broadcast %gt3A : f32 to vector<400x1xf32>
    %gt3A_4 = arith.cmpf ogt, %squeeze3A, %gt3A_3 : vector<400x1xf32>
    %rsqrt3A = math.rsqrt %squeeze3A : vector<400x1xf32>
    %jit3A = arith.constant 0.000000e+00 : f32
    %broadcast_in_dim3A = vector.broadcast %jit3A : f32 to vector<400x1xf32>
    %select_n3A = arith.select %gt3A_4, %rsqrt3A, %broadcast_in_dim3A : vector<400x1xi1>, vector<400x1xf32>
    %slice3A_5 = vector.extract_strided_slice %get3A_2 {offsets = [1, 0, 0], sizes = [1, 400, 1], strides = [1, 1, 1]} : vector<2x400x128xf32> to vector<1x400x1xf32>
    %squeeze3A_6 = vector.shape_cast %slice3A_5 : vector<1x400x1xf32> to vector<400x1xf32>
    %gt3A_7 = arith.constant 0.000000e+00 : f32
    %gt3A_8 = vector.broadcast %gt3A_7 : f32 to vector<400x1xf32>
    %gt3A_9 = arith.cmpf ogt, %squeeze3A_6, %gt3A_8 : vector<400x1xf32>
    %rsqrt3A_10 = math.rsqrt %squeeze3A_6 : vector<400x1xf32>
    %jit3A_11 = arith.constant 0.000000e+00 : f32
    %broadcast_in_dim3A_12 = vector.broadcast %jit3A_11 : f32 to vector<400x1xf32>
    %select_n3A_13 = arith.select %gt3A_9, %rsqrt3A_10, %broadcast_in_dim3A_12 : vector<400x1xi1>, vector<400x1xf32>
    %get3A_14 = arith.constant 0 : index
    %get3A_15 = arith.constant 0 : index
    %get3A_16 = arith.constant 0 : index
    %get3A_17 = vector.load %arg1[%get3A_14, %get3A_15, %get3A_16] : memref<2x400x128xf32, #tpu.memory_space<vmem>>, vector<1x400x128xf32>
    %get3A_18 = vector.shape_cast %get3A_17 : vector<1x400x128xf32> to vector<400x128xf32>
    %get3A_19 = arith.constant 1 : index
    %get3A_20 = arith.constant 0 : index
    %get3A_21 = arith.constant 0 : index
    %get3A_22 = vector.load %arg1[%get3A_19, %get3A_20, %get3A_21] : memref<2x400x128xf32, #tpu.memory_space<vmem>>, vector<1x400x128xf32>
    %get3A_23 = vector.shape_cast %get3A_22 : vector<1x400x128xf32> to vector<400x128xf32>
    %add3A = arith.addf %get3A_18, %get3A_23 : vector<400x128xf32>
    %mul3A = vector.broadcast %select_n3A_13 : vector<400x1xf32> to vector<400x128xf32>
    %mul3A_24 = arith.mulf %add3A, %mul3A : vector<400x128xf32>
    %get3A_25 = arith.constant 0 : index
    %get3A_26 = arith.constant 0 : index
    %get3A_27 = vector.load %arg3[%get3A_25, %get3A_26] : memref<1x128xf32, #tpu.memory_space<vmem>>, vector<1x128xf32>
    %add3A_28 = vector.broadcast %get3A_27 : vector<1x128xf32> to vector<400x128xf32>
    %add3A_29 = arith.addf %mul3A_24, %add3A_28 : vector<400x128xf32>
    %get3A_30 = arith.constant 0 : index
    %get3A_31 = arith.constant 0 : index
    %get3A_32 = vector.load %arg4[%get3A_30, %get3A_31] : memref<128x128xf32, #tpu.memory_space<vmem>>, vector<128x128xf32>
    %dot_general3A = arith.constant dense<0.000000e+00> : vector<400x128xf32>
    %dot_general3A_33 = tpu.matmul %add3A_29, %get3A_32, %dot_general3A {dimension_numbers = #tpu.dot_dimension_numbers<[1], [0], [0], [1], [0, 0, 1, 1], [], []>, transpose_lhs_hint = false} : vector<400x128xf32>, vector<128x128xf32>, vector<400x128xf32> -> vector<400x128xf32>
    %mul3A_34 = vector.broadcast %select_n3A : vector<400x1xf32> to vector<400x128xf32>
    %mul3A_35 = arith.mulf %dot_general3A_33, %mul3A_34 : vector<400x128xf32>
    %swap3A = arith.constant 0 : index
    %swap3A_36 = arith.constant 0 : index
    %swap3A_37 = vector.load %arg5[%swap3A, %swap3A_36] : memref<400x128xf32, #tpu.memory_space<vmem>>, vector<400x128xf32>
    tpu.vector_store %arg5[%swap3A, %swap3A_36], %mul3A_35 {strides = array<i32>} : memref<400x128xf32, #tpu.memory_space<vmem>>, vector<400x128xf32>,
    return
  }
  func.func @transform_0(%arg0: i32) -> (i32, i32, i32) {
    %c0_i32 = arith.constant 0 : i32
    %c0_i32_0 = arith.constant 0 : i32
    %c0_i32_1 = arith.constant 0 : i32
    return %c0_i32, %arg0, %c0_i32_0 : i32, i32, i32
  }
  func.func @transform_1(%arg0: i32) -> (i32, i32, i32) {
    %c0_i32 = arith.constant 0 : i32
    %c0_i32_0 = arith.constant 0 : i32
    %c0_i32_1 = arith.constant 0 : i32
    return %c0_i32, %arg0, %c0_i32_0 : i32, i32, i32
  }
  func.func @transform_2(%arg0: i32) -> (i32, i32) {
    %c0_i32 = arith.constant 0 : i32
    %c0_i32_0 = arith.constant 0 : i32
    %c0_i32_1 = arith.constant 0 : i32
    return %c0_i32, %c0_i32_0 : i32, i32
  }
  func.func @transform_3(%arg0: i32) -> (i32, i32) {
    %c0_i32 = arith.constant 0 : i32
    %c0_i32_0 = arith.constant 0 : i32
    %c0_i32_1 = arith.constant 0 : i32
    return %c0_i32, %c0_i32_0 : i32, i32
  }
  func.func @transform_4(%arg0: i32) -> (i32, i32) {
    %c0_i32 = arith.constant 0 : i32
    %c0_i32_0 = arith.constant 0 : i32
    return %arg0, %c0_i32 : i32, i32
  }
}

module attributes {stable_mosaic.version = 14 : i64} {
  func.func @_tc1_body(%arg0: i32, %arg1: memref<400x128xf32, #tpu.memory_space<vmem>>, %arg2: memref<128x128xf32, #tpu.memory_space<vmem>>, %arg3: memref<2x400x128xf32, #tpu.memory_space<vmem>>, %arg4: memref<400x128xf32, #tpu.memory_space<vmem>>) attributes {dimension_semantics = [#tpu.dimension_semantics<arbitrary>], iteration_bounds = array<i64: 25>, scalar_prefetch = 0 : i64, scratch_operands = 0 : i64, tpu.core_type = #tpu.core_type<tc>, window_params = [{transform_indices = @transform_0, window_bounds = array<i64: 400, 128>}, {pipeline_mode = #tpu.pipeline_mode<synchronous>, transform_indices = @transform_1, window_bounds = array<i64: 128, 128>}, {transform_indices = @transform_2, window_bounds = array<i64: 2, 400, 128>}, {transform_indices = @transform_3, window_bounds = array<i64: 400, 128>}]} {
    %get3A = arith.constant 0 : index
    %get3A_0 = arith.constant 0 : index
    %get3A_1 = arith.constant 0 : index
    %get3A_2 = vector.load %arg3[%get3A, %get3A_0, %get3A_1] : memref<2x400x128xf32, #tpu.memory_space<vmem>>, vector<2x400x128xf32>
    %slice3A = vector.extract_strided_slice %get3A_2 {offsets = [0, 0, 0], sizes = [1, 400, 1], strides = [1, 1, 1]} : vector<2x400x128xf32> to vector<1x400x1xf32>
    %squeeze3A = vector.shape_cast %slice3A : vector<1x400x1xf32> to vector<400x1xf32>
    %gt3A = arith.constant 0.000000e+00 : f32
    %gt3A_3 = vector.broadcast %gt3A : f32 to vector<400x1xf32>
    %gt3A_4 = arith.cmpf ogt, %squeeze3A, %gt3A_3 : vector<400x1xf32>
    %rsqrt3A = math.rsqrt %squeeze3A : vector<400x1xf32>
    %jit3A = arith.constant 0.000000e+00 : f32
    %broadcast_in_dim3A = vector.broadcast %jit3A : f32 to vector<400x1xf32>
    %select_n3A = arith.select %gt3A_4, %rsqrt3A, %broadcast_in_dim3A : vector<400x1xi1>, vector<400x1xf32>
    %get3A_5 = arith.constant 0 : index
    %get3A_6 = arith.constant 0 : index
    %get3A_7 = vector.load %arg1[%get3A_5, %get3A_6] : memref<400x128xf32, #tpu.memory_space<vmem>>, vector<400x128xf32>
    %get3A_8 = arith.constant 0 : index
    %get3A_9 = arith.constant 0 : index
    %get3A_10 = vector.load %arg2[%get3A_8, %get3A_9] : memref<128x128xf32, #tpu.memory_space<vmem>>, vector<128x128xf32>
    %dot_general3A = arith.constant dense<0.000000e+00> : vector<400x128xf32>
    %dot_general3A_11 = tpu.matmul %get3A_7, %get3A_10, %dot_general3A {dimension_numbers = #tpu.dot_dimension_numbers<[1], [0], [0], [1], [0, 0, 1, 1], [], []>, transpose_lhs_hint = false} : vector<400x128xf32>, vector<128x128xf32>, vector<400x128xf32> -> vector<400x128xf32>
    %mul3A = vector.broadcast %select_n3A : vector<400x1xf32> to vector<400x128xf32>
    %mul3A_12 = arith.mulf %dot_general3A_11, %mul3A : vector<400x128xf32>
    %swap3A = arith.constant 0 : index
    %swap3A_13 = arith.constant 0 : index
    %swap3A_14 = vector.load %arg4[%swap3A, %swap3A_13] : memref<400x128xf32, #tpu.memory_space<vmem>>, vector<400x128xf32>
    tpu.vector_store %arg4[%swap3A, %swap3A_13], %mul3A_12 {strides = array<i32>} : memref<400x128xf32, #tpu.memory_space<vmem>>, vector<400x128xf32>,
    return
  }
  func.func @transform_0(%arg0: i32) -> (i32, i32) {
    %c0_i32 = arith.constant 0 : i32
    %c0_i32_0 = arith.constant 0 : i32
    return %arg0, %c0_i32 : i32, i32
  }
  func.func @transform_1(%arg0: i32) -> (i32, i32) {
    %c0_i32 = arith.constant 0 : i32
    %c0_i32_0 = arith.constant 0 : i32
    %c0_i32_1 = arith.constant 0 : i32
    return %c0_i32, %c0_i32_0 : i32, i32
  }
  func.func @transform_2(%arg0: i32) -> (i32, i32, i32) {
    %c0_i32 = arith.constant 0 : i32
    %c0_i32_0 = arith.constant 0 : i32
    %c0_i32_1 = arith.constant 0 : i32
    return %c0_i32, %arg0, %c0_i32_0 : i32, i32, i32
  }
  func.func @transform_3(%arg0: i32) -> (i32, i32) {
    %c0_i32 = arith.constant 0 : i32
    %c0_i32_0 = arith.constant 0 : i32
    return %arg0, %c0_i32 : i32, i32
  }
}

module attributes {stable_mosaic.version = 14 : i64} {
  func.func @_tc3_body(%arg0: i32, %arg1: memref<2x400x128xf32, #tpu.memory_space<vmem>>, %arg2: memref<2x400x128xf32, #tpu.memory_space<vmem>>, %arg3: memref<1x128xf32, #tpu.memory_space<vmem>>, %arg4: memref<400x128xf32, #tpu.memory_space<vmem>>) attributes {dimension_semantics = [#tpu.dimension_semantics<arbitrary>], iteration_bounds = array<i64: 25>, scalar_prefetch = 0 : i64, scratch_operands = 0 : i64, tpu.core_type = #tpu.core_type<tc>, window_params = [{transform_indices = @transform_0, window_bounds = array<i64: 2, 400, 128>}, {transform_indices = @transform_1, window_bounds = array<i64: 2, 400, 128>}, {pipeline_mode = #tpu.pipeline_mode<synchronous>, transform_indices = @transform_2, window_bounds = array<i64: 1, 128>}, {transform_indices = @transform_3, window_bounds = array<i64: 400, 128>}]} {
    %get3A = arith.constant 0 : index
    %get3A_0 = arith.constant 0 : index
    %get3A_1 = arith.constant 0 : index
    %get3A_2 = vector.load %arg2[%get3A, %get3A_0, %get3A_1] : memref<2x400x128xf32, #tpu.memory_space<vmem>>, vector<2x400x128xf32>
    %slice3A = vector.extract_strided_slice %get3A_2 {offsets = [1, 0, 0], sizes = [1, 400, 1], strides = [1, 1, 1]} : vector<2x400x128xf32> to vector<1x400x1xf32>
    %squeeze3A = vector.shape_cast %slice3A : vector<1x400x1xf32> to vector<400x1xf32>
    %gt3A = arith.constant 0.000000e+00 : f32
    %gt3A_3 = vector.broadcast %gt3A : f32 to vector<400x1xf32>
    %gt3A_4 = arith.cmpf ogt, %squeeze3A, %gt3A_3 : vector<400x1xf32>
    %rsqrt3A = math.rsqrt %squeeze3A : vector<400x1xf32>
    %jit3A = arith.constant 0.000000e+00 : f32
    %broadcast_in_dim3A = vector.broadcast %jit3A : f32 to vector<400x1xf32>
    %select_n3A = arith.select %gt3A_4, %rsqrt3A, %broadcast_in_dim3A : vector<400x1xi1>, vector<400x1xf32>
    %get3A_5 = arith.constant 0 : index
    %get3A_6 = arith.constant 0 : index
    %get3A_7 = arith.constant 0 : index
    %get3A_8 = vector.load %arg1[%get3A_5, %get3A_6, %get3A_7] : memref<2x400x128xf32, #tpu.memory_space<vmem>>, vector<1x400x128xf32>
    %get3A_9 = vector.shape_cast %get3A_8 : vector<1x400x128xf32> to vector<400x128xf32>
    %get3A_10 = arith.constant 1 : index
    %get3A_11 = arith.constant 0 : index
    %get3A_12 = arith.constant 0 : index
    %get3A_13 = vector.load %arg1[%get3A_10, %get3A_11, %get3A_12] : memref<2x400x128xf32, #tpu.memory_space<vmem>>, vector<1x400x128xf32>
    %get3A_14 = vector.shape_cast %get3A_13 : vector<1x400x128xf32> to vector<400x128xf32>
    %add3A = arith.addf %get3A_9, %get3A_14 : vector<400x128xf32>
    %mul3A = vector.broadcast %select_n3A : vector<400x1xf32> to vector<400x128xf32>
    %mul3A_15 = arith.mulf %add3A, %mul3A : vector<400x128xf32>
    %get3A_16 = arith.constant 0 : index
    %get3A_17 = arith.constant 0 : index
    %get3A_18 = vector.load %arg3[%get3A_16, %get3A_17] : memref<1x128xf32, #tpu.memory_space<vmem>>, vector<1x128xf32>
    %add3A_19 = vector.broadcast %get3A_18 : vector<1x128xf32> to vector<400x128xf32>
    %add3A_20 = arith.addf %mul3A_15, %add3A_19 : vector<400x128xf32>
    %swap3A = arith.constant 0 : index
    %swap3A_21 = arith.constant 0 : index
    %swap3A_22 = vector.load %arg4[%swap3A, %swap3A_21] : memref<400x128xf32, #tpu.memory_space<vmem>>, vector<400x128xf32>
    tpu.vector_store %arg4[%swap3A, %swap3A_21], %add3A_20 {strides = array<i32>} : memref<400x128xf32, #tpu.memory_space<vmem>>, vector<400x128xf32>,
    return
  }
  func.func @transform_0(%arg0: i32) -> (i32, i32, i32) {
    %c0_i32 = arith.constant 0 : i32
    %c0_i32_0 = arith.constant 0 : i32
    %c0_i32_1 = arith.constant 0 : i32
    return %c0_i32, %arg0, %c0_i32_0 : i32, i32, i32
  }
  func.func @transform_1(%arg0: i32) -> (i32, i32, i32) {
    %c0_i32 = arith.constant 0 : i32
    %c0_i32_0 = arith.constant 0 : i32
    %c0_i32_1 = arith.constant 0 : i32
    return %c0_i32, %arg0, %c0_i32_0 : i32, i32, i32
  }
  func.func @transform_2(%arg0: i32) -> (i32, i32) {
    %c0_i32 = arith.constant 0 : i32
    %c0_i32_0 = arith.constant 0 : i32
    %c0_i32_1 = arith.constant 0 : i32
    return %c0_i32, %c0_i32_0 : i32, i32
  }
  func.func @transform_3(%arg0: i32) -> (i32, i32) {
    %c0_i32 = arith.constant 0 : i32
    %c0_i32_0 = arith.constant 0 : i32
    return %arg0, %c0_i32 : i32, i32
  }
}

</mosaic_0001>

<sc_bundles>
// kernel: kernel.11.cloned.1.call-start
scs
__scs_entry_jumppad:
0x0: {  	(pc) =	sbr.rel $0x88, $3  }
0x1: {  	(tag) =	ssettag $0x0;
	lr =	simm.s32 $0x1  }
0x2: {  	[smem:$0x3F9B] =	sst lr;
	_ =	strace $0xD0000000  }
0x3: {  	_ = 	snop  }
0x4: {  	_ = 	snop  }
0x5: {  	_ = 	snop  }
0x6: {  	_ = 	snop  }
0x7: {  	_ = 	snop  }
__scs_overlays_trampoline_lowered:
0x8: {  	[smem:$0x3FAA] =	sst s0  }
0x9: {  	[smem:$0x3FAB] =	sst s1  }
0xa: {  	[smem:$0x3FAC] =	sst s2  }
0xb: {  	[smem:$0x3FAD] =	sst s3  }
0xc: {  	[smem:$0x3FAE] =	sst s4  }
0xd: {  	[smem:$0x3FAF] =	sst s5  }
0xe: {  	[smem:$0x3FB0] =	sst s6  }
0xf: {  	[smem:$0x3FB1] =	sst s7  }
0x10: {  	[smem:$0x3FB2] =	sst s8  }
0x11: {  	[smem:$0x3FB3] =	sst s9;
	s0 =	simm.s32 @!p0 $0x0  }
0x12: {  	s1 =	sld [smem:$0x3F99];
	s0 =	simm.s32 @p0 $0x1  }
0x13: {  	[smem:$0x3FB4] =	sst s0;
	s0 =	simm.s32 @!p1 $0x0  }
0x14: {  	s2 =	sld [smem:$0x3F98];
	s0 =	simm.s32 @p1 $0x1  }
0x15: {  	[smem:$0x3FB5] =	sst s0;
	s0 =	simm.s32 @!p2 $0x0  }
0x16: {  	s3 =	sld [smem:$0x3FDB];
	s0 =	simm.s32 @p2 $0x1  }
0x17: {  	s4 =	simm.s32 $0x1BF5;
	[smem:$0x3FB7] =	sst s0  }
0x18: {  	s0 =	sld [smem:$0x3F9A];
	_ =	swait.ge [sflag:s4], $0x0  }
0x19: {  	s7 =	sld [smem:$0x3F9B]  }
0x1a: {  	s8 =	sadd.s32 $0xFFFFE003, lr  }
0x1b: {  	s9 =	sadd.s32 $0xFFFFFEF7, lr;
	s5 =	simm.s32 $0xFFFFFFFF;
	p2 =	slt.u32 s8, $0xFFFFF086  }
0x1c: {  	p1 =	slt.u32 s9, $0xF7A;
	s5 =	simm.s32 @!p2 $0x0  }
0x1d: {  	s5 =	simm.s32 @p1 $0x1;
	p0 =	seq.s32 s7, s2  }
0x1e: {  	s7 =	smul.u32 @!p0 $0xF7A, s2;
	p2 =	seq.s32 @!p0 s5, $0x0  }
0x1f: {  	s9 =	smul.u32 $0xF7A, s1;
	s8 =	simm.s32 @!p0 $0x1BF5;
	p2 =	por !p2, p0  }
0x20: {  	[sflag:s8] =	ssyncset.s32 @!p0 $0xFFFFF086;
	s6 =	sadd.s32 @!p0 s3, s7;
	s7 =	simm.s32 @!p0 $0x108  }
0x21: {  	s3 =	sadd.s32 s3, s9;
	s6 =	sadd.s32 @!p0 $0x88, s6;
	s7 =	simm.s32 @p2 $0x1082  }
0x22: {  	[simem:s7], [sflag:s8] =	dma.local @!p0 [hbm:s6], $0xF7A  }
0x23: {  	s9 =	sor.u32 $0xD0000000, s2;
	s6 =	simm.s32 $0x108;
	_ =	swait.ge @!p0 [sflag:s8], $0x0  }
0x24: {  	s3 =	sadd.s32 $0x88, s3;
	s6 =	simm.s32 @!p1 $0x1082;
	[sflag:s4] =	ssyncset.s32 $0xFFFFF086  }
0x25: {  	[simem:s6], [sflag:s4] =	dma.local [hbm:s3], $0xF7A  }
0x26: {  	[smem:$0x3F9B] =	sst s1;
	(tag) =	ssettag s2;
	_ =	strace s9  }
0x27: {  	s1 =	sld [smem:$0x3FAB]  }
0x28: {  	s2 =	sld [smem:$0x3FAC]  }
0x29: {  	s4 =	sld [smem:$0x3FAE]  }
0x2a: {  	p0 =	seq.s32 s5, $0x0;
	s5 =	sld [smem:$0x3FAF]  }
0x2b: {  	s6 =	sld [smem:$0x3FB0]  }
0x2c: {  	s7 =	sld [smem:$0x3FB1]  }
0x2d: {  	s3 =	simm.s32 $0x108;
	s8 =	sld [smem:$0x3FB2]  }
0x2e: {  	s3 =	simm.s32 @!p0 $0x1082;
	s9 =	sld [smem:$0x3FB3]  }
0x2f: {  	lr =	sadd.s32 s0, s3;
	s0 =	sld [smem:$0x3FAA]  }
0x30: {  	s3 =	sld [smem:$0x3FAD]  }
0x31: {  	[smem:$0x3FB6] =	sst s10  }
0x32: {  	s10 =	sld [smem:$0x3FB4];
	_ =	sdelay $0x3  }
0x33: {  	p0 =	seq.s32 s10, $0x1;
	s10 =	sld [smem:$0x3FB6];
	_ =	sdelay $0x3  }
0x34: {  	[smem:$0x3FB6] =	sst s10  }
0x35: {  	s10 =	sld [smem:$0x3FB5];
	_ =	sdelay $0x3  }
0x36: {  	p1 =	seq.s32 s10, $0x1;
	s10 =	sld [smem:$0x3FB6];
	_ =	sdelay $0x3  }
0x37: {  	[smem:$0x3FB6] =	sst s10  }
0x38: {  	s10 =	sld [smem:$0x3FB7]  }
0x39: {  	_ = 	snop;
	(pc) =	sbr.ind lr, $3  }
0x3a: {  	_ = 	snop  }
0x3b: {  	_ = 	snop  }
0x3c: {  	p2 =	seq.s32 s10, $0x1;
	s10 =	sld [smem:$0x3FB6]  }
0x3d: {  	_ =	shalt  }
0x3e: {  	_ =	shalt  }
0x3f: {  	_ =	shalt  }
0x40: {  	_ =	shalt  }
0x41: {  	_ =	shalt  }
0x42: {  	_ =	shalt  }
0x43: {  	_ =	shalt  }
0x44: {  	_ =	shalt  }
0x45: {  	_ =	shalt  }
0x46: {  	_ =	shalt  }
0x47: {  	_ =	shalt  }
0x48: {  	_ =	shalt  }
0x49: {  	_ =	shalt  }
0x4a: {  	_ =	shalt  }
0x4b: {  	_ =	shalt  }
0x4c: {  	_ =	shalt  }
0x4d: {  	_ =	shalt  }
0x4e: {  	_ =	shalt  }
0x4f: {  	_ =	shalt  }
0x50: {  	_ =	shalt  }
0x51: {  	_ =	shalt  }
0x52: {  	_ =	shalt  }
0x53: {  	_ =	shalt  }
0x54: {  	_ =	shalt  }
0x55: {  	_ =	shalt  }
0x56: {  	_ =	shalt  }
0x57: {  	_ =	shalt  }
0x58: {  	_ =	shalt  }
0x59: {  	_ =	shalt  }
0x5a: {  	_ =	shalt  }
0x5b: {  	_ =	shalt  }
0x5c: {  	_ =	shalt  }
0x5d: {  	_ =	shalt  }
0x5e: {  	_ =	shalt  }
0x5f: {  	_ =	shalt  }
0x60: {  	_ =	shalt  }
0x61: {  	_ =	shalt  }
0x62: {  	_ =	shalt  }
0x63: {  	_ =	shalt  }
0x64: {  	_ =	shalt  }
0x65: {  	_ =	shalt  }
0x66: {  	_ =	shalt  }
0x67: {  	_ =	shalt  }
0x68: {  	_ =	shalt  }
0x69: {  	_ =	shalt  }
0x6a: {  	_ =	shalt  }
0x6b: {  	_ =	shalt  }
0x6c: {  	_ =	shalt  }
0x6d: {  	_ =	shalt  }
0x6e: {  	_ =	shalt  }
0x6f: {  	_ =	shalt  }
0x70: {  	_ =	shalt  }
0x71: {  	_ =	shalt  }
0x72: {  	_ =	shalt  }
0x73: {  	_ =	shalt  }
0x74: {  	_ =	shalt  }
0x75: {  	_ =	shalt  }
0x76: {  	_ =	shalt  }
0x77: {  	_ =	shalt  }
0x78: {  	_ =	shalt  }
0x79: {  	_ =	shalt  }
0x7a: {  	_ =	shalt  }
0x7b: {  	_ =	shalt  }
0x7c: {  	_ =	shalt  }
0x7d: {  	_ =	shalt  }
0x7e: {  	_ =	shalt  }
0x7f: {  	_ =	shalt  }
0x80: {  	_ =	shalt  }
0x81: {  	_ =	shalt  }
0x82: {  	_ =	shalt  }
0x83: {  	_ =	shalt  }
0x84: {  	_ =	shalt  }
0x85: {  	_ =	shalt  }
0x86: {  	_ =	shalt  }
0x87: {  	_ =	shalt  }
.Lfunc_end0:
.L_simem_size_0:
called_computation.1_lowered:
.L_overlay_start_0:
0x88: {  	s2 =	sld [smem:$0x3FD9]  }
0x89: {  	s3 =	sld [smem:$0x3FFE];
	_ =	sdelay $0x1  }
0x8a: {  	s1 =	srdreg.scid  }
0x8b: {  	s0 =	sand.u32 $0x1, s1  }
0x8c: {  	s17 =	sshll.u32 s0, $0xA;
	s2 =	sadd.s32 s3, s2  }
0x8d: {  	s2 =	sadd.s32 s2, s17  }
0x8e: {  	[smem:$0x3FC2] =	sst s2  }
0x8f: {  	_ = 	snop  }
0x90: {  	s2 =	sld [smem:$0x3FD0];
	(tm) =	ssettm $0x1  }
0x91: {  	s18 =	sld [smem:$0x3FFB];
	_ =	sdelay $0x3  }
0x92: {  	_ =	strace s18  }
0x93: {  	s3 =	sld [smem:$0x3FFC];
	_ =	sdelay $0x3  }
0x94: {  	_ =	strace s3  }
0x95: {  	s3 =	sld [smem:$0x3FFD];
	_ =	sdelay $0x3  }
0x96: {  	_ =	strace s3  }
0x97: {  	_ =	strace $0x8FFFFFFF  }
0x98: {  	s19 =	sld [smem:$0x3FDB];
	_ =	sdelay $0x1  }
0x99: {  	s4 =	simm.s32 $_scs_section_size  }
0x9a: {  	s5 =	simm.s32 $_size__tile_overlayer_lowered;
	s6 =	simm.s32 $_tile_overlayer_lowered  }
0x9b: {  	s22 =	simm.s32 $0x1BFF;
	s21 =	sshll.u32 s6, $0x1;
	s3 =	sadd.s32 s4, s19  }
0x9c: {  	s7 =	simm.s32 $0x0;
	s20 =	sshll.u32 s5, $0x1;
	s5 =	sadd.s32 s21, s3  }
0x9d: {  	[timem:s7], [sflag:s22] =	dma.local [hbm:s5], s20  }
0x9e: {  	_ =	swait.ge [sflag:s22], s20  }
0x9f: {  	s4 =	ssub.s32 $0x0, s20;
	[sflag:s22] =	ssyncset.done $0x0  }
0xa0: {  	[sflag:s22] =	ssyncadd.s32 s4;
	_ =	sdelay $0x1  }
0xa1: {  	s23 =	simm.s32 $0x1B8B  }
0xa2: {  	_ =	swait.ge [sflag:s23], $0x1  }
0xa3: {  	[sflag:s23] =	ssyncset.done $0x0  }
0xa4: {  	s25 =	simm.s32 $0x1B8E;
	s24 =	sld [smem:$0x3FFE];
	[sflag:s23] =	ssyncadd.s32 $0xFFFFFFFF  }
0xa5: {  	s26 =	simm.s32 $execute0_lowered;
	[smem:$0x3FD2] =	sst s25  }
0xa6: {  	s5 =	sshll.u32 s26, $0x1;
	_ =	strace $0x80000049;
	[dreg:$0x1] =	wrdreg $0xFFFFFFFF  }
0xa7: {  	s28 =	simm.s32 $_size_execute0_lowered;
	s3 =	sadd.s32 s3, s5;
	[dreg:$0x0] =	wrdreg $0x0  }
0xa8: {  	s5 =	sshll.u32 s28, $0x1;
	[dreg:$0x2] =	wrdreg s3  }
0xa9: {  	[dreg:$0x3] =	wrdreg s5  }
0xaa: {  	[dreg:$0x4] =	wrdreg $0xC0  }
0xab: {  	_ =	task [dreg:s7], $0x5FFFF  }
0xac: {  	[dreg:$0x1] =	wrdreg $0xFFFFFFFF  }
0xad: {  	[dreg:$0x0] =	wrdreg $0x60  }
0xae: {  	[dreg:$0x2] =	wrdreg s2  }
0xaf: {  	[dreg:$0x3] =	wrdreg s24  }
0xb0: {  	[dreg:$0x4] =	wrdreg $0x9A000  }
0xb1: {  	[dreg:$0x5] =	wrdreg $0x9  }
0xb2: {  	_ =	task.clear_ibuf [dreg:s7], $0x6FFFF;
	_ =	strace $0x90000049  }
0xb3: {  	s29 =	simm.s32 $0x9;
	_ =	strace $0x8000004B  }
0xb4: {  	_ =	swait.ge [sflag:s29], $0x1  }
0xb5: {  	[sflag:s29] =	ssyncadd.s32 $0xFFFFFFFF  }
0xb6: {  	_ =	strace $0x9000004B  }
0xb7: {  	_ =	sfence  }
0xb8: {  	s30 =	sld [smem:$0x0];
	_ =	sdelay $0x2  }
0xb9: {  	s31 =	sshll.u32 s1, $0xD;
	s1 =	sshrl.u32 s1, $0x2  }
0xba: {  	s3 =	sand.u32 $0x4000, s31;
	s1 =	sadd.s32 s1, s30  }
0xbb: {  	s0 =	sor.u32 s3, s0;
	s1 =	sshll.u32 s1, $0x11  }
0xbc: {  	s0 =	sor.u32 s1, s0  }
0xbd: {  	s0 =	sadd.s32 $0x8F2B, s0  }
0xbe: {  	[sflag:s0] =	ssyncadd.remote.s32 $0x1  }
0xbf: {  	_ =	sfence.sel $0xFFFF  }
0xc0: {  	[dreg:$0x0] =	wrdreg $0xFFFFFFFF;
	(pc) =	sbr.abs _section_cstart, $3  }
0xc1: {  	[dreg:$0x1] =	wrdreg $0xFFFFFFFF  }
0xc2: {  	_ =	task.clear_ibuf [dreg:s7], $0x2FFFF;
	_ =	strace $0x9FFFFFFF  }
0xc3: {  	(tm) =	ssettm $0x7FFFFFFF  }
tec
execute0_lowered:
.L_overlay_start_1:
0x0: {  	(tag) =	ssettag $0x1  }
0x1: {  	s1 =	rddreg [dreg:$0x0]  }
0x2: {  	s0 =	rddreg [dreg:$0x1]  }
0x3: {  	s3 =	rddreg [dreg:$0x2];
	s4 =	simm.s32 $0x0;
	s2 =	srdreg.scid  }
0x4: {  	s21 =	stileid.u32;
	s28 =	simm.s32 $0x80;
	s29 =	simm.s32 $0x5A00  }
0x5: {  	s30 =	simm.s32 $0x1980;
	[smem:$0x7FF] =	sst s4;
	s22 =	smul.u32 $0x4E000, s21  }
0x6: {  	s5 =	sadd.s32 $0xD200, s0;
	s6 =	sadd.s32 $0x3400, s0;
	s0 =	sadd.s32 $0x65200, s0  }
0x7: {  	s31 =	simm.s32 $0x4;
	s11 =	sadd.s32 $0x124800, s3;
	s12 =	sadd.s32 $0x128800, s3  }
0x8: {  	s2 =	sand.u32 $0x1, s2;
	s13 =	sadd.s32 $0x12C800, s3;
	s15 =	sadd.s32 $0x130800, s3  }
0x9: {  	s18 =	smul.u32 $0x13800, s21;
	s16 =	sadd.s32 $0x134800, s3;
	s20 =	sshll.u32 s21, $0x4  }
0xa: {  	p0 =	seq.s32 s21, $0xF;
	_ =	strace $0x8000004A;
	s7 =	ssub.s32 $0x2, s2  }
0xb: {  	s23 =	sshll.u32 s2, $0x4;
	s2 =	smul.u32 $0x138800, s2;
	s25 =	sor.u32 $0x9C00, s20  }
0xc: {  	s8 =	sshrl.u32 s7, $0x1;
	s4 =	sshrl.u32 s22, $0x2;
	s26 =	sadd.s32 s5, s25  }
0xd: {  	s8 =	ssub.s32 s7, s8;
	s7 =	sadd.s32 s4, s3;
	s19 =	sshrl.u32 s2, $0x3  }
0xe: {  	s2 =	sadd.s32 s18, s2;
	[dreg:$0x6] =	wrdreg s26;
	s18 =	sadd.s32 s6, s25  }
0xf: {  	s25 =	simm.s32 $0x2;
	s26 =	simm.s32 $0x3;
	s4 =	sadd.s32 $0x4000, s7  }
0x10: {  	s9 =	sadd.s32 $0x8000, s7;
	s10 =	sadd.s32 $0xC000, s7;
	s14 =	sadd.s32 $0x10000, s7  }
0x11: {  	s19 =	sadd.s32 s0, s19;
	s2 =	sshrl.u32 s2, $0x3;
	[dreg:$0x7] =	wrdreg s18  }
.Ltmp0:
0x12: {  	s22 =	smax.u32 s8, $0x1;
	s18 =	simm.s32 $0x1;
	(pc) =	sbr.rel .LBB2_1-.Ltmp0, $4  }
0x13: {  	[dreg:$0x4] =	wrdreg s4;
	s4 =	sor.u32 s21, s23;
	s24 =	sadd.s32 $0x24900, s19  }
0x14: {  	s0 =	sadd.s32 s0, s2;
	s23 =	simm.s32 $0x5;
	s2 =	simm.s32 $0x0  }
0x15: {  	s19 =	simm.s32 $0x0;
	s17 =	smul.u32 $0x4E, s4;
	[dreg:$0x5] =	wrdreg s24  }
0x16: {  	v0 =	vimm.f32 $0.0e+00;
	[dreg:$0x8] =	wrdreg s0;
	s24 =	simm.s32 $0x1A00;
	p1 =	sgt.u32 s4, $0x3  }
.LBB2_19:
0x17: {  	s0 =	sshrl.u32 s11, $0x3;
	s4 =	rddreg [dreg:$0x5];
	s8 =	simm.s32 $0x1FC5  }
0x18: {  	[hbm:s4], [sflag:s8] =	dma.local [spmem:s0], $0x2800  }
0x19: {  	_ =	swait.ge [sflag:s23], $0x2800  }
0x1a: {  	[sflag:s23] =	ssyncset.done $0x0  }
0x1b: {  	[sflag:s23] =	ssyncadd.s32 $0xFFFFD800  }
.LBB2_20:
0x1c: {  	s2 =	sadd.s32 $0x1, s2  }
0x1d: {  	p2 =	sne.s32 s2, s22  }
.Ltmp1:
0x1e: {  	_ = 	snop;
	(pc) =	sbr.rel @!p2 .LBB2_21-.Ltmp1, $1  }
0x1f: {  	_ =	sdelay $0x3  }
.LBB2_1:
0x20: {  	s0 =	simm.s32 $0x0;
	s4 =	simm.s32 $0x200  }
.LBB2_2:
0x21: {  	p2 =	sne.s32 s4, $0xFE00;
	[tilespmem:s0+$0x1A70] =	vst v0  }
0x22: {  	[tilespmem:s0+$0x1A00] =	vst v0  }
0x23: {  	[tilespmem:s0+$0x1A10] =	vst v0  }
.Ltmp2:
0x24: {  	[tilespmem:s0+$0x1A20] =	vst v0;
	(pc) =	sbr.rel @p2 .LBB2_2-.Ltmp2, $4  }
0x25: {  	[tilespmem:s0+$0x1A30] =	vst v0  }
0x26: {  	[tilespmem:s0+$0x1A40] =	vst v0  }
0x27: {  	[tilespmem:s0+$0x1A50] =	vst v0  }
0x28: {  	[tilespmem:s0+$0x1A60] =	vst v0;
	s0 =	sshra.s32 s4, $0x2;
	s4 =	sadd.s32 $0x200, s4  }
0x29: {  	[tilespmem:s0+$0x1A70] =	vst v0  }
0x2a: {  	[tilespmem:s0+$0x1A00] =	vst v0  }
0x2b: {  	[tilespmem:s0+$0x1A10] =	vst v0  }
0x2c: {  	[tilespmem:s0+$0x1A20] =	vst v0  }
0x2d: {  	[tilespmem:s0+$0x1A30] =	vst v0  }
0x2e: {  	[tilespmem:s0+$0x1A40] =	vst v0  }
0x2f: {  	[tilespmem:s0+$0x1A50] =	vst v0  }
0x30: {  	[tilespmem:s0+$0x1A60] =	vst v0;
	s0 =	simm.s32 @p0 $0x1A00;
	s4 =	simm.s32 @p0 $0x5  }
0x31: {  	[spmem:s11] =	stream.linear.scatter @p0 [tilespmem:s0], [sflag:$0x5], $0x4000, $0x38;
	[tilespmem:$0x1D280] =	vst v63  }
0x32: {  	_ =	swait.ge @p0 [sflag:s4], $0x4000  }
0x33: {  	[sflag:s4] =	ssyncset.done @p0 $0x0  }
0x34: {  	[sflag:s4] =	ssyncadd.s32 @p0 $0xFFFFC000  }
0x35: {  	[spmem:s12] =	stream.linear.scatter @p0 [tilespmem:s0], [sflag:$0x5], $0x4000, $0x38;
	[tilespmem:$0x1D280] =	vst v63  }
0x36: {  	_ =	swait.ge @p0 [sflag:s4], $0x4000  }
0x37: {  	[sflag:s4] =	ssyncset.done @p0 $0x0  }
0x38: {  	[sflag:s4] =	ssyncadd.s32 @p0 $0xFFFFC000  }
0x39: {  	[spmem:s13] =	stream.linear.scatter @p0 [tilespmem:s0], [sflag:$0x5], $0x4000, $0x38;
	[tilespmem:$0x1D280] =	vst v63  }
0x3a: {  	_ =	swait.ge @p0 [sflag:s4], $0x4000  }
0x3b: {  	[sflag:s4] =	ssyncset.done @p0 $0x0  }
0x3c: {  	[sflag:s4] =	ssyncadd.s32 @p0 $0xFFFFC000  }
0x3d: {  	[spmem:s15] =	stream.linear.scatter @p0 [tilespmem:s0], [sflag:$0x5], $0x4000, $0x38;
	[tilespmem:$0x1D280] =	vst v63  }
0x3e: {  	_ =	swait.ge @p0 [sflag:s4], $0x4000  }
0x3f: {  	[sflag:s4] =	ssyncset.done @p0 $0x0  }
0x40: {  	[sflag:s4] =	ssyncadd.s32 @p0 $0xFFFFC000  }
0x41: {  	[spmem:s16] =	stream.linear.scatter @p0 [tilespmem:s0], [sflag:$0x5], $0x4000, $0x38;
	[tilespmem:$0x1D280] =	vst v63  }
0x42: {  	_ =	swait.ge @p0 [sflag:s4], $0x4000  }
0x43: {  	[sflag:s4] =	ssyncset.done @p0 $0x0  }
0x44: {  	s0 =	simm.s32 @!p0 $0x1A00;
	[sflag:s4] =	ssyncadd.s32 @p0 $0xFFFFC000;
	s4 =	simm.s32 @!p0 $0x5  }
0x45: {  	[spmem:s7] =	stream.linear.scatter @!p0 [tilespmem:s0], [sflag:$0x5], $0x4000, $0x38;
	[tilespmem:$0x1D280] =	vst v63  }
0x46: {  	_ =	swait.ge @!p0 [sflag:s4], $0x4000  }
0x47: {  	[sflag:s4] =	ssyncset.done @!p0 $0x0  }
0x48: {  	s8 =	rddreg [dreg:$0x4];
	[sflag:s4] =	ssyncadd.s32 @!p0 $0xFFFFC000  }
0x49: {  	[spmem:s8] =	stream.linear.scatter @!p0 [tilespmem:s0], [sflag:$0x5], $0x4000, $0x38;
	[tilespmem:$0x1D280] =	vst v63  }
0x4a: {  	_ =	swait.ge @!p0 [sflag:s4], $0x4000  }
0x4b: {  	[sflag:s4] =	ssyncset.done @!p0 $0x0  }
0x4c: {  	[sflag:s4] =	ssyncadd.s32 @!p0 $0xFFFFC000  }
0x4d: {  	[spmem:s9] =	stream.linear.scatter @!p0 [tilespmem:s0], [sflag:$0x5], $0x4000, $0x38;
	[tilespmem:$0x1D280] =	vst v63  }
0x4e: {  	_ =	swait.ge @!p0 [sflag:s4], $0x4000  }
0x4f: {  	[sflag:s4] =	ssyncset.done @!p0 $0x0  }
0x50: {  	[sflag:s4] =	ssyncadd.s32 @!p0 $0xFFFFC000  }
0x51: {  	[spmem:s10] =	stream.linear.scatter @!p0 [tilespmem:s0], [sflag:$0x5], $0x4000, $0x38;
	[tilespmem:$0x1D280] =	vst v63  }
0x52: {  	_ =	swait.ge @!p0 [sflag:s4], $0x4000  }
0x53: {  	[sflag:s4] =	ssyncset.done @!p0 $0x0  }
0x54: {  	[sflag:s4] =	ssyncadd.s32 @!p0 $0xFFFFC000  }
0x55: {  	[spmem:s14] =	stream.linear.scatter @!p0 [tilespmem:s0], [sflag:$0x5], $0x3800, $0x38;
	[tilespmem:$0x1D280] =	vst v63  }
.Ltmp3:
0x56: {  	_ =	swait.ge @!p0 [sflag:s4], $0x3800;
	(pc) =	sbr.rel .LBB2_4-.Ltmp3, $4  }
0x57: {  	[sflag:s4] =	ssyncset.done @!p0 $0x0  }
0x58: {  	[sflag:s4] =	ssyncadd.s32 @!p0 $0xFFFFC800  }
0x59: {  	[bflag:$0x0] =	sbarrier.arrive $0xFFFF  }
0x5a: {  	s20 =	simm.s32 $0x0  }
.LBB2_14:
0x5b: {  	_ =	swait.ge [sflag:s25], $0x4000  }
0x5c: {  	[sflag:s25] =	ssyncset.done $0x0  }
0x5d: {  	s20 =	sadd.s32 $0x1, s20;
	[sflag:s25] =	ssyncadd.s32 $0xFFFFC000  }
0x5e: {  	[spmem:s3] =	stream.indirect.scatter.add.f32 [tilespmem:s29], [sflag:$0x4], $0x80, s30, s28, $0xb8;
	[tilespmem:$0x1D280] =	vst v63  }
0x5f: {  	p2 =	sne.s32 s20, $0x3;
	_ =	swait.ge [sflag:s26], $0x4000  }
.Ltmp4:
0x60: {  	[sflag:s26] =	ssyncset.done $0x0;
	(pc) =	sbr.rel @!p2 .LBB2_15-.Ltmp4, $4  }
0x61: {  	[sflag:s26] =	ssyncadd.s32 $0xFFFFC000  }
0x62: {  	_ =	swait.ge [sflag:s31], $0x4000  }
0x63: {  	[sflag:s31] =	ssyncset.done $0x0  }
0x64: {  	[sflag:s31] =	ssyncadd.s32 $0xFFFFC000  }
.LBB2_4:
0x65: {  	s0 =	smul.u32 $0x1A, s20;
	_ =	sdelay $0x1  }
0x66: {  	s0 =	sadd.s32 s17, s0  }
0x67: {  	s0 =	sshll.u32 s0, $0x4  }
0x68: {  	s4 =	sadd.s32 s5, s0  }
0x69: {  	[tilespmem:s19], [sflag:$0x5] =	stream.linear.gather [hbm4b:s4+s19], $0xD00, $0x38;
	[tilespmem:$0x1D280] =	vst v63  }
0x6a: {  	_ =	swait.ge [sflag:s23], $0xD00  }
0x6b: {  	[sflag:s23] =	ssyncset.done $0x0  }
0x6c: {  	s21 =	sadd.s32 s6, s0;
	s0 =	simm.s32 $0xD00;
	[sflag:s23] =	ssyncadd.s32 $0xFFFFF300  }
0x6d: {  	[tilespmem:s0], [sflag:$0x5] =	stream.linear.gather [hbm4b:s21+s19], $0xD00, $0x38;
	[tilespmem:$0x1D280] =	vst v63  }
.Ltmp5:
0x6e: {  	_ = 	snop;
	(pc) =	sbr.rel .LBB2_5-.Ltmp5, $4  }
0x6f: {  	_ =	swait.ge [sflag:s23], $0xD00  }
0x70: {  	[sflag:s23] =	ssyncset.done $0x0  }
0x71: {  	s4 =	simm.s32 $0x80;
	s21 =	simm.s32 $0x0;
	[sflag:s23] =	ssyncadd.s32 $0xFFFFF300  }
0x72: {  	[tilespmem:s24], [sflag:$0x1] =	stream.indirect.gather [hbm4b:s1+s4], $0x80, s19, s4, $0xb8;
	[tilespmem:$0x1D280] =	vst v63  }
.LBB2_11:
0x73: {  	_ =	swait.ge [sflag:s25], $0x4000  }
0x74: {  	[sflag:s25] =	ssyncset.done $0x0  }
0x75: {  	[sflag:s25] =	ssyncadd.s32 $0xFFFFC000  }
0x76: {  	_ =	swait.ge [sflag:s26], $0x4000  }
0x77: {  	[sflag:s26] =	ssyncset.done $0x0  }
0x78: {  	[sflag:s26] =	ssyncadd.s32 $0xFFFFC000  }
0x79: {  	[tilespmem:s24], [sflag:$0x1] =	stream.indirect.gather [hbm4b:s1+s28], $0x80, s4, s28, $0xb8;
	[tilespmem:$0x1D280] =	vst v63  }
.LBB2_12:
0x7a: {  	[spmem:s3] =	stream.indirect.scatter.add.f32 [tilespmem:s29], [sflag:$0x4], $0x80, s0, s28, $0xb8;
	[tilespmem:$0x1D280] =	vst v63  }
.LBB2_13:
0x7b: {  	s21 =	sadd.s32 $0x1, s21  }
0x7c: {  	p2 =	sne.s32 s21, $0x19  }
.Ltmp6:
0x7d: {  	_ = 	snop;
	(pc) =	sbr.rel @!p2 .LBB2_14-.Ltmp6, $2  }
0x7e: {  	_ =	sdelay $0x2  }
0x7f: {  	s0 =	sadd.s32 $0x80, s0;
	s4 =	sadd.s32 $0x80, s4  }
.LBB2_5:
0x80: {  	s8 =	sand.u32 $0x1, s21  }
0x81: {  	p2 =	seq.s32 s8, $0x1  }
.Ltmp7:
0x82: {  	_ = 	snop;
	(pc) =	sbr.rel @p2 .LBB2_11-.Ltmp7, $1  }
0x83: {  	_ =	sdelay $0x3  }
0x84: {  	p2 =	seq.s32 s21, $0x19  }
.Ltmp8:
0x85: {  	_ = 	snop;
	(pc) =	sbr.rel @p2 .LBB2_9-.Ltmp8, $4  }
0x86: {  	_ = 	snop  }
0x87: {  	_ =	swait.ge [sflag:s18], $0x4000  }
0x88: {  	[sflag:s18] =	ssyncset.done $0x0  }
0x89: {  	[sflag:s18] =	ssyncadd.s32 $0xFFFFC000  }
0x8a: {  	p2 =	sne.s32 s21, $0x0  }
.Ltmp9:
0x8b: {  	_ = 	snop;
	(pc) =	sbr.rel @p2 .LBB2_10-.Ltmp9, $1  }
0x8c: {  	_ =	sdelay $0x3  }
.Ltmp10:
0x8d: {  	(pc) =	sbr.rel .LBB2_13-.Ltmp10, $4  }
0x8e: {  	_ = 	snop  }
0x8f: {  	[tilespmem:s29], [sflag:$0x2] =	stream.indirect.gather [hbm4b:s1+s28], $0x80, s4, s28, $0xb8;
	[tilespmem:$0x1D280] =	vst v63  }
0x90: {  	_ = 	snop  }
0x91: {  	[spmem:s3] =	stream.indirect.scatter.add.f32 [tilespmem:s24], [sflag:$0x3], $0x80, s0, s28, $0xb8;
	[tilespmem:$0x1D280] =	vst v63  }
.LBB2_9:
.Ltmp11:
0x92: {  	(pc) =	sbr.rel .LBB2_12-.Ltmp11, $4  }
0x93: {  	[spmem:s3] =	stream.indirect.scatter.add.f32 [tilespmem:s24], [sflag:$0x3], $0x80, s30, s28, $0xb8;
	[tilespmem:$0x1D280] =	vst v63  }
0x94: {  	_ =	swait.ge [sflag:s25], $0x4000  }
0x95: {  	[sflag:s25] =	ssyncset.done $0x0  }
0x96: {  	[sflag:s25] =	ssyncadd.s32 $0xFFFFC000  }
.LBB2_10:
0x97: {  	_ =	swait.ge [sflag:s31], $0x4000;
	p2 =	seq.s32 s8, $0x0  }
.Ltmp12:
0x98: {  	[sflag:s31] =	ssyncset.done $0x0;
	(pc) =	sbr.rel @p2 .LBB2_13-.Ltmp12, $4  }
.Ltmp13:
0x99: {  	[sflag:s31] =	ssyncadd.s32 $0xFFFFC000;
	(pc) =	sbr.rel @!p2 .LBB2_11-.Ltmp13, $4  }
0x9a: {  	[tilespmem:s29], [sflag:$0x2] =	stream.indirect.gather [hbm4b:s1+s28], $0x80, s4, s28, $0xb8;
	[tilespmem:$0x1D280] =	vst v63  }
0x9b: {  	_ = 	snop  }
0x9c: {  	[spmem:s3] =	stream.indirect.scatter.add.f32 [tilespmem:s24], [sflag:$0x3], $0x80, s0, s28, $0xb8;
	[tilespmem:$0x1D280] =	vst v63  }
0x9d: {  	_ = 	snop  }
.LBB2_15:
.Ltmp14:
0x9e: {  	(pc) =	sbr.rel @p1 .LBB2_17-.Ltmp14, $1  }
0x9f: {  	_ =	sdelay $0x3  }
0xa0: {  	s0 =	simm.s32 $0x0;
	s4 =	rddreg [dreg:$0x6]  }
0xa1: {  	[tilespmem:s0], [sflag:$0x5] =	stream.linear.gather [hbm4b:s4+s0], $0x80, $0x38;
	[tilespmem:$0x1D280] =	vst v63  }
0xa2: {  	_ =	swait.ge [sflag:s23], $0x80  }
0xa3: {  	[sflag:s23] =	ssyncset.done $0x0  }
0xa4: {  	s8 =	simm.s32 $0xD00;
	s21 =	rddreg [dreg:$0x7];
	[sflag:s23] =	ssyncadd.s32 $0xFFFFFF80  }
0xa5: {  	[tilespmem:s8], [sflag:$0x5] =	stream.linear.gather [hbm4b:s21+s0], $0x80, $0x38;
	[tilespmem:$0x1D280] =	vst v63  }
0xa6: {  	_ =	swait.ge [sflag:s23], $0x80  }
0xa7: {  	[sflag:s23] =	ssyncset.done $0x0  }
0xa8: {  	[sflag:s23] =	ssyncadd.s32 $0xFFFFFF80  }
0xa9: {  	[tilespmem:s24], [sflag:$0x1] =	stream.indirect.gather [hbm4b:s1+s28], $0x80, s0, s28, $0xb8;
	[tilespmem:$0x1D280] =	vst v63  }
0xaa: {  	_ =	swait.ge [sflag:s18], $0x4000  }
0xab: {  	[sflag:s18] =	ssyncset.done $0x0  }
0xac: {  	[sflag:s18] =	ssyncadd.s32 $0xFFFFC000  }
0xad: {  	[spmem:s3] =	stream.indirect.scatter.add.f32 [tilespmem:s24], [sflag:$0x3], $0x80, s8, s28, $0xb8;
	[tilespmem:$0x1D280] =	vst v63  }
.Ltmp15:
0xae: {  	_ =	swait.ge [sflag:s26], $0x4000;
	(pc) =	sbr.rel .LBB2_18-.Ltmp15, $3  }
0xaf: {  	[sflag:s26] =	ssyncset.done $0x0  }
0xb0: {  	[sflag:s26] =	ssyncadd.s32 $0xFFFFC000  }
0xb1: {  	[bflag:$0x0] =	sbarrier.arrive $0xFFFF;
	_ =	sdelay $0x1  }
.LBB2_17:
.Ltmp16:
0xb2: {  	(pc) =	sbr.rel @p0 .LBB2_19-.Ltmp16, $2  }
0xb3: {  	_ =	sdelay $0x1  }
0xb4: {  	[bflag:$0x0] =	sbarrier.arrive $0xFFFF;
	_ =	sdelay $0x1  }
.LBB2_18:
0xb5: {  	s0 =	stileid.u32  }
0xb6: {  	s4 =	sshrl.u32 s7, $0x3;
	s0 =	sshll.u32 s0, $0x6  }
.Ltmp17:
0xb7: {  	s8 =	rddreg [dreg:$0x8];
	s0 =	sor.u32 $0x1C05, s0;
	(pc) =	sbr.rel .LBB2_20-.Ltmp17, $4  }
0xb8: {  	[hbm:s8], [sflag:s0] =	dma.local [spmem:s4], $0x2700  }
0xb9: {  	_ =	swait.ge [sflag:s23], $0x2700  }
0xba: {  	[sflag:s23] =	ssyncset.done $0x0  }
0xbb: {  	[sflag:s23] =	ssyncadd.s32 $0xFFFFD900  }
.LBB2_21:
0xbc: {  	_ =	sfence.sel $0x180000  }
0xbd: {  	[bflag:$0x0] =	sbarrier.arrive $0xFFFF  }
0xbe: {  	_ =	strace $0x9000004A  }
0xbf: {  	s0 =	stileid.u32;
	[bflag:$0x2] =	sbarrier.arrive $0xFFFF  }
0xc0: {  	p0 =	sne.s32 s0, $0x0;
	s0 =	rddreg [dreg:$0x3]  }
0xc1: {  	s0 =	sadd.s32 @!p0 $0x100000, s0  }
0xc2: {  	[sflag:s0] =	ssyncadd.tile.s32 @!p0 $0x1;
	_ =	shalt  }
.Lfunc_end2:
_tile_overlayer_lowered:
.L_overlay_start_2:
0xc3: {  	(tag) =	ssettag $0x2  }
0xc4: {  	s0 =	rddreg [dreg:$0x0];
	s2 =	stileid.u32  }
0xc5: {  	s1 =	rddreg [dreg:$0x1];
	p0 =	sne.s32 s2, $0x0  }
0xc6: {  	s3 =	rddreg [dreg:$0x2];
	[bflag:$0x3] =	sbarrier.arrive $0xFFFF;
	s2 =	simm.s32 @!p0 $0x1C05  }
0xc7: {  	[timem:s3], [sflag:s2] =	dma.local @!p0 [hbm:s0], s1  }
0xc8: {  	s0 =	simm.s32 @!p0 $0x5  }
0xc9: {  	_ =	swait.ge @!p0 [sflag:s0], s1  }
0xca: {  	s1 =	ssub.s32 @!p0 $0x0, s1;
	[sflag:s0] =	ssyncset.done @!p0 $0x0  }
0xcb: {  	[sflag:s0] =	ssyncadd.s32 @!p0 s1  }
0xcc: {  	[bflag:$0x3] =	sbarrier.arrive $0xFFFF  }
0xcd: {  	_ =	shalt  }

// kernel: kernel.14.cloned.1.call-start
scs
__scs_entry_jumppad:
0x0: {  	(pc) =	sbr.rel $0x88, $3  }
0x1: {  	(tag) =	ssettag $0x0;
	lr =	simm.s32 $0x1  }
0x2: {  	[smem:$0x3F9B] =	sst lr;
	_ =	strace $0xD0000000  }
0x3: {  	_ = 	snop  }
0x4: {  	_ = 	snop  }
0x5: {  	_ = 	snop  }
0x6: {  	_ = 	snop  }
0x7: {  	_ = 	snop  }
__scs_overlays_trampoline_lowered:
0x8: {  	[smem:$0x3FAA] =	sst s0  }
0x9: {  	[smem:$0x3FAB] =	sst s1  }
0xa: {  	[smem:$0x3FAC] =	sst s2  }
0xb: {  	[smem:$0x3FAD] =	sst s3  }
0xc: {  	[smem:$0x3FAE] =	sst s4  }
0xd: {  	[smem:$0x3FAF] =	sst s5  }
0xe: {  	[smem:$0x3FB0] =	sst s6  }
0xf: {  	[smem:$0x3FB1] =	sst s7  }
0x10: {  	[smem:$0x3FB2] =	sst s8  }
0x11: {  	[smem:$0x3FB3] =	sst s9;
	s0 =	simm.s32 @!p0 $0x0  }
0x12: {  	s1 =	sld [smem:$0x3F99];
	s0 =	simm.s32 @p0 $0x1  }
0x13: {  	[smem:$0x3FB4] =	sst s0;
	s0 =	simm.s32 @!p1 $0x0  }
0x14: {  	s2 =	sld [smem:$0x3F98];
	s0 =	simm.s32 @p1 $0x1  }
0x15: {  	[smem:$0x3FB5] =	sst s0;
	s0 =	simm.s32 @!p2 $0x0  }
0x16: {  	s3 =	sld [smem:$0x3FDB];
	s0 =	simm.s32 @p2 $0x1  }
0x17: {  	s4 =	simm.s32 $0x1BF5;
	[smem:$0x3FB7] =	sst s0  }
0x18: {  	s0 =	sld [smem:$0x3F9A];
	_ =	swait.ge [sflag:s4], $0x0  }
0x19: {  	s7 =	sld [smem:$0x3F9B]  }
0x1a: {  	s8 =	sadd.s32 $0xFFFFE003, lr  }
0x1b: {  	s9 =	sadd.s32 $0xFFFFFEF7, lr;
	s5 =	simm.s32 $0xFFFFFFFF;
	p2 =	slt.u32 s8, $0xFFFFF086  }
0x1c: {  	p1 =	slt.u32 s9, $0xF7A;
	s5 =	simm.s32 @!p2 $0x0  }
0x1d: {  	s5 =	simm.s32 @p1 $0x1;
	p0 =	seq.s32 s7, s2  }
0x1e: {  	s7 =	smul.u32 @!p0 $0xF7A, s2;
	p2 =	seq.s32 @!p0 s5, $0x0  }
0x1f: {  	s9 =	smul.u32 $0xF7A, s1;
	s8 =	simm.s32 @!p0 $0x1BF5;
	p2 =	por !p2, p0  }
0x20: {  	[sflag:s8] =	ssyncset.s32 @!p0 $0xFFFFF086;
	s6 =	sadd.s32 @!p0 s3, s7;
	s7 =	simm.s32 @!p0 $0x108  }
0x21: {  	s3 =	sadd.s32 s3, s9;
	s6 =	sadd.s32 @!p0 $0x88, s6;
	s7 =	simm.s32 @p2 $0x1082  }
0x22: {  	[simem:s7], [sflag:s8] =	dma.local @!p0 [hbm:s6], $0xF7A  }
0x23: {  	s9 =	sor.u32 $0xD0000000, s2;
	s6 =	simm.s32 $0x108;
	_ =	swait.ge @!p0 [sflag:s8], $0x0  }
0x24: {  	s3 =	sadd.s32 $0x88, s3;
	s6 =	simm.s32 @!p1 $0x1082;
	[sflag:s4] =	ssyncset.s32 $0xFFFFF086  }
0x25: {  	[simem:s6], [sflag:s4] =	dma.local [hbm:s3], $0xF7A  }
0x26: {  	[smem:$0x3F9B] =	sst s1;
	(tag) =	ssettag s2;
	_ =	strace s9  }
0x27: {  	s1 =	sld [smem:$0x3FAB]  }
0x28: {  	s2 =	sld [smem:$0x3FAC]  }
0x29: {  	s4 =	sld [smem:$0x3FAE]  }
0x2a: {  	p0 =	seq.s32 s5, $0x0;
	s5 =	sld [smem:$0x3FAF]  }
0x2b: {  	s6 =	sld [smem:$0x3FB0]  }
0x2c: {  	s7 =	sld [smem:$0x3FB1]  }
0x2d: {  	s3 =	simm.s32 $0x108;
	s8 =	sld [smem:$0x3FB2]  }
0x2e: {  	s3 =	simm.s32 @!p0 $0x1082;
	s9 =	sld [smem:$0x3FB3]  }
0x2f: {  	lr =	sadd.s32 s0, s3;
	s0 =	sld [smem:$0x3FAA]  }
0x30: {  	s3 =	sld [smem:$0x3FAD]  }
0x31: {  	[smem:$0x3FB6] =	sst s10  }
0x32: {  	s10 =	sld [smem:$0x3FB4];
	_ =	sdelay $0x3  }
0x33: {  	p0 =	seq.s32 s10, $0x1;
	s10 =	sld [smem:$0x3FB6];
	_ =	sdelay $0x3  }
0x34: {  	[smem:$0x3FB6] =	sst s10  }
0x35: {  	s10 =	sld [smem:$0x3FB5];
	_ =	sdelay $0x3  }
0x36: {  	p1 =	seq.s32 s10, $0x1;
	s10 =	sld [smem:$0x3FB6];
	_ =	sdelay $0x3  }
0x37: {  	[smem:$0x3FB6] =	sst s10  }
0x38: {  	s10 =	sld [smem:$0x3FB7]  }
0x39: {  	_ = 	snop;
	(pc) =	sbr.ind lr, $3  }
0x3a: {  	_ = 	snop  }
0x3b: {  	_ = 	snop  }
0x3c: {  	p2 =	seq.s32 s10, $0x1;
	s10 =	sld [smem:$0x3FB6]  }
0x3d: {  	_ =	shalt  }
0x3e: {  	_ =	shalt  }
0x3f: {  	_ =	shalt  }
0x40: {  	_ =	shalt  }
0x41: {  	_ =	shalt  }
0x42: {  	_ =	shalt  }
0x43: {  	_ =	shalt  }
0x44: {  	_ =	shalt  }
0x45: {  	_ =	shalt  }
0x46: {  	_ =	shalt  }
0x47: {  	_ =	shalt  }
0x48: {  	_ =	shalt  }
0x49: {  	_ =	shalt  }
0x4a: {  	_ =	shalt  }
0x4b: {  	_ =	shalt  }
0x4c: {  	_ =	shalt  }
0x4d: {  	_ =	shalt  }
0x4e: {  	_ =	shalt  }
0x4f: {  	_ =	shalt  }
0x50: {  	_ =	shalt  }
0x51: {  	_ =	shalt  }
0x52: {  	_ =	shalt  }
0x53: {  	_ =	shalt  }
0x54: {  	_ =	shalt  }
0x55: {  	_ =	shalt  }
0x56: {  	_ =	shalt  }
0x57: {  	_ =	shalt  }
0x58: {  	_ =	shalt  }
0x59: {  	_ =	shalt  }
0x5a: {  	_ =	shalt  }
0x5b: {  	_ =	shalt  }
0x5c: {  	_ =	shalt  }
0x5d: {  	_ =	shalt  }
0x5e: {  	_ =	shalt  }
0x5f: {  	_ =	shalt  }
0x60: {  	_ =	shalt  }
0x61: {  	_ =	shalt  }
0x62: {  	_ =	shalt  }
0x63: {  	_ =	shalt  }
0x64: {  	_ =	shalt  }
0x65: {  	_ =	shalt  }
0x66: {  	_ =	shalt  }
0x67: {  	_ =	shalt  }
0x68: {  	_ =	shalt  }
0x69: {  	_ =	shalt  }
0x6a: {  	_ =	shalt  }
0x6b: {  	_ =	shalt  }
0x6c: {  	_ =	shalt  }
0x6d: {  	_ =	shalt  }
0x6e: {  	_ =	shalt  }
0x6f: {  	_ =	shalt  }
0x70: {  	_ =	shalt  }
0x71: {  	_ =	shalt  }
0x72: {  	_ =	shalt  }
0x73: {  	_ =	shalt  }
0x74: {  	_ =	shalt  }
0x75: {  	_ =	shalt  }
0x76: {  	_ =	shalt  }
0x77: {  	_ =	shalt  }
0x78: {  	_ =	shalt  }
0x79: {  	_ =	shalt  }
0x7a: {  	_ =	shalt  }
0x7b: {  	_ =	shalt  }
0x7c: {  	_ =	shalt  }
0x7d: {  	_ =	shalt  }
0x7e: {  	_ =	shalt  }
0x7f: {  	_ =	shalt  }
0x80: {  	_ =	shalt  }
0x81: {  	_ =	shalt  }
0x82: {  	_ =	shalt  }
0x83: {  	_ =	shalt  }
0x84: {  	_ =	shalt  }
0x85: {  	_ =	shalt  }
0x86: {  	_ =	shalt  }
0x87: {  	_ =	shalt  }
.Lfunc_end0:
.L_simem_size_0:
called_computation.2_lowered:
.L_overlay_start_0:
0x88: {  	s2 =	sld [smem:$0x3FD9]  }
0x89: {  	s3 =	sld [smem:$0x3FFE];
	_ =	sdelay $0x1  }
0x8a: {  	s1 =	srdreg.scid  }
0x8b: {  	s0 =	sand.u32 $0x1, s1  }
0x8c: {  	s17 =	sshll.u32 s0, $0xA;
	s2 =	sadd.s32 s3, s2  }
0x8d: {  	s2 =	sadd.s32 s2, s17  }
0x8e: {  	[smem:$0x3FC2] =	sst s2  }
0x8f: {  	_ = 	snop  }
0x90: {  	s2 =	sld [smem:$0x3FD0];
	(tm) =	ssettm $0x1  }
0x91: {  	s18 =	sld [smem:$0x3FFB];
	_ =	sdelay $0x3  }
0x92: {  	_ =	strace s18  }
0x93: {  	s3 =	sld [smem:$0x3FFC];
	_ =	sdelay $0x3  }
0x94: {  	_ =	strace s3  }
0x95: {  	s3 =	sld [smem:$0x3FFD];
	_ =	sdelay $0x3  }
0x96: {  	_ =	strace s3  }
0x97: {  	_ =	strace $0x8FFFFFFF  }
0x98: {  	s19 =	sld [smem:$0x3FDB];
	_ =	sdelay $0x1  }
0x99: {  	s4 =	simm.s32 $_scs_section_size  }
0x9a: {  	s5 =	simm.s32 $_size__tile_overlayer_lowered;
	s6 =	simm.s32 $_tile_overlayer_lowered  }
0x9b: {  	s22 =	simm.s32 $0x1BFF;
	s21 =	sshll.u32 s6, $0x1;
	s3 =	sadd.s32 s4, s19  }
0x9c: {  	s7 =	simm.s32 $0x0;
	s20 =	sshll.u32 s5, $0x1;
	s5 =	sadd.s32 s21, s3  }
0x9d: {  	[timem:s7], [sflag:s22] =	dma.local [hbm:s5], s20  }
0x9e: {  	_ =	swait.ge [sflag:s22], s20  }
0x9f: {  	s4 =	ssub.s32 $0x0, s20;
	[sflag:s22] =	ssyncset.done $0x0  }
0xa0: {  	[sflag:s22] =	ssyncadd.s32 s4;
	_ =	sdelay $0x1  }
0xa1: {  	s23 =	simm.s32 $0x1B8B  }
0xa2: {  	_ =	swait.ge [sflag:s23], $0x1  }
0xa3: {  	[sflag:s23] =	ssyncset.done $0x0  }
0xa4: {  	s25 =	simm.s32 $0x1B8E;
	s24 =	sld [smem:$0x3FFE];
	[sflag:s23] =	ssyncadd.s32 $0xFFFFFFFF  }
0xa5: {  	s26 =	simm.s32 $execute0_lowered;
	[smem:$0x3FD2] =	sst s25  }
0xa6: {  	s5 =	sshll.u32 s26, $0x1;
	_ =	strace $0x8000004C;
	[dreg:$0x1] =	wrdreg $0xFFFFFFFF  }
0xa7: {  	s28 =	simm.s32 $_size_execute0_lowered;
	s3 =	sadd.s32 s3, s5;
	[dreg:$0x0] =	wrdreg $0x0  }
0xa8: {  	s5 =	sshll.u32 s28, $0x1;
	[dreg:$0x2] =	wrdreg s3  }
0xa9: {  	[dreg:$0x3] =	wrdreg s5  }
0xaa: {  	[dreg:$0x4] =	wrdreg $0xC0  }
0xab: {  	_ =	task [dreg:s7], $0x5FFFF  }
0xac: {  	[dreg:$0x1] =	wrdreg $0xFFFFFFFF  }
0xad: {  	[dreg:$0x0] =	wrdreg $0x60  }
0xae: {  	[dreg:$0x2] =	wrdreg s2  }
0xaf: {  	[dreg:$0x3] =	wrdreg s24  }
0xb0: {  	[dreg:$0x4] =	wrdreg $0x9A000  }
0xb1: {  	[dreg:$0x5] =	wrdreg $0x9  }
0xb2: {  	_ =	task.clear_ibuf [dreg:s7], $0x6FFFF;
	_ =	strace $0x9000004C  }
0xb3: {  	s29 =	simm.s32 $0x9;
	_ =	strace $0x8000004E  }
0xb4: {  	_ =	swait.ge [sflag:s29], $0x1  }
0xb5: {  	[sflag:s29] =	ssyncadd.s32 $0xFFFFFFFF  }
0xb6: {  	_ =	strace $0x9000004E  }
0xb7: {  	_ =	sfence  }
0xb8: {  	s30 =	sld [smem:$0x0];
	_ =	sdelay $0x2  }
0xb9: {  	s31 =	sshll.u32 s1, $0xD;
	s1 =	sshrl.u32 s1, $0x2  }
0xba: {  	s3 =	sand.u32 $0x4000, s31;
	s1 =	sadd.s32 s1, s30  }
0xbb: {  	s0 =	sor.u32 s3, s0;
	s1 =	sshll.u32 s1, $0x11  }
0xbc: {  	s0 =	sor.u32 s1, s0  }
0xbd: {  	s0 =	sadd.s32 $0x8F2B, s0  }
0xbe: {  	[sflag:s0] =	ssyncadd.remote.s32 $0x1  }
0xbf: {  	_ =	sfence.sel $0xFFFF  }
0xc0: {  	[dreg:$0x0] =	wrdreg $0xFFFFFFFF;
	(pc) =	sbr.abs _section_cstart, $3  }
0xc1: {  	[dreg:$0x1] =	wrdreg $0xFFFFFFFF  }
0xc2: {  	_ =	task.clear_ibuf [dreg:s7], $0x2FFFF;
	_ =	strace $0x9FFFFFFF  }
0xc3: {  	(tm) =	ssettm $0x7FFFFFFF  }
tec
execute0_lowered:
.L_overlay_start_1:
0x0: {  	(tag) =	ssettag $0x1  }
0x1: {  	s1 =	rddreg [dreg:$0x0]  }
0x2: {  	s0 =	rddreg [dreg:$0x1]  }
0x3: {  	s3 =	rddreg [dreg:$0x2];
	s4 =	simm.s32 $0x0;
	s2 =	srdreg.scid  }
0x4: {  	s21 =	stileid.u32;
	s28 =	simm.s32 $0x80;
	s29 =	simm.s32 $0x5A00  }
0x5: {  	s30 =	simm.s32 $0x1980;
	[smem:$0x7FF] =	sst s4;
	s22 =	smul.u32 $0x4E000, s21  }
0x6: {  	s5 =	sadd.s32 $0xD200, s0;
	s6 =	sadd.s32 $0x3400, s0;
	s0 =	sadd.s32 $0x65200, s0  }
0x7: {  	s31 =	simm.s32 $0x4;
	s11 =	sadd.s32 $0x124800, s3;
	s12 =	sadd.s32 $0x128800, s3  }
0x8: {  	s2 =	sand.u32 $0x1, s2;
	s13 =	sadd.s32 $0x12C800, s3;
	s15 =	sadd.s32 $0x130800, s3  }
0x9: {  	s18 =	smul.u32 $0x13800, s21;
	s16 =	sadd.s32 $0x134800, s3;
	s20 =	sshll.u32 s21, $0x4  }
0xa: {  	p0 =	seq.s32 s21, $0xF;
	_ =	strace $0x8000004D;
	s7 =	ssub.s32 $0x2, s2  }
0xb: {  	s23 =	sshll.u32 s2, $0x4;
	s2 =	smul.u32 $0x138800, s2;
	s25 =	sor.u32 $0x9C00, s20  }
0xc: {  	s8 =	sshrl.u32 s7, $0x1;
	s4 =	sshrl.u32 s22, $0x2;
	s26 =	sadd.s32 s5, s25  }
0xd: {  	s8 =	ssub.s32 s7, s8;
	s7 =	sadd.s32 s4, s3;
	s19 =	sshrl.u32 s2, $0x3  }
0xe: {  	s2 =	sadd.s32 s18, s2;
	[dreg:$0x6] =	wrdreg s26;
	s18 =	sadd.s32 s6, s25  }
0xf: {  	s25 =	simm.s32 $0x2;
	s26 =	simm.s32 $0x3;
	s4 =	sadd.s32 $0x4000, s7  }
0x10: {  	s9 =	sadd.s32 $0x8000, s7;
	s10 =	sadd.s32 $0xC000, s7;
	s14 =	sadd.s32 $0x10000, s7  }
0x11: {  	s19 =	sadd.s32 s0, s19;
	s2 =	sshrl.u32 s2, $0x3;
	[dreg:$0x7] =	wrdreg s18  }
.Ltmp0:
0x12: {  	s22 =	smax.u32 s8, $0x1;
	s18 =	simm.s32 $0x1;
	(pc) =	sbr.rel .LBB2_1-.Ltmp0, $4  }
0x13: {  	[dreg:$0x4] =	wrdreg s4;
	s4 =	sor.u32 s21, s23;
	s24 =	sadd.s32 $0x24900, s19  }
0x14: {  	s0 =	sadd.s32 s0, s2;
	s23 =	simm.s32 $0x5;
	s2 =	simm.s32 $0x0  }
0x15: {  	s19 =	simm.s32 $0x0;
	s17 =	smul.u32 $0x4E, s4;
	[dreg:$0x5] =	wrdreg s24  }
0x16: {  	v0 =	vimm.f32 $0.0e+00;
	[dreg:$0x8] =	wrdreg s0;
	s24 =	simm.s32 $0x1A00;
	p1 =	sgt.u32 s4, $0x3  }
.LBB2_19:
0x17: {  	s0 =	sshrl.u32 s11, $0x3;
	s4 =	rddreg [dreg:$0x5];
	s8 =	simm.s32 $0x1FC5  }
0x18: {  	[hbm:s4], [sflag:s8] =	dma.local [spmem:s0], $0x2800  }
0x19: {  	_ =	swait.ge [sflag:s23], $0x2800  }
0x1a: {  	[sflag:s23] =	ssyncset.done $0x0  }
0x1b: {  	[sflag:s23] =	ssyncadd.s32 $0xFFFFD800  }
.LBB2_20:
0x1c: {  	s2 =	sadd.s32 $0x1, s2  }
0x1d: {  	p2 =	sne.s32 s2, s22  }
.Ltmp1:
0x1e: {  	_ = 	snop;
	(pc) =	sbr.rel @!p2 .LBB2_21-.Ltmp1, $1  }
0x1f: {  	_ =	sdelay $0x3  }
.LBB2_1:
0x20: {  	s0 =	simm.s32 $0x0;
	s4 =	simm.s32 $0x200  }
.LBB2_2:
0x21: {  	p2 =	sne.s32 s4, $0xFE00;
	[tilespmem:s0+$0x1A70] =	vst v0  }
0x22: {  	[tilespmem:s0+$0x1A00] =	vst v0  }
0x23: {  	[tilespmem:s0+$0x1A10] =	vst v0  }
.Ltmp2:
0x24: {  	[tilespmem:s0+$0x1A20] =	vst v0;
	(pc) =	sbr.rel @p2 .LBB2_2-.Ltmp2, $4  }
0x25: {  	[tilespmem:s0+$0x1A30] =	vst v0  }
0x26: {  	[tilespmem:s0+$0x1A40] =	vst v0  }
0x27: {  	[tilespmem:s0+$0x1A50] =	vst v0  }
0x28: {  	[tilespmem:s0+$0x1A60] =	vst v0;
	s0 =	sshra.s32 s4, $0x2;
	s4 =	sadd.s32 $0x200, s4  }
0x29: {  	[tilespmem:s0+$0x1A70] =	vst v0  }
0x2a: {  	[tilespmem:s0+$0x1A00] =	vst v0  }
0x2b: {  	[tilespmem:s0+$0x1A10] =	vst v0  }
0x2c: {  	[tilespmem:s0+$0x1A20] =	vst v0  }
0x2d: {  	[tilespmem:s0+$0x1A30] =	vst v0  }
0x2e: {  	[tilespmem:s0+$0x1A40] =	vst v0  }
0x2f: {  	[tilespmem:s0+$0x1A50] =	vst v0  }
0x30: {  	[tilespmem:s0+$0x1A60] =	vst v0;
	s0 =	simm.s32 @p0 $0x1A00;
	s4 =	simm.s32 @p0 $0x5  }
0x31: {  	[spmem:s11] =	stream.linear.scatter @p0 [tilespmem:s0], [sflag:$0x5], $0x4000, $0x38;
	[tilespmem:$0x1D280] =	vst v63  }
0x32: {  	_ =	swait.ge @p0 [sflag:s4], $0x4000  }
0x33: {  	[sflag:s4] =	ssyncset.done @p0 $0x0  }
0x34: {  	[sflag:s4] =	ssyncadd.s32 @p0 $0xFFFFC000  }
0x35: {  	[spmem:s12] =	stream.linear.scatter @p0 [tilespmem:s0], [sflag:$0x5], $0x4000, $0x38;
	[tilespmem:$0x1D280] =	vst v63  }
0x36: {  	_ =	swait.ge @p0 [sflag:s4], $0x4000  }
0x37: {  	[sflag:s4] =	ssyncset.done @p0 $0x0  }
0x38: {  	[sflag:s4] =	ssyncadd.s32 @p0 $0xFFFFC000  }
0x39: {  	[spmem:s13] =	stream.linear.scatter @p0 [tilespmem:s0], [sflag:$0x5], $0x4000, $0x38;
	[tilespmem:$0x1D280] =	vst v63  }
0x3a: {  	_ =	swait.ge @p0 [sflag:s4], $0x4000  }
0x3b: {  	[sflag:s4] =	ssyncset.done @p0 $0x0  }
0x3c: {  	[sflag:s4] =	ssyncadd.s32 @p0 $0xFFFFC000  }
0x3d: {  	[spmem:s15] =	stream.linear.scatter @p0 [tilespmem:s0], [sflag:$0x5], $0x4000, $0x38;
	[tilespmem:$0x1D280] =	vst v63  }
0x3e: {  	_ =	swait.ge @p0 [sflag:s4], $0x4000  }
0x3f: {  	[sflag:s4] =	ssyncset.done @p0 $0x0  }
0x40: {  	[sflag:s4] =	ssyncadd.s32 @p0 $0xFFFFC000  }
0x41: {  	[spmem:s16] =	stream.linear.scatter @p0 [tilespmem:s0], [sflag:$0x5], $0x4000, $0x38;
	[tilespmem:$0x1D280] =	vst v63  }
0x42: {  	_ =	swait.ge @p0 [sflag:s4], $0x4000  }
0x43: {  	[sflag:s4] =	ssyncset.done @p0 $0x0  }
0x44: {  	s0 =	simm.s32 @!p0 $0x1A00;
	[sflag:s4] =	ssyncadd.s32 @p0 $0xFFFFC000;
	s4 =	simm.s32 @!p0 $0x5  }
0x45: {  	[spmem:s7] =	stream.linear.scatter @!p0 [tilespmem:s0], [sflag:$0x5], $0x4000, $0x38;
	[tilespmem:$0x1D280] =	vst v63  }
0x46: {  	_ =	swait.ge @!p0 [sflag:s4], $0x4000  }
0x47: {  	[sflag:s4] =	ssyncset.done @!p0 $0x0  }
0x48: {  	s8 =	rddreg [dreg:$0x4];
	[sflag:s4] =	ssyncadd.s32 @!p0 $0xFFFFC000  }
0x49: {  	[spmem:s8] =	stream.linear.scatter @!p0 [tilespmem:s0], [sflag:$0x5], $0x4000, $0x38;
	[tilespmem:$0x1D280] =	vst v63  }
0x4a: {  	_ =	swait.ge @!p0 [sflag:s4], $0x4000  }
0x4b: {  	[sflag:s4] =	ssyncset.done @!p0 $0x0  }
0x4c: {  	[sflag:s4] =	ssyncadd.s32 @!p0 $0xFFFFC000  }
0x4d: {  	[spmem:s9] =	stream.linear.scatter @!p0 [tilespmem:s0], [sflag:$0x5], $0x4000, $0x38;
	[tilespmem:$0x1D280] =	vst v63  }
0x4e: {  	_ =	swait.ge @!p0 [sflag:s4], $0x4000  }
0x4f: {  	[sflag:s4] =	ssyncset.done @!p0 $0x0  }
0x50: {  	[sflag:s4] =	ssyncadd.s32 @!p0 $0xFFFFC000  }
0x51: {  	[spmem:s10] =	stream.linear.scatter @!p0 [tilespmem:s0], [sflag:$0x5], $0x4000, $0x38;
	[tilespmem:$0x1D280] =	vst v63  }
0x52: {  	_ =	swait.ge @!p0 [sflag:s4], $0x4000  }
0x53: {  	[sflag:s4] =	ssyncset.done @!p0 $0x0  }
0x54: {  	[sflag:s4] =	ssyncadd.s32 @!p0 $0xFFFFC000  }
0x55: {  	[spmem:s14] =	stream.linear.scatter @!p0 [tilespmem:s0], [sflag:$0x5], $0x3800, $0x38;
	[tilespmem:$0x1D280] =	vst v63  }
.Ltmp3:
0x56: {  	_ =	swait.ge @!p0 [sflag:s4], $0x3800;
	(pc) =	sbr.rel .LBB2_4-.Ltmp3, $4  }
0x57: {  	[sflag:s4] =	ssyncset.done @!p0 $0x0  }
0x58: {  	[sflag:s4] =	ssyncadd.s32 @!p0 $0xFFFFC800  }
0x59: {  	[bflag:$0x0] =	sbarrier.arrive $0xFFFF  }
0x5a: {  	s20 =	simm.s32 $0x0  }
.LBB2_14:
0x5b: {  	_ =	swait.ge [sflag:s25], $0x4000  }
0x5c: {  	[sflag:s25] =	ssyncset.done $0x0  }
0x5d: {  	s20 =	sadd.s32 $0x1, s20;
	[sflag:s25] =	ssyncadd.s32 $0xFFFFC000  }
0x5e: {  	[spmem:s3] =	stream.indirect.scatter.add.f32 [tilespmem:s29], [sflag:$0x4], $0x80, s30, s28, $0xb8;
	[tilespmem:$0x1D280] =	vst v63  }
0x5f: {  	p2 =	sne.s32 s20, $0x3;
	_ =	swait.ge [sflag:s26], $0x4000  }
.Ltmp4:
0x60: {  	[sflag:s26] =	ssyncset.done $0x0;
	(pc) =	sbr.rel @!p2 .LBB2_15-.Ltmp4, $4  }
0x61: {  	[sflag:s26] =	ssyncadd.s32 $0xFFFFC000  }
0x62: {  	_ =	swait.ge [sflag:s31], $0x4000  }
0x63: {  	[sflag:s31] =	ssyncset.done $0x0  }
0x64: {  	[sflag:s31] =	ssyncadd.s32 $0xFFFFC000  }
.LBB2_4:
0x65: {  	s0 =	smul.u32 $0x1A, s20;
	_ =	sdelay $0x1  }
0x66: {  	s0 =	sadd.s32 s17, s0  }
0x67: {  	s0 =	sshll.u32 s0, $0x4  }
0x68: {  	s4 =	sadd.s32 s5, s0  }
0x69: {  	[tilespmem:s19], [sflag:$0x5] =	stream.linear.gather [hbm4b:s4+s19], $0xD00, $0x38;
	[tilespmem:$0x1D280] =	vst v63  }
0x6a: {  	_ =	swait.ge [sflag:s23], $0xD00  }
0x6b: {  	[sflag:s23] =	ssyncset.done $0x0  }
0x6c: {  	s21 =	sadd.s32 s6, s0;
	s0 =	simm.s32 $0xD00;
	[sflag:s23] =	ssyncadd.s32 $0xFFFFF300  }
0x6d: {  	[tilespmem:s0], [sflag:$0x5] =	stream.linear.gather [hbm4b:s21+s19], $0xD00, $0x38;
	[tilespmem:$0x1D280] =	vst v63  }
.Ltmp5:
0x6e: {  	_ = 	snop;
	(pc) =	sbr.rel .LBB2_5-.Ltmp5, $4  }
0x6f: {  	_ =	swait.ge [sflag:s23], $0xD00  }
0x70: {  	[sflag:s23] =	ssyncset.done $0x0  }
0x71: {  	s4 =	simm.s32 $0x80;
	s21 =	simm.s32 $0x0;
	[sflag:s23] =	ssyncadd.s32 $0xFFFFF300  }
0x72: {  	[tilespmem:s24], [sflag:$0x1] =	stream.indirect.gather [hbm4b:s1+s4], $0x80, s19, s4, $0xb8;
	[tilespmem:$0x1D280] =	vst v63  }
.LBB2_11:
0x73: {  	_ =	swait.ge [sflag:s25], $0x4000  }
0x74: {  	[sflag:s25] =	ssyncset.done $0x0  }
0x75: {  	[sflag:s25] =	ssyncadd.s32 $0xFFFFC000  }
0x76: {  	_ =	swait.ge [sflag:s26], $0x4000  }
0x77: {  	[sflag:s26] =	ssyncset.done $0x0  }
0x78: {  	[sflag:s26] =	ssyncadd.s32 $0xFFFFC000  }
0x79: {  	[tilespmem:s24], [sflag:$0x1] =	stream.indirect.gather [hbm4b:s1+s28], $0x80, s4, s28, $0xb8;
	[tilespmem:$0x1D280] =	vst v63  }
.LBB2_12:
0x7a: {  	[spmem:s3] =	stream.indirect.scatter.add.f32 [tilespmem:s29], [sflag:$0x4], $0x80, s0, s28, $0xb8;
	[tilespmem:$0x1D280] =	vst v63  }
.LBB2_13:
0x7b: {  	s21 =	sadd.s32 $0x1, s21  }
0x7c: {  	p2 =	sne.s32 s21, $0x19  }
.Ltmp6:
0x7d: {  	_ = 	snop;
	(pc) =	sbr.rel @!p2 .LBB2_14-.Ltmp6, $2  }
0x7e: {  	_ =	sdelay $0x2  }
0x7f: {  	s0 =	sadd.s32 $0x80, s0;
	s4 =	sadd.s32 $0x80, s4  }
.LBB2_5:
0x80: {  	s8 =	sand.u32 $0x1, s21  }
0x81: {  	p2 =	seq.s32 s8, $0x1  }
.Ltmp7:
0x82: {  	_ = 	snop;
	(pc) =	sbr.rel @p2 .LBB2_11-.Ltmp7, $1  }
0x83: {  	_ =	sdelay $0x3  }
0x84: {  	p2 =	seq.s32 s21, $0x19  }
.Ltmp8:
0x85: {  	_ = 	snop;
	(pc) =	sbr.rel @p2 .LBB2_9-.Ltmp8, $4  }
0x86: {  	_ = 	snop  }
0x87: {  	_ =	swait.ge [sflag:s18], $0x4000  }
0x88: {  	[sflag:s18] =	ssyncset.done $0x0  }
0x89: {  	[sflag:s18] =	ssyncadd.s32 $0xFFFFC000  }
0x8a: {  	p2 =	sne.s32 s21, $0x0  }
.Ltmp9:
0x8b: {  	_ = 	snop;
	(pc) =	sbr.rel @p2 .LBB2_10-.Ltmp9, $1  }
0x8c: {  	_ =	sdelay $0x3  }
.Ltmp10:
0x8d: {  	(pc) =	sbr.rel .LBB2_13-.Ltmp10, $4  }
0x8e: {  	_ = 	snop  }
0x8f: {  	[tilespmem:s29], [sflag:$0x2] =	stream.indirect.gather [hbm4b:s1+s28], $0x80, s4, s28, $0xb8;
	[tilespmem:$0x1D280] =	vst v63  }
0x90: {  	_ = 	snop  }
0x91: {  	[spmem:s3] =	stream.indirect.scatter.add.f32 [tilespmem:s24], [sflag:$0x3], $0x80, s0, s28, $0xb8;
	[tilespmem:$0x1D280] =	vst v63  }
.LBB2_9:
.Ltmp11:
0x92: {  	(pc) =	sbr.rel .LBB2_12-.Ltmp11, $4  }
0x93: {  	[spmem:s3] =	stream.indirect.scatter.add.f32 [tilespmem:s24], [sflag:$0x3], $0x80, s30, s28, $0xb8;
	[tilespmem:$0x1D280] =	vst v63  }
0x94: {  	_ =	swait.ge [sflag:s25], $0x4000  }
0x95: {  	[sflag:s25] =	ssyncset.done $0x0  }
0x96: {  	[sflag:s25] =	ssyncadd.s32 $0xFFFFC000  }
.LBB2_10:
0x97: {  	_ =	swait.ge [sflag:s31], $0x4000;
	p2 =	seq.s32 s8, $0x0  }
.Ltmp12:
0x98: {  	[sflag:s31] =	ssyncset.done $0x0;
	(pc) =	sbr.rel @p2 .LBB2_13-.Ltmp12, $4  }
.Ltmp13:
0x99: {  	[sflag:s31] =	ssyncadd.s32 $0xFFFFC000;
	(pc) =	sbr.rel @!p2 .LBB2_11-.Ltmp13, $4  }
0x9a: {  	[tilespmem:s29], [sflag:$0x2] =	stream.indirect.gather [hbm4b:s1+s28], $0x80, s4, s28, $0xb8;
	[tilespmem:$0x1D280] =	vst v63  }
0x9b: {  	_ = 	snop  }
0x9c: {  	[spmem:s3] =	stream.indirect.scatter.add.f32 [tilespmem:s24], [sflag:$0x3], $0x80, s0, s28, $0xb8;
	[tilespmem:$0x1D280] =	vst v63  }
0x9d: {  	_ = 	snop  }
.LBB2_15:
.Ltmp14:
0x9e: {  	(pc) =	sbr.rel @p1 .LBB2_17-.Ltmp14, $1  }
0x9f: {  	_ =	sdelay $0x3  }
0xa0: {  	s0 =	simm.s32 $0x0;
	s4 =	rddreg [dreg:$0x6]  }
0xa1: {  	[tilespmem:s0], [sflag:$0x5] =	stream.linear.gather [hbm4b:s4+s0], $0x80, $0x38;
	[tilespmem:$0x1D280] =	vst v63  }
0xa2: {  	_ =	swait.ge [sflag:s23], $0x80  }
0xa3: {  	[sflag:s23] =	ssyncset.done $0x0  }
0xa4: {  	s8 =	simm.s32 $0xD00;
	s21 =	rddreg [dreg:$0x7];
	[sflag:s23] =	ssyncadd.s32 $0xFFFFFF80  }
0xa5: {  	[tilespmem:s8], [sflag:$0x5] =	stream.linear.gather [hbm4b:s21+s0], $0x80, $0x38;
	[tilespmem:$0x1D280] =	vst v63  }
0xa6: {  	_ =	swait.ge [sflag:s23], $0x80  }
0xa7: {  	[sflag:s23] =	ssyncset.done $0x0  }
0xa8: {  	[sflag:s23] =	ssyncadd.s32 $0xFFFFFF80  }
0xa9: {  	[tilespmem:s24], [sflag:$0x1] =	stream.indirect.gather [hbm4b:s1+s28], $0x80, s0, s28, $0xb8;
	[tilespmem:$0x1D280] =	vst v63  }
0xaa: {  	_ =	swait.ge [sflag:s18], $0x4000  }
0xab: {  	[sflag:s18] =	ssyncset.done $0x0  }
0xac: {  	[sflag:s18] =	ssyncadd.s32 $0xFFFFC000  }
0xad: {  	[spmem:s3] =	stream.indirect.scatter.add.f32 [tilespmem:s24], [sflag:$0x3], $0x80, s8, s28, $0xb8;
	[tilespmem:$0x1D280] =	vst v63  }
.Ltmp15:
0xae: {  	_ =	swait.ge [sflag:s26], $0x4000;
	(pc) =	sbr.rel .LBB2_18-.Ltmp15, $3  }
0xaf: {  	[sflag:s26] =	ssyncset.done $0x0  }
0xb0: {  	[sflag:s26] =	ssyncadd.s32 $0xFFFFC000  }
0xb1: {  	[bflag:$0x0] =	sbarrier.arrive $0xFFFF;
	_ =	sdelay $0x1  }
.LBB2_17:
.Ltmp16:
0xb2: {  	(pc) =	sbr.rel @p0 .LBB2_19-.Ltmp16, $2  }
0xb3: {  	_ =	sdelay $0x1  }
0xb4: {  	[bflag:$0x0] =	sbarrier.arrive $0xFFFF;
	_ =	sdelay $0x1  }
.LBB2_18:
0xb5: {  	s0 =	stileid.u32  }
0xb6: {  	s4 =	sshrl.u32 s7, $0x3;
	s0 =	sshll.u32 s0, $0x6  }
.Ltmp17:
0xb7: {  	s8 =	rddreg [dreg:$0x8];
	s0 =	sor.u32 $0x1C05, s0;
	(pc) =	sbr.rel .LBB2_20-.Ltmp17, $4  }
0xb8: {  	[hbm:s8], [sflag:s0] =	dma.local [spmem:s4], $0x2700  }
0xb9: {  	_ =	swait.ge [sflag:s23], $0x2700  }
0xba: {  	[sflag:s23] =	ssyncset.done $0x0  }
0xbb: {  	[sflag:s23] =	ssyncadd.s32 $0xFFFFD900  }
.LBB2_21:
0xbc: {  	_ =	sfence.sel $0x180000  }
0xbd: {  	[bflag:$0x0] =	sbarrier.arrive $0xFFFF  }
0xbe: {  	_ =	strace $0x9000004D  }
0xbf: {  	s0 =	stileid.u32;
	[bflag:$0x2] =	sbarrier.arrive $0xFFFF  }
0xc0: {  	p0 =	sne.s32 s0, $0x0;
	s0 =	rddreg [dreg:$0x3]  }
0xc1: {  	s0 =	sadd.s32 @!p0 $0x100000, s0  }
0xc2: {  	[sflag:s0] =	ssyncadd.tile.s32 @!p0 $0x1;
	_ =	shalt  }
.Lfunc_end2:
_tile_overlayer_lowered:
.L_overlay_start_2:
0xc3: {  	(tag) =	ssettag $0x2  }
0xc4: {  	s0 =	rddreg [dreg:$0x0];
	s2 =	stileid.u32  }
0xc5: {  	s1 =	rddreg [dreg:$0x1];
	p0 =	sne.s32 s2, $0x0  }
0xc6: {  	s3 =	rddreg [dreg:$0x2];
	[bflag:$0x3] =	sbarrier.arrive $0xFFFF;
	s2 =	simm.s32 @!p0 $0x1C05  }
0xc7: {  	[timem:s3], [sflag:s2] =	dma.local @!p0 [hbm:s0], s1  }
0xc8: {  	s0 =	simm.s32 @!p0 $0x5  }
0xc9: {  	_ =	swait.ge @!p0 [sflag:s0], s1  }
0xca: {  	s1 =	ssub.s32 @!p0 $0x0, s1;
	[sflag:s0] =	ssyncset.done @!p0 $0x0  }
0xcb: {  	[sflag:s0] =	ssyncadd.s32 @!p0 s1  }
0xcc: {  	[bflag:$0x3] =	sbarrier.arrive $0xFFFF  }
0xcd: {  	_ =	shalt  }

// kernel: kernel.8.cloned.1.call-start
scs
__scs_entry_jumppad:
0x0: {  	(pc) =	sbr.rel $0x88, $3  }
0x1: {  	(tag) =	ssettag $0x0;
	lr =	simm.s32 $0x1  }
0x2: {  	[smem:$0x3F9B] =	sst lr;
	_ =	strace $0xD0000000  }
0x3: {  	_ = 	snop  }
0x4: {  	_ = 	snop  }
0x5: {  	_ = 	snop  }
0x6: {  	_ = 	snop  }
0x7: {  	_ = 	snop  }
__scs_overlays_trampoline_lowered:
0x8: {  	[smem:$0x3FAA] =	sst s0  }
0x9: {  	[smem:$0x3FAB] =	sst s1  }
0xa: {  	[smem:$0x3FAC] =	sst s2  }
0xb: {  	[smem:$0x3FAD] =	sst s3  }
0xc: {  	[smem:$0x3FAE] =	sst s4  }
0xd: {  	[smem:$0x3FAF] =	sst s5  }
0xe: {  	[smem:$0x3FB0] =	sst s6  }
0xf: {  	[smem:$0x3FB1] =	sst s7  }
0x10: {  	[smem:$0x3FB2] =	sst s8  }
0x11: {  	[smem:$0x3FB3] =	sst s9;
	s0 =	simm.s32 @!p0 $0x0  }
0x12: {  	s1 =	sld [smem:$0x3F99];
	s0 =	simm.s32 @p0 $0x1  }
0x13: {  	[smem:$0x3FB4] =	sst s0;
	s0 =	simm.s32 @!p1 $0x0  }
0x14: {  	s2 =	sld [smem:$0x3F98];
	s0 =	simm.s32 @p1 $0x1  }
0x15: {  	[smem:$0x3FB5] =	sst s0;
	s0 =	simm.s32 @!p2 $0x0  }
0x16: {  	s3 =	sld [smem:$0x3FDB];
	s0 =	simm.s32 @p2 $0x1  }
0x17: {  	s4 =	simm.s32 $0x1BF5;
	[smem:$0x3FB7] =	sst s0  }
0x18: {  	s0 =	sld [smem:$0x3F9A];
	_ =	swait.ge [sflag:s4], $0x0  }
0x19: {  	s7 =	sld [smem:$0x3F9B]  }
0x1a: {  	s8 =	sadd.s32 $0xFFFFE003, lr  }
0x1b: {  	s9 =	sadd.s32 $0xFFFFFEF7, lr;
	s5 =	simm.s32 $0xFFFFFFFF;
	p2 =	slt.u32 s8, $0xFFFFF086  }
0x1c: {  	p1 =	slt.u32 s9, $0xF7A;
	s5 =	simm.s32 @!p2 $0x0  }
0x1d: {  	s5 =	simm.s32 @p1 $0x1;
	p0 =	seq.s32 s7, s2  }
0x1e: {  	s7 =	smul.u32 @!p0 $0xF7A, s2;
	p2 =	seq.s32 @!p0 s5, $0x0  }
0x1f: {  	s9 =	smul.u32 $0xF7A, s1;
	s8 =	simm.s32 @!p0 $0x1BF5;
	p2 =	por !p2, p0  }
0x20: {  	[sflag:s8] =	ssyncset.s32 @!p0 $0xFFFFF086;
	s6 =	sadd.s32 @!p0 s3, s7;
	s7 =	simm.s32 @!p0 $0x108  }
0x21: {  	s3 =	sadd.s32 s3, s9;
	s6 =	sadd.s32 @!p0 $0x88, s6;
	s7 =	simm.s32 @p2 $0x1082  }
0x22: {  	[simem:s7], [sflag:s8] =	dma.local @!p0 [hbm:s6], $0xF7A  }
0x23: {  	s9 =	sor.u32 $0xD0000000, s2;
	s6 =	simm.s32 $0x108;
	_ =	swait.ge @!p0 [sflag:s8], $0x0  }
0x24: {  	s3 =	sadd.s32 $0x88, s3;
	s6 =	simm.s32 @!p1 $0x1082;
	[sflag:s4] =	ssyncset.s32 $0xFFFFF086  }
0x25: {  	[simem:s6], [sflag:s4] =	dma.local [hbm:s3], $0xF7A  }
0x26: {  	[smem:$0x3F9B] =	sst s1;
	(tag) =	ssettag s2;
	_ =	strace s9  }
0x27: {  	s1 =	sld [smem:$0x3FAB]  }
0x28: {  	s2 =	sld [smem:$0x3FAC]  }
0x29: {  	s4 =	sld [smem:$0x3FAE]  }
0x2a: {  	p0 =	seq.s32 s5, $0x0;
	s5 =	sld [smem:$0x3FAF]  }
0x2b: {  	s6 =	sld [smem:$0x3FB0]  }
0x2c: {  	s7 =	sld [smem:$0x3FB1]  }
0x2d: {  	s3 =	simm.s32 $0x108;
	s8 =	sld [smem:$0x3FB2]  }
0x2e: {  	s3 =	simm.s32 @!p0 $0x1082;
	s9 =	sld [smem:$0x3FB3]  }
0x2f: {  	lr =	sadd.s32 s0, s3;
	s0 =	sld [smem:$0x3FAA]  }
0x30: {  	s3 =	sld [smem:$0x3FAD]  }
0x31: {  	[smem:$0x3FB6] =	sst s10  }
0x32: {  	s10 =	sld [smem:$0x3FB4];
	_ =	sdelay $0x3  }
0x33: {  	p0 =	seq.s32 s10, $0x1;
	s10 =	sld [smem:$0x3FB6];
	_ =	sdelay $0x3  }
0x34: {  	[smem:$0x3FB6] =	sst s10  }
0x35: {  	s10 =	sld [smem:$0x3FB5];
	_ =	sdelay $0x3  }
0x36: {  	p1 =	seq.s32 s10, $0x1;
	s10 =	sld [smem:$0x3FB6];
	_ =	sdelay $0x3  }
0x37: {  	[smem:$0x3FB6] =	sst s10  }
0x38: {  	s10 =	sld [smem:$0x3FB7]  }
0x39: {  	_ = 	snop;
	(pc) =	sbr.ind lr, $3  }
0x3a: {  	_ = 	snop  }
0x3b: {  	_ = 	snop  }
0x3c: {  	p2 =	seq.s32 s10, $0x1;
	s10 =	sld [smem:$0x3FB6]  }
0x3d: {  	_ =	shalt  }
0x3e: {  	_ =	shalt  }
0x3f: {  	_ =	shalt  }
0x40: {  	_ =	shalt  }
0x41: {  	_ =	shalt  }
0x42: {  	_ =	shalt  }
0x43: {  	_ =	shalt  }
0x44: {  	_ =	shalt  }
0x45: {  	_ =	shalt  }
0x46: {  	_ =	shalt  }
0x47: {  	_ =	shalt  }
0x48: {  	_ =	shalt  }
0x49: {  	_ =	shalt  }
0x4a: {  	_ =	shalt  }
0x4b: {  	_ =	shalt  }
0x4c: {  	_ =	shalt  }
0x4d: {  	_ =	shalt  }
0x4e: {  	_ =	shalt  }
0x4f: {  	_ =	shalt  }
0x50: {  	_ =	shalt  }
0x51: {  	_ =	shalt  }
0x52: {  	_ =	shalt  }
0x53: {  	_ =	shalt  }
0x54: {  	_ =	shalt  }
0x55: {  	_ =	shalt  }
0x56: {  	_ =	shalt  }
0x57: {  	_ =	shalt  }
0x58: {  	_ =	shalt  }
0x59: {  	_ =	shalt  }
0x5a: {  	_ =	shalt  }
0x5b: {  	_ =	shalt  }
0x5c: {  	_ =	shalt  }
0x5d: {  	_ =	shalt  }
0x5e: {  	_ =	shalt  }
0x5f: {  	_ =	shalt  }
0x60: {  	_ =	shalt  }
0x61: {  	_ =	shalt  }
0x62: {  	_ =	shalt  }
0x63: {  	_ =	shalt  }
0x64: {  	_ =	shalt  }
0x65: {  	_ =	shalt  }
0x66: {  	_ =	shalt  }
0x67: {  	_ =	shalt  }
0x68: {  	_ =	shalt  }
0x69: {  	_ =	shalt  }
0x6a: {  	_ =	shalt  }
0x6b: {  	_ =	shalt  }
0x6c: {  	_ =	shalt  }
0x6d: {  	_ =	shalt  }
0x6e: {  	_ =	shalt  }
0x6f: {  	_ =	shalt  }
0x70: {  	_ =	shalt  }
0x71: {  	_ =	shalt  }
0x72: {  	_ =	shalt  }
0x73: {  	_ =	shalt  }
0x74: {  	_ =	shalt  }
0x75: {  	_ =	shalt  }
0x76: {  	_ =	shalt  }
0x77: {  	_ =	shalt  }
0x78: {  	_ =	shalt  }
0x79: {  	_ =	shalt  }
0x7a: {  	_ =	shalt  }
0x7b: {  	_ =	shalt  }
0x7c: {  	_ =	shalt  }
0x7d: {  	_ =	shalt  }
0x7e: {  	_ =	shalt  }
0x7f: {  	_ =	shalt  }
0x80: {  	_ =	shalt  }
0x81: {  	_ =	shalt  }
0x82: {  	_ =	shalt  }
0x83: {  	_ =	shalt  }
0x84: {  	_ =	shalt  }
0x85: {  	_ =	shalt  }
0x86: {  	_ =	shalt  }
0x87: {  	_ =	shalt  }
.Lfunc_end0:
.L_simem_size_0:
called_computation_lowered:
.L_overlay_start_0:
0x88: {  	s2 =	sld [smem:$0x3FD9]  }
0x89: {  	s3 =	sld [smem:$0x3FFE];
	_ =	sdelay $0x1  }
0x8a: {  	s1 =	srdreg.scid  }
0x8b: {  	s0 =	sand.u32 $0x1, s1  }
0x8c: {  	s16 =	sshll.u32 s0, $0xA;
	s2 =	sadd.s32 s3, s2  }
0x8d: {  	s2 =	sadd.s32 s2, s16  }
0x8e: {  	[smem:$0x3FC2] =	sst s2  }
0x8f: {  	_ = 	snop  }
0x90: {  	(tm) =	ssettm $0x1  }
0x91: {  	s17 =	sld [smem:$0x3FFB];
	_ =	sdelay $0x3  }
0x92: {  	_ =	strace s17  }
0x93: {  	s2 =	sld [smem:$0x3FFC];
	_ =	sdelay $0x3  }
0x94: {  	_ =	strace s2  }
0x95: {  	s2 =	sld [smem:$0x3FFD];
	_ =	sdelay $0x3  }
0x96: {  	_ =	strace s2  }
0x97: {  	_ =	strace $0x8FFFFFFF  }
0x98: {  	s18 =	sld [smem:$0x3FDB];
	_ =	sdelay $0x1  }
0x99: {  	s19 =	simm.s32 $_scs_section_size  }
0x9a: {  	s4 =	simm.s32 $_size__tile_overlayer_lowered;
	s5 =	simm.s32 $_tile_overlayer_lowered  }
0x9b: {  	s22 =	simm.s32 $0x1BFF;
	s21 =	sshll.u32 s5, $0x1;
	s2 =	sadd.s32 s19, s18  }
0x9c: {  	s6 =	simm.s32 $0x0;
	s20 =	sshll.u32 s4, $0x1;
	s4 =	sadd.s32 s21, s2  }
0x9d: {  	[timem:s6], [sflag:s22] =	dma.local [hbm:s4], s20  }
0x9e: {  	_ =	swait.ge [sflag:s22], s20  }
0x9f: {  	s3 =	ssub.s32 $0x0, s20;
	[sflag:s22] =	ssyncset.done $0x0  }
0xa0: {  	[sflag:s22] =	ssyncadd.s32 s3;
	_ =	sdelay $0x1  }
0xa1: {  	s23 =	simm.s32 $0x1B8B  }
0xa2: {  	_ =	swait.ge [sflag:s23], $0x1  }
0xa3: {  	[sflag:s23] =	ssyncset.done $0x0  }
0xa4: {  	s25 =	simm.s32 $0x1B8E;
	s24 =	sld [smem:$0x3FFE];
	[sflag:s23] =	ssyncadd.s32 $0xFFFFFFFF  }
0xa5: {  	s26 =	simm.s32 $execute0_lowered;
	[smem:$0x3FD2] =	sst s25  }
0xa6: {  	s4 =	sshll.u32 s26, $0x1;
	_ =	strace $0x80000046;
	[dreg:$0x1] =	wrdreg $0xFFFFFFFF  }
0xa7: {  	s28 =	simm.s32 $_size_execute0_lowered;
	s2 =	sadd.s32 s2, s4;
	[dreg:$0x0] =	wrdreg $0x0  }
0xa8: {  	s4 =	sshll.u32 s28, $0x1;
	[dreg:$0x2] =	wrdreg s2  }
0xa9: {  	[dreg:$0x3] =	wrdreg s4  }
0xaa: {  	[dreg:$0x4] =	wrdreg $0xC0  }
0xab: {  	_ =	task [dreg:s6], $0x5FFFF  }
0xac: {  	[dreg:$0x1] =	wrdreg $0xFFFFFFFF  }
0xad: {  	[dreg:$0x0] =	wrdreg $0x60  }
0xae: {  	[dreg:$0x2] =	wrdreg s24  }
0xaf: {  	[dreg:$0x3] =	wrdreg $0x4D000  }
0xb0: {  	[dreg:$0x4] =	wrdreg $0x9  }
0xb1: {  	_ =	task.clear_ibuf [dreg:s6], $0x5FFFF;
	_ =	strace $0x90000046  }
0xb2: {  	s29 =	simm.s32 $0x9;
	_ =	strace $0x80000048  }
0xb3: {  	_ =	swait.ge [sflag:s29], $0x1  }
0xb4: {  	[sflag:s29] =	ssyncadd.s32 $0xFFFFFFFF  }
0xb5: {  	_ =	strace $0x90000048  }
0xb6: {  	_ =	sfence  }
0xb7: {  	s30 =	sld [smem:$0x0];
	_ =	sdelay $0x2  }
0xb8: {  	s31 =	sshll.u32 s1, $0xD;
	s1 =	sshrl.u32 s1, $0x2  }
0xb9: {  	s3 =	sand.u32 $0x4000, s31;
	s1 =	sadd.s32 s1, s30  }
0xba: {  	s0 =	sor.u32 s3, s0;
	s1 =	sshll.u32 s1, $0x11  }
0xbb: {  	s0 =	sor.u32 s1, s0  }
0xbc: {  	s0 =	sadd.s32 $0x8F2B, s0  }
0xbd: {  	[sflag:s0] =	ssyncadd.remote.s32 $0x1  }
0xbe: {  	_ =	sfence.sel $0xFFFF  }
0xbf: {  	[dreg:$0x0] =	wrdreg $0xFFFFFFFF;
	(pc) =	sbr.abs _section_cstart, $3  }
0xc0: {  	[dreg:$0x1] =	wrdreg $0xFFFFFFFF  }
0xc1: {  	_ =	task.clear_ibuf [dreg:s6], $0x2FFFF;
	_ =	strace $0x9FFFFFFF  }
0xc2: {  	(tm) =	ssettm $0x7FFFFFFF  }
0xc3: {  	_ =	shalt  }
tec
execute0_lowered:
.L_overlay_start_1:
0x0: {  	(tag) =	ssettag $0x1  }
0x1: {  	s0 =	rddreg [dreg:$0x0]  }
0x2: {  	s2 =	rddreg [dreg:$0x1];
	s9 =	stileid.u32  }
0x3: {  	s3 =	simm.s32 $0x0;
	s4 =	srdreg.scid;
	s28 =	simm.s32 $0x4480  }
0x4: {  	s29 =	simm.s32 $0x4500;
	s30 =	simm.s32 $0x4580;
	s31 =	simm.s32 $0x4600  }
0x5: {  	s1 =	smul.u32 $0x4E000, s9;
	[smem:$0x7FF] =	sst s3;
	s5 =	sadd.s32 $0x17000, s0  }
0x6: {  	s4 =	sand.u32 $0x1, s4;
	s10 =	sadd.s32 $0x124800, s2;
	s11 =	sadd.s32 $0x128800, s2  }
0x7: {  	s12 =	sadd.s32 $0x12C800, s2;
	_ =	strace $0x80000047;
	[dreg:$0xc] =	wrdreg s10  }
0x8: {  	s13 =	sadd.s32 $0x130800, s2;
	s16 =	smul.u32 $0x13800, s9;
	[dreg:$0xd] =	wrdreg s11  }
0x9: {  	s15 =	sadd.s32 $0x134800, s2;
	s19 =	smul.u32 $0x9C0, s9;
	[dreg:$0xe] =	wrdreg s12  }
0xa: {  	s20 =	sshll.u32 s9, $0x4;
	p1 =	sgt.u32 s9, $0x3;
	[dreg:$0xf] =	wrdreg s13  }
0xb: {  	s6 =	ssub.s32 $0x2, s4;
	s26 =	smul.u32 $0x138800, s4;
	[dreg:$0x10] =	wrdreg s15  }
0xc: {  	p0 =	seq.s32 s4, $0x1;
	s4 =	simm.s32 $0x3400;
	s15 =	simm.s32 $0x4880  }
0xd: {  	s10 =	simm.s32 $0x4B00;
	s11 =	simm.s32 $0x4B80;
	s12 =	simm.s32 $0x4C00  }
0xe: {  	s13 =	simm.s32 $0x4C80;
	s1 =	sshrl.u32 s1, $0x2;
	s23 =	sshrl.u32 s6, $0x1  }
0xf: {  	s4 =	simm.s32 @!p0 $0xD200;
	p0 =	seq.s32 s9, $0xF;
	s9 =	simm.s32 $0x0  }
0x10: {  	s7 =	sadd.s32 s1, s2;
	s1 =	ssub.s32 s6, s23;
	s14 =	sshrl.u32 s26, $0x3  }
0x11: {  	s18 =	sadd.s32 s16, s26;
	s0 =	sadd.s32 s4, s0;
	s26 =	simm.s32 $0x4180  }
0x12: {  	s8 =	sadd.s32 $0x4000, s7;
	s24 =	sadd.s32 $0x8000, s7;
	[dreg:$0x7] =	wrdreg s7  }
0x13: {  	s25 =	sadd.s32 $0xC000, s7;
	s7 =	sadd.s32 $0x10000, s7;
	[dreg:$0x6] =	wrdreg s26  }
0x14: {  	s6 =	sadd.s32 s5, s14;
	s22 =	sadd.s32 s20, s0;
	[dreg:$0x8] =	wrdreg s8  }
0x15: {  	s0 =	sadd.s32 s19, s0;
	s1 =	smax.u32 s1, $0x1;
	[dreg:$0x9] =	wrdreg s24  }
0x16: {  	s19 =	simm.s32 $0x2;
	s20 =	simm.s32 $0x80;
	[dreg:$0xa] =	wrdreg s25  }
0x17: {  	s26 =	simm.s32 $0x4400;
	s14 =	simm.s32 $0x4700;
	[dreg:$0xb] =	wrdreg s7  }
0x18: {  	s17 =	sadd.s32 $0x24900, s6;
	s6 =	sshrl.u32 s18, $0x3;
	[dreg:$0x13] =	wrdreg s1  }
0x19: {  	s23 =	sadd.s32 $0x9C00, s22;
	[dreg:$0x3] =	wrdreg s0;
	s18 =	simm.s32 $0x4000  }
0x1a: {  	s24 =	simm.s32 $0x4080;
	s25 =	simm.s32 $0x4100;
	s22 =	simm.s32 $0x1  }
0x1b: {  	s0 =	simm.s32 $0x4680;
	s1 =	simm.s32 $0x4780;
	[dreg:$0x11] =	wrdreg s17  }
.Ltmp0:
0x1c: {  	s7 =	simm.s32 $0x4A00;
	[dreg:$0x14] =	wrdreg s23;
	(pc) =	sbr.rel .LBB2_1-.Ltmp0, $4  }
0x1d: {  	s8 =	simm.s32 $0x4A80;
	s21 =	sadd.s32 s5, s6;
	[dreg:$0x4] =	wrdreg s24  }
0x1e: {  	[dreg:$0x5] =	wrdreg s25;
	s23 =	simm.s32 $0x4280;
	s24 =	simm.s32 $0x4300  }
0x1f: {  	s25 =	simm.s32 $0x4380;
	s17 =	simm.s32 $0x4800;
	s5 =	simm.s32 $0x4900  }
0x20: {  	v0 =	vimm.f32 $0.0e+00;
	v1 =	vimm.f32 $1.000000000e+00;
	s6 =	simm.s32 $0x4980;
	[dreg:$0x12] =	wrdreg s21;
	s21 =	simm.s32 $0x4200  }
.LBB2_11:
0x21: {  	s4 =	rddreg [dreg:$0xc]  }
0x22: {  	s9 =	rddreg [dreg:$0x11];
	s16 =	simm.s32 $0x1FC2;
	s4 =	sshrl.u32 s4, $0x3  }
0x23: {  	[hbm:s9], [sflag:s16] =	dma.local [spmem:s4], $0x2800  }
0x24: {  	_ =	swait.ge [sflag:s19], $0x2800  }
0x25: {  	[sflag:s19] =	ssyncset.done $0x0  }
0x26: {  	s9 =	rddreg [dreg:$0x15];
	[sflag:s19] =	ssyncadd.s32 $0xFFFFD800  }
.LBB2_12:
0x27: {  	s9 =	sadd.s32 $0x1, s9;
	s4 =	rddreg [dreg:$0x13]  }
0x28: {  	p2 =	sne.s32 s9, s4  }
.Ltmp1:
0x29: {  	_ = 	snop;
	(pc) =	sbr.rel @!p2 .LBB2_13-.Ltmp1, $1  }
0x2a: {  	_ =	sdelay $0x3  }
.LBB2_1:
0x2b: {  	[dreg:$0x15] =	wrdreg s9;
	s9 =	simm.s32 $0x0;
	s4 =	simm.s32 $0x200  }
.LBB2_2:
0x2c: {  	p2 =	sne.s32 s4, $0xFE00;
	[tilespmem:s9+$0x70] =	vst v0  }
0x2d: {  	[tilespmem:s9+$0x0] =	vst v0  }
0x2e: {  	[tilespmem:s9+$0x10] =	vst v0  }
.Ltmp2:
0x2f: {  	[tilespmem:s9+$0x20] =	vst v0;
	(pc) =	sbr.rel @p2 .LBB2_2-.Ltmp2, $4  }
0x30: {  	[tilespmem:s9+$0x30] =	vst v0  }
0x31: {  	[tilespmem:s9+$0x40] =	vst v0  }
0x32: {  	[tilespmem:s9+$0x50] =	vst v0  }
0x33: {  	[tilespmem:s9+$0x60] =	vst v0;
	s9 =	sshra.s32 s4, $0x2;
	s4 =	sadd.s32 $0x200, s4  }
0x34: {  	[tilespmem:s9+$0x70] =	vst v0  }
0x35: {  	[tilespmem:s9+$0x0] =	vst v0  }
0x36: {  	[tilespmem:s9+$0x10] =	vst v0  }
0x37: {  	[tilespmem:s9+$0x20] =	vst v0  }
0x38: {  	[tilespmem:s9+$0x30] =	vst v0  }
0x39: {  	[tilespmem:s9+$0x40] =	vst v0  }
0x3a: {  	[tilespmem:s9+$0x50] =	vst v0  }
0x3b: {  	[tilespmem:s9+$0x60] =	vst v0;
	s4 =	simm.s32 @p0 $0x0;
	s9 =	rddreg [dreg:$0xc]  }
0x3c: {  	[spmem:s9] =	stream.linear.scatter @p0 [tilespmem:s4], [sflag:$0x2], $0x4000, $0x38;
	[tilespmem:$0x18580] =	vst v63  }
0x3d: {  	s9 =	simm.s32 @p0 $0x2  }
0x3e: {  	_ =	swait.ge @p0 [sflag:s9], $0x4000  }
0x3f: {  	[sflag:s9] =	ssyncset.done @p0 $0x0  }
0x40: {  	s16 =	rddreg [dreg:$0xd];
	[sflag:s9] =	ssyncadd.s32 @p0 $0xFFFFC000  }
0x41: {  	[spmem:s16] =	stream.linear.scatter @p0 [tilespmem:s4], [sflag:$0x2], $0x4000, $0x38;
	[tilespmem:$0x18580] =	vst v63  }
0x42: {  	_ =	swait.ge @p0 [sflag:s9], $0x4000  }
0x43: {  	[sflag:s9] =	ssyncset.done @p0 $0x0  }
0x44: {  	s16 =	rddreg [dreg:$0xe];
	[sflag:s9] =	ssyncadd.s32 @p0 $0xFFFFC000  }
0x45: {  	[spmem:s16] =	stream.linear.scatter @p0 [tilespmem:s4], [sflag:$0x2], $0x4000, $0x38;
	[tilespmem:$0x18580] =	vst v63  }
0x46: {  	_ =	swait.ge @p0 [sflag:s9], $0x4000  }
0x47: {  	[sflag:s9] =	ssyncset.done @p0 $0x0  }
0x48: {  	s16 =	rddreg [dreg:$0xf];
	[sflag:s9] =	ssyncadd.s32 @p0 $0xFFFFC000  }
0x49: {  	[spmem:s16] =	stream.linear.scatter @p0 [tilespmem:s4], [sflag:$0x2], $0x4000, $0x38;
	[tilespmem:$0x18580] =	vst v63  }
0x4a: {  	_ =	swait.ge @p0 [sflag:s9], $0x4000  }
0x4b: {  	[sflag:s9] =	ssyncset.done @p0 $0x0  }
0x4c: {  	s16 =	rddreg [dreg:$0x10];
	[sflag:s9] =	ssyncadd.s32 @p0 $0xFFFFC000  }
0x4d: {  	[spmem:s16] =	stream.linear.scatter @p0 [tilespmem:s4], [sflag:$0x2], $0x4000, $0x38;
	[tilespmem:$0x18580] =	vst v63  }
0x4e: {  	_ =	swait.ge @p0 [sflag:s9], $0x4000  }
0x4f: {  	[sflag:s9] =	ssyncset.done @p0 $0x0  }
0x50: {  	s4 =	simm.s32 @!p0 $0x0;
	[sflag:s9] =	ssyncadd.s32 @p0 $0xFFFFC000;
	s9 =	rddreg [dreg:$0x7]  }
0x51: {  	[spmem:s9] =	stream.linear.scatter @!p0 [tilespmem:s4], [sflag:$0x2], $0x4000, $0x38;
	[tilespmem:$0x18580] =	vst v63  }
0x52: {  	s9 =	simm.s32 @!p0 $0x2  }
0x53: {  	_ =	swait.ge @!p0 [sflag:s9], $0x4000  }
0x54: {  	[sflag:s9] =	ssyncset.done @!p0 $0x0  }
0x55: {  	s16 =	rddreg [dreg:$0x8];
	[sflag:s9] =	ssyncadd.s32 @!p0 $0xFFFFC000  }
0x56: {  	[spmem:s16] =	stream.linear.scatter @!p0 [tilespmem:s4], [sflag:$0x2], $0x4000, $0x38;
	[tilespmem:$0x18580] =	vst v63  }
0x57: {  	_ =	swait.ge @!p0 [sflag:s9], $0x4000  }
0x58: {  	[sflag:s9] =	ssyncset.done @!p0 $0x0  }
0x59: {  	s16 =	rddreg [dreg:$0x9];
	[sflag:s9] =	ssyncadd.s32 @!p0 $0xFFFFC000  }
0x5a: {  	[spmem:s16] =	stream.linear.scatter @!p0 [tilespmem:s4], [sflag:$0x2], $0x4000, $0x38;
	[tilespmem:$0x18580] =	vst v63  }
0x5b: {  	_ =	swait.ge @!p0 [sflag:s9], $0x4000  }
0x5c: {  	[sflag:s9] =	ssyncset.done @!p0 $0x0  }
0x5d: {  	s16 =	rddreg [dreg:$0xa];
	[sflag:s9] =	ssyncadd.s32 @!p0 $0xFFFFC000  }
0x5e: {  	[spmem:s16] =	stream.linear.scatter @!p0 [tilespmem:s4], [sflag:$0x2], $0x4000, $0x38;
	[tilespmem:$0x18580] =	vst v63  }
0x5f: {  	_ =	swait.ge @!p0 [sflag:s9], $0x4000  }
0x60: {  	[sflag:s9] =	ssyncset.done @!p0 $0x0  }
0x61: {  	s16 =	rddreg [dreg:$0xb];
	[sflag:s9] =	ssyncadd.s32 @!p0 $0xFFFFC000  }
0x62: {  	[spmem:s16] =	stream.linear.scatter @!p0 [tilespmem:s4], [sflag:$0x2], $0x3800, $0x38;
	[tilespmem:$0x18580] =	vst v63  }
0x63: {  	_ =	swait.ge @!p0 [sflag:s9], $0x3800  }
0x64: {  	[sflag:s9] =	ssyncset.done @!p0 $0x0  }
0x65: {  	s4 =	simm.s32 $0x200;
	[sflag:s9] =	ssyncadd.s32 @!p0 $0xFFFFC800;
	s9 =	simm.s32 $0x0  }
.LBB2_4:
0x66: {  	p2 =	sne.s32 s4, $0xFE00;
	[tilespmem:s9+$0x70] =	vst v1  }
0x67: {  	[tilespmem:s9+$0x0] =	vst v1  }
0x68: {  	[tilespmem:s9+$0x10] =	vst v1  }
.Ltmp3:
0x69: {  	[tilespmem:s9+$0x20] =	vst v1;
	(pc) =	sbr.rel @p2 .LBB2_4-.Ltmp3, $4  }
0x6a: {  	[tilespmem:s9+$0x30] =	vst v1  }
0x6b: {  	[tilespmem:s9+$0x40] =	vst v1  }
0x6c: {  	[tilespmem:s9+$0x50] =	vst v1  }
0x6d: {  	[tilespmem:s9+$0x60] =	vst v1;
	s9 =	sshra.s32 s4, $0x2;
	s4 =	sadd.s32 $0x200, s4  }
0x6e: {  	[tilespmem:s9+$0x70] =	vst v1  }
0x6f: {  	[tilespmem:s9+$0x0] =	vst v1  }
0x70: {  	[tilespmem:s9+$0x10] =	vst v1  }
0x71: {  	[tilespmem:s9+$0x20] =	vst v1  }
0x72: {  	[tilespmem:s9+$0x30] =	vst v1  }
0x73: {  	[tilespmem:s9+$0x40] =	vst v1  }
0x74: {  	[tilespmem:s9+$0x50] =	vst v1  }
0x75: {  	[tilespmem:s9+$0x60] =	vst v1  }
0x76: {  	[bflag:$0x0] =	sbarrier.arrive $0xFFFF  }
0x77: {  	s4 =	rddreg [dreg:$0x3]  }
0x78: {  	s4 =	sadd.s32 $0x0, s4  }
0x79: {  	[tilespmem:s18], [sflag:$0x2] =	stream.linear.gather [hbm4b:s4+s3], $0xD00, $0x38;
	[tilespmem:$0x18580] =	vst v63  }
0x7a: {  	_ =	swait.ge [sflag:s19], $0xD00  }
0x7b: {  	[sflag:s19] =	ssyncset.done $0x0  }
0x7c: {  	[sflag:s19] =	ssyncadd.s32 $0xFFFFF300  }
0x7d: {  	[spmem:s2] =	stream.indirect.scatter.add.f32 [tilespmem:s3], [sflag:$0x1], $0x80, s18, s20, $0xb8;
	[tilespmem:$0x18580] =	vst v63  }
0x7e: {  	s16 =	rddreg [dreg:$0x4]  }
0x7f: {  	[spmem:s2] =	stream.indirect.scatter.add.f32 [tilespmem:s3], [sflag:$0x1], $0x80, s16, s20, $0xb8;
	[tilespmem:$0x18580] =	vst v63  }
0x80: {  	s9 =	rddreg [dreg:$0x5]  }
0x81: {  	[spmem:s2] =	stream.indirect.scatter.add.f32 [tilespmem:s3], [sflag:$0x1], $0x80, s9, s20, $0xb8;
	[tilespmem:$0x18580] =	vst v63  }
0x82: {  	s16 =	rddreg [dreg:$0x6]  }
0x83: {  	[spmem:s2] =	stream.indirect.scatter.add.f32 [tilespmem:s3], [sflag:$0x1], $0x80, s16, s20, $0xb8;
	[tilespmem:$0x18580] =	vst v63  }
0x84: {  	_ = 	snop  }
0x85: {  	[spmem:s2] =	stream.indirect.scatter.add.f32 [tilespmem:s3], [sflag:$0x1], $0x80, s21, s20, $0xb8;
	[tilespmem:$0x18580] =	vst v63  }
0x86: {  	_ =	swait.ge [sflag:s22], $0x4000  }
0x87: {  	[sflag:s22] =	ssyncset.done $0x0  }
0x88: {  	[sflag:s22] =	ssyncadd.s32 $0xFFFFC000  }
0x89: {  	[spmem:s2] =	stream.indirect.scatter.add.f32 [tilespmem:s3], [sflag:$0x1], $0x80, s23, s20, $0xb8;
	[tilespmem:$0x18580] =	vst v63  }
0x8a: {  	_ =	swait.ge [sflag:s22], $0x4000  }
0x8b: {  	[sflag:s22] =	ssyncset.done $0x0  }
0x8c: {  	[sflag:s22] =	ssyncadd.s32 $0xFFFFC000  }
0x8d: {  	[spmem:s2] =	stream.indirect.scatter.add.f32 [tilespmem:s3], [sflag:$0x1], $0x80, s24, s20, $0xb8;
	[tilespmem:$0x18580] =	vst v63  }
0x8e: {  	_ =	swait.ge [sflag:s22], $0x4000  }
0x8f: {  	[sflag:s22] =	ssyncset.done $0x0  }
0x90: {  	[sflag:s22] =	ssyncadd.s32 $0xFFFFC000  }
0x91: {  	[spmem:s2] =	stream.indirect.scatter.add.f32 [tilespmem:s3], [sflag:$0x1], $0x80, s25, s20, $0xb8;
	[tilespmem:$0x18580] =	vst v63  }
0x92: {  	_ =	swait.ge [sflag:s22], $0x4000  }
0x93: {  	[sflag:s22] =	ssyncset.done $0x0  }
0x94: {  	[sflag:s22] =	ssyncadd.s32 $0xFFFFC000  }
0x95: {  	[spmem:s2] =	stream.indirect.scatter.add.f32 [tilespmem:s3], [sflag:$0x1], $0x80, s26, s20, $0xb8;
	[tilespmem:$0x18580] =	vst v63  }
0x96: {  	_ =	swait.ge [sflag:s22], $0x4000  }
0x97: {  	[sflag:s22] =	ssyncset.done $0x0  }
0x98: {  	[sflag:s22] =	ssyncadd.s32 $0xFFFFC000  }
0x99: {  	[spmem:s2] =	stream.indirect.scatter.add.f32 [tilespmem:s3], [sflag:$0x1], $0x80, s28, s20, $0xb8;
	[tilespmem:$0x18580] =	vst v63  }
0x9a: {  	_ =	swait.ge [sflag:s22], $0x4000  }
0x9b: {  	[sflag:s22] =	ssyncset.done $0x0  }
0x9c: {  	[sflag:s22] =	ssyncadd.s32 $0xFFFFC000  }
0x9d: {  	[spmem:s2] =	stream.indirect.scatter.add.f32 [tilespmem:s3], [sflag:$0x1], $0x80, s29, s20, $0xb8;
	[tilespmem:$0x18580] =	vst v63  }
0x9e: {  	_ =	swait.ge [sflag:s22], $0x4000  }
0x9f: {  	[sflag:s22] =	ssyncset.done $0x0  }
0xa0: {  	[sflag:s22] =	ssyncadd.s32 $0xFFFFC000  }
0xa1: {  	[spmem:s2] =	stream.indirect.scatter.add.f32 [tilespmem:s3], [sflag:$0x1], $0x80, s30, s20, $0xb8;
	[tilespmem:$0x18580] =	vst v63  }
0xa2: {  	_ =	swait.ge [sflag:s22], $0x4000  }
0xa3: {  	[sflag:s22] =	ssyncset.done $0x0  }
0xa4: {  	[sflag:s22] =	ssyncadd.s32 $0xFFFFC000  }
0xa5: {  	[spmem:s2] =	stream.indirect.scatter.add.f32 [tilespmem:s3], [sflag:$0x1], $0x80, s31, s20, $0xb8;
	[tilespmem:$0x18580] =	vst v63  }
0xa6: {  	_ =	swait.ge [sflag:s22], $0x4000  }
0xa7: {  	[sflag:s22] =	ssyncset.done $0x0  }
0xa8: {  	[sflag:s22] =	ssyncadd.s32 $0xFFFFC000  }
0xa9: {  	[spmem:s2] =	stream.indirect.scatter.add.f32 [tilespmem:s3], [sflag:$0x1], $0x80, s0, s20, $0xb8;
	[tilespmem:$0x18580] =	vst v63  }
0xaa: {  	_ =	swait.ge [sflag:s22], $0x4000  }
0xab: {  	[sflag:s22] =	ssyncset.done $0x0  }
0xac: {  	[sflag:s22] =	ssyncadd.s32 $0xFFFFC000  }
0xad: {  	[spmem:s2] =	stream.indirect.scatter.add.f32 [tilespmem:s3], [sflag:$0x1], $0x80, s14, s20, $0xb8;
	[tilespmem:$0x18580] =	vst v63  }
0xae: {  	_ =	swait.ge [sflag:s22], $0x4000  }
0xaf: {  	[sflag:s22] =	ssyncset.done $0x0  }
0xb0: {  	[sflag:s22] =	ssyncadd.s32 $0xFFFFC000  }
0xb1: {  	[spmem:s2] =	stream.indirect.scatter.add.f32 [tilespmem:s3], [sflag:$0x1], $0x80, s1, s20, $0xb8;
	[tilespmem:$0x18580] =	vst v63  }
0xb2: {  	_ =	swait.ge [sflag:s22], $0x4000  }
0xb3: {  	[sflag:s22] =	ssyncset.done $0x0  }
0xb4: {  	[sflag:s22] =	ssyncadd.s32 $0xFFFFC000  }
0xb5: {  	[spmem:s2] =	stream.indirect.scatter.add.f32 [tilespmem:s3], [sflag:$0x1], $0x80, s17, s20, $0xb8;
	[tilespmem:$0x18580] =	vst v63  }
0xb6: {  	_ =	swait.ge [sflag:s22], $0x4000  }
0xb7: {  	[sflag:s22] =	ssyncset.done $0x0  }
0xb8: {  	[sflag:s22] =	ssyncadd.s32 $0xFFFFC000  }
0xb9: {  	[spmem:s2] =	stream.indirect.scatter.add.f32 [tilespmem:s3], [sflag:$0x1], $0x80, s15, s20, $0xb8;
	[tilespmem:$0x18580] =	vst v63  }
0xba: {  	_ =	swait.ge [sflag:s22], $0x4000  }
0xbb: {  	[sflag:s22] =	ssyncset.done $0x0  }
0xbc: {  	[sflag:s22] =	ssyncadd.s32 $0xFFFFC000  }
0xbd: {  	[spmem:s2] =	stream.indirect.scatter.add.f32 [tilespmem:s3], [sflag:$0x1], $0x80, s5, s20, $0xb8;
	[tilespmem:$0x18580] =	vst v63  }
0xbe: {  	_ =	swait.ge [sflag:s22], $0x4000  }
0xbf: {  	[sflag:s22] =	ssyncset.done $0x0  }
0xc0: {  	[sflag:s22] =	ssyncadd.s32 $0xFFFFC000  }
0xc1: {  	[spmem:s2] =	stream.indirect.scatter.add.f32 [tilespmem:s3], [sflag:$0x1], $0x80, s6, s20, $0xb8;
	[tilespmem:$0x18580] =	vst v63  }
0xc2: {  	_ =	swait.ge [sflag:s22], $0x4000  }
0xc3: {  	[sflag:s22] =	ssyncset.done $0x0  }
0xc4: {  	[sflag:s22] =	ssyncadd.s32 $0xFFFFC000  }
0xc5: {  	[spmem:s2] =	stream.indirect.scatter.add.f32 [tilespmem:s3], [sflag:$0x1], $0x80, s7, s20, $0xb8;
	[tilespmem:$0x18580] =	vst v63  }
0xc6: {  	_ =	swait.ge [sflag:s22], $0x4000  }
0xc7: {  	[sflag:s22] =	ssyncset.done $0x0  }
0xc8: {  	[sflag:s22] =	ssyncadd.s32 $0xFFFFC000  }
0xc9: {  	[spmem:s2] =	stream.indirect.scatter.add.f32 [tilespmem:s3], [sflag:$0x1], $0x80, s8, s20, $0xb8;
	[tilespmem:$0x18580] =	vst v63  }
0xca: {  	_ =	swait.ge [sflag:s22], $0x4000  }
0xcb: {  	[sflag:s22] =	ssyncset.done $0x0  }
0xcc: {  	[sflag:s22] =	ssyncadd.s32 $0xFFFFC000  }
0xcd: {  	[spmem:s2] =	stream.indirect.scatter.add.f32 [tilespmem:s3], [sflag:$0x1], $0x80, s10, s20, $0xb8;
	[tilespmem:$0x18580] =	vst v63  }
0xce: {  	_ =	swait.ge [sflag:s22], $0x4000  }
0xcf: {  	[sflag:s22] =	ssyncset.done $0x0  }
0xd0: {  	[sflag:s22] =	ssyncadd.s32 $0xFFFFC000  }
0xd1: {  	[spmem:s2] =	stream.indirect.scatter.add.f32 [tilespmem:s3], [sflag:$0x1], $0x80, s11, s20, $0xb8;
	[tilespmem:$0x18580] =	vst v63  }
0xd2: {  	_ =	swait.ge [sflag:s22], $0x4000  }
0xd3: {  	[sflag:s22] =	ssyncset.done $0x0  }
0xd4: {  	[sflag:s22] =	ssyncadd.s32 $0xFFFFC000  }
0xd5: {  	[spmem:s2] =	stream.indirect.scatter.add.f32 [tilespmem:s3], [sflag:$0x1], $0x80, s12, s20, $0xb8;
	[tilespmem:$0x18580] =	vst v63  }
0xd6: {  	_ =	swait.ge [sflag:s22], $0x4000  }
0xd7: {  	[sflag:s22] =	ssyncset.done $0x0  }
0xd8: {  	[sflag:s22] =	ssyncadd.s32 $0xFFFFC000  }
0xd9: {  	[spmem:s2] =	stream.indirect.scatter.add.f32 [tilespmem:s3], [sflag:$0x1], $0x80, s13, s20, $0xb8;
	[tilespmem:$0x18580] =	vst v63  }
0xda: {  	_ =	swait.ge [sflag:s22], $0x4000  }
0xdb: {  	[sflag:s22] =	ssyncset.done $0x0  }
0xdc: {  	[sflag:s22] =	ssyncadd.s32 $0xFFFFC000  }
0xdd: {  	_ =	swait.ge [sflag:s22], $0x4000  }
0xde: {  	[sflag:s22] =	ssyncset.done $0x0  }
0xdf: {  	[sflag:s22] =	ssyncadd.s32 $0xFFFFC000  }
0xe0: {  	_ =	swait.ge [sflag:s22], $0x4000  }
0xe1: {  	[sflag:s22] =	ssyncset.done $0x0  }
0xe2: {  	[sflag:s22] =	ssyncadd.s32 $0xFFFFC000  }
0xe3: {  	_ =	swait.ge [sflag:s22], $0x4000  }
0xe4: {  	[sflag:s22] =	ssyncset.done $0x0  }
0xe5: {  	[sflag:s22] =	ssyncadd.s32 $0xFFFFC000  }
0xe6: {  	s9 =	simm.s32 $0x1A0;
	_ =	swait.ge [sflag:s22], $0x4000  }
.LBB2_6:
0xe7: {  	s4 =	rddreg [dreg:$0x3];
	s16 =	smov.u32 s9;
	[sflag:s22] =	ssyncset.done $0x0  }
0xe8: {  	s4 =	sadd.s32 s16, s4;
	[sflag:s22] =	ssyncadd.s32 $0xFFFFC000  }
0xe9: {  	[tilespmem:s18], [sflag:$0x2] =	stream.linear.gather [hbm4b:s4+s3], $0xD00, $0x38;
	[tilespmem:$0x18580] =	vst v63  }
0xea: {  	_ =	swait.ge [sflag:s19], $0xD00  }
0xeb: {  	[sflag:s19] =	ssyncset.done $0x0  }
0xec: {  	[sflag:s19] =	ssyncadd.s32 $0xFFFFF300  }
0xed: {  	[spmem:s2] =	stream.indirect.scatter.add.f32 [tilespmem:s3], [sflag:$0x1], $0x80, s18, s20, $0xb8;
	[tilespmem:$0x18580] =	vst v63  }
0xee: {  	s4 =	rddreg [dreg:$0x4]  }
0xef: {  	[spmem:s2] =	stream.indirect.scatter.add.f32 [tilespmem:s3], [sflag:$0x1], $0x80, s4, s20, $0xb8;
	[tilespmem:$0x18580] =	vst v63  }
0xf0: {  	s16 =	rddreg [dreg:$0x5]  }
0xf1: {  	[spmem:s2] =	stream.indirect.scatter.add.f32 [tilespmem:s3], [sflag:$0x1], $0x80, s16, s20, $0xb8;
	[tilespmem:$0x18580] =	vst v63  }
0xf2: {  	s4 =	rddreg [dreg:$0x6]  }
0xf3: {  	[spmem:s2] =	stream.indirect.scatter.add.f32 [tilespmem:s3], [sflag:$0x1], $0x80, s4, s20, $0xb8;
	[tilespmem:$0x18580] =	vst v63  }
0xf4: {  	_ = 	snop  }
0xf5: {  	[spmem:s2] =	stream.indirect.scatter.add.f32 [tilespmem:s3], [sflag:$0x1], $0x80, s21, s20, $0xb8;
	[tilespmem:$0x18580] =	vst v63  }
0xf6: {  	_ =	swait.ge [sflag:s22], $0x4000  }
0xf7: {  	[sflag:s22] =	ssyncset.done $0x0  }
0xf8: {  	[sflag:s22] =	ssyncadd.s32 $0xFFFFC000  }
0xf9: {  	[spmem:s2] =	stream.indirect.scatter.add.f32 [tilespmem:s3], [sflag:$0x1], $0x80, s23, s20, $0xb8;
	[tilespmem:$0x18580] =	vst v63  }
0xfa: {  	_ =	swait.ge [sflag:s22], $0x4000  }
0xfb: {  	[sflag:s22] =	ssyncset.done $0x0  }
0xfc: {  	[sflag:s22] =	ssyncadd.s32 $0xFFFFC000  }
0xfd: {  	[spmem:s2] =	stream.indirect.scatter.add.f32 [tilespmem:s3], [sflag:$0x1], $0x80, s24, s20, $0xb8;
	[tilespmem:$0x18580] =	vst v63  }
0xfe: {  	_ =	swait.ge [sflag:s22], $0x4000  }
0xff: {  	[sflag:s22] =	ssyncset.done $0x0  }
0x100: {  	[sflag:s22] =	ssyncadd.s32 $0xFFFFC000  }
0x101: {  	[spmem:s2] =	stream.indirect.scatter.add.f32 [tilespmem:s3], [sflag:$0x1], $0x80, s25, s20, $0xb8;
	[tilespmem:$0x18580] =	vst v63  }
0x102: {  	_ =	swait.ge [sflag:s22], $0x4000  }
0x103: {  	[sflag:s22] =	ssyncset.done $0x0  }
0x104: {  	[sflag:s22] =	ssyncadd.s32 $0xFFFFC000  }
0x105: {  	[spmem:s2] =	stream.indirect.scatter.add.f32 [tilespmem:s3], [sflag:$0x1], $0x80, s26, s20, $0xb8;
	[tilespmem:$0x18580] =	vst v63  }
0x106: {  	_ =	swait.ge [sflag:s22], $0x4000  }
0x107: {  	[sflag:s22] =	ssyncset.done $0x0  }
0x108: {  	[sflag:s22] =	ssyncadd.s32 $0xFFFFC000  }
0x109: {  	[spmem:s2] =	stream.indirect.scatter.add.f32 [tilespmem:s3], [sflag:$0x1], $0x80, s28, s20, $0xb8;
	[tilespmem:$0x18580] =	vst v63  }
0x10a: {  	_ =	swait.ge [sflag:s22], $0x4000  }
0x10b: {  	[sflag:s22] =	ssyncset.done $0x0  }
0x10c: {  	[sflag:s22] =	ssyncadd.s32 $0xFFFFC000  }
0x10d: {  	[spmem:s2] =	stream.indirect.scatter.add.f32 [tilespmem:s3], [sflag:$0x1], $0x80, s29, s20, $0xb8;
	[tilespmem:$0x18580] =	vst v63  }
0x10e: {  	_ =	swait.ge [sflag:s22], $0x4000  }
0x10f: {  	[sflag:s22] =	ssyncset.done $0x0  }
0x110: {  	[sflag:s22] =	ssyncadd.s32 $0xFFFFC000  }
0x111: {  	[spmem:s2] =	stream.indirect.scatter.add.f32 [tilespmem:s3], [sflag:$0x1], $0x80, s30, s20, $0xb8;
	[tilespmem:$0x18580] =	vst v63  }
0x112: {  	_ =	swait.ge [sflag:s22], $0x4000  }
0x113: {  	[sflag:s22] =	ssyncset.done $0x0  }
0x114: {  	[sflag:s22] =	ssyncadd.s32 $0xFFFFC000  }
0x115: {  	[spmem:s2] =	stream.indirect.scatter.add.f32 [tilespmem:s3], [sflag:$0x1], $0x80, s31, s20, $0xb8;
	[tilespmem:$0x18580] =	vst v63  }
0x116: {  	_ =	swait.ge [sflag:s22], $0x4000  }
0x117: {  	[sflag:s22] =	ssyncset.done $0x0  }
0x118: {  	[sflag:s22] =	ssyncadd.s32 $0xFFFFC000  }
0x119: {  	[spmem:s2] =	stream.indirect.scatter.add.f32 [tilespmem:s3], [sflag:$0x1], $0x80, s0, s20, $0xb8;
	[tilespmem:$0x18580] =	vst v63  }
0x11a: {  	_ =	swait.ge [sflag:s22], $0x4000  }
0x11b: {  	[sflag:s22] =	ssyncset.done $0x0  }
0x11c: {  	[sflag:s22] =	ssyncadd.s32 $0xFFFFC000  }
0x11d: {  	[spmem:s2] =	stream.indirect.scatter.add.f32 [tilespmem:s3], [sflag:$0x1], $0x80, s14, s20, $0xb8;
	[tilespmem:$0x18580] =	vst v63  }
0x11e: {  	_ =	swait.ge [sflag:s22], $0x4000  }
0x11f: {  	[sflag:s22] =	ssyncset.done $0x0  }
0x120: {  	[sflag:s22] =	ssyncadd.s32 $0xFFFFC000  }
0x121: {  	[spmem:s2] =	stream.indirect.scatter.add.f32 [tilespmem:s3], [sflag:$0x1], $0x80, s1, s20, $0xb8;
	[tilespmem:$0x18580] =	vst v63  }
0x122: {  	_ =	swait.ge [sflag:s22], $0x4000  }
0x123: {  	[sflag:s22] =	ssyncset.done $0x0  }
0x124: {  	[sflag:s22] =	ssyncadd.s32 $0xFFFFC000  }
0x125: {  	[spmem:s2] =	stream.indirect.scatter.add.f32 [tilespmem:s3], [sflag:$0x1], $0x80, s17, s20, $0xb8;
	[tilespmem:$0x18580] =	vst v63  }
0x126: {  	_ =	swait.ge [sflag:s22], $0x4000  }
0x127: {  	[sflag:s22] =	ssyncset.done $0x0  }
0x128: {  	[sflag:s22] =	ssyncadd.s32 $0xFFFFC000  }
0x129: {  	[spmem:s2] =	stream.indirect.scatter.add.f32 [tilespmem:s3], [sflag:$0x1], $0x80, s15, s20, $0xb8;
	[tilespmem:$0x18580] =	vst v63  }
0x12a: {  	_ =	swait.ge [sflag:s22], $0x4000  }
0x12b: {  	[sflag:s22] =	ssyncset.done $0x0  }
0x12c: {  	[sflag:s22] =	ssyncadd.s32 $0xFFFFC000  }
0x12d: {  	[spmem:s2] =	stream.indirect.scatter.add.f32 [tilespmem:s3], [sflag:$0x1], $0x80, s5, s20, $0xb8;
	[tilespmem:$0x18580] =	vst v63  }
0x12e: {  	_ =	swait.ge [sflag:s22], $0x4000  }
0x12f: {  	[sflag:s22] =	ssyncset.done $0x0  }
0x130: {  	[sflag:s22] =	ssyncadd.s32 $0xFFFFC000  }
0x131: {  	[spmem:s2] =	stream.indirect.scatter.add.f32 [tilespmem:s3], [sflag:$0x1], $0x80, s6, s20, $0xb8;
	[tilespmem:$0x18580] =	vst v63  }
0x132: {  	_ =	swait.ge [sflag:s22], $0x4000  }
0x133: {  	[sflag:s22] =	ssyncset.done $0x0  }
0x134: {  	[sflag:s22] =	ssyncadd.s32 $0xFFFFC000  }
0x135: {  	[spmem:s2] =	stream.indirect.scatter.add.f32 [tilespmem:s3], [sflag:$0x1], $0x80, s7, s20, $0xb8;
	[tilespmem:$0x18580] =	vst v63  }
0x136: {  	_ =	swait.ge [sflag:s22], $0x4000  }
0x137: {  	[sflag:s22] =	ssyncset.done $0x0  }
0x138: {  	[sflag:s22] =	ssyncadd.s32 $0xFFFFC000  }
0x139: {  	[spmem:s2] =	stream.indirect.scatter.add.f32 [tilespmem:s3], [sflag:$0x1], $0x80, s8, s20, $0xb8;
	[tilespmem:$0x18580] =	vst v63  }
0x13a: {  	_ =	swait.ge [sflag:s22], $0x4000  }
0x13b: {  	[sflag:s22] =	ssyncset.done $0x0  }
0x13c: {  	[sflag:s22] =	ssyncadd.s32 $0xFFFFC000  }
0x13d: {  	[spmem:s2] =	stream.indirect.scatter.add.f32 [tilespmem:s3], [sflag:$0x1], $0x80, s10, s20, $0xb8;
	[tilespmem:$0x18580] =	vst v63  }
0x13e: {  	_ =	swait.ge [sflag:s22], $0x4000  }
0x13f: {  	[sflag:s22] =	ssyncset.done $0x0  }
0x140: {  	[sflag:s22] =	ssyncadd.s32 $0xFFFFC000  }
0x141: {  	[spmem:s2] =	stream.indirect.scatter.add.f32 [tilespmem:s3], [sflag:$0x1], $0x80, s11, s20, $0xb8;
	[tilespmem:$0x18580] =	vst v63  }
0x142: {  	_ =	swait.ge [sflag:s22], $0x4000  }
0x143: {  	[sflag:s22] =	ssyncset.done $0x0  }
0x144: {  	[sflag:s22] =	ssyncadd.s32 $0xFFFFC000  }
0x145: {  	[spmem:s2] =	stream.indirect.scatter.add.f32 [tilespmem:s3], [sflag:$0x1], $0x80, s12, s20, $0xb8;
	[tilespmem:$0x18580] =	vst v63  }
0x146: {  	_ =	swait.ge [sflag:s22], $0x4000  }
0x147: {  	[sflag:s22] =	ssyncset.done $0x0  }
0x148: {  	[sflag:s22] =	ssyncadd.s32 $0xFFFFC000  }
0x149: {  	[spmem:s2] =	stream.indirect.scatter.add.f32 [tilespmem:s3], [sflag:$0x1], $0x80, s13, s20, $0xb8;
	[tilespmem:$0x18580] =	vst v63  }
0x14a: {  	_ =	swait.ge [sflag:s22], $0x4000  }
0x14b: {  	[sflag:s22] =	ssyncset.done $0x0  }
0x14c: {  	[sflag:s22] =	ssyncadd.s32 $0xFFFFC000  }
0x14d: {  	_ =	swait.ge [sflag:s22], $0x4000  }
0x14e: {  	[sflag:s22] =	ssyncset.done $0x0  }
0x14f: {  	[sflag:s22] =	ssyncadd.s32 $0xFFFFC000  }
0x150: {  	_ =	swait.ge [sflag:s22], $0x4000  }
0x151: {  	p2 =	sne.s32 s9, $0x820;
	[sflag:s22] =	ssyncset.done $0x0  }
.Ltmp4:
0x152: {  	[sflag:s22] =	ssyncadd.s32 $0xFFFFC000;
	(pc) =	sbr.rel @p2 .LBB2_6-.Ltmp4, $4  }
0x153: {  	_ =	swait.ge [sflag:s22], $0x4000  }
0x154: {  	[sflag:s22] =	ssyncset.done $0x0  }
0x155: {  	[sflag:s22] =	ssyncadd.s32 $0xFFFFC000  }
0x156: {  	s9 =	sadd.s32 $0x1A0, s9;
	_ =	swait.ge [sflag:s22], $0x4000  }
.Ltmp5:
0x157: {  	(pc) =	sbr.rel @p1 .LBB2_9-.Ltmp5, $3  }
0x158: {  	_ =	sdelay $0x1  }
0x159: {  	[sflag:s22] =	ssyncset.done $0x0  }
0x15a: {  	[sflag:s22] =	ssyncadd.s32 $0xFFFFC000  }
0x15b: {  	s4 =	rddreg [dreg:$0x14]  }
0x15c: {  	[tilespmem:s18], [sflag:$0x2] =	stream.linear.gather [hbm4b:s4+s3], $0x80, $0x38;
	[tilespmem:$0x18580] =	vst v63  }
0x15d: {  	_ =	swait.ge [sflag:s19], $0x80  }
0x15e: {  	[sflag:s19] =	ssyncset.done $0x0  }
0x15f: {  	[sflag:s19] =	ssyncadd.s32 $0xFFFFFF80  }
0x160: {  	[spmem:s2] =	stream.indirect.scatter.add.f32 [tilespmem:s3], [sflag:$0x1], $0x80, s18, s20, $0xb8;
	[tilespmem:$0x18580] =	vst v63  }
.Ltmp6:
0x161: {  	_ =	swait.ge [sflag:s22], $0x4000;
	(pc) =	sbr.rel .LBB2_10-.Ltmp6, $3  }
0x162: {  	[sflag:s22] =	ssyncset.done $0x0  }
0x163: {  	[sflag:s22] =	ssyncadd.s32 $0xFFFFC000  }
0x164: {  	[bflag:$0x0] =	sbarrier.arrive $0xFFFF;
	_ =	sdelay $0x1  }
.LBB2_9:
.Ltmp7:
0x165: {  	(pc) =	sbr.rel @p0 .LBB2_11-.Ltmp7, $2  }
0x166: {  	_ =	sdelay $0x1  }
0x167: {  	[bflag:$0x0] =	sbarrier.arrive $0xFFFF;
	_ =	sdelay $0x1  }
.LBB2_10:
0x168: {  	s4 =	stileid.u32;
	s9 =	rddreg [dreg:$0x7]  }
0x169: {  	s16 =	rddreg [dreg:$0x12];
	s4 =	sshll.u32 s4, $0x6  }
.Ltmp8:
0x16a: {  	s9 =	sshrl.u32 s9, $0x3;
	s4 =	sor.u32 $0x1C02, s4;
	(pc) =	sbr.rel .LBB2_12-.Ltmp8, $4  }
0x16b: {  	[hbm:s16], [sflag:s4] =	dma.local [spmem:s9], $0x2700  }
0x16c: {  	_ =	swait.ge [sflag:s19], $0x2700  }
0x16d: {  	[sflag:s19] =	ssyncset.done $0x0  }
0x16e: {  	s9 =	rddreg [dreg:$0x15];
	[sflag:s19] =	ssyncadd.s32 $0xFFFFD900  }
.LBB2_13:
0x16f: {  	_ =	sfence.sel $0x180000  }
0x170: {  	[bflag:$0x0] =	sbarrier.arrive $0xFFFF  }
0x171: {  	_ =	strace $0x90000047  }
0x172: {  	s0 =	stileid.u32;
	[bflag:$0x2] =	sbarrier.arrive $0xFFFF  }
0x173: {  	p0 =	sne.s32 s0, $0x0;
	s0 =	rddreg [dreg:$0x2]  }
0x174: {  	s0 =	sadd.s32 @!p0 $0x100000, s0  }
0x175: {  	[sflag:s0] =	ssyncadd.tile.s32 @!p0 $0x1;
	_ =	shalt  }
.Lfunc_end2:
_tile_overlayer_lowered:
.L_overlay_start_2:
0x176: {  	(tag) =	ssettag $0x2  }
0x177: {  	s0 =	rddreg [dreg:$0x0];
	s2 =	stileid.u32  }
0x178: {  	s1 =	rddreg [dreg:$0x1];
	p0 =	sne.s32 s2, $0x0  }
0x179: {  	s3 =	rddreg [dreg:$0x2];
	[bflag:$0x3] =	sbarrier.arrive $0xFFFF;
	s2 =	simm.s32 @!p0 $0x1C02  }
0x17a: {  	[timem:s3], [sflag:s2] =	dma.local @!p0 [hbm:s0], s1  }
0x17b: {  	s0 =	simm.s32 @!p0 $0x2  }
0x17c: {  	_ =	swait.ge @!p0 [sflag:s0], s1  }
0x17d: {  	s1 =	ssub.s32 @!p0 $0x0, s1;
	[sflag:s0] =	ssyncset.done @!p0 $0x0  }
0x17e: {  	[sflag:s0] =	ssyncadd.s32 @!p0 s1  }
0x17f: {  	[bflag:$0x3] =	sbarrier.arrive $0xFFFF  }
0x180: {  	_ =	shalt  }

</sc_bundles>
